<compile_context>
chip_gen: v7x
topology: tpu7x:2x2x1
jax: 0.10.2.dev20260603
libtpu: 0.0.44.dev20260713+nightly
codegen_flags: <defaults>
</compile_context>

<pallas_src>
import jax
import jax.numpy as jnp
from jax import lax
from jax.experimental import pallas as pl
from jax.experimental.pallas import tpu as pltpu
from jax.experimental.pallas import tpu_sc as plsc

S = 256
MAX_LEN = 8000
ROW0 = MAX_LEN - 1 - (S - 1)
NC = 2
NS = 16
NW = NC * NS
HPW = S // NW
RB = 8
NB = S // RB
NBUF = 4
L = 16


def _sc_body(x_hbm, table_hbm, out_hbm, twin, xblk, sem_x, sem_o):
    cid = lax.axis_index("c")
    sid = lax.axis_index("s")
    wid = sid * NC + cid
    h0 = wid * HPW

    ct = lax.div(h0, 128) * 128
    hcol = lax.rem(h0, 128)
    lane = lax.iota(jnp.int32, L)

    def stage_table(tblk):
        pltpu.sync_copy(table_hbm.at[pl.ds(ROW0, 2 * S), pl.ds(ct, 128)],
                        tblk)
        for hl in range(HPW):
            hsplat = jnp.full((L,), 0, jnp.int32) + (hcol + hl)
            for cc in range(2 * S // L):
                rows = lane + cc * L
                twin[hl, pl.ds(cc * L, L)] = plsc.load_gather(
                    tblk, [rows, hsplat])

    pl.run_scoped(stage_table, pltpu.VMEM((2 * S, 128), jnp.float32))

    pltpu.async_copy(x_hbm.at[pl.ds(0, RB), :], xblk.at[0], sem_x.at[0])

    def main(sbuf):
        def iblock(k, carry):
            ib = k * RB
            p = lax.rem(k, NBUF)
            px = lax.rem(k, 2)

            @pl.when(k >= NBUF)
            def _():
                for hl in range(HPW):
                    pltpu.make_async_copy(
                        sbuf.at[p, hl],
                        out_hbm.at[h0 + hl, pl.ds(0, RB), :],
                        sem_o.at[p]).wait()

            pltpu.make_async_copy(x_hbm.at[pl.ds(ib, RB), :], xblk.at[px],
                                  sem_x.at[px]).wait()

            @pl.when(k + 1 < NB)
            def _():
                pltpu.async_copy(x_hbm.at[pl.ds(ib + RB, RB), :],
                                 xblk.at[1 - px], sem_x.at[1 - px])

            lane2 = lax.iota(jnp.int32, L)

            @plsc.parallel_loop(0, RB * (S // L), unroll=2)
            def _(t):
                il = lax.shift_right_logical(t, 4)
                off = lax.shift_left(lax.bitwise_and(t, S // L - 1), 4)
                base = (S - 1) - (ib + il)
                rows = base + off + lane2
                xv = xblk[px, il, pl.ds(off, L)]
                for hl in range(HPW):
                    tv = plsc.load_gather(
                        twin, [jnp.full((L,), 0, jnp.int32) + hl, rows])
                    sbuf[p, hl, il, pl.ds(off, L)] = xv + tv

            for hl in range(HPW):
                for ctile in range(2):
                    pltpu.async_copy(
                        sbuf.at[p, hl, :, pl.ds(ctile * 128, 128)],
                        out_hbm.at[h0 + hl, pl.ds(ib, RB),
                                   pl.ds(ctile * 128, 128)],
                        sem_o.at[p])
            return carry

        lax.fori_loop(0, NB, iblock, 0)

        for p in range(NBUF):
            for hl in range(HPW):
                pltpu.make_async_copy(
                    sbuf.at[p, hl],
                    out_hbm.at[h0 + hl, pl.ds(0, RB), :],
                    sem_o.at[p]).wait()

    pl.run_scoped(main, pltpu.VMEM((NBUF, HPW, RB, S), jnp.float32))


@jax.jit
def _sc_call(xf, table):
    mesh = plsc.VectorSubcoreMesh(core_axis_name="c", subcore_axis_name="s")
    return pl.kernel(
        _sc_body,
        out_type=jax.ShapeDtypeStruct((S, S, S), jnp.float32),
        mesh=mesh,
        scratch_types=[
            pltpu.VMEM((HPW, 2 * S), jnp.float32),
            pltpu.VMEM((2, RB, S), jnp.float32),
            pltpu.SemaphoreType.DMA((2,)),
            pltpu.SemaphoreType.DMA((NBUF,)),
        ],
        compiler_params=pltpu.CompilerParams(use_tc_tiling_on_sc=True,
                                             needs_layout_passes=False),
        name="rel_pos_bias_sc",
    )(xf, table)


def kernel(x, relative_position_bias_table):
    xf = x[0]
    out = _sc_call(xf, relative_position_bias_table)
    return out[None]

# --- scband reference (transcript-rebuilt; emitter-appended) ---
"""Pipeline reference for scband-relative-positional-encoding-46720654246328 (READ-ONLY COPY).

The authoritative reference and input builder live on the scoring server;
editing this copy changes nothing except your own understanding.
"""

import jax, jax.numpy as jnp
import numpy as np

MAX_LEN = 8000
N_HEAD = 256
D_MODEL = 256


def _rel_pos_index(seq_len, max_len=MAX_LEN):
    # Equivalent to slicing the module's precomputed [max_len, max_len] index
    # buffer to [:seq_len, :seq_len].
    r = jnp.arange(seq_len)
    dist = r[None, :] - r[:, None]
    dist = jnp.clip(dist, -max_len + 1, max_len - 1)
    return dist + max_len - 1


def setup_inputs(seed: int = 0) -> dict:
    key = jax.random.key(seed)
    k1, k2 = jax.random.split(key)
    x = jax.random.normal(k1, (1, 256, 256), dtype=jnp.float32)
    # trunc_normal_(std=0.02) approximated by scaled normal
    table = jax.random.normal(k2, (2 * MAX_LEN - 1, D_MODEL), dtype=jnp.float32) * 0.02
    return {"x": x, "relative_position_bias_table": table}


def reference(x, relative_position_bias_table):
    batch_size, seq_len, d_model = x.shape
    idx = _rel_pos_index(seq_len)  # [S, S] int
    # embedding-style gather from the bias table (SparseCore gather)
    bias = jnp.take(relative_position_bias_table, idx, axis=0)  # [S, S, d_model]
    bias = jnp.transpose(bias, (2, 0, 1))[None]  # [1, d_model, S, S]
    bias = jnp.tile(bias, (batch_size, 1, 1, 1))  # [B, d_model, S, S]
    # reshape requires d_model == n_head (true for chosen config)
    bias = bias.reshape(batch_size, N_HEAD, seq_len, seq_len)
    out = x + bias  # broadcasts [1,S,d] with [B,H,S,S] -> [B,H,S,S] (d==S)
    # dropout is identity at inference
    return out

if __name__ == "__main__":
    import jax
    _d = setup_inputs()
    print(jax.jit(kernel)(*tuple(_d.values())))

</pallas_src>

<mosaic_0001>
#map = affine_map<(d0, d1) -> (0, 0)>
#map1 = affine_map<(d0, d1) -> (0, 0, 0)>
module attributes {stable_mosaic.version = 14 : i64} {
  func.func @rel_pos_bias_sc(%arg0: i32, %arg1: i32, %arg2: memref<256x256xf32, #tpu.memory_space<hbm>>, %arg3: memref<15999x256xf32, #tpu.memory_space<hbm>>, %arg4: memref<256x256x256xf32, #tpu.memory_space<hbm>>, %arg5: memref<8x512xf32, #tpu.memory_space<vmem>>, %arg6: memref<2x8x256xf32, #tpu.memory_space<vmem>>, %arg7: memref<2x!tpu.dma_semaphore, #tpu.memory_space<semaphore_mem>>, %arg8: memref<4x!tpu.dma_semaphore, #tpu.memory_space<semaphore_mem>>) attributes {dimension_semantics = [#tpu.dimension_semantics<core_parallel>, #tpu.dimension_semantics<subcore_parallel>], iteration_bounds = array<i64: 2, 16>, scalar_prefetch = 0 : i64, scratch_operands = 4 : i64, tpu.core_type = #tpu.core_type<sc_vector_subcore>, window_params = [{transform_indices = #map}, {transform_indices = #map}, {transform_indices = #map1}]} {
    %mul3A = arith.constant 2 : i32
    %mul3A_0 = arith.muli %arg1, %mul3A : i32
    %add3A = arith.addi %mul3A_0, %arg0 : i32
    %mul3A_1 = arith.constant 8 : i32
    %mul3A_2 = arith.muli %add3A, %mul3A_1 : i32
    %div3A = arith.constant 128 : i32
    %div3A_3 = arith.divsi %mul3A_2, %div3A : i32
    %mul3A_4 = arith.constant 128 : i32
    %mul3A_5 = arith.muli %div3A_3, %mul3A_4 : i32
    %rem3A = arith.constant 128 : i32
    %rem3A_6 = arith.remsi %mul3A_2, %rem3A : i32
    %iota3A = tpu.iota {dimensions = array<i32: 0>} : vector<16xi32>
    "tpu.region"() ({
      %run_scoped3A = memref.alloca() : memref<512x128xf32, #tpu.memory_space<vmem>>
      "tpu.region"() ({
        %run_scoped3A_2117 = tpu.sem_alloc : memref<!tpu.dma_semaphore, #tpu.memory_space<semaphore_mem>>
        %dma_start3A_2118 = arith.constant 7744 : i32
        %dma_start3A_2119 = tpu.memref_slice %arg3[%dma_start3A_2118, %mul3A_5] : memref<15999x256xf32, #tpu.memory_space<hbm>> -> memref<512x128xf32, #tpu.memory_space<hbm>>
        %dma_start3A_2120 = arith.constant 7744 : i32
        %dma_start3A_2121 = tpu.memref_slice %arg3[%dma_start3A_2120, %mul3A_5] : memref<15999x256xf32, #tpu.memory_space<hbm>> -> memref<512x128xf32, #tpu.memory_space<hbm>>
        tpu.enqueue_dma source(%dma_start3A_2121 : memref<512x128xf32, #tpu.memory_space<hbm>>) target(%run_scoped3A : memref<512x128xf32, #tpu.memory_space<vmem>>) target_semaphore(%run_scoped3A_2117 : memref<!tpu.dma_semaphore, #tpu.memory_space<semaphore_mem>>)
        %dma_wait3A = arith.constant 7744 : i32
        %dma_wait3A_2122 = tpu.memref_slice %arg3[%dma_wait3A, %mul3A_5] : memref<15999x256xf32, #tpu.memory_space<hbm>> -> memref<512x128xf32, #tpu.memory_space<hbm>>
        %dma_wait3A_2123 = arith.constant 7744 : i32
        %dma_wait3A_2124 = tpu.memref_slice %arg3[%dma_wait3A_2123, %mul3A_5] : memref<15999x256xf32, #tpu.memory_space<hbm>> -> memref<512x128xf32, #tpu.memory_space<hbm>>
        tpu.wait_dma2 semaphore(%run_scoped3A_2117 : memref<!tpu.dma_semaphore, #tpu.memory_space<semaphore_mem>>) src(%dma_wait3A_2124 : memref<512x128xf32, #tpu.memory_space<hbm>>) dst(%run_scoped3A : memref<512x128xf32, #tpu.memory_space<vmem>>)
        tpu.yield
      }) : () -> ()
      %broadcast_in_dim3A = arith.constant 0 : i32
      %broadcast_in_dim3A_24 = vector.broadcast %broadcast_in_dim3A : i32 to vector<16xi32>
      %add3A_25 = arith.constant 0 : i32
      %add3A_26 = arith.addi %rem3A_6, %add3A_25 : i32
      %add3A_27 = vector.broadcast %add3A_26 : i32 to vector<16xi32>
      %add3A_28 = arith.addi %broadcast_in_dim3A_24, %add3A_27 : vector<16xi32>
      %add3A_29 = arith.constant 0 : i32
      %add3A_30 = vector.broadcast %add3A_29 : i32 to vector<16xi32>
      %add3A_31 = arith.addi %iota3A, %add3A_30 : vector<16xi32>
      %gather3A = tpu.vector_load_idx %run_scoped3A[%add3A_31, %add3A_28] : memref<512x128xf32, #tpu.memory_space<vmem>>[vector<16xi32>, vector<16xi32>], vector<16xf32>,
      %swap3A = arith.constant 0 : i32
      %swap3A_32 = arith.index_cast %swap3A : i32 to index
      %swap3A_33 = arith.constant 0 : index
      %swap3A_34 = tpu.vector_load %arg5[%swap3A_32, %swap3A_33] {strides = array<i32>} : memref<8x512xf32, #tpu.memory_space<vmem>>, vector<16xf32>,
      tpu.vector_store %arg5[%swap3A_32, %swap3A_33], %gather3A {strides = array<i32>} : memref<8x512xf32, #tpu.memory_space<vmem>>, vector<16xf32>,
      %add3A_35 = arith.constant 16 : i32
      %add3A_36 = vector.broadcast %add3A_35 : i32 to vector<16xi32>
      %add3A_37 = arith.addi %iota3A, %add3A_36 : vector<16xi32>
      %gather3A_38 = tpu.vector_load_idx %run_scoped3A[%add3A_37, %add3A_28] : memref<512x128xf32, #tpu.memory_space<vmem>>[vector<16xi32>, vector<16xi32>], vector<16xf32>,
      %swap3A_39 = arith.constant 0 : i32
      %swap3A_40 = arith.index_cast %swap3A_39 : i32 to index
      %swap3A_41 = arith.constant 16 : index
      %swap3A_42 = tpu.vector_load %arg5[%swap3A_40, %swap3A_41] {strides = array<i32>} : memref<8x512xf32, #tpu.memory_space<vmem>>, vector<16xf32>,
      tpu.vector_store %arg5[%swap3A_40, %swap3A_41], %gather3A_38 {strides = array<i32>} : memref<8x512xf32, #tpu.memory_space<vmem>>, vector<16xf32>,
      %add3A_43 = arith.constant 32 : i32
      %add3A_44 = vector.broadcast %add3A_43 : i32 to vector<16xi32>
      %add3A_45 = arith.addi %iota3A, %add3A_44 : vector<16xi32>
      %gather3A_46 = tpu.vector_load_idx %run_scoped3A[%add3A_45, %add3A_28] : memref<512x128xf32, #tpu.memory_space<vmem>>[vector<16xi32>, vector<16xi32>], vector<16xf32>,
      %swap3A_47 = arith.constant 0 : i32
      %swap3A_48 = arith.index_cast %swap3A_47 : i32 to index
      %swap3A_49 = arith.constant 32 : index
      %swap3A_50 = tpu.vector_load %arg5[%swap3A_48, %swap3A_49] {strides = array<i32>} : memref<8x512xf32, #tpu.memory_space<vmem>>, vector<16xf32>,
      tpu.vector_store %arg5[%swap3A_48, %swap3A_49], %gather3A_46 {strides = array<i32>} : memref<8x512xf32, #tpu.memory_space<vmem>>, vector<16xf32>,
      %add3A_51 = arith.constant 48 : i32
      %add3A_52 = vector.broadcast %add3A_51 : i32 to vector<16xi32>
      %add3A_53 = arith.addi %iota3A, %add3A_52 : vector<16xi32>
      %gather3A_54 = tpu.vector_load_idx %run_scoped3A[%add3A_53, %add3A_28] : memref<512x128xf32, #tpu.memory_space<vmem>>[vector<16xi32>, vector<16xi32>], vector<16xf32>,
      %swap3A_55 = arith.constant 0 : i32
      %swap3A_56 = arith.index_cast %swap3A_55 : i32 to index
      %swap3A_57 = arith.constant 48 : index
      %swap3A_58 = tpu.vector_load %arg5[%swap3A_56, %swap3A_57] {strides = array<i32>} : memref<8x512xf32, #tpu.memory_space<vmem>>, vector<16xf32>,
      tpu.vector_store %arg5[%swap3A_56, %swap3A_57], %gather3A_54 {strides = array<i32>} : memref<8x512xf32, #tpu.memory_space<vmem>>, vector<16xf32>,
      %add3A_59 = arith.constant 64 : i32
      %add3A_60 = vector.broadcast %add3A_59 : i32 to vector<16xi32>
      %add3A_61 = arith.addi %iota3A, %add3A_60 : vector<16xi32>
      %gather3A_62 = tpu.vector_load_idx %run_scoped3A[%add3A_61, %add3A_28] : memref<512x128xf32, #tpu.memory_space<vmem>>[vector<16xi32>, vector<16xi32>], vector<16xf32>,
      %swap3A_63 = arith.constant 0 : i32
      %swap3A_64 = arith.index_cast %swap3A_63 : i32 to index
      %swap3A_65 = arith.constant 64 : index
      %swap3A_66 = tpu.vector_load %arg5[%swap3A_64, %swap3A_65] {strides = array<i32>} : memref<8x512xf32, #tpu.memory_space<vmem>>, vector<16xf32>,
      tpu.vector_store %arg5[%swap3A_64, %swap3A_65], %gather3A_62 {strides = array<i32>} : memref<8x512xf32, #tpu.memory_space<vmem>>, vector<16xf32>,
      %add3A_67 = arith.constant 80 : i32
      %add3A_68 = vector.broadcast %add3A_67 : i32 to vector<16xi32>
      %add3A_69 = arith.addi %iota3A, %add3A_68 : vector<16xi32>
      %gather3A_70 = tpu.vector_load_idx %run_scoped3A[%add3A_69, %add3A_28] : memref<512x128xf32, #tpu.memory_space<vmem>>[vector<16xi32>, vector<16xi32>], vector<16xf32>,
      %swap3A_71 = arith.constant 0 : i32
      %swap3A_72 = arith.index_cast %swap3A_71 : i32 to index
      %swap3A_73 = arith.constant 80 : index
      %swap3A_74 = tpu.vector_load %arg5[%swap3A_72, %swap3A_73] {strides = array<i32>} : memref<8x512xf32, #tpu.memory_space<vmem>>, vector<16xf32>,
      tpu.vector_store %arg5[%swap3A_72, %swap3A_73], %gather3A_70 {strides = array<i32>} : memref<8x512xf32, #tpu.memory_space<vmem>>, vector<16xf32>,
      %add3A_75 = arith.constant 96 : i32
      %add3A_76 = vector.broadcast %add3A_75 : i32 to vector<16xi32>
      %add3A_77 = arith.addi %iota3A, %add3A_76 : vector<16xi32>
      %gather3A_78 = tpu.vector_load_idx %run_scoped3A[%add3A_77, %add3A_28] : memref<512x128xf32, #tpu.memory_space<vmem>>[vector<16xi32>, vector<16xi32>], vector<16xf32>,
      %swap3A_79 = arith.constant 0 : i32
      %swap3A_80 = arith.index_cast %swap3A_79 : i32 to index
      %swap3A_81 = arith.constant 96 : index
      %swap3A_82 = tpu.vector_load %arg5[%swap3A_80, %swap3A_81] {strides = array<i32>} : memref<8x512xf32, #tpu.memory_space<vmem>>, vector<16xf32>,
      tpu.vector_store %arg5[%swap3A_80, %swap3A_81], %gather3A_78 {strides = array<i32>} : memref<8x512xf32, #tpu.memory_space<vmem>>, vector<16xf32>,
      %add3A_83 = arith.constant 112 : i32
      %add3A_84 = vector.broadcast %add3A_83 : i32 to vector<16xi32>
      %add3A_85 = arith.addi %iota3A, %add3A_84 : vector<16xi32>
      %gather3A_86 = tpu.vector_load_idx %run_scoped3A[%add3A_85, %add3A_28] : memref<512x128xf32, #tpu.memory_space<vmem>>[vector<16xi32>, vector<16xi32>], vector<16xf32>,
      %swap3A_87 = arith.constant 0 : i32
      %swap3A_88 = arith.index_cast %swap3A_87 : i32 to index
      %swap3A_89 = arith.constant 112 : index
      %swap3A_90 = tpu.vector_load %arg5[%swap3A_88, %swap3A_89] {strides = array<i32>} : memref<8x512xf32, #tpu.memory_space<vmem>>, vector<16xf32>,
      tpu.vector_store %arg5[%swap3A_88, %swap3A_89], %gather3A_86 {strides = array<i32>} : memref<8x512xf32, #tpu.memory_space<vmem>>, vector<16xf32>,
      %add3A_91 = arith.constant 128 : i32
      %add3A_92 = vector.broadcast %add3A_91 : i32 to vector<16xi32>
      %add3A_93 = arith.addi %iota3A, %add3A_92 : vector<16xi32>
      %gather3A_94 = tpu.vector_load_idx %run_scoped3A[%add3A_93, %add3A_28] : memref<512x128xf32, #tpu.memory_space<vmem>>[vector<16xi32>, vector<16xi32>], vector<16xf32>,
      %swap3A_95 = arith.constant 0 : i32
      %swap3A_96 = arith.index_cast %swap3A_95 : i32 to index
      %swap3A_97 = arith.constant 128 : index
      %swap3A_98 = tpu.vector_load %arg5[%swap3A_96, %swap3A_97] {strides = array<i32>} : memref<8x512xf32, #tpu.memory_space<vmem>>, vector<16xf32>,
      tpu.vector_store %arg5[%swap3A_96, %swap3A_97], %gather3A_94 {strides = array<i32>} : memref<8x512xf32, #tpu.memory_space<vmem>>, vector<16xf32>,
      %add3A_99 = arith.constant 144 : i32
      %add3A_100 = vector.broadcast %add3A_99 : i32 to vector<16xi32>
      %add3A_101 = arith.addi %iota3A, %add3A_100 : vector<16xi32>
      %gather3A_102 = tpu.vector_load_idx %run_scoped3A[%add3A_101, %add3A_28] : memref<512x128xf32, #tpu.memory_space<vmem>>[vector<16xi32>, vector<16xi32>], vector<16xf32>,
      %swap3A_103 = arith.constant 0 : i32
      %swap3A_104 = arith.index_cast %swap3A_103 : i32 to index
      %swap3A_105 = arith.constant 144 : index
      %swap3A_106 = tpu.vector_load %arg5[%swap3A_104, %swap3A_105] {strides = array<i32>} : memref<8x512xf32, #tpu.memory_space<vmem>>, vector<16xf32>,
      tpu.vector_store %arg5[%swap3A_104, %swap3A_105], %gather3A_102 {strides = array<i32>} : memref<8x512xf32, #tpu.memory_space<vmem>>, vector<16xf32>,
      %add3A_107 = arith.constant 160 : i32
      %add3A_108 = vector.broadcast %add3A_107 : i32 to vector<16xi32>
      %add3A_109 = arith.addi %iota3A, %add3A_108 : vector<16xi32>
      %gather3A_110 = tpu.vector_load_idx %run_scoped3A[%add3A_109, %add3A_28] : memref<512x128xf32, #tpu.memory_space<vmem>>[vector<16xi32>, vector<16xi32>], vector<16xf32>,
      %swap3A_111 = arith.constant 0 : i32
      %swap3A_112 = arith.index_cast %swap3A_111 : i32 to index
      %swap3A_113 = arith.constant 160 : index
      %swap3A_114 = tpu.vector_load %arg5[%swap3A_112, %swap3A_113] {strides = array<i32>} : memref<8x512xf32, #tpu.memory_space<vmem>>, vector<16xf32>,
      tpu.vector_store %arg5[%swap3A_112, %swap3A_113], %gather3A_110 {strides = array<i32>} : memref<8x512xf32, #tpu.memory_space<vmem>>, vector<16xf32>,
      %add3A_115 = arith.constant 176 : i32
      %add3A_116 = vector.broadcast %add3A_115 : i32 to vector<16xi32>
      %add3A_117 = arith.addi %iota3A, %add3A_116 : vector<16xi32>
      %gather3A_118 = tpu.vector_load_idx %run_scoped3A[%add3A_117, %add3A_28] : memref<512x128xf32, #tpu.memory_space<vmem>>[vector<16xi32>, vector<16xi32>], vector<16xf32>,
      %swap3A_119 = arith.constant 0 : i32
      %swap3A_120 = arith.index_cast %swap3A_119 : i32 to index
      %swap3A_121 = arith.constant 176 : index
      %swap3A_122 = tpu.vector_load %arg5[%swap3A_120, %swap3A_121] {strides = array<i32>} : memref<8x512xf32, #tpu.memory_space<vmem>>, vector<16xf32>,
      tpu.vector_store %arg5[%swap3A_120, %swap3A_121], %gather3A_118 {strides = array<i32>} : memref<8x512xf32, #tpu.memory_space<vmem>>, vector<16xf32>,
      %add3A_123 = arith.constant 192 : i32
      %add3A_124 = vector.broadcast %add3A_123 : i32 to vector<16xi32>
      %add3A_125 = arith.addi %iota3A, %add3A_124 : vector<16xi32>
      %gather3A_126 = tpu.vector_load_idx %run_scoped3A[%add3A_125, %add3A_28] : memref<512x128xf32, #tpu.memory_space<vmem>>[vector<16xi32>, vector<16xi32>], vector<16xf32>,
      %swap3A_127 = arith.constant 0 : i32
      %swap3A_128 = arith.index_cast %swap3A_127 : i32 to index
      %swap3A_129 = arith.constant 192 : index
      %swap3A_130 = tpu.vector_load %arg5[%swap3A_128, %swap3A_129] {strides = array<i32>} : memref<8x512xf32, #tpu.memory_space<vmem>>, vector<16xf32>,
      tpu.vector_store %arg5[%swap3A_128, %swap3A_129], %gather3A_126 {strides = array<i32>} : memref<8x512xf32, #tpu.memory_space<vmem>>, vector<16xf32>,
      %add3A_131 = arith.constant 208 : i32
      %add3A_132 = vector.broadcast %add3A_131 : i32 to vector<16xi32>
      %add3A_133 = arith.addi %iota3A, %add3A_132 : vector<16xi32>
      %gather3A_134 = tpu.vector_load_idx %run_scoped3A[%add3A_133, %add3A_28] : memref<512x128xf32, #tpu.memory_space<vmem>>[vector<16xi32>, vector<16xi32>], vector<16xf32>,
      %swap3A_135 = arith.constant 0 : i32
      %swap3A_136 = arith.index_cast %swap3A_135 : i32 to index
      %swap3A_137 = arith.constant 208 : index
      %swap3A_138 = tpu.vector_load %arg5[%swap3A_136, %swap3A_137] {strides = array<i32>} : memref<8x512xf32, #tpu.memory_space<vmem>>, vector<16xf32>,
      tpu.vector_store %arg5[%swap3A_136, %swap3A_137], %gather3A_134 {strides = array<i32>} : memref<8x512xf32, #tpu.memory_space<vmem>>, vector<16xf32>,
      %add3A_139 = arith.constant 224 : i32
      %add3A_140 = vector.broadcast %add3A_139 : i32 to vector<16xi32>
      %add3A_141 = arith.addi %iota3A, %add3A_140 : vector<16xi32>
      %gather3A_142 = tpu.vector_load_idx %run_scoped3A[%add3A_141, %add3A_28] : memref<512x128xf32, #tpu.memory_space<vmem>>[vector<16xi32>, vector<16xi32>], vector<16xf32>,
      %swap3A_143 = arith.constant 0 : i32
      %swap3A_144 = arith.index_cast %swap3A_143 : i32 to index
      %swap3A_145 = arith.constant 224 : index
      %swap3A_146 = tpu.vector_load %arg5[%swap3A_144, %swap3A_145] {strides = array<i32>} : memref<8x512xf32, #tpu.memory_space<vmem>>, vector<16xf32>,
      tpu.vector_store %arg5[%swap3A_144, %swap3A_145], %gather3A_142 {strides = array<i32>} : memref<8x512xf32, #tpu.memory_space<vmem>>, vector<16xf32>,
      %add3A_147 = arith.constant 240 : i32
      %add3A_148 = vector.broadcast %add3A_147 : i32 to vector<16xi32>
      %add3A_149 = arith.addi %iota3A, %add3A_148 : vector<16xi32>
      %gather3A_150 = tpu.vector_load_idx %run_scoped3A[%add3A_149, %add3A_28] : memref<512x128xf32, #tpu.memory_space<vmem>>[vector<16xi32>, vector<16xi32>], vector<16xf32>,
      %swap3A_151 = arith.constant 0 : i32
      %swap3A_152 = arith.index_cast %swap3A_151 : i32 to index
      %swap3A_153 = arith.constant 240 : index
      %swap3A_154 = tpu.vector_load %arg5[%swap3A_152, %swap3A_153] {strides = array<i32>} : memref<8x512xf32, #tpu.memory_space<vmem>>, vector<16xf32>,
      tpu.vector_store %arg5[%swap3A_152, %swap3A_153], %gather3A_150 {strides = array<i32>} : memref<8x512xf32, #tpu.memory_space<vmem>>, vector<16xf32>,
      %add3A_155 = arith.constant 256 : i32
      %add3A_156 = vector.broadcast %add3A_155 : i32 to vector<16xi32>
      %add3A_157 = arith.addi %iota3A, %add3A_156 : vector<16xi32>
      %gather3A_158 = tpu.vector_load_idx %run_scoped3A[%add3A_157, %add3A_28] : memref<512x128xf32, #tpu.memory_space<vmem>>[vector<16xi32>, vector<16xi32>], vector<16xf32>,
      %swap3A_159 = arith.constant 0 : i32
      %swap3A_160 = arith.index_cast %swap3A_159 : i32 to index
      %swap3A_161 = arith.constant 256 : index
      %swap3A_162 = tpu.vector_load %arg5[%swap3A_160, %swap3A_161] {strides = array<i32>} : memref<8x512xf32, #tpu.memory_space<vmem>>, vector<16xf32>,
      tpu.vector_store %arg5[%swap3A_160, %swap3A_161], %gather3A_158 {strides = array<i32>} : memref<8x512xf32, #tpu.memory_space<vmem>>, vector<16xf32>,
      %add3A_163 = arith.constant 272 : i32
      %add3A_164 = vector.broadcast %add3A_163 : i32 to vector<16xi32>
      %add3A_165 = arith.addi %iota3A, %add3A_164 : vector<16xi32>
      %gather3A_166 = tpu.vector_load_idx %run_scoped3A[%add3A_165, %add3A_28] : memref<512x128xf32, #tpu.memory_space<vmem>>[vector<16xi32>, vector<16xi32>], vector<16xf32>,
      %swap3A_167 = arith.constant 0 : i32
      %swap3A_168 = arith.index_cast %swap3A_167 : i32 to index
      %swap3A_169 = arith.constant 272 : index
      %swap3A_170 = tpu.vector_load %arg5[%swap3A_168, %swap3A_169] {strides = array<i32>} : memref<8x512xf32, #tpu.memory_space<vmem>>, vector<16xf32>,
      tpu.vector_store %arg5[%swap3A_168, %swap3A_169], %gather3A_166 {strides = array<i32>} : memref<8x512xf32, #tpu.memory_space<vmem>>, vector<16xf32>,
      %add3A_171 = arith.constant 288 : i32
      %add3A_172 = vector.broadcast %add3A_171 : i32 to vector<16xi32>
      %add3A_173 = arith.addi %iota3A, %add3A_172 : vector<16xi32>
      %gather3A_174 = tpu.vector_load_idx %run_scoped3A[%add3A_173, %add3A_28] : memref<512x128xf32, #tpu.memory_space<vmem>>[vector<16xi32>, vector<16xi32>], vector<16xf32>,
      %swap3A_175 = arith.constant 0 : i32
      %swap3A_176 = arith.index_cast %swap3A_175 : i32 to index
      %swap3A_177 = arith.constant 288 : index
      %swap3A_178 = tpu.vector_load %arg5[%swap3A_176, %swap3A_177] {strides = array<i32>} : memref<8x512xf32, #tpu.memory_space<vmem>>, vector<16xf32>,
      tpu.vector_store %arg5[%swap3A_176, %swap3A_177], %gather3A_174 {strides = array<i32>} : memref<8x512xf32, #tpu.memory_space<vmem>>, vector<16xf32>,
      %add3A_179 = arith.constant 304 : i32
      %add3A_180 = vector.broadcast %add3A_179 : i32 to vector<16xi32>
      %add3A_181 = arith.addi %iota3A, %add3A_180 : vector<16xi32>
      %gather3A_182 = tpu.vector_load_idx %run_scoped3A[%add3A_181, %add3A_28] : memref<512x128xf32, #tpu.memory_space<vmem>>[vector<16xi32>, vector<16xi32>], vector<16xf32>,
      %swap3A_183 = arith.constant 0 : i32
      %swap3A_184 = arith.index_cast %swap3A_183 : i32 to index
      %swap3A_185 = arith.constant 304 : index
      %swap3A_186 = tpu.vector_load %arg5[%swap3A_184, %swap3A_185] {strides = array<i32>} : memref<8x512xf32, #tpu.memory_space<vmem>>, vector<16xf32>,
      tpu.vector_store %arg5[%swap3A_184, %swap3A_185], %gather3A_182 {strides = array<i32>} : memref<8x512xf32, #tpu.memory_space<vmem>>, vector<16xf32>,
      %add3A_187 = arith.constant 320 : i32
      %add3A_188 = vector.broadcast %add3A_187 : i32 to vector<16xi32>
      %add3A_189 = arith.addi %iota3A, %add3A_188 : vector<16xi32>
      %gather3A_190 = tpu.vector_load_idx %run_scoped3A[%add3A_189, %add3A_28] : memref<512x128xf32, #tpu.memory_space<vmem>>[vector<16xi32>, vector<16xi32>], vector<16xf32>,
      %swap3A_191 = arith.constant 0 : i32
      %swap3A_192 = arith.index_cast %swap3A_191 : i32 to index
      %swap3A_193 = arith.constant 320 : index
      %swap3A_194 = tpu.vector_load %arg5[%swap3A_192, %swap3A_193] {strides = array<i32>} : memref<8x512xf32, #tpu.memory_space<vmem>>, vector<16xf32>,
      tpu.vector_store %arg5[%swap3A_192, %swap3A_193], %gather3A_190 {strides = array<i32>} : memref<8x512xf32, #tpu.memory_space<vmem>>, vector<16xf32>,
      %add3A_195 = arith.constant 336 : i32
      %add3A_196 = vector.broadcast %add3A_195 : i32 to vector<16xi32>
      %add3A_197 = arith.addi %iota3A, %add3A_196 : vector<16xi32>
      %gather3A_198 = tpu.vector_load_idx %run_scoped3A[%add3A_197, %add3A_28] : memref<512x128xf32, #tpu.memory_space<vmem>>[vector<16xi32>, vector<16xi32>], vector<16xf32>,
      %swap3A_199 = arith.constant 0 : i32
      %swap3A_200 = arith.index_cast %swap3A_199 : i32 to index
      %swap3A_201 = arith.constant 336 : index
      %swap3A_202 = tpu.vector_load %arg5[%swap3A_200, %swap3A_201] {strides = array<i32>} : memref<8x512xf32, #tpu.memory_space<vmem>>, vector<16xf32>,
      tpu.vector_store %arg5[%swap3A_200, %swap3A_201], %gather3A_198 {strides = array<i32>} : memref<8x512xf32, #tpu.memory_space<vmem>>, vector<16xf32>,
      %add3A_203 = arith.constant 352 : i32
      %add3A_204 = vector.broadcast %add3A_203 : i32 to vector<16xi32>
      %add3A_205 = arith.addi %iota3A, %add3A_204 : vector<16xi32>
      %gather3A_206 = tpu.vector_load_idx %run_scoped3A[%add3A_205, %add3A_28] : memref<512x128xf32, #tpu.memory_space<vmem>>[vector<16xi32>, vector<16xi32>], vector<16xf32>,
      %swap3A_207 = arith.constant 0 : i32
      %swap3A_208 = arith.index_cast %swap3A_207 : i32 to index
      %swap3A_209 = arith.constant 352 : index
      %swap3A_210 = tpu.vector_load %arg5[%swap3A_208, %swap3A_209] {strides = array<i32>} : memref<8x512xf32, #tpu.memory_space<vmem>>, vector<16xf32>,
      tpu.vector_store %arg5[%swap3A_208, %swap3A_209], %gather3A_206 {strides = array<i32>} : memref<8x512xf32, #tpu.memory_space<vmem>>, vector<16xf32>,
      %add3A_211 = arith.constant 368 : i32
      %add3A_212 = vector.broadcast %add3A_211 : i32 to vector<16xi32>
      %add3A_213 = arith.addi %iota3A, %add3A_212 : vector<16xi32>
      %gather3A_214 = tpu.vector_load_idx %run_scoped3A[%add3A_213, %add3A_28] : memref<512x128xf32, #tpu.memory_space<vmem>>[vector<16xi32>, vector<16xi32>], vector<16xf32>,
      %swap3A_215 = arith.constant 0 : i32
      %swap3A_216 = arith.index_cast %swap3A_215 : i32 to index
      %swap3A_217 = arith.constant 368 : index
      %swap3A_218 = tpu.vector_load %arg5[%swap3A_216, %swap3A_217] {strides = array<i32>} : memref<8x512xf32, #tpu.memory_space<vmem>>, vector<16xf32>,
      tpu.vector_store %arg5[%swap3A_216, %swap3A_217], %gather3A_214 {strides = array<i32>} : memref<8x512xf32, #tpu.memory_space<vmem>>, vector<16xf32>,
      %add3A_219 = arith.constant 384 : i32
      %add3A_220 = vector.broadcast %add3A_219 : i32 to vector<16xi32>
      %add3A_221 = arith.addi %iota3A, %add3A_220 : vector<16xi32>
      %gather3A_222 = tpu.vector_load_idx %run_scoped3A[%add3A_221, %add3A_28] : memref<512x128xf32, #tpu.memory_space<vmem>>[vector<16xi32>, vector<16xi32>], vector<16xf32>,
      %swap3A_223 = arith.constant 0 : i32
      %swap3A_224 = arith.index_cast %swap3A_223 : i32 to index
      %swap3A_225 = arith.constant 384 : index
      %swap3A_226 = tpu.vector_load %arg5[%swap3A_224, %swap3A_225] {strides = array<i32>} : memref<8x512xf32, #tpu.memory_space<vmem>>, vector<16xf32>,
      tpu.vector_store %arg5[%swap3A_224, %swap3A_225], %gather3A_222 {strides = array<i32>} : memref<8x512xf32, #tpu.memory_space<vmem>>, vector<16xf32>,
      %add3A_227 = arith.constant 400 : i32
      %add3A_228 = vector.broadcast %add3A_227 : i32 to vector<16xi32>
      %add3A_229 = arith.addi %iota3A, %add3A_228 : vector<16xi32>
      %gather3A_230 = tpu.vector_load_idx %run_scoped3A[%add3A_229, %add3A_28] : memref<512x128xf32, #tpu.memory_space<vmem>>[vector<16xi32>, vector<16xi32>], vector<16xf32>,
      %swap3A_231 = arith.constant 0 : i32
      %swap3A_232 = arith.index_cast %swap3A_231 : i32 to index
      %swap3A_233 = arith.constant 400 : index
      %swap3A_234 = tpu.vector_load %arg5[%swap3A_232, %swap3A_233] {strides = array<i32>} : memref<8x512xf32, #tpu.memory_space<vmem>>, vector<16xf32>,
      tpu.vector_store %arg5[%swap3A_232, %swap3A_233], %gather3A_230 {strides = array<i32>} : memref<8x512xf32, #tpu.memory_space<vmem>>, vector<16xf32>,
      %add3A_235 = arith.constant 416 : i32
      %add3A_236 = vector.broadcast %add3A_235 : i32 to vector<16xi32>
      %add3A_237 = arith.addi %iota3A, %add3A_236 : vector<16xi32>
      %gather3A_238 = tpu.vector_load_idx %run_scoped3A[%add3A_237, %add3A_28] : memref<512x128xf32, #tpu.memory_space<vmem>>[vector<16xi32>, vector<16xi32>], vector<16xf32>,
      %swap3A_239 = arith.constant 0 : i32
      %swap3A_240 = arith.index_cast %swap3A_239 : i32 to index
      %swap3A_241 = arith.constant 416 : index
      %swap3A_242 = tpu.vector_load %arg5[%swap3A_240, %swap3A_241] {strides = array<i32>} : memref<8x512xf32, #tpu.memory_space<vmem>>, vector<16xf32>,
      tpu.vector_store %arg5[%swap3A_240, %swap3A_241], %gather3A_238 {strides = array<i32>} : memref<8x512xf32, #tpu.memory_space<vmem>>, vector<16xf32>,
      %add3A_243 = arith.constant 432 : i32
      %add3A_244 = vector.broadcast %add3A_243 : i32 to vector<16xi32>
      %add3A_245 = arith.addi %iota3A, %add3A_244 : vector<16xi32>
      %gather3A_246 = tpu.vector_load_idx %run_scoped3A[%add3A_245, %add3A_28] : memref<512x128xf32, #tpu.memory_space<vmem>>[vector<16xi32>, vector<16xi32>], vector<16xf32>,
      %swap3A_247 = arith.constant 0 : i32
      %swap3A_248 = arith.index_cast %swap3A_247 : i32 to index
      %swap3A_249 = arith.constant 432 : index
      %swap3A_250 = tpu.vector_load %arg5[%swap3A_248, %swap3A_249] {strides = array<i32>} : memref<8x512xf32, #tpu.memory_space<vmem>>, vector<16xf32>,
      tpu.vector_store %arg5[%swap3A_248, %swap3A_249], %gather3A_246 {strides = array<i32>} : memref<8x512xf32, #tpu.memory_space<vmem>>, vector<16xf32>,
      %add3A_251 = arith.constant 448 : i32
      %add3A_252 = vector.broadcast %add3A_251 : i32 to vector<16xi32>
      %add3A_253 = arith.addi %iota3A, %add3A_252 : vector<16xi32>
      %gather3A_254 = tpu.vector_load_idx %run_scoped3A[%add3A_253, %add3A_28] : memref<512x128xf32, #tpu.memory_space<vmem>>[vector<16xi32>, vector<16xi32>], vector<16xf32>,
      %swap3A_255 = arith.constant 0 : i32
      %swap3A_256 = arith.index_cast %swap3A_255 : i32 to index
      %swap3A_257 = arith.constant 448 : index
      %swap3A_258 = tpu.vector_load %arg5[%swap3A_256, %swap3A_257] {strides = array<i32>} : memref<8x512xf32, #tpu.memory_space<vmem>>, vector<16xf32>,
      tpu.vector_store %arg5[%swap3A_256, %swap3A_257], %gather3A_254 {strides = array<i32>} : memref<8x512xf32, #tpu.memory_space<vmem>>, vector<16xf32>,
      %add3A_259 = arith.constant 464 : i32
      %add3A_260 = vector.broadcast %add3A_259 : i32 to vector<16xi32>
      %add3A_261 = arith.addi %iota3A, %add3A_260 : vector<16xi32>
      %gather3A_262 = tpu.vector_load_idx %run_scoped3A[%add3A_261, %add3A_28] : memref<512x128xf32, #tpu.memory_space<vmem>>[vector<16xi32>, vector<16xi32>], vector<16xf32>,
      %swap3A_263 = arith.constant 0 : i32
      %swap3A_264 = arith.index_cast %swap3A_263 : i32 to index
      %swap3A_265 = arith.constant 464 : index
      %swap3A_266 = tpu.vector_load %arg5[%swap3A_264, %swap3A_265] {strides = array<i32>} : memref<8x512xf32, #tpu.memory_space<vmem>>, vector<16xf32>,
      tpu.vector_store %arg5[%swap3A_264, %swap3A_265], %gather3A_262 {strides = array<i32>} : memref<8x512xf32, #tpu.memory_space<vmem>>, vector<16xf32>,
      %add3A_267 = arith.constant 480 : i32
      %add3A_268 = vector.broadcast %add3A_267 : i32 to vector<16xi32>
      %add3A_269 = arith.addi %iota3A, %add3A_268 : vector<16xi32>
      %gather3A_270 = tpu.vector_load_idx %run_scoped3A[%add3A_269, %add3A_28] : memref<512x128xf32, #tpu.memory_space<vmem>>[vector<16xi32>, vector<16xi32>], vector<16xf32>,
      %swap3A_271 = arith.constant 0 : i32
      %swap3A_272 = arith.index_cast %swap3A_271 : i32 to index
      %swap3A_273 = arith.constant 480 : index
      %swap3A_274 = tpu.vector_load %arg5[%swap3A_272, %swap3A_273] {strides = array<i32>} : memref<8x512xf32, #tpu.memory_space<vmem>>, vector<16xf32>,
      tpu.vector_store %arg5[%swap3A_272, %swap3A_273], %gather3A_270 {strides = array<i32>} : memref<8x512xf32, #tpu.memory_space<vmem>>, vector<16xf32>,
      %add3A_275 = arith.constant 496 : i32
      %add3A_276 = vector.broadcast %add3A_275 : i32 to vector<16xi32>
      %add3A_277 = arith.addi %iota3A, %add3A_276 : vector<16xi32>
      %gather3A_278 = tpu.vector_load_idx %run_scoped3A[%add3A_277, %add3A_28] : memref<512x128xf32, #tpu.memory_space<vmem>>[vector<16xi32>, vector<16xi32>], vector<16xf32>,
      %swap3A_279 = arith.constant 0 : i32
      %swap3A_280 = arith.index_cast %swap3A_279 : i32 to index
      %swap3A_281 = arith.constant 496 : index
      %swap3A_282 = tpu.vector_load %arg5[%swap3A_280, %swap3A_281] {strides = array<i32>} : memref<8x512xf32, #tpu.memory_space<vmem>>, vector<16xf32>,
      tpu.vector_store %arg5[%swap3A_280, %swap3A_281], %gather3A_278 {strides = array<i32>} : memref<8x512xf32, #tpu.memory_space<vmem>>, vector<16xf32>,
      %broadcast_in_dim3A_283 = arith.constant 0 : i32
      %broadcast_in_dim3A_284 = vector.broadcast %broadcast_in_dim3A_283 : i32 to vector<16xi32>
      %add3A_285 = arith.constant 1 : i32
      %add3A_286 = arith.addi %rem3A_6, %add3A_285 : i32
      %add3A_287 = vector.broadcast %add3A_286 : i32 to vector<16xi32>
      %add3A_288 = arith.addi %broadcast_in_dim3A_284, %add3A_287 : vector<16xi32>
      %add3A_289 = arith.constant 0 : i32
      %add3A_290 = vector.broadcast %add3A_289 : i32 to vector<16xi32>
      %add3A_291 = arith.addi %iota3A, %add3A_290 : vector<16xi32>
      %gather3A_292 = tpu.vector_load_idx %run_scoped3A[%add3A_291, %add3A_288] : memref<512x128xf32, #tpu.memory_space<vmem>>[vector<16xi32>, vector<16xi32>], vector<16xf32>,
      %swap3A_293 = arith.constant 1 : i32
      %swap3A_294 = arith.index_cast %swap3A_293 : i32 to index
      %swap3A_295 = arith.constant 0 : index
      %swap3A_296 = tpu.vector_load %arg5[%swap3A_294, %swap3A_295] {strides = array<i32>} : memref<8x512xf32, #tpu.memory_space<vmem>>, vector<16xf32>,
      tpu.vector_store %arg5[%swap3A_294, %swap3A_295], %gather3A_292 {strides = array<i32>} : memref<8x512xf32, #tpu.memory_space<vmem>>, vector<16xf32>,
      %add3A_297 = arith.constant 16 : i32
      %add3A_298 = vector.broadcast %add3A_297 : i32 to vector<16xi32>
      %add3A_299 = arith.addi %iota3A, %add3A_298 : vector<16xi32>
      %gather3A_300 = tpu.vector_load_idx %run_scoped3A[%add3A_299, %add3A_288] : memref<512x128xf32, #tpu.memory_space<vmem>>[vector<16xi32>, vector<16xi32>], vector<16xf32>,
      %swap3A_301 = arith.constant 1 : i32
      %swap3A_302 = arith.index_cast %swap3A_301 : i32 to index
      %swap3A_303 = arith.constant 16 : index
      %swap3A_304 = tpu.vector_load %arg5[%swap3A_302, %swap3A_303] {strides = array<i32>} : memref<8x512xf32, #tpu.memory_space<vmem>>, vector<16xf32>,
      tpu.vector_store %arg5[%swap3A_302, %swap3A_303], %gather3A_300 {strides = array<i32>} : memref<8x512xf32, #tpu.memory_space<vmem>>, vector<16xf32>,
      %add3A_305 = arith.constant 32 : i32
      %add3A_306 = vector.broadcast %add3A_305 : i32 to vector<16xi32>
      %add3A_307 = arith.addi %iota3A, %add3A_306 : vector<16xi32>
      %gather3A_308 = tpu.vector_load_idx %run_scoped3A[%add3A_307, %add3A_288] : memref<512x128xf32, #tpu.memory_space<vmem>>[vector<16xi32>, vector<16xi32>], vector<16xf32>,
      %swap3A_309 = arith.constant 1 : i32
      %swap3A_310 = arith.index_cast %swap3A_309 : i32 to index
      %swap3A_311 = arith.constant 32 : index
      %swap3A_312 = tpu.vector_load %arg5[%swap3A_310, %swap3A_311] {strides = array<i32>} : memref<8x512xf32, #tpu.memory_space<vmem>>, vector<16xf32>,
      tpu.vector_store %arg5[%swap3A_310, %swap3A_311], %gather3A_308 {strides = array<i32>} : memref<8x512xf32, #tpu.memory_space<vmem>>, vector<16xf32>,
      %add3A_313 = arith.constant 48 : i32
      %add3A_314 = vector.broadcast %add3A_313 : i32 to vector<16xi32>
      %add3A_315 = arith.addi %iota3A, %add3A_314 : vector<16xi32>
      %gather3A_316 = tpu.vector_load_idx %run_scoped3A[%add3A_315, %add3A_288] : memref<512x128xf32, #tpu.memory_space<vmem>>[vector<16xi32>, vector<16xi32>], vector<16xf32>,
      %swap3A_317 = arith.constant 1 : i32
      %swap3A_318 = arith.index_cast %swap3A_317 : i32 to index
      %swap3A_319 = arith.constant 48 : index
      %swap3A_320 = tpu.vector_load %arg5[%swap3A_318, %swap3A_319] {strides = array<i32>} : memref<8x512xf32, #tpu.memory_space<vmem>>, vector<16xf32>,
      tpu.vector_store %arg5[%swap3A_318, %swap3A_319], %gather3A_316 {strides = array<i32>} : memref<8x512xf32, #tpu.memory_space<vmem>>, vector<16xf32>,
      %add3A_321 = arith.constant 64 : i32
      %add3A_322 = vector.broadcast %add3A_321 : i32 to vector<16xi32>
      %add3A_323 = arith.addi %iota3A, %add3A_322 : vector<16xi32>
      %gather3A_324 = tpu.vector_load_idx %run_scoped3A[%add3A_323, %add3A_288] : memref<512x128xf32, #tpu.memory_space<vmem>>[vector<16xi32>, vector<16xi32>], vector<16xf32>,
      %swap3A_325 = arith.constant 1 : i32
      %swap3A_326 = arith.index_cast %swap3A_325 : i32 to index
      %swap3A_327 = arith.constant 64 : index
      %swap3A_328 = tpu.vector_load %arg5[%swap3A_326, %swap3A_327] {strides = array<i32>} : memref<8x512xf32, #tpu.memory_space<vmem>>, vector<16xf32>,
      tpu.vector_store %arg5[%swap3A_326, %swap3A_327], %gather3A_324 {strides = array<i32>} : memref<8x512xf32, #tpu.memory_space<vmem>>, vector<16xf32>,
      %add3A_329 = arith.constant 80 : i32
      %add3A_330 = vector.broadcast %add3A_329 : i32 to vector<16xi32>
      %add3A_331 = arith.addi %iota3A, %add3A_330 : vector<16xi32>
      %gather3A_332 = tpu.vector_load_idx %run_scoped3A[%add3A_331, %add3A_288] : memref<512x128xf32, #tpu.memory_space<vmem>>[vector<16xi32>, vector<16xi32>], vector<16xf32>,
      %swap3A_333 = arith.constant 1 : i32
      %swap3A_334 = arith.index_cast %swap3A_333 : i32 to index
      %swap3A_335 = arith.constant 80 : index
      %swap3A_336 = tpu.vector_load %arg5[%swap3A_334, %swap3A_335] {strides = array<i32>} : memref<8x512xf32, #tpu.memory_space<vmem>>, vector<16xf32>,
      tpu.vector_store %arg5[%swap3A_334, %swap3A_335], %gather3A_332 {strides = array<i32>} : memref<8x512xf32, #tpu.memory_space<vmem>>, vector<16xf32>,
      %add3A_337 = arith.constant 96 : i32
      %add3A_338 = vector.broadcast %add3A_337 : i32 to vector<16xi32>
      %add3A_339 = arith.addi %iota3A, %add3A_338 : vector<16xi32>
      %gather3A_340 = tpu.vector_load_idx %run_scoped3A[%add3A_339, %add3A_288] : memref<512x128xf32, #tpu.memory_space<vmem>>[vector<16xi32>, vector<16xi32>], vector<16xf32>,
      %swap3A_341 = arith.constant 1 : i32
      %swap3A_342 = arith.index_cast %swap3A_341 : i32 to index
      %swap3A_343 = arith.constant 96 : index
      %swap3A_344 = tpu.vector_load %arg5[%swap3A_342, %swap3A_343] {strides = array<i32>} : memref<8x512xf32, #tpu.memory_space<vmem>>, vector<16xf32>,
      tpu.vector_store %arg5[%swap3A_342, %swap3A_343], %gather3A_340 {strides = array<i32>} : memref<8x512xf32, #tpu.memory_space<vmem>>, vector<16xf32>,
      %add3A_345 = arith.constant 112 : i32
      %add3A_346 = vector.broadcast %add3A_345 : i32 to vector<16xi32>
      %add3A_347 = arith.addi %iota3A, %add3A_346 : vector<16xi32>
      %gather3A_348 = tpu.vector_load_idx %run_scoped3A[%add3A_347, %add3A_288] : memref<512x128xf32, #tpu.memory_space<vmem>>[vector<16xi32>, vector<16xi32>], vector<16xf32>,
      %swap3A_349 = arith.constant 1 : i32
      %swap3A_350 = arith.index_cast %swap3A_349 : i32 to index
      %swap3A_351 = arith.constant 112 : index
      %swap3A_352 = tpu.vector_load %arg5[%swap3A_350, %swap3A_351] {strides = array<i32>} : memref<8x512xf32, #tpu.memory_space<vmem>>, vector<16xf32>,
      tpu.vector_store %arg5[%swap3A_350, %swap3A_351], %gather3A_348 {strides = array<i32>} : memref<8x512xf32, #tpu.memory_space<vmem>>, vector<16xf32>,
      %add3A_353 = arith.constant 128 : i32
      %add3A_354 = vector.broadcast %add3A_353 : i32 to vector<16xi32>
      %add3A_355 = arith.addi %iota3A, %add3A_354 : vector<16xi32>
      %gather3A_356 = tpu.vector_load_idx %run_scoped3A[%add3A_355, %add3A_288] : memref<512x128xf32, #tpu.memory_space<vmem>>[vector<16xi32>, vector<16xi32>], vector<16xf32>,
      %swap3A_357 = arith.constant 1 : i32
      %swap3A_358 = arith.index_cast %swap3A_357 : i32 to index
      %swap3A_359 = arith.constant 128 : index
      %swap3A_360 = tpu.vector_load %arg5[%swap3A_358, %swap3A_359] {strides = array<i32>} : memref<8x512xf32, #tpu.memory_space<vmem>>, vector<16xf32>,
      tpu.vector_store %arg5[%swap3A_358, %swap3A_359], %gather3A_356 {strides = array<i32>} : memref<8x512xf32, #tpu.memory_space<vmem>>, vector<16xf32>,
      %add3A_361 = arith.constant 144 : i32
      %add3A_362 = vector.broadcast %add3A_361 : i32 to vector<16xi32>
      %add3A_363 = arith.addi %iota3A, %add3A_362 : vector<16xi32>
      %gather3A_364 = tpu.vector_load_idx %run_scoped3A[%add3A_363, %add3A_288] : memref<512x128xf32, #tpu.memory_space<vmem>>[vector<16xi32>, vector<16xi32>], vector<16xf32>,
      %swap3A_365 = arith.constant 1 : i32
      %swap3A_366 = arith.index_cast %swap3A_365 : i32 to index
      %swap3A_367 = arith.constant 144 : index
      %swap3A_368 = tpu.vector_load %arg5[%swap3A_366, %swap3A_367] {strides = array<i32>} : memref<8x512xf32, #tpu.memory_space<vmem>>, vector<16xf32>,
      tpu.vector_store %arg5[%swap3A_366, %swap3A_367], %gather3A_364 {strides = array<i32>} : memref<8x512xf32, #tpu.memory_space<vmem>>, vector<16xf32>,
      %add3A_369 = arith.constant 160 : i32
      %add3A_370 = vector.broadcast %add3A_369 : i32 to vector<16xi32>
      %add3A_371 = arith.addi %iota3A, %add3A_370 : vector<16xi32>
      %gather3A_372 = tpu.vector_load_idx %run_scoped3A[%add3A_371, %add3A_288] : memref<512x128xf32, #tpu.memory_space<vmem>>[vector<16xi32>, vector<16xi32>], vector<16xf32>,
      %swap3A_373 = arith.constant 1 : i32
      %swap3A_374 = arith.index_cast %swap3A_373 : i32 to index
      %swap3A_375 = arith.constant 160 : index
      %swap3A_376 = tpu.vector_load %arg5[%swap3A_374, %swap3A_375] {strides = array<i32>} : memref<8x512xf32, #tpu.memory_space<vmem>>, vector<16xf32>,
      tpu.vector_store %arg5[%swap3A_374, %swap3A_375], %gather3A_372 {strides = array<i32>} : memref<8x512xf32, #tpu.memory_space<vmem>>, vector<16xf32>,
      %add3A_377 = arith.constant 176 : i32
      %add3A_378 = vector.broadcast %add3A_377 : i32 to vector<16xi32>
      %add3A_379 = arith.addi %iota3A, %add3A_378 : vector<16xi32>
      %gather3A_380 = tpu.vector_load_idx %run_scoped3A[%add3A_379, %add3A_288] : memref<512x128xf32, #tpu.memory_space<vmem>>[vector<16xi32>, vector<16xi32>], vector<16xf32>,
      %swap3A_381 = arith.constant 1 : i32
      %swap3A_382 = arith.index_cast %swap3A_381 : i32 to index
      %swap3A_383 = arith.constant 176 : index
      %swap3A_384 = tpu.vector_load %arg5[%swap3A_382, %swap3A_383] {strides = array<i32>} : memref<8x512xf32, #tpu.memory_space<vmem>>, vector<16xf32>,
      tpu.vector_store %arg5[%swap3A_382, %swap3A_383], %gather3A_380 {strides = array<i32>} : memref<8x512xf32, #tpu.memory_space<vmem>>, vector<16xf32>,
      %add3A_385 = arith.constant 192 : i32
      %add3A_386 = vector.broadcast %add3A_385 : i32 to vector<16xi32>
      %add3A_387 = arith.addi %iota3A, %add3A_386 : vector<16xi32>
      %gather3A_388 = tpu.vector_load_idx %run_scoped3A[%add3A_387, %add3A_288] : memref<512x128xf32, #tpu.memory_space<vmem>>[vector<16xi32>, vector<16xi32>], vector<16xf32>,
      %swap3A_389 = arith.constant 1 : i32
      %swap3A_390 = arith.index_cast %swap3A_389 : i32 to index
      %swap3A_391 = arith.constant 192 : index
      %swap3A_392 = tpu.vector_load %arg5[%swap3A_390, %swap3A_391] {strides = array<i32>} : memref<8x512xf32, #tpu.memory_space<vmem>>, vector<16xf32>,
      tpu.vector_store %arg5[%swap3A_390, %swap3A_391], %gather3A_388 {strides = array<i32>} : memref<8x512xf32, #tpu.memory_space<vmem>>, vector<16xf32>,
      %add3A_393 = arith.constant 208 : i32
      %add3A_394 = vector.broadcast %add3A_393 : i32 to vector<16xi32>
      %add3A_395 = arith.addi %iota3A, %add3A_394 : vector<16xi32>
      %gather3A_396 = tpu.vector_load_idx %run_scoped3A[%add3A_395, %add3A_288] : memref<512x128xf32, #tpu.memory_space<vmem>>[vector<16xi32>, vector<16xi32>], vector<16xf32>,
      %swap3A_397 = arith.constant 1 : i32
      %swap3A_398 = arith.index_cast %swap3A_397 : i32 to index
      %swap3A_399 = arith.constant 208 : index
      %swap3A_400 = tpu.vector_load %arg5[%swap3A_398, %swap3A_399] {strides = array<i32>} : memref<8x512xf32, #tpu.memory_space<vmem>>, vector<16xf32>,
      tpu.vector_store %arg5[%swap3A_398, %swap3A_399], %gather3A_396 {strides = array<i32>} : memref<8x512xf32, #tpu.memory_space<vmem>>, vector<16xf32>,
      %add3A_401 = arith.constant 224 : i32
      %add3A_402 = vector.broadcast %add3A_401 : i32 to vector<16xi32>
      %add3A_403 = arith.addi %iota3A, %add3A_402 : vector<16xi32>
      %gather3A_404 = tpu.vector_load_idx %run_scoped3A[%add3A_403, %add3A_288] : memref<512x128xf32, #tpu.memory_space<vmem>>[vector<16xi32>, vector<16xi32>], vector<16xf32>,
      %swap3A_405 = arith.constant 1 : i32
      %swap3A_406 = arith.index_cast %swap3A_405 : i32 to index
      %swap3A_407 = arith.constant 224 : index
      %swap3A_408 = tpu.vector_load %arg5[%swap3A_406, %swap3A_407] {strides = array<i32>} : memref<8x512xf32, #tpu.memory_space<vmem>>, vector<16xf32>,
      tpu.vector_store %arg5[%swap3A_406, %swap3A_407], %gather3A_404 {strides = array<i32>} : memref<8x512xf32, #tpu.memory_space<vmem>>, vector<16xf32>,
      %add3A_409 = arith.constant 240 : i32
      %add3A_410 = vector.broadcast %add3A_409 : i32 to vector<16xi32>
      %add3A_411 = arith.addi %iota3A, %add3A_410 : vector<16xi32>
      %gather3A_412 = tpu.vector_load_idx %run_scoped3A[%add3A_411, %add3A_288] : memref<512x128xf32, #tpu.memory_space<vmem>>[vector<16xi32>, vector<16xi32>], vector<16xf32>,
      %swap3A_413 = arith.constant 1 : i32
      %swap3A_414 = arith.index_cast %swap3A_413 : i32 to index
      %swap3A_415 = arith.constant 240 : index
      %swap3A_416 = tpu.vector_load %arg5[%swap3A_414, %swap3A_415] {strides = array<i32>} : memref<8x512xf32, #tpu.memory_space<vmem>>, vector<16xf32>,
      tpu.vector_store %arg5[%swap3A_414, %swap3A_415], %gather3A_412 {strides = array<i32>} : memref<8x512xf32, #tpu.memory_space<vmem>>, vector<16xf32>,
      %add3A_417 = arith.constant 256 : i32
      %add3A_418 = vector.broadcast %add3A_417 : i32 to vector<16xi32>
      %add3A_419 = arith.addi %iota3A, %add3A_418 : vector<16xi32>
      %gather3A_420 = tpu.vector_load_idx %run_scoped3A[%add3A_419, %add3A_288] : memref<512x128xf32, #tpu.memory_space<vmem>>[vector<16xi32>, vector<16xi32>], vector<16xf32>,
      %swap3A_421 = arith.constant 1 : i32
      %swap3A_422 = arith.index_cast %swap3A_421 : i32 to index
      %swap3A_423 = arith.constant 256 : index
      %swap3A_424 = tpu.vector_load %arg5[%swap3A_422, %swap3A_423] {strides = array<i32>} : memref<8x512xf32, #tpu.memory_space<vmem>>, vector<16xf32>,
      tpu.vector_store %arg5[%swap3A_422, %swap3A_423], %gather3A_420 {strides = array<i32>} : memref<8x512xf32, #tpu.memory_space<vmem>>, vector<16xf32>,
      %add3A_425 = arith.constant 272 : i32
      %add3A_426 = vector.broadcast %add3A_425 : i32 to vector<16xi32>
      %add3A_427 = arith.addi %iota3A, %add3A_426 : vector<16xi32>
      %gather3A_428 = tpu.vector_load_idx %run_scoped3A[%add3A_427, %add3A_288] : memref<512x128xf32, #tpu.memory_space<vmem>>[vector<16xi32>, vector<16xi32>], vector<16xf32>,
      %swap3A_429 = arith.constant 1 : i32
      %swap3A_430 = arith.index_cast %swap3A_429 : i32 to index
      %swap3A_431 = arith.constant 272 : index
      %swap3A_432 = tpu.vector_load %arg5[%swap3A_430, %swap3A_431] {strides = array<i32>} : memref<8x512xf32, #tpu.memory_space<vmem>>, vector<16xf32>,
      tpu.vector_store %arg5[%swap3A_430, %swap3A_431], %gather3A_428 {strides = array<i32>} : memref<8x512xf32, #tpu.memory_space<vmem>>, vector<16xf32>,
      %add3A_433 = arith.constant 288 : i32
      %add3A_434 = vector.broadcast %add3A_433 : i32 to vector<16xi32>
      %add3A_435 = arith.addi %iota3A, %add3A_434 : vector<16xi32>
      %gather3A_436 = tpu.vector_load_idx %run_scoped3A[%add3A_435, %add3A_288] : memref<512x128xf32, #tpu.memory_space<vmem>>[vector<16xi32>, vector<16xi32>], vector<16xf32>,
      %swap3A_437 = arith.constant 1 : i32
      %swap3A_438 = arith.index_cast %swap3A_437 : i32 to index
      %swap3A_439 = arith.constant 288 : index
      %swap3A_440 = tpu.vector_load %arg5[%swap3A_438, %swap3A_439] {strides = array<i32>} : memref<8x512xf32, #tpu.memory_space<vmem>>, vector<16xf32>,
      tpu.vector_store %arg5[%swap3A_438, %swap3A_439], %gather3A_436 {strides = array<i32>} : memref<8x512xf32, #tpu.memory_space<vmem>>, vector<16xf32>,
      %add3A_441 = arith.constant 304 : i32
      %add3A_442 = vector.broadcast %add3A_441 : i32 to vector<16xi32>
      %add3A_443 = arith.addi %iota3A, %add3A_442 : vector<16xi32>
      %gather3A_444 = tpu.vector_load_idx %run_scoped3A[%add3A_443, %add3A_288] : memref<512x128xf32, #tpu.memory_space<vmem>>[vector<16xi32>, vector<16xi32>], vector<16xf32>,
      %swap3A_445 = arith.constant 1 : i32
      %swap3A_446 = arith.index_cast %swap3A_445 : i32 to index
      %swap3A_447 = arith.constant 304 : index
      %swap3A_448 = tpu.vector_load %arg5[%swap3A_446, %swap3A_447] {strides = array<i32>} : memref<8x512xf32, #tpu.memory_space<vmem>>, vector<16xf32>,
      tpu.vector_store %arg5[%swap3A_446, %swap3A_447], %gather3A_444 {strides = array<i32>} : memref<8x512xf32, #tpu.memory_space<vmem>>, vector<16xf32>,
      %add3A_449 = arith.constant 320 : i32
      %add3A_450 = vector.broadcast %add3A_449 : i32 to vector<16xi32>
      %add3A_451 = arith.addi %iota3A, %add3A_450 : vector<16xi32>
      %gather3A_452 = tpu.vector_load_idx %run_scoped3A[%add3A_451, %add3A_288] : memref<512x128xf32, #tpu.memory_space<vmem>>[vector<16xi32>, vector<16xi32>], vector<16xf32>,
      %swap3A_453 = arith.constant 1 : i32
      %swap3A_454 = arith.index_cast %swap3A_453 : i32 to index
      %swap3A_455 = arith.constant 320 : index
      %swap3A_456 = tpu.vector_load %arg5[%swap3A_454, %swap3A_455] {strides = array<i32>} : memref<8x512xf32, #tpu.memory_space<vmem>>, vector<16xf32>,
      tpu.vector_store %arg5[%swap3A_454, %swap3A_455], %gather3A_452 {strides = array<i32>} : memref<8x512xf32, #tpu.memory_space<vmem>>, vector<16xf32>,
      %add3A_457 = arith.constant 336 : i32
      %add3A_458 = vector.broadcast %add3A_457 : i32 to vector<16xi32>
      %add3A_459 = arith.addi %iota3A, %add3A_458 : vector<16xi32>
      %gather3A_460 = tpu.vector_load_idx %run_scoped3A[%add3A_459, %add3A_288] : memref<512x128xf32, #tpu.memory_space<vmem>>[vector<16xi32>, vector<16xi32>], vector<16xf32>,
      %swap3A_461 = arith.constant 1 : i32
      %swap3A_462 = arith.index_cast %swap3A_461 : i32 to index
      %swap3A_463 = arith.constant 336 : index
      %swap3A_464 = tpu.vector_load %arg5[%swap3A_462, %swap3A_463] {strides = array<i32>} : memref<8x512xf32, #tpu.memory_space<vmem>>, vector<16xf32>,
      tpu.vector_store %arg5[%swap3A_462, %swap3A_463], %gather3A_460 {strides = array<i32>} : memref<8x512xf32, #tpu.memory_space<vmem>>, vector<16xf32>,
      %add3A_465 = arith.constant 352 : i32
      %add3A_466 = vector.broadcast %add3A_465 : i32 to vector<16xi32>
      %add3A_467 = arith.addi %iota3A, %add3A_466 : vector<16xi32>
      %gather3A_468 = tpu.vector_load_idx %run_scoped3A[%add3A_467, %add3A_288] : memref<512x128xf32, #tpu.memory_space<vmem>>[vector<16xi32>, vector<16xi32>], vector<16xf32>,
      %swap3A_469 = arith.constant 1 : i32
      %swap3A_470 = arith.index_cast %swap3A_469 : i32 to index
      %swap3A_471 = arith.constant 352 : index
      %swap3A_472 = tpu.vector_load %arg5[%swap3A_470, %swap3A_471] {strides = array<i32>} : memref<8x512xf32, #tpu.memory_space<vmem>>, vector<16xf32>,
      tpu.vector_store %arg5[%swap3A_470, %swap3A_471], %gather3A_468 {strides = array<i32>} : memref<8x512xf32, #tpu.memory_space<vmem>>, vector<16xf32>,
      %add3A_473 = arith.constant 368 : i32
      %add3A_474 = vector.broadcast %add3A_473 : i32 to vector<16xi32>
      %add3A_475 = arith.addi %iota3A, %add3A_474 : vector<16xi32>
      %gather3A_476 = tpu.vector_load_idx %run_scoped3A[%add3A_475, %add3A_288] : memref<512x128xf32, #tpu.memory_space<vmem>>[vector<16xi32>, vector<16xi32>], vector<16xf32>,
      %swap3A_477 = arith.constant 1 : i32
      %swap3A_478 = arith.index_cast %swap3A_477 : i32 to index
      %swap3A_479 = arith.constant 368 : index
      %swap3A_480 = tpu.vector_load %arg5[%swap3A_478, %swap3A_479] {strides = array<i32>} : memref<8x512xf32, #tpu.memory_space<vmem>>, vector<16xf32>,
      tpu.vector_store %arg5[%swap3A_478, %swap3A_479], %gather3A_476 {strides = array<i32>} : memref<8x512xf32, #tpu.memory_space<vmem>>, vector<16xf32>,
      %add3A_481 = arith.constant 384 : i32
      %add3A_482 = vector.broadcast %add3A_481 : i32 to vector<16xi32>
      %add3A_483 = arith.addi %iota3A, %add3A_482 : vector<16xi32>
      %gather3A_484 = tpu.vector_load_idx %run_scoped3A[%add3A_483, %add3A_288] : memref<512x128xf32, #tpu.memory_space<vmem>>[vector<16xi32>, vector<16xi32>], vector<16xf32>,
      %swap3A_485 = arith.constant 1 : i32
      %swap3A_486 = arith.index_cast %swap3A_485 : i32 to index
      %swap3A_487 = arith.constant 384 : index
      %swap3A_488 = tpu.vector_load %arg5[%swap3A_486, %swap3A_487] {strides = array<i32>} : memref<8x512xf32, #tpu.memory_space<vmem>>, vector<16xf32>,
      tpu.vector_store %arg5[%swap3A_486, %swap3A_487], %gather3A_484 {strides = array<i32>} : memref<8x512xf32, #tpu.memory_space<vmem>>, vector<16xf32>,
      %add3A_489 = arith.constant 400 : i32
      %add3A_490 = vector.broadcast %add3A_489 : i32 to vector<16xi32>
      %add3A_491 = arith.addi %iota3A, %add3A_490 : vector<16xi32>
      %gather3A_492 = tpu.vector_load_idx %run_scoped3A[%add3A_491, %add3A_288] : memref<512x128xf32, #tpu.memory_space<vmem>>[vector<16xi32>, vector<16xi32>], vector<16xf32>,
      %swap3A_493 = arith.constant 1 : i32
      %swap3A_494 = arith.index_cast %swap3A_493 : i32 to index
      %swap3A_495 = arith.constant 400 : index
      %swap3A_496 = tpu.vector_load %arg5[%swap3A_494, %swap3A_495] {strides = array<i32>} : memref<8x512xf32, #tpu.memory_space<vmem>>, vector<16xf32>,
      tpu.vector_store %arg5[%swap3A_494, %swap3A_495], %gather3A_492 {strides = array<i32>} : memref<8x512xf32, #tpu.memory_space<vmem>>, vector<16xf32>,
      %add3A_497 = arith.constant 416 : i32
      %add3A_498 = vector.broadcast %add3A_497 : i32 to vector<16xi32>
      %add3A_499 = arith.addi %iota3A, %add3A_498 : vector<16xi32>
      %gather3A_500 = tpu.vector_load_idx %run_scoped3A[%add3A_499, %add3A_288] : memref<512x128xf32, #tpu.memory_space<vmem>>[vector<16xi32>, vector<16xi32>], vector<16xf32>,
      %swap3A_501 = arith.constant 1 : i32
      %swap3A_502 = arith.index_cast %swap3A_501 : i32 to index
      %swap3A_503 = arith.constant 416 : index
      %swap3A_504 = tpu.vector_load %arg5[%swap3A_502, %swap3A_503] {strides = array<i32>} : memref<8x512xf32, #tpu.memory_space<vmem>>, vector<16xf32>,
      tpu.vector_store %arg5[%swap3A_502, %swap3A_503], %gather3A_500 {strides = array<i32>} : memref<8x512xf32, #tpu.memory_space<vmem>>, vector<16xf32>,
      %add3A_505 = arith.constant 432 : i32
      %add3A_506 = vector.broadcast %add3A_505 : i32 to vector<16xi32>
      %add3A_507 = arith.addi %iota3A, %add3A_506 : vector<16xi32>
      %gather3A_508 = tpu.vector_load_idx %run_scoped3A[%add3A_507, %add3A_288] : memref<512x128xf32, #tpu.memory_space<vmem>>[vector<16xi32>, vector<16xi32>], vector<16xf32>,
      %swap3A_509 = arith.constant 1 : i32
      %swap3A_510 = arith.index_cast %swap3A_509 : i32 to index
      %swap3A_511 = arith.constant 432 : index
      %swap3A_512 = tpu.vector_load %arg5[%swap3A_510, %swap3A_511] {strides = array<i32>} : memref<8x512xf32, #tpu.memory_space<vmem>>, vector<16xf32>,
      tpu.vector_store %arg5[%swap3A_510, %swap3A_511], %gather3A_508 {strides = array<i32>} : memref<8x512xf32, #tpu.memory_space<vmem>>, vector<16xf32>,
      %add3A_513 = arith.constant 448 : i32
      %add3A_514 = vector.broadcast %add3A_513 : i32 to vector<16xi32>
      %add3A_515 = arith.addi %iota3A, %add3A_514 : vector<16xi32>
      %gather3A_516 = tpu.vector_load_idx %run_scoped3A[%add3A_515, %add3A_288] : memref<512x128xf32, #tpu.memory_space<vmem>>[vector<16xi32>, vector<16xi32>], vector<16xf32>,
      %swap3A_517 = arith.constant 1 : i32
      %swap3A_518 = arith.index_cast %swap3A_517 : i32 to index
      %swap3A_519 = arith.constant 448 : index
      %swap3A_520 = tpu.vector_load %arg5[%swap3A_518, %swap3A_519] {strides = array<i32>} : memref<8x512xf32, #tpu.memory_space<vmem>>, vector<16xf32>,
      tpu.vector_store %arg5[%swap3A_518, %swap3A_519], %gather3A_516 {strides = array<i32>} : memref<8x512xf32, #tpu.memory_space<vmem>>, vector<16xf32>,
      %add3A_521 = arith.constant 464 : i32
      %add3A_522 = vector.broadcast %add3A_521 : i32 to vector<16xi32>
      %add3A_523 = arith.addi %iota3A, %add3A_522 : vector<16xi32>
      %gather3A_524 = tpu.vector_load_idx %run_scoped3A[%add3A_523, %add3A_288] : memref<512x128xf32, #tpu.memory_space<vmem>>[vector<16xi32>, vector<16xi32>], vector<16xf32>,
      %swap3A_525 = arith.constant 1 : i32
      %swap3A_526 = arith.index_cast %swap3A_525 : i32 to index
      %swap3A_527 = arith.constant 464 : index
      %swap3A_528 = tpu.vector_load %arg5[%swap3A_526, %swap3A_527] {strides = array<i32>} : memref<8x512xf32, #tpu.memory_space<vmem>>, vector<16xf32>,
      tpu.vector_store %arg5[%swap3A_526, %swap3A_527], %gather3A_524 {strides = array<i32>} : memref<8x512xf32, #tpu.memory_space<vmem>>, vector<16xf32>,
      %add3A_529 = arith.constant 480 : i32
      %add3A_530 = vector.broadcast %add3A_529 : i32 to vector<16xi32>
      %add3A_531 = arith.addi %iota3A, %add3A_530 : vector<16xi32>
      %gather3A_532 = tpu.vector_load_idx %run_scoped3A[%add3A_531, %add3A_288] : memref<512x128xf32, #tpu.memory_space<vmem>>[vector<16xi32>, vector<16xi32>], vector<16xf32>,
      %swap3A_533 = arith.constant 1 : i32
      %swap3A_534 = arith.index_cast %swap3A_533 : i32 to index
      %swap3A_535 = arith.constant 480 : index
      %swap3A_536 = tpu.vector_load %arg5[%swap3A_534, %swap3A_535] {strides = array<i32>} : memref<8x512xf32, #tpu.memory_space<vmem>>, vector<16xf32>,
      tpu.vector_store %arg5[%swap3A_534, %swap3A_535], %gather3A_532 {strides = array<i32>} : memref<8x512xf32, #tpu.memory_space<vmem>>, vector<16xf32>,
      %add3A_537 = arith.constant 496 : i32
      %add3A_538 = vector.broadcast %add3A_537 : i32 to vector<16xi32>
      %add3A_539 = arith.addi %iota3A, %add3A_538 : vector<16xi32>
      %gather3A_540 = tpu.vector_load_idx %run_scoped3A[%add3A_539, %add3A_288] : memref<512x128xf32, #tpu.memory_space<vmem>>[vector<16xi32>, vector<16xi32>], vector<16xf32>,
      %swap3A_541 = arith.constant 1 : i32
      %swap3A_542 = arith.index_cast %swap3A_541 : i32 to index
      %swap3A_543 = arith.constant 496 : index
      %swap3A_544 = tpu.vector_load %arg5[%swap3A_542, %swap3A_543] {strides = array<i32>} : memref<8x512xf32, #tpu.memory_space<vmem>>, vector<16xf32>,
      tpu.vector_store %arg5[%swap3A_542, %swap3A_543], %gather3A_540 {strides = array<i32>} : memref<8x512xf32, #tpu.memory_space<vmem>>, vector<16xf32>,
      %broadcast_in_dim3A_545 = arith.constant 0 : i32
      %broadcast_in_dim3A_546 = vector.broadcast %broadcast_in_dim3A_545 : i32 to vector<16xi32>
      %add3A_547 = arith.constant 2 : i32
      %add3A_548 = arith.addi %rem3A_6, %add3A_547 : i32
      %add3A_549 = vector.broadcast %add3A_548 : i32 to vector<16xi32>
      %add3A_550 = arith.addi %broadcast_in_dim3A_546, %add3A_549 : vector<16xi32>
      %add3A_551 = arith.constant 0 : i32
      %add3A_552 = vector.broadcast %add3A_551 : i32 to vector<16xi32>
      %add3A_553 = arith.addi %iota3A, %add3A_552 : vector<16xi32>
      %gather3A_554 = tpu.vector_load_idx %run_scoped3A[%add3A_553, %add3A_550] : memref<512x128xf32, #tpu.memory_space<vmem>>[vector<16xi32>, vector<16xi32>], vector<16xf32>,
      %swap3A_555 = arith.constant 2 : i32
      %swap3A_556 = arith.index_cast %swap3A_555 : i32 to index
      %swap3A_557 = arith.constant 0 : index
      %swap3A_558 = tpu.vector_load %arg5[%swap3A_556, %swap3A_557] {strides = array<i32>} : memref<8x512xf32, #tpu.memory_space<vmem>>, vector<16xf32>,
      tpu.vector_store %arg5[%swap3A_556, %swap3A_557], %gather3A_554 {strides = array<i32>} : memref<8x512xf32, #tpu.memory_space<vmem>>, vector<16xf32>,
      %add3A_559 = arith.constant 16 : i32
      %add3A_560 = vector.broadcast %add3A_559 : i32 to vector<16xi32>
      %add3A_561 = arith.addi %iota3A, %add3A_560 : vector<16xi32>
      %gather3A_562 = tpu.vector_load_idx %run_scoped3A[%add3A_561, %add3A_550] : memref<512x128xf32, #tpu.memory_space<vmem>>[vector<16xi32>, vector<16xi32>], vector<16xf32>,
      %swap3A_563 = arith.constant 2 : i32
      %swap3A_564 = arith.index_cast %swap3A_563 : i32 to index
      %swap3A_565 = arith.constant 16 : index
      %swap3A_566 = tpu.vector_load %arg5[%swap3A_564, %swap3A_565] {strides = array<i32>} : memref<8x512xf32, #tpu.memory_space<vmem>>, vector<16xf32>,
      tpu.vector_store %arg5[%swap3A_564, %swap3A_565], %gather3A_562 {strides = array<i32>} : memref<8x512xf32, #tpu.memory_space<vmem>>, vector<16xf32>,
      %add3A_567 = arith.constant 32 : i32
      %add3A_568 = vector.broadcast %add3A_567 : i32 to vector<16xi32>
      %add3A_569 = arith.addi %iota3A, %add3A_568 : vector<16xi32>
      %gather3A_570 = tpu.vector_load_idx %run_scoped3A[%add3A_569, %add3A_550] : memref<512x128xf32, #tpu.memory_space<vmem>>[vector<16xi32>, vector<16xi32>], vector<16xf32>,
      %swap3A_571 = arith.constant 2 : i32
      %swap3A_572 = arith.index_cast %swap3A_571 : i32 to index
      %swap3A_573 = arith.constant 32 : index
      %swap3A_574 = tpu.vector_load %arg5[%swap3A_572, %swap3A_573] {strides = array<i32>} : memref<8x512xf32, #tpu.memory_space<vmem>>, vector<16xf32>,
      tpu.vector_store %arg5[%swap3A_572, %swap3A_573], %gather3A_570 {strides = array<i32>} : memref<8x512xf32, #tpu.memory_space<vmem>>, vector<16xf32>,
      %add3A_575 = arith.constant 48 : i32
      %add3A_576 = vector.broadcast %add3A_575 : i32 to vector<16xi32>
      %add3A_577 = arith.addi %iota3A, %add3A_576 : vector<16xi32>
      %gather3A_578 = tpu.vector_load_idx %run_scoped3A[%add3A_577, %add3A_550] : memref<512x128xf32, #tpu.memory_space<vmem>>[vector<16xi32>, vector<16xi32>], vector<16xf32>,
      %swap3A_579 = arith.constant 2 : i32
      %swap3A_580 = arith.index_cast %swap3A_579 : i32 to index
      %swap3A_581 = arith.constant 48 : index
      %swap3A_582 = tpu.vector_load %arg5[%swap3A_580, %swap3A_581] {strides = array<i32>} : memref<8x512xf32, #tpu.memory_space<vmem>>, vector<16xf32>,
      tpu.vector_store %arg5[%swap3A_580, %swap3A_581], %gather3A_578 {strides = array<i32>} : memref<8x512xf32, #tpu.memory_space<vmem>>, vector<16xf32>,
      %add3A_583 = arith.constant 64 : i32
      %add3A_584 = vector.broadcast %add3A_583 : i32 to vector<16xi32>
      %add3A_585 = arith.addi %iota3A, %add3A_584 : vector<16xi32>
      %gather3A_586 = tpu.vector_load_idx %run_scoped3A[%add3A_585, %add3A_550] : memref<512x128xf32, #tpu.memory_space<vmem>>[vector<16xi32>, vector<16xi32>], vector<16xf32>,
      %swap3A_587 = arith.constant 2 : i32
      %swap3A_588 = arith.index_cast %swap3A_587 : i32 to index
      %swap3A_589 = arith.constant 64 : index
      %swap3A_590 = tpu.vector_load %arg5[%swap3A_588, %swap3A_589] {strides = array<i32>} : memref<8x512xf32, #tpu.memory_space<vmem>>, vector<16xf32>,
      tpu.vector_store %arg5[%swap3A_588, %swap3A_589], %gather3A_586 {strides = array<i32>} : memref<8x512xf32, #tpu.memory_space<vmem>>, vector<16xf32>,
      %add3A_591 = arith.constant 80 : i32
      %add3A_592 = vector.broadcast %add3A_591 : i32 to vector<16xi32>
      %add3A_593 = arith.addi %iota3A, %add3A_592 : vector<16xi32>
      %gather3A_594 = tpu.vector_load_idx %run_scoped3A[%add3A_593, %add3A_550] : memref<512x128xf32, #tpu.memory_space<vmem>>[vector<16xi32>, vector<16xi32>], vector<16xf32>,
      %swap3A_595 = arith.constant 2 : i32
      %swap3A_596 = arith.index_cast %swap3A_595 : i32 to index
      %swap3A_597 = arith.constant 80 : index
      %swap3A_598 = tpu.vector_load %arg5[%swap3A_596, %swap3A_597] {strides = array<i32>} : memref<8x512xf32, #tpu.memory_space<vmem>>, vector<16xf32>,
      tpu.vector_store %arg5[%swap3A_596, %swap3A_597], %gather3A_594 {strides = array<i32>} : memref<8x512xf32, #tpu.memory_space<vmem>>, vector<16xf32>,
      %add3A_599 = arith.constant 96 : i32
      %add3A_600 = vector.broadcast %add3A_599 : i32 to vector<16xi32>
      %add3A_601 = arith.addi %iota3A, %add3A_600 : vector<16xi32>
      %gather3A_602 = tpu.vector_load_idx %run_scoped3A[%add3A_601, %add3A_550] : memref<512x128xf32, #tpu.memory_space<vmem>>[vector<16xi32>, vector<16xi32>], vector<16xf32>,
      %swap3A_603 = arith.constant 2 : i32
      %swap3A_604 = arith.index_cast %swap3A_603 : i32 to index
      %swap3A_605 = arith.constant 96 : index
      %swap3A_606 = tpu.vector_load %arg5[%swap3A_604, %swap3A_605] {strides = array<i32>} : memref<8x512xf32, #tpu.memory_space<vmem>>, vector<16xf32>,
      tpu.vector_store %arg5[%swap3A_604, %swap3A_605], %gather3A_602 {strides = array<i32>} : memref<8x512xf32, #tpu.memory_space<vmem>>, vector<16xf32>,
      %add3A_607 = arith.constant 112 : i32
      %add3A_608 = vector.broadcast %add3A_607 : i32 to vector<16xi32>
      %add3A_609 = arith.addi %iota3A, %add3A_608 : vector<16xi32>
      %gather3A_610 = tpu.vector_load_idx %run_scoped3A[%add3A_609, %add3A_550] : memref<512x128xf32, #tpu.memory_space<vmem>>[vector<16xi32>, vector<16xi32>], vector<16xf32>,
      %swap3A_611 = arith.constant 2 : i32
      %swap3A_612 = arith.index_cast %swap3A_611 : i32 to index
      %swap3A_613 = arith.constant 112 : index
      %swap3A_614 = tpu.vector_load %arg5[%swap3A_612, %swap3A_613] {strides = array<i32>} : memref<8x512xf32, #tpu.memory_space<vmem>>, vector<16xf32>,
      tpu.vector_store %arg5[%swap3A_612, %swap3A_613], %gather3A_610 {strides = array<i32>} : memref<8x512xf32, #tpu.memory_space<vmem>>, vector<16xf32>,
      %add3A_615 = arith.constant 128 : i32
      %add3A_616 = vector.broadcast %add3A_615 : i32 to vector<16xi32>
      %add3A_617 = arith.addi %iota3A, %add3A_616 : vector<16xi32>
      %gather3A_618 = tpu.vector_load_idx %run_scoped3A[%add3A_617, %add3A_550] : memref<512x128xf32, #tpu.memory_space<vmem>>[vector<16xi32>, vector<16xi32>], vector<16xf32>,
      %swap3A_619 = arith.constant 2 : i32
      %swap3A_620 = arith.index_cast %swap3A_619 : i32 to index
      %swap3A_621 = arith.constant 128 : index
      %swap3A_622 = tpu.vector_load %arg5[%swap3A_620, %swap3A_621] {strides = array<i32>} : memref<8x512xf32, #tpu.memory_space<vmem>>, vector<16xf32>,
      tpu.vector_store %arg5[%swap3A_620, %swap3A_621], %gather3A_618 {strides = array<i32>} : memref<8x512xf32, #tpu.memory_space<vmem>>, vector<16xf32>,
      %add3A_623 = arith.constant 144 : i32
      %add3A_624 = vector.broadcast %add3A_623 : i32 to vector<16xi32>
      %add3A_625 = arith.addi %iota3A, %add3A_624 : vector<16xi32>
      %gather3A_626 = tpu.vector_load_idx %run_scoped3A[%add3A_625, %add3A_550] : memref<512x128xf32, #tpu.memory_space<vmem>>[vector<16xi32>, vector<16xi32>], vector<16xf32>,
      %swap3A_627 = arith.constant 2 : i32
      %swap3A_628 = arith.index_cast %swap3A_627 : i32 to index
      %swap3A_629 = arith.constant 144 : index
      %swap3A_630 = tpu.vector_load %arg5[%swap3A_628, %swap3A_629] {strides = array<i32>} : memref<8x512xf32, #tpu.memory_space<vmem>>, vector<16xf32>,
      tpu.vector_store %arg5[%swap3A_628, %swap3A_629], %gather3A_626 {strides = array<i32>} : memref<8x512xf32, #tpu.memory_space<vmem>>, vector<16xf32>,
      %add3A_631 = arith.constant 160 : i32
      %add3A_632 = vector.broadcast %add3A_631 : i32 to vector<16xi32>
      %add3A_633 = arith.addi %iota3A, %add3A_632 : vector<16xi32>
      %gather3A_634 = tpu.vector_load_idx %run_scoped3A[%add3A_633, %add3A_550] : memref<512x128xf32, #tpu.memory_space<vmem>>[vector<16xi32>, vector<16xi32>], vector<16xf32>,
      %swap3A_635 = arith.constant 2 : i32
      %swap3A_636 = arith.index_cast %swap3A_635 : i32 to index
      %swap3A_637 = arith.constant 160 : index
      %swap3A_638 = tpu.vector_load %arg5[%swap3A_636, %swap3A_637] {strides = array<i32>} : memref<8x512xf32, #tpu.memory_space<vmem>>, vector<16xf32>,
      tpu.vector_store %arg5[%swap3A_636, %swap3A_637], %gather3A_634 {strides = array<i32>} : memref<8x512xf32, #tpu.memory_space<vmem>>, vector<16xf32>,
      %add3A_639 = arith.constant 176 : i32
      %add3A_640 = vector.broadcast %add3A_639 : i32 to vector<16xi32>
      %add3A_641 = arith.addi %iota3A, %add3A_640 : vector<16xi32>
      %gather3A_642 = tpu.vector_load_idx %run_scoped3A[%add3A_641, %add3A_550] : memref<512x128xf32, #tpu.memory_space<vmem>>[vector<16xi32>, vector<16xi32>], vector<16xf32>,
      %swap3A_643 = arith.constant 2 : i32
      %swap3A_644 = arith.index_cast %swap3A_643 : i32 to index
      %swap3A_645 = arith.constant 176 : index
      %swap3A_646 = tpu.vector_load %arg5[%swap3A_644, %swap3A_645] {strides = array<i32>} : memref<8x512xf32, #tpu.memory_space<vmem>>, vector<16xf32>,
      tpu.vector_store %arg5[%swap3A_644, %swap3A_645], %gather3A_642 {strides = array<i32>} : memref<8x512xf32, #tpu.memory_space<vmem>>, vector<16xf32>,
      %add3A_647 = arith.constant 192 : i32
      %add3A_648 = vector.broadcast %add3A_647 : i32 to vector<16xi32>
      %add3A_649 = arith.addi %iota3A, %add3A_648 : vector<16xi32>
      %gather3A_650 = tpu.vector_load_idx %run_scoped3A[%add3A_649, %add3A_550] : memref<512x128xf32, #tpu.memory_space<vmem>>[vector<16xi32>, vector<16xi32>], vector<16xf32>,
      %swap3A_651 = arith.constant 2 : i32
      %swap3A_652 = arith.index_cast %swap3A_651 : i32 to index
      %swap3A_653 = arith.constant 192 : index
      %swap3A_654 = tpu.vector_load %arg5[%swap3A_652, %swap3A_653] {strides = array<i32>} : memref<8x512xf32, #tpu.memory_space<vmem>>, vector<16xf32>,
      tpu.vector_store %arg5[%swap3A_652, %swap3A_653], %gather3A_650 {strides = array<i32>} : memref<8x512xf32, #tpu.memory_space<vmem>>, vector<16xf32>,
      %add3A_655 = arith.constant 208 : i32
      %add3A_656 = vector.broadcast %add3A_655 : i32 to vector<16xi32>
      %add3A_657 = arith.addi %iota3A, %add3A_656 : vector<16xi32>
      %gather3A_658 = tpu.vector_load_idx %run_scoped3A[%add3A_657, %add3A_550] : memref<512x128xf32, #tpu.memory_space<vmem>>[vector<16xi32>, vector<16xi32>], vector<16xf32>,
      %swap3A_659 = arith.constant 2 : i32
      %swap3A_660 = arith.index_cast %swap3A_659 : i32 to index
      %swap3A_661 = arith.constant 208 : index
      %swap3A_662 = tpu.vector_load %arg5[%swap3A_660, %swap3A_661] {strides = array<i32>} : memref<8x512xf32, #tpu.memory_space<vmem>>, vector<16xf32>,
      tpu.vector_store %arg5[%swap3A_660, %swap3A_661], %gather3A_658 {strides = array<i32>} : memref<8x512xf32, #tpu.memory_space<vmem>>, vector<16xf32>,
      %add3A_663 = arith.constant 224 : i32
      %add3A_664 = vector.broadcast %add3A_663 : i32 to vector<16xi32>
      %add3A_665 = arith.addi %iota3A, %add3A_664 : vector<16xi32>
      %gather3A_666 = tpu.vector_load_idx %run_scoped3A[%add3A_665, %add3A_550] : memref<512x128xf32, #tpu.memory_space<vmem>>[vector<16xi32>, vector<16xi32>], vector<16xf32>,
      %swap3A_667 = arith.constant 2 : i32
      %swap3A_668 = arith.index_cast %swap3A_667 : i32 to index
      %swap3A_669 = arith.constant 224 : index
      %swap3A_670 = tpu.vector_load %arg5[%swap3A_668, %swap3A_669] {strides = array<i32>} : memref<8x512xf32, #tpu.memory_space<vmem>>, vector<16xf32>,
      tpu.vector_store %arg5[%swap3A_668, %swap3A_669], %gather3A_666 {strides = array<i32>} : memref<8x512xf32, #tpu.memory_space<vmem>>, vector<16xf32>,
      %add3A_671 = arith.constant 240 : i32
      %add3A_672 = vector.broadcast %add3A_671 : i32 to vector<16xi32>
      %add3A_673 = arith.addi %iota3A, %add3A_672 : vector<16xi32>
      %gather3A_674 = tpu.vector_load_idx %run_scoped3A[%add3A_673, %add3A_550] : memref<512x128xf32, #tpu.memory_space<vmem>>[vector<16xi32>, vector<16xi32>], vector<16xf32>,
      %swap3A_675 = arith.constant 2 : i32
      %swap3A_676 = arith.index_cast %swap3A_675 : i32 to index
      %swap3A_677 = arith.constant 240 : index
      %swap3A_678 = tpu.vector_load %arg5[%swap3A_676, %swap3A_677] {strides = array<i32>} : memref<8x512xf32, #tpu.memory_space<vmem>>, vector<16xf32>,
      tpu.vector_store %arg5[%swap3A_676, %swap3A_677], %gather3A_674 {strides = array<i32>} : memref<8x512xf32, #tpu.memory_space<vmem>>, vector<16xf32>,
      %add3A_679 = arith.constant 256 : i32
      %add3A_680 = vector.broadcast %add3A_679 : i32 to vector<16xi32>
      %add3A_681 = arith.addi %iota3A, %add3A_680 : vector<16xi32>
      %gather3A_682 = tpu.vector_load_idx %run_scoped3A[%add3A_681, %add3A_550] : memref<512x128xf32, #tpu.memory_space<vmem>>[vector<16xi32>, vector<16xi32>], vector<16xf32>,
      %swap3A_683 = arith.constant 2 : i32
      %swap3A_684 = arith.index_cast %swap3A_683 : i32 to index
      %swap3A_685 = arith.constant 256 : index
      %swap3A_686 = tpu.vector_load %arg5[%swap3A_684, %swap3A_685] {strides = array<i32>} : memref<8x512xf32, #tpu.memory_space<vmem>>, vector<16xf32>,
      tpu.vector_store %arg5[%swap3A_684, %swap3A_685], %gather3A_682 {strides = array<i32>} : memref<8x512xf32, #tpu.memory_space<vmem>>, vector<16xf32>,
      %add3A_687 = arith.constant 272 : i32
      %add3A_688 = vector.broadcast %add3A_687 : i32 to vector<16xi32>
      %add3A_689 = arith.addi %iota3A, %add3A_688 : vector<16xi32>
      %gather3A_690 = tpu.vector_load_idx %run_scoped3A[%add3A_689, %add3A_550] : memref<512x128xf32, #tpu.memory_space<vmem>>[vector<16xi32>, vector<16xi32>], vector<16xf32>,
      %swap3A_691 = arith.constant 2 : i32
      %swap3A_692 = arith.index_cast %swap3A_691 : i32 to index
      %swap3A_693 = arith.constant 272 : index
      %swap3A_694 = tpu.vector_load %arg5[%swap3A_692, %swap3A_693] {strides = array<i32>} : memref<8x512xf32, #tpu.memory_space<vmem>>, vector<16xf32>,
      tpu.vector_store %arg5[%swap3A_692, %swap3A_693], %gather3A_690 {strides = array<i32>} : memref<8x512xf32, #tpu.memory_space<vmem>>, vector<16xf32>,
      %add3A_695 = arith.constant 288 : i32
      %add3A_696 = vector.broadcast %add3A_695 : i32 to vector<16xi32>
      %add3A_697 = arith.addi %iota3A, %add3A_696 : vector<16xi32>
      %gather3A_698 = tpu.vector_load_idx %run_scoped3A[%add3A_697, %add3A_550] : memref<512x128xf32, #tpu.memory_space<vmem>>[vector<16xi32>, vector<16xi32>], vector<16xf32>,
      %swap3A_699 = arith.constant 2 : i32
      %swap3A_700 = arith.index_cast %swap3A_699 : i32 to index
      %swap3A_701 = arith.constant 288 : index
      %swap3A_702 = tpu.vector_load %arg5[%swap3A_700, %swap3A_701] {strides = array<i32>} : memref<8x512xf32, #tpu.memory_space<vmem>>, vector<16xf32>,
      tpu.vector_store %arg5[%swap3A_700, %swap3A_701], %gather3A_698 {strides = array<i32>} : memref<8x512xf32, #tpu.memory_space<vmem>>, vector<16xf32>,
      %add3A_703 = arith.constant 304 : i32
      %add3A_704 = vector.broadcast %add3A_703 : i32 to vector<16xi32>
      %add3A_705 = arith.addi %iota3A, %add3A_704 : vector<16xi32>
      %gather3A_706 = tpu.vector_load_idx %run_scoped3A[%add3A_705, %add3A_550] : memref<512x128xf32, #tpu.memory_space<vmem>>[vector<16xi32>, vector<16xi32>], vector<16xf32>,
      %swap3A_707 = arith.constant 2 : i32
      %swap3A_708 = arith.index_cast %swap3A_707 : i32 to index
      %swap3A_709 = arith.constant 304 : index
      %swap3A_710 = tpu.vector_load %arg5[%swap3A_708, %swap3A_709] {strides = array<i32>} : memref<8x512xf32, #tpu.memory_space<vmem>>, vector<16xf32>,
      tpu.vector_store %arg5[%swap3A_708, %swap3A_709], %gather3A_706 {strides = array<i32>} : memref<8x512xf32, #tpu.memory_space<vmem>>, vector<16xf32>,
      %add3A_711 = arith.constant 320 : i32
      %add3A_712 = vector.broadcast %add3A_711 : i32 to vector<16xi32>
      %add3A_713 = arith.addi %iota3A, %add3A_712 : vector<16xi32>
      %gather3A_714 = tpu.vector_load_idx %run_scoped3A[%add3A_713, %add3A_550] : memref<512x128xf32, #tpu.memory_space<vmem>>[vector<16xi32>, vector<16xi32>], vector<16xf32>,
      %swap3A_715 = arith.constant 2 : i32
      %swap3A_716 = arith.index_cast %swap3A_715 : i32 to index
      %swap3A_717 = arith.constant 320 : index
      %swap3A_718 = tpu.vector_load %arg5[%swap3A_716, %swap3A_717] {strides = array<i32>} : memref<8x512xf32, #tpu.memory_space<vmem>>, vector<16xf32>,
      tpu.vector_store %arg5[%swap3A_716, %swap3A_717], %gather3A_714 {strides = array<i32>} : memref<8x512xf32, #tpu.memory_space<vmem>>, vector<16xf32>,
      %add3A_719 = arith.constant 336 : i32
      %add3A_720 = vector.broadcast %add3A_719 : i32 to vector<16xi32>
      %add3A_721 = arith.addi %iota3A, %add3A_720 : vector<16xi32>
      %gather3A_722 = tpu.vector_load_idx %run_scoped3A[%add3A_721, %add3A_550] : memref<512x128xf32, #tpu.memory_space<vmem>>[vector<16xi32>, vector<16xi32>], vector<16xf32>,
      %swap3A_723 = arith.constant 2 : i32
      %swap3A_724 = arith.index_cast %swap3A_723 : i32 to index
      %swap3A_725 = arith.constant 336 : index
      %swap3A_726 = tpu.vector_load %arg5[%swap3A_724, %swap3A_725] {strides = array<i32>} : memref<8x512xf32, #tpu.memory_space<vmem>>, vector<16xf32>,
      tpu.vector_store %arg5[%swap3A_724, %swap3A_725], %gather3A_722 {strides = array<i32>} : memref<8x512xf32, #tpu.memory_space<vmem>>, vector<16xf32>,
      %add3A_727 = arith.constant 352 : i32
      %add3A_728 = vector.broadcast %add3A_727 : i32 to vector<16xi32>
      %add3A_729 = arith.addi %iota3A, %add3A_728 : vector<16xi32>
      %gather3A_730 = tpu.vector_load_idx %run_scoped3A[%add3A_729, %add3A_550] : memref<512x128xf32, #tpu.memory_space<vmem>>[vector<16xi32>, vector<16xi32>], vector<16xf32>,
      %swap3A_731 = arith.constant 2 : i32
      %swap3A_732 = arith.index_cast %swap3A_731 : i32 to index
      %swap3A_733 = arith.constant 352 : index
      %swap3A_734 = tpu.vector_load %arg5[%swap3A_732, %swap3A_733] {strides = array<i32>} : memref<8x512xf32, #tpu.memory_space<vmem>>, vector<16xf32>,
      tpu.vector_store %arg5[%swap3A_732, %swap3A_733], %gather3A_730 {strides = array<i32>} : memref<8x512xf32, #tpu.memory_space<vmem>>, vector<16xf32>,
      %add3A_735 = arith.constant 368 : i32
      %add3A_736 = vector.broadcast %add3A_735 : i32 to vector<16xi32>
      %add3A_737 = arith.addi %iota3A, %add3A_736 : vector<16xi32>
      %gather3A_738 = tpu.vector_load_idx %run_scoped3A[%add3A_737, %add3A_550] : memref<512x128xf32, #tpu.memory_space<vmem>>[vector<16xi32>, vector<16xi32>], vector<16xf32>,
      %swap3A_739 = arith.constant 2 : i32
      %swap3A_740 = arith.index_cast %swap3A_739 : i32 to index
      %swap3A_741 = arith.constant 368 : index
      %swap3A_742 = tpu.vector_load %arg5[%swap3A_740, %swap3A_741] {strides = array<i32>} : memref<8x512xf32, #tpu.memory_space<vmem>>, vector<16xf32>,
      tpu.vector_store %arg5[%swap3A_740, %swap3A_741], %gather3A_738 {strides = array<i32>} : memref<8x512xf32, #tpu.memory_space<vmem>>, vector<16xf32>,
      %add3A_743 = arith.constant 384 : i32
      %add3A_744 = vector.broadcast %add3A_743 : i32 to vector<16xi32>
      %add3A_745 = arith.addi %iota3A, %add3A_744 : vector<16xi32>
      %gather3A_746 = tpu.vector_load_idx %run_scoped3A[%add3A_745, %add3A_550] : memref<512x128xf32, #tpu.memory_space<vmem>>[vector<16xi32>, vector<16xi32>], vector<16xf32>,
      %swap3A_747 = arith.constant 2 : i32
      %swap3A_748 = arith.index_cast %swap3A_747 : i32 to index
      %swap3A_749 = arith.constant 384 : index
      %swap3A_750 = tpu.vector_load %arg5[%swap3A_748, %swap3A_749] {strides = array<i32>} : memref<8x512xf32, #tpu.memory_space<vmem>>, vector<16xf32>,
      tpu.vector_store %arg5[%swap3A_748, %swap3A_749], %gather3A_746 {strides = array<i32>} : memref<8x512xf32, #tpu.memory_space<vmem>>, vector<16xf32>,
      %add3A_751 = arith.constant 400 : i32
      %add3A_752 = vector.broadcast %add3A_751 : i32 to vector<16xi32>
      %add3A_753 = arith.addi %iota3A, %add3A_752 : vector<16xi32>
      %gather3A_754 = tpu.vector_load_idx %run_scoped3A[%add3A_753, %add3A_550] : memref<512x128xf32, #tpu.memory_space<vmem>>[vector<16xi32>, vector<16xi32>], vector<16xf32>,
      %swap3A_755 = arith.constant 2 : i32
      %swap3A_756 = arith.index_cast %swap3A_755 : i32 to index
      %swap3A_757 = arith.constant 400 : index
      %swap3A_758 = tpu.vector_load %arg5[%swap3A_756, %swap3A_757] {strides = array<i32>} : memref<8x512xf32, #tpu.memory_space<vmem>>, vector<16xf32>,
      tpu.vector_store %arg5[%swap3A_756, %swap3A_757], %gather3A_754 {strides = array<i32>} : memref<8x512xf32, #tpu.memory_space<vmem>>, vector<16xf32>,
      %add3A_759 = arith.constant 416 : i32
      %add3A_760 = vector.broadcast %add3A_759 : i32 to vector<16xi32>
      %add3A_761 = arith.addi %iota3A, %add3A_760 : vector<16xi32>
      %gather3A_762 = tpu.vector_load_idx %run_scoped3A[%add3A_761, %add3A_550] : memref<512x128xf32, #tpu.memory_space<vmem>>[vector<16xi32>, vector<16xi32>], vector<16xf32>,
      %swap3A_763 = arith.constant 2 : i32
      %swap3A_764 = arith.index_cast %swap3A_763 : i32 to index
      %swap3A_765 = arith.constant 416 : index
      %swap3A_766 = tpu.vector_load %arg5[%swap3A_764, %swap3A_765] {strides = array<i32>} : memref<8x512xf32, #tpu.memory_space<vmem>>, vector<16xf32>,
      tpu.vector_store %arg5[%swap3A_764, %swap3A_765], %gather3A_762 {strides = array<i32>} : memref<8x512xf32, #tpu.memory_space<vmem>>, vector<16xf32>,
      %add3A_767 = arith.constant 432 : i32
      %add3A_768 = vector.broadcast %add3A_767 : i32 to vector<16xi32>
      %add3A_769 = arith.addi %iota3A, %add3A_768 : vector<16xi32>
      %gather3A_770 = tpu.vector_load_idx %run_scoped3A[%add3A_769, %add3A_550] : memref<512x128xf32, #tpu.memory_space<vmem>>[vector<16xi32>, vector<16xi32>], vector<16xf32>,
      %swap3A_771 = arith.constant 2 : i32
      %swap3A_772 = arith.index_cast %swap3A_771 : i32 to index
      %swap3A_773 = arith.constant 432 : index
      %swap3A_774 = tpu.vector_load %arg5[%swap3A_772, %swap3A_773] {strides = array<i32>} : memref<8x512xf32, #tpu.memory_space<vmem>>, vector<16xf32>,
      tpu.vector_store %arg5[%swap3A_772, %swap3A_773], %gather3A_770 {strides = array<i32>} : memref<8x512xf32, #tpu.memory_space<vmem>>, vector<16xf32>,
      %add3A_775 = arith.constant 448 : i32
      %add3A_776 = vector.broadcast %add3A_775 : i32 to vector<16xi32>
      %add3A_777 = arith.addi %iota3A, %add3A_776 : vector<16xi32>
      %gather3A_778 = tpu.vector_load_idx %run_scoped3A[%add3A_777, %add3A_550] : memref<512x128xf32, #tpu.memory_space<vmem>>[vector<16xi32>, vector<16xi32>], vector<16xf32>,
      %swap3A_779 = arith.constant 2 : i32
      %swap3A_780 = arith.index_cast %swap3A_779 : i32 to index
      %swap3A_781 = arith.constant 448 : index
      %swap3A_782 = tpu.vector_load %arg5[%swap3A_780, %swap3A_781] {strides = array<i32>} : memref<8x512xf32, #tpu.memory_space<vmem>>, vector<16xf32>,
      tpu.vector_store %arg5[%swap3A_780, %swap3A_781], %gather3A_778 {strides = array<i32>} : memref<8x512xf32, #tpu.memory_space<vmem>>, vector<16xf32>,
      %add3A_783 = arith.constant 464 : i32
      %add3A_784 = vector.broadcast %add3A_783 : i32 to vector<16xi32>
      %add3A_785 = arith.addi %iota3A, %add3A_784 : vector<16xi32>
      %gather3A_786 = tpu.vector_load_idx %run_scoped3A[%add3A_785, %add3A_550] : memref<512x128xf32, #tpu.memory_space<vmem>>[vector<16xi32>, vector<16xi32>], vector<16xf32>,
      %swap3A_787 = arith.constant 2 : i32
      %swap3A_788 = arith.index_cast %swap3A_787 : i32 to index
      %swap3A_789 = arith.constant 464 : index
      %swap3A_790 = tpu.vector_load %arg5[%swap3A_788, %swap3A_789] {strides = array<i32>} : memref<8x512xf32, #tpu.memory_space<vmem>>, vector<16xf32>,
      tpu.vector_store %arg5[%swap3A_788, %swap3A_789], %gather3A_786 {strides = array<i32>} : memref<8x512xf32, #tpu.memory_space<vmem>>, vector<16xf32>,
      %add3A_791 = arith.constant 480 : i32
      %add3A_792 = vector.broadcast %add3A_791 : i32 to vector<16xi32>
      %add3A_793 = arith.addi %iota3A, %add3A_792 : vector<16xi32>
      %gather3A_794 = tpu.vector_load_idx %run_scoped3A[%add3A_793, %add3A_550] : memref<512x128xf32, #tpu.memory_space<vmem>>[vector<16xi32>, vector<16xi32>], vector<16xf32>,
      %swap3A_795 = arith.constant 2 : i32
      %swap3A_796 = arith.index_cast %swap3A_795 : i32 to index
      %swap3A_797 = arith.constant 480 : index
      %swap3A_798 = tpu.vector_load %arg5[%swap3A_796, %swap3A_797] {strides = array<i32>} : memref<8x512xf32, #tpu.memory_space<vmem>>, vector<16xf32>,
      tpu.vector_store %arg5[%swap3A_796, %swap3A_797], %gather3A_794 {strides = array<i32>} : memref<8x512xf32, #tpu.memory_space<vmem>>, vector<16xf32>,
      %add3A_799 = arith.constant 496 : i32
      %add3A_800 = vector.broadcast %add3A_799 : i32 to vector<16xi32>
      %add3A_801 = arith.addi %iota3A, %add3A_800 : vector<16xi32>
      %gather3A_802 = tpu.vector_load_idx %run_scoped3A[%add3A_801, %add3A_550] : memref<512x128xf32, #tpu.memory_space<vmem>>[vector<16xi32>, vector<16xi32>], vector<16xf32>,
      %swap3A_803 = arith.constant 2 : i32
      %swap3A_804 = arith.index_cast %swap3A_803 : i32 to index
      %swap3A_805 = arith.constant 496 : index
      %swap3A_806 = tpu.vector_load %arg5[%swap3A_804, %swap3A_805] {strides = array<i32>} : memref<8x512xf32, #tpu.memory_space<vmem>>, vector<16xf32>,
      tpu.vector_store %arg5[%swap3A_804, %swap3A_805], %gather3A_802 {strides = array<i32>} : memref<8x512xf32, #tpu.memory_space<vmem>>, vector<16xf32>,
      %broadcast_in_dim3A_807 = arith.constant 0 : i32
      %broadcast_in_dim3A_808 = vector.broadcast %broadcast_in_dim3A_807 : i32 to vector<16xi32>
      %add3A_809 = arith.constant 3 : i32
      %add3A_810 = arith.addi %rem3A_6, %add3A_809 : i32
      %add3A_811 = vector.broadcast %add3A_810 : i32 to vector<16xi32>
      %add3A_812 = arith.addi %broadcast_in_dim3A_808, %add3A_811 : vector<16xi32>
      %add3A_813 = arith.constant 0 : i32
      %add3A_814 = vector.broadcast %add3A_813 : i32 to vector<16xi32>
      %add3A_815 = arith.addi %iota3A, %add3A_814 : vector<16xi32>
      %gather3A_816 = tpu.vector_load_idx %run_scoped3A[%add3A_815, %add3A_812] : memref<512x128xf32, #tpu.memory_space<vmem>>[vector<16xi32>, vector<16xi32>], vector<16xf32>,
      %swap3A_817 = arith.constant 3 : i32
      %swap3A_818 = arith.index_cast %swap3A_817 : i32 to index
      %swap3A_819 = arith.constant 0 : index
      %swap3A_820 = tpu.vector_load %arg5[%swap3A_818, %swap3A_819] {strides = array<i32>} : memref<8x512xf32, #tpu.memory_space<vmem>>, vector<16xf32>,
      tpu.vector_store %arg5[%swap3A_818, %swap3A_819], %gather3A_816 {strides = array<i32>} : memref<8x512xf32, #tpu.memory_space<vmem>>, vector<16xf32>,
      %add3A_821 = arith.constant 16 : i32
      %add3A_822 = vector.broadcast %add3A_821 : i32 to vector<16xi32>
      %add3A_823 = arith.addi %iota3A, %add3A_822 : vector<16xi32>
      %gather3A_824 = tpu.vector_load_idx %run_scoped3A[%add3A_823, %add3A_812] : memref<512x128xf32, #tpu.memory_space<vmem>>[vector<16xi32>, vector<16xi32>], vector<16xf32>,
      %swap3A_825 = arith.constant 3 : i32
      %swap3A_826 = arith.index_cast %swap3A_825 : i32 to index
      %swap3A_827 = arith.constant 16 : index
      %swap3A_828 = tpu.vector_load %arg5[%swap3A_826, %swap3A_827] {strides = array<i32>} : memref<8x512xf32, #tpu.memory_space<vmem>>, vector<16xf32>,
      tpu.vector_store %arg5[%swap3A_826, %swap3A_827], %gather3A_824 {strides = array<i32>} : memref<8x512xf32, #tpu.memory_space<vmem>>, vector<16xf32>,
      %add3A_829 = arith.constant 32 : i32
      %add3A_830 = vector.broadcast %add3A_829 : i32 to vector<16xi32>
      %add3A_831 = arith.addi %iota3A, %add3A_830 : vector<16xi32>
      %gather3A_832 = tpu.vector_load_idx %run_scoped3A[%add3A_831, %add3A_812] : memref<512x128xf32, #tpu.memory_space<vmem>>[vector<16xi32>, vector<16xi32>], vector<16xf32>,
      %swap3A_833 = arith.constant 3 : i32
      %swap3A_834 = arith.index_cast %swap3A_833 : i32 to index
      %swap3A_835 = arith.constant 32 : index
      %swap3A_836 = tpu.vector_load %arg5[%swap3A_834, %swap3A_835] {strides = array<i32>} : memref<8x512xf32, #tpu.memory_space<vmem>>, vector<16xf32>,
      tpu.vector_store %arg5[%swap3A_834, %swap3A_835], %gather3A_832 {strides = array<i32>} : memref<8x512xf32, #tpu.memory_space<vmem>>, vector<16xf32>,
      %add3A_837 = arith.constant 48 : i32
      %add3A_838 = vector.broadcast %add3A_837 : i32 to vector<16xi32>
      %add3A_839 = arith.addi %iota3A, %add3A_838 : vector<16xi32>
      %gather3A_840 = tpu.vector_load_idx %run_scoped3A[%add3A_839, %add3A_812] : memref<512x128xf32, #tpu.memory_space<vmem>>[vector<16xi32>, vector<16xi32>], vector<16xf32>,
      %swap3A_841 = arith.constant 3 : i32
      %swap3A_842 = arith.index_cast %swap3A_841 : i32 to index
      %swap3A_843 = arith.constant 48 : index
      %swap3A_844 = tpu.vector_load %arg5[%swap3A_842, %swap3A_843] {strides = array<i32>} : memref<8x512xf32, #tpu.memory_space<vmem>>, vector<16xf32>,
      tpu.vector_store %arg5[%swap3A_842, %swap3A_843], %gather3A_840 {strides = array<i32>} : memref<8x512xf32, #tpu.memory_space<vmem>>, vector<16xf32>,
      %add3A_845 = arith.constant 64 : i32
      %add3A_846 = vector.broadcast %add3A_845 : i32 to vector<16xi32>
      %add3A_847 = arith.addi %iota3A, %add3A_846 : vector<16xi32>
      %gather3A_848 = tpu.vector_load_idx %run_scoped3A[%add3A_847, %add3A_812] : memref<512x128xf32, #tpu.memory_space<vmem>>[vector<16xi32>, vector<16xi32>], vector<16xf32>,
      %swap3A_849 = arith.constant 3 : i32
      %swap3A_850 = arith.index_cast %swap3A_849 : i32 to index
      %swap3A_851 = arith.constant 64 : index
      %swap3A_852 = tpu.vector_load %arg5[%swap3A_850, %swap3A_851] {strides = array<i32>} : memref<8x512xf32, #tpu.memory_space<vmem>>, vector<16xf32>,
      tpu.vector_store %arg5[%swap3A_850, %swap3A_851], %gather3A_848 {strides = array<i32>} : memref<8x512xf32, #tpu.memory_space<vmem>>, vector<16xf32>,
      %add3A_853 = arith.constant 80 : i32
      %add3A_854 = vector.broadcast %add3A_853 : i32 to vector<16xi32>
      %add3A_855 = arith.addi %iota3A, %add3A_854 : vector<16xi32>
      %gather3A_856 = tpu.vector_load_idx %run_scoped3A[%add3A_855, %add3A_812] : memref<512x128xf32, #tpu.memory_space<vmem>>[vector<16xi32>, vector<16xi32>], vector<16xf32>,
      %swap3A_857 = arith.constant 3 : i32
      %swap3A_858 = arith.index_cast %swap3A_857 : i32 to index
      %swap3A_859 = arith.constant 80 : index
      %swap3A_860 = tpu.vector_load %arg5[%swap3A_858, %swap3A_859] {strides = array<i32>} : memref<8x512xf32, #tpu.memory_space<vmem>>, vector<16xf32>,
      tpu.vector_store %arg5[%swap3A_858, %swap3A_859], %gather3A_856 {strides = array<i32>} : memref<8x512xf32, #tpu.memory_space<vmem>>, vector<16xf32>,
      %add3A_861 = arith.constant 96 : i32
      %add3A_862 = vector.broadcast %add3A_861 : i32 to vector<16xi32>
      %add3A_863 = arith.addi %iota3A, %add3A_862 : vector<16xi32>
      %gather3A_864 = tpu.vector_load_idx %run_scoped3A[%add3A_863, %add3A_812] : memref<512x128xf32, #tpu.memory_space<vmem>>[vector<16xi32>, vector<16xi32>], vector<16xf32>,
      %swap3A_865 = arith.constant 3 : i32
      %swap3A_866 = arith.index_cast %swap3A_865 : i32 to index
      %swap3A_867 = arith.constant 96 : index
      %swap3A_868 = tpu.vector_load %arg5[%swap3A_866, %swap3A_867] {strides = array<i32>} : memref<8x512xf32, #tpu.memory_space<vmem>>, vector<16xf32>,
      tpu.vector_store %arg5[%swap3A_866, %swap3A_867], %gather3A_864 {strides = array<i32>} : memref<8x512xf32, #tpu.memory_space<vmem>>, vector<16xf32>,
      %add3A_869 = arith.constant 112 : i32
      %add3A_870 = vector.broadcast %add3A_869 : i32 to vector<16xi32>
      %add3A_871 = arith.addi %iota3A, %add3A_870 : vector<16xi32>
      %gather3A_872 = tpu.vector_load_idx %run_scoped3A[%add3A_871, %add3A_812] : memref<512x128xf32, #tpu.memory_space<vmem>>[vector<16xi32>, vector<16xi32>], vector<16xf32>,
      %swap3A_873 = arith.constant 3 : i32
      %swap3A_874 = arith.index_cast %swap3A_873 : i32 to index
      %swap3A_875 = arith.constant 112 : index
      %swap3A_876 = tpu.vector_load %arg5[%swap3A_874, %swap3A_875] {strides = array<i32>} : memref<8x512xf32, #tpu.memory_space<vmem>>, vector<16xf32>,
      tpu.vector_store %arg5[%swap3A_874, %swap3A_875], %gather3A_872 {strides = array<i32>} : memref<8x512xf32, #tpu.memory_space<vmem>>, vector<16xf32>,
      %add3A_877 = arith.constant 128 : i32
      %add3A_878 = vector.broadcast %add3A_877 : i32 to vector<16xi32>
      %add3A_879 = arith.addi %iota3A, %add3A_878 : vector<16xi32>
      %gather3A_880 = tpu.vector_load_idx %run_scoped3A[%add3A_879, %add3A_812] : memref<512x128xf32, #tpu.memory_space<vmem>>[vector<16xi32>, vector<16xi32>], vector<16xf32>,
      %swap3A_881 = arith.constant 3 : i32
      %swap3A_882 = arith.index_cast %swap3A_881 : i32 to index
      %swap3A_883 = arith.constant 128 : index
      %swap3A_884 = tpu.vector_load %arg5[%swap3A_882, %swap3A_883] {strides = array<i32>} : memref<8x512xf32, #tpu.memory_space<vmem>>, vector<16xf32>,
      tpu.vector_store %arg5[%swap3A_882, %swap3A_883], %gather3A_880 {strides = array<i32>} : memref<8x512xf32, #tpu.memory_space<vmem>>, vector<16xf32>,
      %add3A_885 = arith.constant 144 : i32
      %add3A_886 = vector.broadcast %add3A_885 : i32 to vector<16xi32>
      %add3A_887 = arith.addi %iota3A, %add3A_886 : vector<16xi32>
      %gather3A_888 = tpu.vector_load_idx %run_scoped3A[%add3A_887, %add3A_812] : memref<512x128xf32, #tpu.memory_space<vmem>>[vector<16xi32>, vector<16xi32>], vector<16xf32>,
      %swap3A_889 = arith.constant 3 : i32
      %swap3A_890 = arith.index_cast %swap3A_889 : i32 to index
      %swap3A_891 = arith.constant 144 : index
      %swap3A_892 = tpu.vector_load %arg5[%swap3A_890, %swap3A_891] {strides = array<i32>} : memref<8x512xf32, #tpu.memory_space<vmem>>, vector<16xf32>,
      tpu.vector_store %arg5[%swap3A_890, %swap3A_891], %gather3A_888 {strides = array<i32>} : memref<8x512xf32, #tpu.memory_space<vmem>>, vector<16xf32>,
      %add3A_893 = arith.constant 160 : i32
      %add3A_894 = vector.broadcast %add3A_893 : i32 to vector<16xi32>
      %add3A_895 = arith.addi %iota3A, %add3A_894 : vector<16xi32>
      %gather3A_896 = tpu.vector_load_idx %run_scoped3A[%add3A_895, %add3A_812] : memref<512x128xf32, #tpu.memory_space<vmem>>[vector<16xi32>, vector<16xi32>], vector<16xf32>,
      %swap3A_897 = arith.constant 3 : i32
      %swap3A_898 = arith.index_cast %swap3A_897 : i32 to index
      %swap3A_899 = arith.constant 160 : index
      %swap3A_900 = tpu.vector_load %arg5[%swap3A_898, %swap3A_899] {strides = array<i32>} : memref<8x512xf32, #tpu.memory_space<vmem>>, vector<16xf32>,
      tpu.vector_store %arg5[%swap3A_898, %swap3A_899], %gather3A_896 {strides = array<i32>} : memref<8x512xf32, #tpu.memory_space<vmem>>, vector<16xf32>,
      %add3A_901 = arith.constant 176 : i32
      %add3A_902 = vector.broadcast %add3A_901 : i32 to vector<16xi32>
      %add3A_903 = arith.addi %iota3A, %add3A_902 : vector<16xi32>
      %gather3A_904 = tpu.vector_load_idx %run_scoped3A[%add3A_903, %add3A_812] : memref<512x128xf32, #tpu.memory_space<vmem>>[vector<16xi32>, vector<16xi32>], vector<16xf32>,
      %swap3A_905 = arith.constant 3 : i32
      %swap3A_906 = arith.index_cast %swap3A_905 : i32 to index
      %swap3A_907 = arith.constant 176 : index
      %swap3A_908 = tpu.vector_load %arg5[%swap3A_906, %swap3A_907] {strides = array<i32>} : memref<8x512xf32, #tpu.memory_space<vmem>>, vector<16xf32>,
      tpu.vector_store %arg5[%swap3A_906, %swap3A_907], %gather3A_904 {strides = array<i32>} : memref<8x512xf32, #tpu.memory_space<vmem>>, vector<16xf32>,
      %add3A_909 = arith.constant 192 : i32
      %add3A_910 = vector.broadcast %add3A_909 : i32 to vector<16xi32>
      %add3A_911 = arith.addi %iota3A, %add3A_910 : vector<16xi32>
      %gather3A_912 = tpu.vector_load_idx %run_scoped3A[%add3A_911, %add3A_812] : memref<512x128xf32, #tpu.memory_space<vmem>>[vector<16xi32>, vector<16xi32>], vector<16xf32>,
      %swap3A_913 = arith.constant 3 : i32
      %swap3A_914 = arith.index_cast %swap3A_913 : i32 to index
      %swap3A_915 = arith.constant 192 : index
      %swap3A_916 = tpu.vector_load %arg5[%swap3A_914, %swap3A_915] {strides = array<i32>} : memref<8x512xf32, #tpu.memory_space<vmem>>, vector<16xf32>,
      tpu.vector_store %arg5[%swap3A_914, %swap3A_915], %gather3A_912 {strides = array<i32>} : memref<8x512xf32, #tpu.memory_space<vmem>>, vector<16xf32>,
      %add3A_917 = arith.constant 208 : i32
      %add3A_918 = vector.broadcast %add3A_917 : i32 to vector<16xi32>
      %add3A_919 = arith.addi %iota3A, %add3A_918 : vector<16xi32>
      %gather3A_920 = tpu.vector_load_idx %run_scoped3A[%add3A_919, %add3A_812] : memref<512x128xf32, #tpu.memory_space<vmem>>[vector<16xi32>, vector<16xi32>], vector<16xf32>,
      %swap3A_921 = arith.constant 3 : i32
      %swap3A_922 = arith.index_cast %swap3A_921 : i32 to index
      %swap3A_923 = arith.constant 208 : index
      %swap3A_924 = tpu.vector_load %arg5[%swap3A_922, %swap3A_923] {strides = array<i32>} : memref<8x512xf32, #tpu.memory_space<vmem>>, vector<16xf32>,
      tpu.vector_store %arg5[%swap3A_922, %swap3A_923], %gather3A_920 {strides = array<i32>} : memref<8x512xf32, #tpu.memory_space<vmem>>, vector<16xf32>,
      %add3A_925 = arith.constant 224 : i32
      %add3A_926 = vector.broadcast %add3A_925 : i32 to vector<16xi32>
      %add3A_927 = arith.addi %iota3A, %add3A_926 : vector<16xi32>
      %gather3A_928 = tpu.vector_load_idx %run_scoped3A[%add3A_927, %add3A_812] : memref<512x128xf32, #tpu.memory_space<vmem>>[vector<16xi32>, vector<16xi32>], vector<16xf32>,
      %swap3A_929 = arith.constant 3 : i32
      %swap3A_930 = arith.index_cast %swap3A_929 : i32 to index
      %swap3A_931 = arith.constant 224 : index
      %swap3A_932 = tpu.vector_load %arg5[%swap3A_930, %swap3A_931] {strides = array<i32>} : memref<8x512xf32, #tpu.memory_space<vmem>>, vector<16xf32>,
      tpu.vector_store %arg5[%swap3A_930, %swap3A_931], %gather3A_928 {strides = array<i32>} : memref<8x512xf32, #tpu.memory_space<vmem>>, vector<16xf32>,
      %add3A_933 = arith.constant 240 : i32
      %add3A_934 = vector.broadcast %add3A_933 : i32 to vector<16xi32>
      %add3A_935 = arith.addi %iota3A, %add3A_934 : vector<16xi32>
      %gather3A_936 = tpu.vector_load_idx %run_scoped3A[%add3A_935, %add3A_812] : memref<512x128xf32, #tpu.memory_space<vmem>>[vector<16xi32>, vector<16xi32>], vector<16xf32>,
      %swap3A_937 = arith.constant 3 : i32
      %swap3A_938 = arith.index_cast %swap3A_937 : i32 to index
      %swap3A_939 = arith.constant 240 : index
      %swap3A_940 = tpu.vector_load %arg5[%swap3A_938, %swap3A_939] {strides = array<i32>} : memref<8x512xf32, #tpu.memory_space<vmem>>, vector<16xf32>,
      tpu.vector_store %arg5[%swap3A_938, %swap3A_939], %gather3A_936 {strides = array<i32>} : memref<8x512xf32, #tpu.memory_space<vmem>>, vector<16xf32>,
      %add3A_941 = arith.constant 256 : i32
      %add3A_942 = vector.broadcast %add3A_941 : i32 to vector<16xi32>
      %add3A_943 = arith.addi %iota3A, %add3A_942 : vector<16xi32>
      %gather3A_944 = tpu.vector_load_idx %run_scoped3A[%add3A_943, %add3A_812] : memref<512x128xf32, #tpu.memory_space<vmem>>[vector<16xi32>, vector<16xi32>], vector<16xf32>,
      %swap3A_945 = arith.constant 3 : i32
      %swap3A_946 = arith.index_cast %swap3A_945 : i32 to index
      %swap3A_947 = arith.constant 256 : index
      %swap3A_948 = tpu.vector_load %arg5[%swap3A_946, %swap3A_947] {strides = array<i32>} : memref<8x512xf32, #tpu.memory_space<vmem>>, vector<16xf32>,
      tpu.vector_store %arg5[%swap3A_946, %swap3A_947], %gather3A_944 {strides = array<i32>} : memref<8x512xf32, #tpu.memory_space<vmem>>, vector<16xf32>,
      %add3A_949 = arith.constant 272 : i32
      %add3A_950 = vector.broadcast %add3A_949 : i32 to vector<16xi32>
      %add3A_951 = arith.addi %iota3A, %add3A_950 : vector<16xi32>
      %gather3A_952 = tpu.vector_load_idx %run_scoped3A[%add3A_951, %add3A_812] : memref<512x128xf32, #tpu.memory_space<vmem>>[vector<16xi32>, vector<16xi32>], vector<16xf32>,
      %swap3A_953 = arith.constant 3 : i32
      %swap3A_954 = arith.index_cast %swap3A_953 : i32 to index
      %swap3A_955 = arith.constant 272 : index
      %swap3A_956 = tpu.vector_load %arg5[%swap3A_954, %swap3A_955] {strides = array<i32>} : memref<8x512xf32, #tpu.memory_space<vmem>>, vector<16xf32>,
      tpu.vector_store %arg5[%swap3A_954, %swap3A_955], %gather3A_952 {strides = array<i32>} : memref<8x512xf32, #tpu.memory_space<vmem>>, vector<16xf32>,
      %add3A_957 = arith.constant 288 : i32
      %add3A_958 = vector.broadcast %add3A_957 : i32 to vector<16xi32>
      %add3A_959 = arith.addi %iota3A, %add3A_958 : vector<16xi32>
      %gather3A_960 = tpu.vector_load_idx %run_scoped3A[%add3A_959, %add3A_812] : memref<512x128xf32, #tpu.memory_space<vmem>>[vector<16xi32>, vector<16xi32>], vector<16xf32>,
      %swap3A_961 = arith.constant 3 : i32
      %swap3A_962 = arith.index_cast %swap3A_961 : i32 to index
      %swap3A_963 = arith.constant 288 : index
      %swap3A_964 = tpu.vector_load %arg5[%swap3A_962, %swap3A_963] {strides = array<i32>} : memref<8x512xf32, #tpu.memory_space<vmem>>, vector<16xf32>,
      tpu.vector_store %arg5[%swap3A_962, %swap3A_963], %gather3A_960 {strides = array<i32>} : memref<8x512xf32, #tpu.memory_space<vmem>>, vector<16xf32>,
      %add3A_965 = arith.constant 304 : i32
      %add3A_966 = vector.broadcast %add3A_965 : i32 to vector<16xi32>
      %add3A_967 = arith.addi %iota3A, %add3A_966 : vector<16xi32>
      %gather3A_968 = tpu.vector_load_idx %run_scoped3A[%add3A_967, %add3A_812] : memref<512x128xf32, #tpu.memory_space<vmem>>[vector<16xi32>, vector<16xi32>], vector<16xf32>,
      %swap3A_969 = arith.constant 3 : i32
      %swap3A_970 = arith.index_cast %swap3A_969 : i32 to index
      %swap3A_971 = arith.constant 304 : index
      %swap3A_972 = tpu.vector_load %arg5[%swap3A_970, %swap3A_971] {strides = array<i32>} : memref<8x512xf32, #tpu.memory_space<vmem>>, vector<16xf32>,
      tpu.vector_store %arg5[%swap3A_970, %swap3A_971], %gather3A_968 {strides = array<i32>} : memref<8x512xf32, #tpu.memory_space<vmem>>, vector<16xf32>,
      %add3A_973 = arith.constant 320 : i32
      %add3A_974 = vector.broadcast %add3A_973 : i32 to vector<16xi32>
      %add3A_975 = arith.addi %iota3A, %add3A_974 : vector<16xi32>
      %gather3A_976 = tpu.vector_load_idx %run_scoped3A[%add3A_975, %add3A_812] : memref<512x128xf32, #tpu.memory_space<vmem>>[vector<16xi32>, vector<16xi32>], vector<16xf32>,
      %swap3A_977 = arith.constant 3 : i32
      %swap3A_978 = arith.index_cast %swap3A_977 : i32 to index
      %swap3A_979 = arith.constant 320 : index
      %swap3A_980 = tpu.vector_load %arg5[%swap3A_978, %swap3A_979] {strides = array<i32>} : memref<8x512xf32, #tpu.memory_space<vmem>>, vector<16xf32>,
      tpu.vector_store %arg5[%swap3A_978, %swap3A_979], %gather3A_976 {strides = array<i32>} : memref<8x512xf32, #tpu.memory_space<vmem>>, vector<16xf32>,
      %add3A_981 = arith.constant 336 : i32
      %add3A_982 = vector.broadcast %add3A_981 : i32 to vector<16xi32>
      %add3A_983 = arith.addi %iota3A, %add3A_982 : vector<16xi32>
      %gather3A_984 = tpu.vector_load_idx %run_scoped3A[%add3A_983, %add3A_812] : memref<512x128xf32, #tpu.memory_space<vmem>>[vector<16xi32>, vector<16xi32>], vector<16xf32>,
      %swap3A_985 = arith.constant 3 : i32
      %swap3A_986 = arith.index_cast %swap3A_985 : i32 to index
      %swap3A_987 = arith.constant 336 : index
      %swap3A_988 = tpu.vector_load %arg5[%swap3A_986, %swap3A_987] {strides = array<i32>} : memref<8x512xf32, #tpu.memory_space<vmem>>, vector<16xf32>,
      tpu.vector_store %arg5[%swap3A_986, %swap3A_987], %gather3A_984 {strides = array<i32>} : memref<8x512xf32, #tpu.memory_space<vmem>>, vector<16xf32>,
      %add3A_989 = arith.constant 352 : i32
      %add3A_990 = vector.broadcast %add3A_989 : i32 to vector<16xi32>
      %add3A_991 = arith.addi %iota3A, %add3A_990 : vector<16xi32>
      %gather3A_992 = tpu.vector_load_idx %run_scoped3A[%add3A_991, %add3A_812] : memref<512x128xf32, #tpu.memory_space<vmem>>[vector<16xi32>, vector<16xi32>], vector<16xf32>,
      %swap3A_993 = arith.constant 3 : i32
      %swap3A_994 = arith.index_cast %swap3A_993 : i32 to index
      %swap3A_995 = arith.constant 352 : index
      %swap3A_996 = tpu.vector_load %arg5[%swap3A_994, %swap3A_995] {strides = array<i32>} : memref<8x512xf32, #tpu.memory_space<vmem>>, vector<16xf32>,
      tpu.vector_store %arg5[%swap3A_994, %swap3A_995], %gather3A_992 {strides = array<i32>} : memref<8x512xf32, #tpu.memory_space<vmem>>, vector<16xf32>,
      %add3A_997 = arith.constant 368 : i32
      %add3A_998 = vector.broadcast %add3A_997 : i32 to vector<16xi32>
      %add3A_999 = arith.addi %iota3A, %add3A_998 : vector<16xi32>
      %gather3A_1000 = tpu.vector_load_idx %run_scoped3A[%add3A_999, %add3A_812] : memref<512x128xf32, #tpu.memory_space<vmem>>[vector<16xi32>, vector<16xi32>], vector<16xf32>,
      %swap3A_1001 = arith.constant 3 : i32
      %swap3A_1002 = arith.index_cast %swap3A_1001 : i32 to index
      %swap3A_1003 = arith.constant 368 : index
      %swap3A_1004 = tpu.vector_load %arg5[%swap3A_1002, %swap3A_1003] {strides = array<i32>} : memref<8x512xf32, #tpu.memory_space<vmem>>, vector<16xf32>,
      tpu.vector_store %arg5[%swap3A_1002, %swap3A_1003], %gather3A_1000 {strides = array<i32>} : memref<8x512xf32, #tpu.memory_space<vmem>>, vector<16xf32>,
      %add3A_1005 = arith.constant 384 : i32
      %add3A_1006 = vector.broadcast %add3A_1005 : i32 to vector<16xi32>
      %add3A_1007 = arith.addi %iota3A, %add3A_1006 : vector<16xi32>
      %gather3A_1008 = tpu.vector_load_idx %run_scoped3A[%add3A_1007, %add3A_812] : memref<512x128xf32, #tpu.memory_space<vmem>>[vector<16xi32>, vector<16xi32>], vector<16xf32>,
      %swap3A_1009 = arith.constant 3 : i32
      %swap3A_1010 = arith.index_cast %swap3A_1009 : i32 to index
      %swap3A_1011 = arith.constant 384 : index
      %swap3A_1012 = tpu.vector_load %arg5[%swap3A_1010, %swap3A_1011] {strides = array<i32>} : memref<8x512xf32, #tpu.memory_space<vmem>>, vector<16xf32>,
      tpu.vector_store %arg5[%swap3A_1010, %swap3A_1011], %gather3A_1008 {strides = array<i32>} : memref<8x512xf32, #tpu.memory_space<vmem>>, vector<16xf32>,
      %add3A_1013 = arith.constant 400 : i32
      %add3A_1014 = vector.broadcast %add3A_1013 : i32 to vector<16xi32>
      %add3A_1015 = arith.addi %iota3A, %add3A_1014 : vector<16xi32>
      %gather3A_1016 = tpu.vector_load_idx %run_scoped3A[%add3A_1015, %add3A_812] : memref<512x128xf32, #tpu.memory_space<vmem>>[vector<16xi32>, vector<16xi32>], vector<16xf32>,
      %swap3A_1017 = arith.constant 3 : i32
      %swap3A_1018 = arith.index_cast %swap3A_1017 : i32 to index
      %swap3A_1019 = arith.constant 400 : index
      %swap3A_1020 = tpu.vector_load %arg5[%swap3A_1018, %swap3A_1019] {strides = array<i32>} : memref<8x512xf32, #tpu.memory_space<vmem>>, vector<16xf32>,
      tpu.vector_store %arg5[%swap3A_1018, %swap3A_1019], %gather3A_1016 {strides = array<i32>} : memref<8x512xf32, #tpu.memory_space<vmem>>, vector<16xf32>,
      %add3A_1021 = arith.constant 416 : i32
      %add3A_1022 = vector.broadcast %add3A_1021 : i32 to vector<16xi32>
      %add3A_1023 = arith.addi %iota3A, %add3A_1022 : vector<16xi32>
      %gather3A_1024 = tpu.vector_load_idx %run_scoped3A[%add3A_1023, %add3A_812] : memref<512x128xf32, #tpu.memory_space<vmem>>[vector<16xi32>, vector<16xi32>], vector<16xf32>,
      %swap3A_1025 = arith.constant 3 : i32
      %swap3A_1026 = arith.index_cast %swap3A_1025 : i32 to index
      %swap3A_1027 = arith.constant 416 : index
      %swap3A_1028 = tpu.vector_load %arg5[%swap3A_1026, %swap3A_1027] {strides = array<i32>} : memref<8x512xf32, #tpu.memory_space<vmem>>, vector<16xf32>,
      tpu.vector_store %arg5[%swap3A_1026, %swap3A_1027], %gather3A_1024 {strides = array<i32>} : memref<8x512xf32, #tpu.memory_space<vmem>>, vector<16xf32>,
      %add3A_1029 = arith.constant 432 : i32
      %add3A_1030 = vector.broadcast %add3A_1029 : i32 to vector<16xi32>
      %add3A_1031 = arith.addi %iota3A, %add3A_1030 : vector<16xi32>
      %gather3A_1032 = tpu.vector_load_idx %run_scoped3A[%add3A_1031, %add3A_812] : memref<512x128xf32, #tpu.memory_space<vmem>>[vector<16xi32>, vector<16xi32>], vector<16xf32>,
      %swap3A_1033 = arith.constant 3 : i32
      %swap3A_1034 = arith.index_cast %swap3A_1033 : i32 to index
      %swap3A_1035 = arith.constant 432 : index
      %swap3A_1036 = tpu.vector_load %arg5[%swap3A_1034, %swap3A_1035] {strides = array<i32>} : memref<8x512xf32, #tpu.memory_space<vmem>>, vector<16xf32>,
      tpu.vector_store %arg5[%swap3A_1034, %swap3A_1035], %gather3A_1032 {strides = array<i32>} : memref<8x512xf32, #tpu.memory_space<vmem>>, vector<16xf32>,
      %add3A_1037 = arith.constant 448 : i32
      %add3A_1038 = vector.broadcast %add3A_1037 : i32 to vector<16xi32>
      %add3A_1039 = arith.addi %iota3A, %add3A_1038 : vector<16xi32>
      %gather3A_1040 = tpu.vector_load_idx %run_scoped3A[%add3A_1039, %add3A_812] : memref<512x128xf32, #tpu.memory_space<vmem>>[vector<16xi32>, vector<16xi32>], vector<16xf32>,
      %swap3A_1041 = arith.constant 3 : i32
      %swap3A_1042 = arith.index_cast %swap3A_1041 : i32 to index
      %swap3A_1043 = arith.constant 448 : index
      %swap3A_1044 = tpu.vector_load %arg5[%swap3A_1042, %swap3A_1043] {strides = array<i32>} : memref<8x512xf32, #tpu.memory_space<vmem>>, vector<16xf32>,
      tpu.vector_store %arg5[%swap3A_1042, %swap3A_1043], %gather3A_1040 {strides = array<i32>} : memref<8x512xf32, #tpu.memory_space<vmem>>, vector<16xf32>,
      %add3A_1045 = arith.constant 464 : i32
      %add3A_1046 = vector.broadcast %add3A_1045 : i32 to vector<16xi32>
      %add3A_1047 = arith.addi %iota3A, %add3A_1046 : vector<16xi32>
      %gather3A_1048 = tpu.vector_load_idx %run_scoped3A[%add3A_1047, %add3A_812] : memref<512x128xf32, #tpu.memory_space<vmem>>[vector<16xi32>, vector<16xi32>], vector<16xf32>,
      %swap3A_1049 = arith.constant 3 : i32
      %swap3A_1050 = arith.index_cast %swap3A_1049 : i32 to index
      %swap3A_1051 = arith.constant 464 : index
      %swap3A_1052 = tpu.vector_load %arg5[%swap3A_1050, %swap3A_1051] {strides = array<i32>} : memref<8x512xf32, #tpu.memory_space<vmem>>, vector<16xf32>,
      tpu.vector_store %arg5[%swap3A_1050, %swap3A_1051], %gather3A_1048 {strides = array<i32>} : memref<8x512xf32, #tpu.memory_space<vmem>>, vector<16xf32>,
      %add3A_1053 = arith.constant 480 : i32
      %add3A_1054 = vector.broadcast %add3A_1053 : i32 to vector<16xi32>
      %add3A_1055 = arith.addi %iota3A, %add3A_1054 : vector<16xi32>
      %gather3A_1056 = tpu.vector_load_idx %run_scoped3A[%add3A_1055, %add3A_812] : memref<512x128xf32, #tpu.memory_space<vmem>>[vector<16xi32>, vector<16xi32>], vector<16xf32>,
      %swap3A_1057 = arith.constant 3 : i32
      %swap3A_1058 = arith.index_cast %swap3A_1057 : i32 to index
      %swap3A_1059 = arith.constant 480 : index
      %swap3A_1060 = tpu.vector_load %arg5[%swap3A_1058, %swap3A_1059] {strides = array<i32>} : memref<8x512xf32, #tpu.memory_space<vmem>>, vector<16xf32>,
      tpu.vector_store %arg5[%swap3A_1058, %swap3A_1059], %gather3A_1056 {strides = array<i32>} : memref<8x512xf32, #tpu.memory_space<vmem>>, vector<16xf32>,
      %add3A_1061 = arith.constant 496 : i32
      %add3A_1062 = vector.broadcast %add3A_1061 : i32 to vector<16xi32>
      %add3A_1063 = arith.addi %iota3A, %add3A_1062 : vector<16xi32>
      %gather3A_1064 = tpu.vector_load_idx %run_scoped3A[%add3A_1063, %add3A_812] : memref<512x128xf32, #tpu.memory_space<vmem>>[vector<16xi32>, vector<16xi32>], vector<16xf32>,
      %swap3A_1065 = arith.constant 3 : i32
      %swap3A_1066 = arith.index_cast %swap3A_1065 : i32 to index
      %swap3A_1067 = arith.constant 496 : index
      %swap3A_1068 = tpu.vector_load %arg5[%swap3A_1066, %swap3A_1067] {strides = array<i32>} : memref<8x512xf32, #tpu.memory_space<vmem>>, vector<16xf32>,
      tpu.vector_store %arg5[%swap3A_1066, %swap3A_1067], %gather3A_1064 {strides = array<i32>} : memref<8x512xf32, #tpu.memory_space<vmem>>, vector<16xf32>,
      %broadcast_in_dim3A_1069 = arith.constant 0 : i32
      %broadcast_in_dim3A_1070 = vector.broadcast %broadcast_in_dim3A_1069 : i32 to vector<16xi32>
      %add3A_1071 = arith.constant 4 : i32
      %add3A_1072 = arith.addi %rem3A_6, %add3A_1071 : i32
      %add3A_1073 = vector.broadcast %add3A_1072 : i32 to vector<16xi32>
      %add3A_1074 = arith.addi %broadcast_in_dim3A_1070, %add3A_1073 : vector<16xi32>
      %add3A_1075 = arith.constant 0 : i32
      %add3A_1076 = vector.broadcast %add3A_1075 : i32 to vector<16xi32>
      %add3A_1077 = arith.addi %iota3A, %add3A_1076 : vector<16xi32>
      %gather3A_1078 = tpu.vector_load_idx %run_scoped3A[%add3A_1077, %add3A_1074] : memref<512x128xf32, #tpu.memory_space<vmem>>[vector<16xi32>, vector<16xi32>], vector<16xf32>,
      %swap3A_1079 = arith.constant 4 : i32
      %swap3A_1080 = arith.index_cast %swap3A_1079 : i32 to index
      %swap3A_1081 = arith.constant 0 : index
      %swap3A_1082 = tpu.vector_load %arg5[%swap3A_1080, %swap3A_1081] {strides = array<i32>} : memref<8x512xf32, #tpu.memory_space<vmem>>, vector<16xf32>,
      tpu.vector_store %arg5[%swap3A_1080, %swap3A_1081], %gather3A_1078 {strides = array<i32>} : memref<8x512xf32, #tpu.memory_space<vmem>>, vector<16xf32>,
      %add3A_1083 = arith.constant 16 : i32
      %add3A_1084 = vector.broadcast %add3A_1083 : i32 to vector<16xi32>
      %add3A_1085 = arith.addi %iota3A, %add3A_1084 : vector<16xi32>
      %gather3A_1086 = tpu.vector_load_idx %run_scoped3A[%add3A_1085, %add3A_1074] : memref<512x128xf32, #tpu.memory_space<vmem>>[vector<16xi32>, vector<16xi32>], vector<16xf32>,
      %swap3A_1087 = arith.constant 4 : i32
      %swap3A_1088 = arith.index_cast %swap3A_1087 : i32 to index
      %swap3A_1089 = arith.constant 16 : index
      %swap3A_1090 = tpu.vector_load %arg5[%swap3A_1088, %swap3A_1089] {strides = array<i32>} : memref<8x512xf32, #tpu.memory_space<vmem>>, vector<16xf32>,
      tpu.vector_store %arg5[%swap3A_1088, %swap3A_1089], %gather3A_1086 {strides = array<i32>} : memref<8x512xf32, #tpu.memory_space<vmem>>, vector<16xf32>,
      %add3A_1091 = arith.constant 32 : i32
      %add3A_1092 = vector.broadcast %add3A_1091 : i32 to vector<16xi32>
      %add3A_1093 = arith.addi %iota3A, %add3A_1092 : vector<16xi32>
      %gather3A_1094 = tpu.vector_load_idx %run_scoped3A[%add3A_1093, %add3A_1074] : memref<512x128xf32, #tpu.memory_space<vmem>>[vector<16xi32>, vector<16xi32>], vector<16xf32>,
      %swap3A_1095 = arith.constant 4 : i32
      %swap3A_1096 = arith.index_cast %swap3A_1095 : i32 to index
      %swap3A_1097 = arith.constant 32 : index
      %swap3A_1098 = tpu.vector_load %arg5[%swap3A_1096, %swap3A_1097] {strides = array<i32>} : memref<8x512xf32, #tpu.memory_space<vmem>>, vector<16xf32>,
      tpu.vector_store %arg5[%swap3A_1096, %swap3A_1097], %gather3A_1094 {strides = array<i32>} : memref<8x512xf32, #tpu.memory_space<vmem>>, vector<16xf32>,
      %add3A_1099 = arith.constant 48 : i32
      %add3A_1100 = vector.broadcast %add3A_1099 : i32 to vector<16xi32>
      %add3A_1101 = arith.addi %iota3A, %add3A_1100 : vector<16xi32>
      %gather3A_1102 = tpu.vector_load_idx %run_scoped3A[%add3A_1101, %add3A_1074] : memref<512x128xf32, #tpu.memory_space<vmem>>[vector<16xi32>, vector<16xi32>], vector<16xf32>,
      %swap3A_1103 = arith.constant 4 : i32
      %swap3A_1104 = arith.index_cast %swap3A_1103 : i32 to index
      %swap3A_1105 = arith.constant 48 : index
      %swap3A_1106 = tpu.vector_load %arg5[%swap3A_1104, %swap3A_1105] {strides = array<i32>} : memref<8x512xf32, #tpu.memory_space<vmem>>, vector<16xf32>,
      tpu.vector_store %arg5[%swap3A_1104, %swap3A_1105], %gather3A_1102 {strides = array<i32>} : memref<8x512xf32, #tpu.memory_space<vmem>>, vector<16xf32>,
      %add3A_1107 = arith.constant 64 : i32
      %add3A_1108 = vector.broadcast %add3A_1107 : i32 to vector<16xi32>
      %add3A_1109 = arith.addi %iota3A, %add3A_1108 : vector<16xi32>
      %gather3A_1110 = tpu.vector_load_idx %run_scoped3A[%add3A_1109, %add3A_1074] : memref<512x128xf32, #tpu.memory_space<vmem>>[vector<16xi32>, vector<16xi32>], vector<16xf32>,
      %swap3A_1111 = arith.constant 4 : i32
      %swap3A_1112 = arith.index_cast %swap3A_1111 : i32 to index
      %swap3A_1113 = arith.constant 64 : index
      %swap3A_1114 = tpu.vector_load %arg5[%swap3A_1112, %swap3A_1113] {strides = array<i32>} : memref<8x512xf32, #tpu.memory_space<vmem>>, vector<16xf32>,
      tpu.vector_store %arg5[%swap3A_1112, %swap3A_1113], %gather3A_1110 {strides = array<i32>} : memref<8x512xf32, #tpu.memory_space<vmem>>, vector<16xf32>,
      %add3A_1115 = arith.constant 80 : i32
      %add3A_1116 = vector.broadcast %add3A_1115 : i32 to vector<16xi32>
      %add3A_1117 = arith.addi %iota3A, %add3A_1116 : vector<16xi32>
      %gather3A_1118 = tpu.vector_load_idx %run_scoped3A[%add3A_1117, %add3A_1074] : memref<512x128xf32, #tpu.memory_space<vmem>>[vector<16xi32>, vector<16xi32>], vector<16xf32>,
      %swap3A_1119 = arith.constant 4 : i32
      %swap3A_1120 = arith.index_cast %swap3A_1119 : i32 to index
      %swap3A_1121 = arith.constant 80 : index
      %swap3A_1122 = tpu.vector_load %arg5[%swap3A_1120, %swap3A_1121] {strides = array<i32>} : memref<8x512xf32, #tpu.memory_space<vmem>>, vector<16xf32>,
      tpu.vector_store %arg5[%swap3A_1120, %swap3A_1121], %gather3A_1118 {strides = array<i32>} : memref<8x512xf32, #tpu.memory_space<vmem>>, vector<16xf32>,
      %add3A_1123 = arith.constant 96 : i32
      %add3A_1124 = vector.broadcast %add3A_1123 : i32 to vector<16xi32>
      %add3A_1125 = arith.addi %iota3A, %add3A_1124 : vector<16xi32>
      %gather3A_1126 = tpu.vector_load_idx %run_scoped3A[%add3A_1125, %add3A_1074] : memref<512x128xf32, #tpu.memory_space<vmem>>[vector<16xi32>, vector<16xi32>], vector<16xf32>,
      %swap3A_1127 = arith.constant 4 : i32
      %swap3A_1128 = arith.index_cast %swap3A_1127 : i32 to index
      %swap3A_1129 = arith.constant 96 : index
      %swap3A_1130 = tpu.vector_load %arg5[%swap3A_1128, %swap3A_1129] {strides = array<i32>} : memref<8x512xf32, #tpu.memory_space<vmem>>, vector<16xf32>,
      tpu.vector_store %arg5[%swap3A_1128, %swap3A_1129], %gather3A_1126 {strides = array<i32>} : memref<8x512xf32, #tpu.memory_space<vmem>>, vector<16xf32>,
      %add3A_1131 = arith.constant 112 : i32
      %add3A_1132 = vector.broadcast %add3A_1131 : i32 to vector<16xi32>
      %add3A_1133 = arith.addi %iota3A, %add3A_1132 : vector<16xi32>
      %gather3A_1134 = tpu.vector_load_idx %run_scoped3A[%add3A_1133, %add3A_1074] : memref<512x128xf32, #tpu.memory_space<vmem>>[vector<16xi32>, vector<16xi32>], vector<16xf32>,
      %swap3A_1135 = arith.constant 4 : i32
      %swap3A_1136 = arith.index_cast %swap3A_1135 : i32 to index
      %swap3A_1137 = arith.constant 112 : index
      %swap3A_1138 = tpu.vector_load %arg5[%swap3A_1136, %swap3A_1137] {strides = array<i32>} : memref<8x512xf32, #tpu.memory_space<vmem>>, vector<16xf32>,
      tpu.vector_store %arg5[%swap3A_1136, %swap3A_1137], %gather3A_1134 {strides = array<i32>} : memref<8x512xf32, #tpu.memory_space<vmem>>, vector<16xf32>,
      %add3A_1139 = arith.constant 128 : i32
      %add3A_1140 = vector.broadcast %add3A_1139 : i32 to vector<16xi32>
      %add3A_1141 = arith.addi %iota3A, %add3A_1140 : vector<16xi32>
      %gather3A_1142 = tpu.vector_load_idx %run_scoped3A[%add3A_1141, %add3A_1074] : memref<512x128xf32, #tpu.memory_space<vmem>>[vector<16xi32>, vector<16xi32>], vector<16xf32>,
      %swap3A_1143 = arith.constant 4 : i32
      %swap3A_1144 = arith.index_cast %swap3A_1143 : i32 to index
      %swap3A_1145 = arith.constant 128 : index
      %swap3A_1146 = tpu.vector_load %arg5[%swap3A_1144, %swap3A_1145] {strides = array<i32>} : memref<8x512xf32, #tpu.memory_space<vmem>>, vector<16xf32>,
      tpu.vector_store %arg5[%swap3A_1144, %swap3A_1145], %gather3A_1142 {strides = array<i32>} : memref<8x512xf32, #tpu.memory_space<vmem>>, vector<16xf32>,
      %add3A_1147 = arith.constant 144 : i32
      %add3A_1148 = vector.broadcast %add3A_1147 : i32 to vector<16xi32>
      %add3A_1149 = arith.addi %iota3A, %add3A_1148 : vector<16xi32>
      %gather3A_1150 = tpu.vector_load_idx %run_scoped3A[%add3A_1149, %add3A_1074] : memref<512x128xf32, #tpu.memory_space<vmem>>[vector<16xi32>, vector<16xi32>], vector<16xf32>,
      %swap3A_1151 = arith.constant 4 : i32
      %swap3A_1152 = arith.index_cast %swap3A_1151 : i32 to index
      %swap3A_1153 = arith.constant 144 : index
      %swap3A_1154 = tpu.vector_load %arg5[%swap3A_1152, %swap3A_1153] {strides = array<i32>} : memref<8x512xf32, #tpu.memory_space<vmem>>, vector<16xf32>,
      tpu.vector_store %arg5[%swap3A_1152, %swap3A_1153], %gather3A_1150 {strides = array<i32>} : memref<8x512xf32, #tpu.memory_space<vmem>>, vector<16xf32>,
      %add3A_1155 = arith.constant 160 : i32
      %add3A_1156 = vector.broadcast %add3A_1155 : i32 to vector<16xi32>
      %add3A_1157 = arith.addi %iota3A, %add3A_1156 : vector<16xi32>
      %gather3A_1158 = tpu.vector_load_idx %run_scoped3A[%add3A_1157, %add3A_1074] : memref<512x128xf32, #tpu.memory_space<vmem>>[vector<16xi32>, vector<16xi32>], vector<16xf32>,
      %swap3A_1159 = arith.constant 4 : i32
      %swap3A_1160 = arith.index_cast %swap3A_1159 : i32 to index
      %swap3A_1161 = arith.constant 160 : index
      %swap3A_1162 = tpu.vector_load %arg5[%swap3A_1160, %swap3A_1161] {strides = array<i32>} : memref<8x512xf32, #tpu.memory_space<vmem>>, vector<16xf32>,
      tpu.vector_store %arg5[%swap3A_1160, %swap3A_1161], %gather3A_1158 {strides = array<i32>} : memref<8x512xf32, #tpu.memory_space<vmem>>, vector<16xf32>,
      %add3A_1163 = arith.constant 176 : i32
      %add3A_1164 = vector.broadcast %add3A_1163 : i32 to vector<16xi32>
      %add3A_1165 = arith.addi %iota3A, %add3A_1164 : vector<16xi32>
      %gather3A_1166 = tpu.vector_load_idx %run_scoped3A[%add3A_1165, %add3A_1074] : memref<512x128xf32, #tpu.memory_space<vmem>>[vector<16xi32>, vector<16xi32>], vector<16xf32>,
      %swap3A_1167 = arith.constant 4 : i32
      %swap3A_1168 = arith.index_cast %swap3A_1167 : i32 to index
      %swap3A_1169 = arith.constant 176 : index
      %swap3A_1170 = tpu.vector_load %arg5[%swap3A_1168, %swap3A_1169] {strides = array<i32>} : memref<8x512xf32, #tpu.memory_space<vmem>>, vector<16xf32>,
      tpu.vector_store %arg5[%swap3A_1168, %swap3A_1169], %gather3A_1166 {strides = array<i32>} : memref<8x512xf32, #tpu.memory_space<vmem>>, vector<16xf32>,
      %add3A_1171 = arith.constant 192 : i32
      %add3A_1172 = vector.broadcast %add3A_1171 : i32 to vector<16xi32>
      %add3A_1173 = arith.addi %iota3A, %add3A_1172 : vector<16xi32>
      %gather3A_1174 = tpu.vector_load_idx %run_scoped3A[%add3A_1173, %add3A_1074] : memref<512x128xf32, #tpu.memory_space<vmem>>[vector<16xi32>, vector<16xi32>], vector<16xf32>,
      %swap3A_1175 = arith.constant 4 : i32
      %swap3A_1176 = arith.index_cast %swap3A_1175 : i32 to index
      %swap3A_1177 = arith.constant 192 : index
      %swap3A_1178 = tpu.vector_load %arg5[%swap3A_1176, %swap3A_1177] {strides = array<i32>} : memref<8x512xf32, #tpu.memory_space<vmem>>, vector<16xf32>,
      tpu.vector_store %arg5[%swap3A_1176, %swap3A_1177], %gather3A_1174 {strides = array<i32>} : memref<8x512xf32, #tpu.memory_space<vmem>>, vector<16xf32>,
      %add3A_1179 = arith.constant 208 : i32
      %add3A_1180 = vector.broadcast %add3A_1179 : i32 to vector<16xi32>
      %add3A_1181 = arith.addi %iota3A, %add3A_1180 : vector<16xi32>
      %gather3A_1182 = tpu.vector_load_idx %run_scoped3A[%add3A_1181, %add3A_1074] : memref<512x128xf32, #tpu.memory_space<vmem>>[vector<16xi32>, vector<16xi32>], vector<16xf32>,
      %swap3A_1183 = arith.constant 4 : i32
      %swap3A_1184 = arith.index_cast %swap3A_1183 : i32 to index
      %swap3A_1185 = arith.constant 208 : index
      %swap3A_1186 = tpu.vector_load %arg5[%swap3A_1184, %swap3A_1185] {strides = array<i32>} : memref<8x512xf32, #tpu.memory_space<vmem>>, vector<16xf32>,
      tpu.vector_store %arg5[%swap3A_1184, %swap3A_1185], %gather3A_1182 {strides = array<i32>} : memref<8x512xf32, #tpu.memory_space<vmem>>, vector<16xf32>,
      %add3A_1187 = arith.constant 224 : i32
      %add3A_1188 = vector.broadcast %add3A_1187 : i32 to vector<16xi32>
      %add3A_1189 = arith.addi %iota3A, %add3A_1188 : vector<16xi32>
      %gather3A_1190 = tpu.vector_load_idx %run_scoped3A[%add3A_1189, %add3A_1074] : memref<512x128xf32, #tpu.memory_space<vmem>>[vector<16xi32>, vector<16xi32>], vector<16xf32>,
      %swap3A_1191 = arith.constant 4 : i32
      %swap3A_1192 = arith.index_cast %swap3A_1191 : i32 to index
      %swap3A_1193 = arith.constant 224 : index
      %swap3A_1194 = tpu.vector_load %arg5[%swap3A_1192, %swap3A_1193] {strides = array<i32>} : memref<8x512xf32, #tpu.memory_space<vmem>>, vector<16xf32>,
      tpu.vector_store %arg5[%swap3A_1192, %swap3A_1193], %gather3A_1190 {strides = array<i32>} : memref<8x512xf32, #tpu.memory_space<vmem>>, vector<16xf32>,
      %add3A_1195 = arith.constant 240 : i32
      %add3A_1196 = vector.broadcast %add3A_1195 : i32 to vector<16xi32>
      %add3A_1197 = arith.addi %iota3A, %add3A_1196 : vector<16xi32>
      %gather3A_1198 = tpu.vector_load_idx %run_scoped3A[%add3A_1197, %add3A_1074] : memref<512x128xf32, #tpu.memory_space<vmem>>[vector<16xi32>, vector<16xi32>], vector<16xf32>,
      %swap3A_1199 = arith.constant 4 : i32
      %swap3A_1200 = arith.index_cast %swap3A_1199 : i32 to index
      %swap3A_1201 = arith.constant 240 : index
      %swap3A_1202 = tpu.vector_load %arg5[%swap3A_1200, %swap3A_1201] {strides = array<i32>} : memref<8x512xf32, #tpu.memory_space<vmem>>, vector<16xf32>,
      tpu.vector_store %arg5[%swap3A_1200, %swap3A_1201], %gather3A_1198 {strides = array<i32>} : memref<8x512xf32, #tpu.memory_space<vmem>>, vector<16xf32>,
      %add3A_1203 = arith.constant 256 : i32
      %add3A_1204 = vector.broadcast %add3A_1203 : i32 to vector<16xi32>
      %add3A_1205 = arith.addi %iota3A, %add3A_1204 : vector<16xi32>
      %gather3A_1206 = tpu.vector_load_idx %run_scoped3A[%add3A_1205, %add3A_1074] : memref<512x128xf32, #tpu.memory_space<vmem>>[vector<16xi32>, vector<16xi32>], vector<16xf32>,
      %swap3A_1207 = arith.constant 4 : i32
      %swap3A_1208 = arith.index_cast %swap3A_1207 : i32 to index
      %swap3A_1209 = arith.constant 256 : index
      %swap3A_1210 = tpu.vector_load %arg5[%swap3A_1208, %swap3A_1209] {strides = array<i32>} : memref<8x512xf32, #tpu.memory_space<vmem>>, vector<16xf32>,
      tpu.vector_store %arg5[%swap3A_1208, %swap3A_1209], %gather3A_1206 {strides = array<i32>} : memref<8x512xf32, #tpu.memory_space<vmem>>, vector<16xf32>,
      %add3A_1211 = arith.constant 272 : i32
      %add3A_1212 = vector.broadcast %add3A_1211 : i32 to vector<16xi32>
      %add3A_1213 = arith.addi %iota3A, %add3A_1212 : vector<16xi32>
      %gather3A_1214 = tpu.vector_load_idx %run_scoped3A[%add3A_1213, %add3A_1074] : memref<512x128xf32, #tpu.memory_space<vmem>>[vector<16xi32>, vector<16xi32>], vector<16xf32>,
      %swap3A_1215 = arith.constant 4 : i32
      %swap3A_1216 = arith.index_cast %swap3A_1215 : i32 to index
      %swap3A_1217 = arith.constant 272 : index
      %swap3A_1218 = tpu.vector_load %arg5[%swap3A_1216, %swap3A_1217] {strides = array<i32>} : memref<8x512xf32, #tpu.memory_space<vmem>>, vector<16xf32>,
      tpu.vector_store %arg5[%swap3A_1216, %swap3A_1217], %gather3A_1214 {strides = array<i32>} : memref<8x512xf32, #tpu.memory_space<vmem>>, vector<16xf32>,
      %add3A_1219 = arith.constant 288 : i32
      %add3A_1220 = vector.broadcast %add3A_1219 : i32 to vector<16xi32>
      %add3A_1221 = arith.addi %iota3A, %add3A_1220 : vector<16xi32>
      %gather3A_1222 = tpu.vector_load_idx %run_scoped3A[%add3A_1221, %add3A_1074] : memref<512x128xf32, #tpu.memory_space<vmem>>[vector<16xi32>, vector<16xi32>], vector<16xf32>,
      %swap3A_1223 = arith.constant 4 : i32
      %swap3A_1224 = arith.index_cast %swap3A_1223 : i32 to index
      %swap3A_1225 = arith.constant 288 : index
      %swap3A_1226 = tpu.vector_load %arg5[%swap3A_1224, %swap3A_1225] {strides = array<i32>} : memref<8x512xf32, #tpu.memory_space<vmem>>, vector<16xf32>,
      tpu.vector_store %arg5[%swap3A_1224, %swap3A_1225], %gather3A_1222 {strides = array<i32>} : memref<8x512xf32, #tpu.memory_space<vmem>>, vector<16xf32>,
      %add3A_1227 = arith.constant 304 : i32
      %add3A_1228 = vector.broadcast %add3A_1227 : i32 to vector<16xi32>
      %add3A_1229 = arith.addi %iota3A, %add3A_1228 : vector<16xi32>
      %gather3A_1230 = tpu.vector_load_idx %run_scoped3A[%add3A_1229, %add3A_1074] : memref<512x128xf32, #tpu.memory_space<vmem>>[vector<16xi32>, vector<16xi32>], vector<16xf32>,
      %swap3A_1231 = arith.constant 4 : i32
      %swap3A_1232 = arith.index_cast %swap3A_1231 : i32 to index
      %swap3A_1233 = arith.constant 304 : index
      %swap3A_1234 = tpu.vector_load %arg5[%swap3A_1232, %swap3A_1233] {strides = array<i32>} : memref<8x512xf32, #tpu.memory_space<vmem>>, vector<16xf32>,
      tpu.vector_store %arg5[%swap3A_1232, %swap3A_1233], %gather3A_1230 {strides = array<i32>} : memref<8x512xf32, #tpu.memory_space<vmem>>, vector<16xf32>,
      %add3A_1235 = arith.constant 320 : i32
      %add3A_1236 = vector.broadcast %add3A_1235 : i32 to vector<16xi32>
      %add3A_1237 = arith.addi %iota3A, %add3A_1236 : vector<16xi32>
      %gather3A_1238 = tpu.vector_load_idx %run_scoped3A[%add3A_1237, %add3A_1074] : memref<512x128xf32, #tpu.memory_space<vmem>>[vector<16xi32>, vector<16xi32>], vector<16xf32>,
      %swap3A_1239 = arith.constant 4 : i32
      %swap3A_1240 = arith.index_cast %swap3A_1239 : i32 to index
      %swap3A_1241 = arith.constant 320 : index
      %swap3A_1242 = tpu.vector_load %arg5[%swap3A_1240, %swap3A_1241] {strides = array<i32>} : memref<8x512xf32, #tpu.memory_space<vmem>>, vector<16xf32>,
      tpu.vector_store %arg5[%swap3A_1240, %swap3A_1241], %gather3A_1238 {strides = array<i32>} : memref<8x512xf32, #tpu.memory_space<vmem>>, vector<16xf32>,
      %add3A_1243 = arith.constant 336 : i32
      %add3A_1244 = vector.broadcast %add3A_1243 : i32 to vector<16xi32>
      %add3A_1245 = arith.addi %iota3A, %add3A_1244 : vector<16xi32>
      %gather3A_1246 = tpu.vector_load_idx %run_scoped3A[%add3A_1245, %add3A_1074] : memref<512x128xf32, #tpu.memory_space<vmem>>[vector<16xi32>, vector<16xi32>], vector<16xf32>,
      %swap3A_1247 = arith.constant 4 : i32
      %swap3A_1248 = arith.index_cast %swap3A_1247 : i32 to index
      %swap3A_1249 = arith.constant 336 : index
      %swap3A_1250 = tpu.vector_load %arg5[%swap3A_1248, %swap3A_1249] {strides = array<i32>} : memref<8x512xf32, #tpu.memory_space<vmem>>, vector<16xf32>,
      tpu.vector_store %arg5[%swap3A_1248, %swap3A_1249], %gather3A_1246 {strides = array<i32>} : memref<8x512xf32, #tpu.memory_space<vmem>>, vector<16xf32>,
      %add3A_1251 = arith.constant 352 : i32
      %add3A_1252 = vector.broadcast %add3A_1251 : i32 to vector<16xi32>
      %add3A_1253 = arith.addi %iota3A, %add3A_1252 : vector<16xi32>
      %gather3A_1254 = tpu.vector_load_idx %run_scoped3A[%add3A_1253, %add3A_1074] : memref<512x128xf32, #tpu.memory_space<vmem>>[vector<16xi32>, vector<16xi32>], vector<16xf32>,
      %swap3A_1255 = arith.constant 4 : i32
      %swap3A_1256 = arith.index_cast %swap3A_1255 : i32 to index
      %swap3A_1257 = arith.constant 352 : index
      %swap3A_1258 = tpu.vector_load %arg5[%swap3A_1256, %swap3A_1257] {strides = array<i32>} : memref<8x512xf32, #tpu.memory_space<vmem>>, vector<16xf32>,
      tpu.vector_store %arg5[%swap3A_1256, %swap3A_1257], %gather3A_1254 {strides = array<i32>} : memref<8x512xf32, #tpu.memory_space<vmem>>, vector<16xf32>,
      %add3A_1259 = arith.constant 368 : i32
      %add3A_1260 = vector.broadcast %add3A_1259 : i32 to vector<16xi32>
      %add3A_1261 = arith.addi %iota3A, %add3A_1260 : vector<16xi32>
      %gather3A_1262 = tpu.vector_load_idx %run_scoped3A[%add3A_1261, %add3A_1074] : memref<512x128xf32, #tpu.memory_space<vmem>>[vector<16xi32>, vector<16xi32>], vector<16xf32>,
      %swap3A_1263 = arith.constant 4 : i32
      %swap3A_1264 = arith.index_cast %swap3A_1263 : i32 to index
      %swap3A_1265 = arith.constant 368 : index
      %swap3A_1266 = tpu.vector_load %arg5[%swap3A_1264, %swap3A_1265] {strides = array<i32>} : memref<8x512xf32, #tpu.memory_space<vmem>>, vector<16xf32>,
      tpu.vector_store %arg5[%swap3A_1264, %swap3A_1265], %gather3A_1262 {strides = array<i32>} : memref<8x512xf32, #tpu.memory_space<vmem>>, vector<16xf32>,
      %add3A_1267 = arith.constant 384 : i32
      %add3A_1268 = vector.broadcast %add3A_1267 : i32 to vector<16xi32>
      %add3A_1269 = arith.addi %iota3A, %add3A_1268 : vector<16xi32>
      %gather3A_1270 = tpu.vector_load_idx %run_scoped3A[%add3A_1269, %add3A_1074] : memref<512x128xf32, #tpu.memory_space<vmem>>[vector<16xi32>, vector<16xi32>], vector<16xf32>,
      %swap3A_1271 = arith.constant 4 : i32
      %swap3A_1272 = arith.index_cast %swap3A_1271 : i32 to index
      %swap3A_1273 = arith.constant 384 : index
      %swap3A_1274 = tpu.vector_load %arg5[%swap3A_1272, %swap3A_1273] {strides = array<i32>} : memref<8x512xf32, #tpu.memory_space<vmem>>, vector<16xf32>,
      tpu.vector_store %arg5[%swap3A_1272, %swap3A_1273], %gather3A_1270 {strides = array<i32>} : memref<8x512xf32, #tpu.memory_space<vmem>>, vector<16xf32>,
      %add3A_1275 = arith.constant 400 : i32
      %add3A_1276 = vector.broadcast %add3A_1275 : i32 to vector<16xi32>
      %add3A_1277 = arith.addi %iota3A, %add3A_1276 : vector<16xi32>
      %gather3A_1278 = tpu.vector_load_idx %run_scoped3A[%add3A_1277, %add3A_1074] : memref<512x128xf32, #tpu.memory_space<vmem>>[vector<16xi32>, vector<16xi32>], vector<16xf32>,
      %swap3A_1279 = arith.constant 4 : i32
      %swap3A_1280 = arith.index_cast %swap3A_1279 : i32 to index
      %swap3A_1281 = arith.constant 400 : index
      %swap3A_1282 = tpu.vector_load %arg5[%swap3A_1280, %swap3A_1281] {strides = array<i32>} : memref<8x512xf32, #tpu.memory_space<vmem>>, vector<16xf32>,
      tpu.vector_store %arg5[%swap3A_1280, %swap3A_1281], %gather3A_1278 {strides = array<i32>} : memref<8x512xf32, #tpu.memory_space<vmem>>, vector<16xf32>,
      %add3A_1283 = arith.constant 416 : i32
      %add3A_1284 = vector.broadcast %add3A_1283 : i32 to vector<16xi32>
      %add3A_1285 = arith.addi %iota3A, %add3A_1284 : vector<16xi32>
      %gather3A_1286 = tpu.vector_load_idx %run_scoped3A[%add3A_1285, %add3A_1074] : memref<512x128xf32, #tpu.memory_space<vmem>>[vector<16xi32>, vector<16xi32>], vector<16xf32>,
      %swap3A_1287 = arith.constant 4 : i32
      %swap3A_1288 = arith.index_cast %swap3A_1287 : i32 to index
      %swap3A_1289 = arith.constant 416 : index
      %swap3A_1290 = tpu.vector_load %arg5[%swap3A_1288, %swap3A_1289] {strides = array<i32>} : memref<8x512xf32, #tpu.memory_space<vmem>>, vector<16xf32>,
      tpu.vector_store %arg5[%swap3A_1288, %swap3A_1289], %gather3A_1286 {strides = array<i32>} : memref<8x512xf32, #tpu.memory_space<vmem>>, vector<16xf32>,
      %add3A_1291 = arith.constant 432 : i32
      %add3A_1292 = vector.broadcast %add3A_1291 : i32 to vector<16xi32>
      %add3A_1293 = arith.addi %iota3A, %add3A_1292 : vector<16xi32>
      %gather3A_1294 = tpu.vector_load_idx %run_scoped3A[%add3A_1293, %add3A_1074] : memref<512x128xf32, #tpu.memory_space<vmem>>[vector<16xi32>, vector<16xi32>], vector<16xf32>,
      %swap3A_1295 = arith.constant 4 : i32
      %swap3A_1296 = arith.index_cast %swap3A_1295 : i32 to index
      %swap3A_1297 = arith.constant 432 : index
      %swap3A_1298 = tpu.vector_load %arg5[%swap3A_1296, %swap3A_1297] {strides = array<i32>} : memref<8x512xf32, #tpu.memory_space<vmem>>, vector<16xf32>,
      tpu.vector_store %arg5[%swap3A_1296, %swap3A_1297], %gather3A_1294 {strides = array<i32>} : memref<8x512xf32, #tpu.memory_space<vmem>>, vector<16xf32>,
      %add3A_1299 = arith.constant 448 : i32
      %add3A_1300 = vector.broadcast %add3A_1299 : i32 to vector<16xi32>
      %add3A_1301 = arith.addi %iota3A, %add3A_1300 : vector<16xi32>
      %gather3A_1302 = tpu.vector_load_idx %run_scoped3A[%add3A_1301, %add3A_1074] : memref<512x128xf32, #tpu.memory_space<vmem>>[vector<16xi32>, vector<16xi32>], vector<16xf32>,
      %swap3A_1303 = arith.constant 4 : i32
      %swap3A_1304 = arith.index_cast %swap3A_1303 : i32 to index
      %swap3A_1305 = arith.constant 448 : index
      %swap3A_1306 = tpu.vector_load %arg5[%swap3A_1304, %swap3A_1305] {strides = array<i32>} : memref<8x512xf32, #tpu.memory_space<vmem>>, vector<16xf32>,
      tpu.vector_store %arg5[%swap3A_1304, %swap3A_1305], %gather3A_1302 {strides = array<i32>} : memref<8x512xf32, #tpu.memory_space<vmem>>, vector<16xf32>,
      %add3A_1307 = arith.constant 464 : i32
      %add3A_1308 = vector.broadcast %add3A_1307 : i32 to vector<16xi32>
      %add3A_1309 = arith.addi %iota3A, %add3A_1308 : vector<16xi32>
      %gather3A_1310 = tpu.vector_load_idx %run_scoped3A[%add3A_1309, %add3A_1074] : memref<512x128xf32, #tpu.memory_space<vmem>>[vector<16xi32>, vector<16xi32>], vector<16xf32>,
      %swap3A_1311 = arith.constant 4 : i32
      %swap3A_1312 = arith.index_cast %swap3A_1311 : i32 to index
      %swap3A_1313 = arith.constant 464 : index
      %swap3A_1314 = tpu.vector_load %arg5[%swap3A_1312, %swap3A_1313] {strides = array<i32>} : memref<8x512xf32, #tpu.memory_space<vmem>>, vector<16xf32>,
      tpu.vector_store %arg5[%swap3A_1312, %swap3A_1313], %gather3A_1310 {strides = array<i32>} : memref<8x512xf32, #tpu.memory_space<vmem>>, vector<16xf32>,
      %add3A_1315 = arith.constant 480 : i32
      %add3A_1316 = vector.broadcast %add3A_1315 : i32 to vector<16xi32>
      %add3A_1317 = arith.addi %iota3A, %add3A_1316 : vector<16xi32>
      %gather3A_1318 = tpu.vector_load_idx %run_scoped3A[%add3A_1317, %add3A_1074] : memref<512x128xf32, #tpu.memory_space<vmem>>[vector<16xi32>, vector<16xi32>], vector<16xf32>,
      %swap3A_1319 = arith.constant 4 : i32
      %swap3A_1320 = arith.index_cast %swap3A_1319 : i32 to index
      %swap3A_1321 = arith.constant 480 : index
      %swap3A_1322 = tpu.vector_load %arg5[%swap3A_1320, %swap3A_1321] {strides = array<i32>} : memref<8x512xf32, #tpu.memory_space<vmem>>, vector<16xf32>,
      tpu.vector_store %arg5[%swap3A_1320, %swap3A_1321], %gather3A_1318 {strides = array<i32>} : memref<8x512xf32, #tpu.memory_space<vmem>>, vector<16xf32>,
      %add3A_1323 = arith.constant 496 : i32
      %add3A_1324 = vector.broadcast %add3A_1323 : i32 to vector<16xi32>
      %add3A_1325 = arith.addi %iota3A, %add3A_1324 : vector<16xi32>
      %gather3A_1326 = tpu.vector_load_idx %run_scoped3A[%add3A_1325, %add3A_1074] : memref<512x128xf32, #tpu.memory_space<vmem>>[vector<16xi32>, vector<16xi32>], vector<16xf32>,
      %swap3A_1327 = arith.constant 4 : i32
      %swap3A_1328 = arith.index_cast %swap3A_1327 : i32 to index
      %swap3A_1329 = arith.constant 496 : index
      %swap3A_1330 = tpu.vector_load %arg5[%swap3A_1328, %swap3A_1329] {strides = array<i32>} : memref<8x512xf32, #tpu.memory_space<vmem>>, vector<16xf32>,
      tpu.vector_store %arg5[%swap3A_1328, %swap3A_1329], %gather3A_1326 {strides = array<i32>} : memref<8x512xf32, #tpu.memory_space<vmem>>, vector<16xf32>,
      %broadcast_in_dim3A_1331 = arith.constant 0 : i32
      %broadcast_in_dim3A_1332 = vector.broadcast %broadcast_in_dim3A_1331 : i32 to vector<16xi32>
      %add3A_1333 = arith.constant 5 : i32
      %add3A_1334 = arith.addi %rem3A_6, %add3A_1333 : i32
      %add3A_1335 = vector.broadcast %add3A_1334 : i32 to vector<16xi32>
      %add3A_1336 = arith.addi %broadcast_in_dim3A_1332, %add3A_1335 : vector<16xi32>
      %add3A_1337 = arith.constant 0 : i32
      %add3A_1338 = vector.broadcast %add3A_1337 : i32 to vector<16xi32>
      %add3A_1339 = arith.addi %iota3A, %add3A_1338 : vector<16xi32>
      %gather3A_1340 = tpu.vector_load_idx %run_scoped3A[%add3A_1339, %add3A_1336] : memref<512x128xf32, #tpu.memory_space<vmem>>[vector<16xi32>, vector<16xi32>], vector<16xf32>,
      %swap3A_1341 = arith.constant 5 : i32
      %swap3A_1342 = arith.index_cast %swap3A_1341 : i32 to index
      %swap3A_1343 = arith.constant 0 : index
      %swap3A_1344 = tpu.vector_load %arg5[%swap3A_1342, %swap3A_1343] {strides = array<i32>} : memref<8x512xf32, #tpu.memory_space<vmem>>, vector<16xf32>,
      tpu.vector_store %arg5[%swap3A_1342, %swap3A_1343], %gather3A_1340 {strides = array<i32>} : memref<8x512xf32, #tpu.memory_space<vmem>>, vector<16xf32>,
      %add3A_1345 = arith.constant 16 : i32
      %add3A_1346 = vector.broadcast %add3A_1345 : i32 to vector<16xi32>
      %add3A_1347 = arith.addi %iota3A, %add3A_1346 : vector<16xi32>
      %gather3A_1348 = tpu.vector_load_idx %run_scoped3A[%add3A_1347, %add3A_1336] : memref<512x128xf32, #tpu.memory_space<vmem>>[vector<16xi32>, vector<16xi32>], vector<16xf32>,
      %swap3A_1349 = arith.constant 5 : i32
      %swap3A_1350 = arith.index_cast %swap3A_1349 : i32 to index
      %swap3A_1351 = arith.constant 16 : index
      %swap3A_1352 = tpu.vector_load %arg5[%swap3A_1350, %swap3A_1351] {strides = array<i32>} : memref<8x512xf32, #tpu.memory_space<vmem>>, vector<16xf32>,
      tpu.vector_store %arg5[%swap3A_1350, %swap3A_1351], %gather3A_1348 {strides = array<i32>} : memref<8x512xf32, #tpu.memory_space<vmem>>, vector<16xf32>,
      %add3A_1353 = arith.constant 32 : i32
      %add3A_1354 = vector.broadcast %add3A_1353 : i32 to vector<16xi32>
      %add3A_1355 = arith.addi %iota3A, %add3A_1354 : vector<16xi32>
      %gather3A_1356 = tpu.vector_load_idx %run_scoped3A[%add3A_1355, %add3A_1336] : memref<512x128xf32, #tpu.memory_space<vmem>>[vector<16xi32>, vector<16xi32>], vector<16xf32>,
      %swap3A_1357 = arith.constant 5 : i32
      %swap3A_1358 = arith.index_cast %swap3A_1357 : i32 to index
      %swap3A_1359 = arith.constant 32 : index
      %swap3A_1360 = tpu.vector_load %arg5[%swap3A_1358, %swap3A_1359] {strides = array<i32>} : memref<8x512xf32, #tpu.memory_space<vmem>>, vector<16xf32>,
      tpu.vector_store %arg5[%swap3A_1358, %swap3A_1359], %gather3A_1356 {strides = array<i32>} : memref<8x512xf32, #tpu.memory_space<vmem>>, vector<16xf32>,
      %add3A_1361 = arith.constant 48 : i32
      %add3A_1362 = vector.broadcast %add3A_1361 : i32 to vector<16xi32>
      %add3A_1363 = arith.addi %iota3A, %add3A_1362 : vector<16xi32>
      %gather3A_1364 = tpu.vector_load_idx %run_scoped3A[%add3A_1363, %add3A_1336] : memref<512x128xf32, #tpu.memory_space<vmem>>[vector<16xi32>, vector<16xi32>], vector<16xf32>,
      %swap3A_1365 = arith.constant 5 : i32
      %swap3A_1366 = arith.index_cast %swap3A_1365 : i32 to index
      %swap3A_1367 = arith.constant 48 : index
      %swap3A_1368 = tpu.vector_load %arg5[%swap3A_1366, %swap3A_1367] {strides = array<i32>} : memref<8x512xf32, #tpu.memory_space<vmem>>, vector<16xf32>,
      tpu.vector_store %arg5[%swap3A_1366, %swap3A_1367], %gather3A_1364 {strides = array<i32>} : memref<8x512xf32, #tpu.memory_space<vmem>>, vector<16xf32>,
      %add3A_1369 = arith.constant 64 : i32
      %add3A_1370 = vector.broadcast %add3A_1369 : i32 to vector<16xi32>
      %add3A_1371 = arith.addi %iota3A, %add3A_1370 : vector<16xi32>
      %gather3A_1372 = tpu.vector_load_idx %run_scoped3A[%add3A_1371, %add3A_1336] : memref<512x128xf32, #tpu.memory_space<vmem>>[vector<16xi32>, vector<16xi32>], vector<16xf32>,
      %swap3A_1373 = arith.constant 5 : i32
      %swap3A_1374 = arith.index_cast %swap3A_1373 : i32 to index
      %swap3A_1375 = arith.constant 64 : index
      %swap3A_1376 = tpu.vector_load %arg5[%swap3A_1374, %swap3A_1375] {strides = array<i32>} : memref<8x512xf32, #tpu.memory_space<vmem>>, vector<16xf32>,
      tpu.vector_store %arg5[%swap3A_1374, %swap3A_1375], %gather3A_1372 {strides = array<i32>} : memref<8x512xf32, #tpu.memory_space<vmem>>, vector<16xf32>,
      %add3A_1377 = arith.constant 80 : i32
      %add3A_1378 = vector.broadcast %add3A_1377 : i32 to vector<16xi32>
      %add3A_1379 = arith.addi %iota3A, %add3A_1378 : vector<16xi32>
      %gather3A_1380 = tpu.vector_load_idx %run_scoped3A[%add3A_1379, %add3A_1336] : memref<512x128xf32, #tpu.memory_space<vmem>>[vector<16xi32>, vector<16xi32>], vector<16xf32>,
      %swap3A_1381 = arith.constant 5 : i32
      %swap3A_1382 = arith.index_cast %swap3A_1381 : i32 to index
      %swap3A_1383 = arith.constant 80 : index
      %swap3A_1384 = tpu.vector_load %arg5[%swap3A_1382, %swap3A_1383] {strides = array<i32>} : memref<8x512xf32, #tpu.memory_space<vmem>>, vector<16xf32>,
      tpu.vector_store %arg5[%swap3A_1382, %swap3A_1383], %gather3A_1380 {strides = array<i32>} : memref<8x512xf32, #tpu.memory_space<vmem>>, vector<16xf32>,
      %add3A_1385 = arith.constant 96 : i32
      %add3A_1386 = vector.broadcast %add3A_1385 : i32 to vector<16xi32>
      %add3A_1387 = arith.addi %iota3A, %add3A_1386 : vector<16xi32>
      %gather3A_1388 = tpu.vector_load_idx %run_scoped3A[%add3A_1387, %add3A_1336] : memref<512x128xf32, #tpu.memory_space<vmem>>[vector<16xi32>, vector<16xi32>], vector<16xf32>,
      %swap3A_1389 = arith.constant 5 : i32
      %swap3A_1390 = arith.index_cast %swap3A_1389 : i32 to index
      %swap3A_1391 = arith.constant 96 : index
      %swap3A_1392 = tpu.vector_load %arg5[%swap3A_1390, %swap3A_1391] {strides = array<i32>} : memref<8x512xf32, #tpu.memory_space<vmem>>, vector<16xf32>,
      tpu.vector_store %arg5[%swap3A_1390, %swap3A_1391], %gather3A_1388 {strides = array<i32>} : memref<8x512xf32, #tpu.memory_space<vmem>>, vector<16xf32>,
      %add3A_1393 = arith.constant 112 : i32
      %add3A_1394 = vector.broadcast %add3A_1393 : i32 to vector<16xi32>
      %add3A_1395 = arith.addi %iota3A, %add3A_1394 : vector<16xi32>
      %gather3A_1396 = tpu.vector_load_idx %run_scoped3A[%add3A_1395, %add3A_1336] : memref<512x128xf32, #tpu.memory_space<vmem>>[vector<16xi32>, vector<16xi32>], vector<16xf32>,
      %swap3A_1397 = arith.constant 5 : i32
      %swap3A_1398 = arith.index_cast %swap3A_1397 : i32 to index
      %swap3A_1399 = arith.constant 112 : index
      %swap3A_1400 = tpu.vector_load %arg5[%swap3A_1398, %swap3A_1399] {strides = array<i32>} : memref<8x512xf32, #tpu.memory_space<vmem>>, vector<16xf32>,
      tpu.vector_store %arg5[%swap3A_1398, %swap3A_1399], %gather3A_1396 {strides = array<i32>} : memref<8x512xf32, #tpu.memory_space<vmem>>, vector<16xf32>,
      %add3A_1401 = arith.constant 128 : i32
      %add3A_1402 = vector.broadcast %add3A_1401 : i32 to vector<16xi32>
      %add3A_1403 = arith.addi %iota3A, %add3A_1402 : vector<16xi32>
      %gather3A_1404 = tpu.vector_load_idx %run_scoped3A[%add3A_1403, %add3A_1336] : memref<512x128xf32, #tpu.memory_space<vmem>>[vector<16xi32>, vector<16xi32>], vector<16xf32>,
      %swap3A_1405 = arith.constant 5 : i32
      %swap3A_1406 = arith.index_cast %swap3A_1405 : i32 to index
      %swap3A_1407 = arith.constant 128 : index
      %swap3A_1408 = tpu.vector_load %arg5[%swap3A_1406, %swap3A_1407] {strides = array<i32>} : memref<8x512xf32, #tpu.memory_space<vmem>>, vector<16xf32>,
      tpu.vector_store %arg5[%swap3A_1406, %swap3A_1407], %gather3A_1404 {strides = array<i32>} : memref<8x512xf32, #tpu.memory_space<vmem>>, vector<16xf32>,
      %add3A_1409 = arith.constant 144 : i32
      %add3A_1410 = vector.broadcast %add3A_1409 : i32 to vector<16xi32>
      %add3A_1411 = arith.addi %iota3A, %add3A_1410 : vector<16xi32>
      %gather3A_1412 = tpu.vector_load_idx %run_scoped3A[%add3A_1411, %add3A_1336] : memref<512x128xf32, #tpu.memory_space<vmem>>[vector<16xi32>, vector<16xi32>], vector<16xf32>,
      %swap3A_1413 = arith.constant 5 : i32
      %swap3A_1414 = arith.index_cast %swap3A_1413 : i32 to index
      %swap3A_1415 = arith.constant 144 : index
      %swap3A_1416 = tpu.vector_load %arg5[%swap3A_1414, %swap3A_1415] {strides = array<i32>} : memref<8x512xf32, #tpu.memory_space<vmem>>, vector<16xf32>,
      tpu.vector_store %arg5[%swap3A_1414, %swap3A_1415], %gather3A_1412 {strides = array<i32>} : memref<8x512xf32, #tpu.memory_space<vmem>>, vector<16xf32>,
      %add3A_1417 = arith.constant 160 : i32
      %add3A_1418 = vector.broadcast %add3A_1417 : i32 to vector<16xi32>
      %add3A_1419 = arith.addi %iota3A, %add3A_1418 : vector<16xi32>
      %gather3A_1420 = tpu.vector_load_idx %run_scoped3A[%add3A_1419, %add3A_1336] : memref<512x128xf32, #tpu.memory_space<vmem>>[vector<16xi32>, vector<16xi32>], vector<16xf32>,
      %swap3A_1421 = arith.constant 5 : i32
      %swap3A_1422 = arith.index_cast %swap3A_1421 : i32 to index
      %swap3A_1423 = arith.constant 160 : index
      %swap3A_1424 = tpu.vector_load %arg5[%swap3A_1422, %swap3A_1423] {strides = array<i32>} : memref<8x512xf32, #tpu.memory_space<vmem>>, vector<16xf32>,
      tpu.vector_store %arg5[%swap3A_1422, %swap3A_1423], %gather3A_1420 {strides = array<i32>} : memref<8x512xf32, #tpu.memory_space<vmem>>, vector<16xf32>,
      %add3A_1425 = arith.constant 176 : i32
      %add3A_1426 = vector.broadcast %add3A_1425 : i32 to vector<16xi32>
      %add3A_1427 = arith.addi %iota3A, %add3A_1426 : vector<16xi32>
      %gather3A_1428 = tpu.vector_load_idx %run_scoped3A[%add3A_1427, %add3A_1336] : memref<512x128xf32, #tpu.memory_space<vmem>>[vector<16xi32>, vector<16xi32>], vector<16xf32>,
      %swap3A_1429 = arith.constant 5 : i32
      %swap3A_1430 = arith.index_cast %swap3A_1429 : i32 to index
      %swap3A_1431 = arith.constant 176 : index
      %swap3A_1432 = tpu.vector_load %arg5[%swap3A_1430, %swap3A_1431] {strides = array<i32>} : memref<8x512xf32, #tpu.memory_space<vmem>>, vector<16xf32>,
      tpu.vector_store %arg5[%swap3A_1430, %swap3A_1431], %gather3A_1428 {strides = array<i32>} : memref<8x512xf32, #tpu.memory_space<vmem>>, vector<16xf32>,
      %add3A_1433 = arith.constant 192 : i32
      %add3A_1434 = vector.broadcast %add3A_1433 : i32 to vector<16xi32>
      %add3A_1435 = arith.addi %iota3A, %add3A_1434 : vector<16xi32>
      %gather3A_1436 = tpu.vector_load_idx %run_scoped3A[%add3A_1435, %add3A_1336] : memref<512x128xf32, #tpu.memory_space<vmem>>[vector<16xi32>, vector<16xi32>], vector<16xf32>,
      %swap3A_1437 = arith.constant 5 : i32
      %swap3A_1438 = arith.index_cast %swap3A_1437 : i32 to index
      %swap3A_1439 = arith.constant 192 : index
      %swap3A_1440 = tpu.vector_load %arg5[%swap3A_1438, %swap3A_1439] {strides = array<i32>} : memref<8x512xf32, #tpu.memory_space<vmem>>, vector<16xf32>,
      tpu.vector_store %arg5[%swap3A_1438, %swap3A_1439], %gather3A_1436 {strides = array<i32>} : memref<8x512xf32, #tpu.memory_space<vmem>>, vector<16xf32>,
      %add3A_1441 = arith.constant 208 : i32
      %add3A_1442 = vector.broadcast %add3A_1441 : i32 to vector<16xi32>
      %add3A_1443 = arith.addi %iota3A, %add3A_1442 : vector<16xi32>
      %gather3A_1444 = tpu.vector_load_idx %run_scoped3A[%add3A_1443, %add3A_1336] : memref<512x128xf32, #tpu.memory_space<vmem>>[vector<16xi32>, vector<16xi32>], vector<16xf32>,
      %swap3A_1445 = arith.constant 5 : i32
      %swap3A_1446 = arith.index_cast %swap3A_1445 : i32 to index
      %swap3A_1447 = arith.constant 208 : index
      %swap3A_1448 = tpu.vector_load %arg5[%swap3A_1446, %swap3A_1447] {strides = array<i32>} : memref<8x512xf32, #tpu.memory_space<vmem>>, vector<16xf32>,
      tpu.vector_store %arg5[%swap3A_1446, %swap3A_1447], %gather3A_1444 {strides = array<i32>} : memref<8x512xf32, #tpu.memory_space<vmem>>, vector<16xf32>,
      %add3A_1449 = arith.constant 224 : i32
      %add3A_1450 = vector.broadcast %add3A_1449 : i32 to vector<16xi32>
      %add3A_1451 = arith.addi %iota3A, %add3A_1450 : vector<16xi32>
      %gather3A_1452 = tpu.vector_load_idx %run_scoped3A[%add3A_1451, %add3A_1336] : memref<512x128xf32, #tpu.memory_space<vmem>>[vector<16xi32>, vector<16xi32>], vector<16xf32>,
      %swap3A_1453 = arith.constant 5 : i32
      %swap3A_1454 = arith.index_cast %swap3A_1453 : i32 to index
      %swap3A_1455 = arith.constant 224 : index
      %swap3A_1456 = tpu.vector_load %arg5[%swap3A_1454, %swap3A_1455] {strides = array<i32>} : memref<8x512xf32, #tpu.memory_space<vmem>>, vector<16xf32>,
      tpu.vector_store %arg5[%swap3A_1454, %swap3A_1455], %gather3A_1452 {strides = array<i32>} : memref<8x512xf32, #tpu.memory_space<vmem>>, vector<16xf32>,
      %add3A_1457 = arith.constant 240 : i32
      %add3A_1458 = vector.broadcast %add3A_1457 : i32 to vector<16xi32>
      %add3A_1459 = arith.addi %iota3A, %add3A_1458 : vector<16xi32>
      %gather3A_1460 = tpu.vector_load_idx %run_scoped3A[%add3A_1459, %add3A_1336] : memref<512x128xf32, #tpu.memory_space<vmem>>[vector<16xi32>, vector<16xi32>], vector<16xf32>,
      %swap3A_1461 = arith.constant 5 : i32
      %swap3A_1462 = arith.index_cast %swap3A_1461 : i32 to index
      %swap3A_1463 = arith.constant 240 : index
      %swap3A_1464 = tpu.vector_load %arg5[%swap3A_1462, %swap3A_1463] {strides = array<i32>} : memref<8x512xf32, #tpu.memory_space<vmem>>, vector<16xf32>,
      tpu.vector_store %arg5[%swap3A_1462, %swap3A_1463], %gather3A_1460 {strides = array<i32>} : memref<8x512xf32, #tpu.memory_space<vmem>>, vector<16xf32>,
      %add3A_1465 = arith.constant 256 : i32
      %add3A_1466 = vector.broadcast %add3A_1465 : i32 to vector<16xi32>
      %add3A_1467 = arith.addi %iota3A, %add3A_1466 : vector<16xi32>
      %gather3A_1468 = tpu.vector_load_idx %run_scoped3A[%add3A_1467, %add3A_1336] : memref<512x128xf32, #tpu.memory_space<vmem>>[vector<16xi32>, vector<16xi32>], vector<16xf32>,
      %swap3A_1469 = arith.constant 5 : i32
      %swap3A_1470 = arith.index_cast %swap3A_1469 : i32 to index
      %swap3A_1471 = arith.constant 256 : index
      %swap3A_1472 = tpu.vector_load %arg5[%swap3A_1470, %swap3A_1471] {strides = array<i32>} : memref<8x512xf32, #tpu.memory_space<vmem>>, vector<16xf32>,
      tpu.vector_store %arg5[%swap3A_1470, %swap3A_1471], %gather3A_1468 {strides = array<i32>} : memref<8x512xf32, #tpu.memory_space<vmem>>, vector<16xf32>,
      %add3A_1473 = arith.constant 272 : i32
      %add3A_1474 = vector.broadcast %add3A_1473 : i32 to vector<16xi32>
      %add3A_1475 = arith.addi %iota3A, %add3A_1474 : vector<16xi32>
      %gather3A_1476 = tpu.vector_load_idx %run_scoped3A[%add3A_1475, %add3A_1336] : memref<512x128xf32, #tpu.memory_space<vmem>>[vector<16xi32>, vector<16xi32>], vector<16xf32>,
      %swap3A_1477 = arith.constant 5 : i32
      %swap3A_1478 = arith.index_cast %swap3A_1477 : i32 to index
      %swap3A_1479 = arith.constant 272 : index
      %swap3A_1480 = tpu.vector_load %arg5[%swap3A_1478, %swap3A_1479] {strides = array<i32>} : memref<8x512xf32, #tpu.memory_space<vmem>>, vector<16xf32>,
      tpu.vector_store %arg5[%swap3A_1478, %swap3A_1479], %gather3A_1476 {strides = array<i32>} : memref<8x512xf32, #tpu.memory_space<vmem>>, vector<16xf32>,
      %add3A_1481 = arith.constant 288 : i32
      %add3A_1482 = vector.broadcast %add3A_1481 : i32 to vector<16xi32>
      %add3A_1483 = arith.addi %iota3A, %add3A_1482 : vector<16xi32>
      %gather3A_1484 = tpu.vector_load_idx %run_scoped3A[%add3A_1483, %add3A_1336] : memref<512x128xf32, #tpu.memory_space<vmem>>[vector<16xi32>, vector<16xi32>], vector<16xf32>,
      %swap3A_1485 = arith.constant 5 : i32
      %swap3A_1486 = arith.index_cast %swap3A_1485 : i32 to index
      %swap3A_1487 = arith.constant 288 : index
      %swap3A_1488 = tpu.vector_load %arg5[%swap3A_1486, %swap3A_1487] {strides = array<i32>} : memref<8x512xf32, #tpu.memory_space<vmem>>, vector<16xf32>,
      tpu.vector_store %arg5[%swap3A_1486, %swap3A_1487], %gather3A_1484 {strides = array<i32>} : memref<8x512xf32, #tpu.memory_space<vmem>>, vector<16xf32>,
      %add3A_1489 = arith.constant 304 : i32
      %add3A_1490 = vector.broadcast %add3A_1489 : i32 to vector<16xi32>
      %add3A_1491 = arith.addi %iota3A, %add3A_1490 : vector<16xi32>
      %gather3A_1492 = tpu.vector_load_idx %run_scoped3A[%add3A_1491, %add3A_1336] : memref<512x128xf32, #tpu.memory_space<vmem>>[vector<16xi32>, vector<16xi32>], vector<16xf32>,
      %swap3A_1493 = arith.constant 5 : i32
      %swap3A_1494 = arith.index_cast %swap3A_1493 : i32 to index
      %swap3A_1495 = arith.constant 304 : index
      %swap3A_1496 = tpu.vector_load %arg5[%swap3A_1494, %swap3A_1495] {strides = array<i32>} : memref<8x512xf32, #tpu.memory_space<vmem>>, vector<16xf32>,
      tpu.vector_store %arg5[%swap3A_1494, %swap3A_1495], %gather3A_1492 {strides = array<i32>} : memref<8x512xf32, #tpu.memory_space<vmem>>, vector<16xf32>,
      %add3A_1497 = arith.constant 320 : i32
      %add3A_1498 = vector.broadcast %add3A_1497 : i32 to vector<16xi32>
      %add3A_1499 = arith.addi %iota3A, %add3A_1498 : vector<16xi32>
      %gather3A_1500 = tpu.vector_load_idx %run_scoped3A[%add3A_1499, %add3A_1336] : memref<512x128xf32, #tpu.memory_space<vmem>>[vector<16xi32>, vector<16xi32>], vector<16xf32>,
      %swap3A_1501 = arith.constant 5 : i32
      %swap3A_1502 = arith.index_cast %swap3A_1501 : i32 to index
      %swap3A_1503 = arith.constant 320 : index
      %swap3A_1504 = tpu.vector_load %arg5[%swap3A_1502, %swap3A_1503] {strides = array<i32>} : memref<8x512xf32, #tpu.memory_space<vmem>>, vector<16xf32>,
      tpu.vector_store %arg5[%swap3A_1502, %swap3A_1503], %gather3A_1500 {strides = array<i32>} : memref<8x512xf32, #tpu.memory_space<vmem>>, vector<16xf32>,
      %add3A_1505 = arith.constant 336 : i32
      %add3A_1506 = vector.broadcast %add3A_1505 : i32 to vector<16xi32>
      %add3A_1507 = arith.addi %iota3A, %add3A_1506 : vector<16xi32>
      %gather3A_1508 = tpu.vector_load_idx %run_scoped3A[%add3A_1507, %add3A_1336] : memref<512x128xf32, #tpu.memory_space<vmem>>[vector<16xi32>, vector<16xi32>], vector<16xf32>,
      %swap3A_1509 = arith.constant 5 : i32
      %swap3A_1510 = arith.index_cast %swap3A_1509 : i32 to index
      %swap3A_1511 = arith.constant 336 : index
      %swap3A_1512 = tpu.vector_load %arg5[%swap3A_1510, %swap3A_1511] {strides = array<i32>} : memref<8x512xf32, #tpu.memory_space<vmem>>, vector<16xf32>,
      tpu.vector_store %arg5[%swap3A_1510, %swap3A_1511], %gather3A_1508 {strides = array<i32>} : memref<8x512xf32, #tpu.memory_space<vmem>>, vector<16xf32>,
      %add3A_1513 = arith.constant 352 : i32
      %add3A_1514 = vector.broadcast %add3A_1513 : i32 to vector<16xi32>
      %add3A_1515 = arith.addi %iota3A, %add3A_1514 : vector<16xi32>
      %gather3A_1516 = tpu.vector_load_idx %run_scoped3A[%add3A_1515, %add3A_1336] : memref<512x128xf32, #tpu.memory_space<vmem>>[vector<16xi32>, vector<16xi32>], vector<16xf32>,
      %swap3A_1517 = arith.constant 5 : i32
      %swap3A_1518 = arith.index_cast %swap3A_1517 : i32 to index
      %swap3A_1519 = arith.constant 352 : index
      %swap3A_1520 = tpu.vector_load %arg5[%swap3A_1518, %swap3A_1519] {strides = array<i32>} : memref<8x512xf32, #tpu.memory_space<vmem>>, vector<16xf32>,
      tpu.vector_store %arg5[%swap3A_1518, %swap3A_1519], %gather3A_1516 {strides = array<i32>} : memref<8x512xf32, #tpu.memory_space<vmem>>, vector<16xf32>,
      %add3A_1521 = arith.constant 368 : i32
      %add3A_1522 = vector.broadcast %add3A_1521 : i32 to vector<16xi32>
      %add3A_1523 = arith.addi %iota3A, %add3A_1522 : vector<16xi32>
      %gather3A_1524 = tpu.vector_load_idx %run_scoped3A[%add3A_1523, %add3A_1336] : memref<512x128xf32, #tpu.memory_space<vmem>>[vector<16xi32>, vector<16xi32>], vector<16xf32>,
      %swap3A_1525 = arith.constant 5 : i32
      %swap3A_1526 = arith.index_cast %swap3A_1525 : i32 to index
      %swap3A_1527 = arith.constant 368 : index
      %swap3A_1528 = tpu.vector_load %arg5[%swap3A_1526, %swap3A_1527] {strides = array<i32>} : memref<8x512xf32, #tpu.memory_space<vmem>>, vector<16xf32>,
      tpu.vector_store %arg5[%swap3A_1526, %swap3A_1527], %gather3A_1524 {strides = array<i32>} : memref<8x512xf32, #tpu.memory_space<vmem>>, vector<16xf32>,
      %add3A_1529 = arith.constant 384 : i32
      %add3A_1530 = vector.broadcast %add3A_1529 : i32 to vector<16xi32>
      %add3A_1531 = arith.addi %iota3A, %add3A_1530 : vector<16xi32>
      %gather3A_1532 = tpu.vector_load_idx %run_scoped3A[%add3A_1531, %add3A_1336] : memref<512x128xf32, #tpu.memory_space<vmem>>[vector<16xi32>, vector<16xi32>], vector<16xf32>,
      %swap3A_1533 = arith.constant 5 : i32
      %swap3A_1534 = arith.index_cast %swap3A_1533 : i32 to index
      %swap3A_1535 = arith.constant 384 : index
      %swap3A_1536 = tpu.vector_load %arg5[%swap3A_1534, %swap3A_1535] {strides = array<i32>} : memref<8x512xf32, #tpu.memory_space<vmem>>, vector<16xf32>,
      tpu.vector_store %arg5[%swap3A_1534, %swap3A_1535], %gather3A_1532 {strides = array<i32>} : memref<8x512xf32, #tpu.memory_space<vmem>>, vector<16xf32>,
      %add3A_1537 = arith.constant 400 : i32
      %add3A_1538 = vector.broadcast %add3A_1537 : i32 to vector<16xi32>
      %add3A_1539 = arith.addi %iota3A, %add3A_1538 : vector<16xi32>
      %gather3A_1540 = tpu.vector_load_idx %run_scoped3A[%add3A_1539, %add3A_1336] : memref<512x128xf32, #tpu.memory_space<vmem>>[vector<16xi32>, vector<16xi32>], vector<16xf32>,
      %swap3A_1541 = arith.constant 5 : i32
      %swap3A_1542 = arith.index_cast %swap3A_1541 : i32 to index
      %swap3A_1543 = arith.constant 400 : index
      %swap3A_1544 = tpu.vector_load %arg5[%swap3A_1542, %swap3A_1543] {strides = array<i32>} : memref<8x512xf32, #tpu.memory_space<vmem>>, vector<16xf32>,
      tpu.vector_store %arg5[%swap3A_1542, %swap3A_1543], %gather3A_1540 {strides = array<i32>} : memref<8x512xf32, #tpu.memory_space<vmem>>, vector<16xf32>,
      %add3A_1545 = arith.constant 416 : i32
      %add3A_1546 = vector.broadcast %add3A_1545 : i32 to vector<16xi32>
      %add3A_1547 = arith.addi %iota3A, %add3A_1546 : vector<16xi32>
      %gather3A_1548 = tpu.vector_load_idx %run_scoped3A[%add3A_1547, %add3A_1336] : memref<512x128xf32, #tpu.memory_space<vmem>>[vector<16xi32>, vector<16xi32>], vector<16xf32>,
      %swap3A_1549 = arith.constant 5 : i32
      %swap3A_1550 = arith.index_cast %swap3A_1549 : i32 to index
      %swap3A_1551 = arith.constant 416 : index
      %swap3A_1552 = tpu.vector_load %arg5[%swap3A_1550, %swap3A_1551] {strides = array<i32>} : memref<8x512xf32, #tpu.memory_space<vmem>>, vector<16xf32>,
      tpu.vector_store %arg5[%swap3A_1550, %swap3A_1551], %gather3A_1548 {strides = array<i32>} : memref<8x512xf32, #tpu.memory_space<vmem>>, vector<16xf32>,
      %add3A_1553 = arith.constant 432 : i32
      %add3A_1554 = vector.broadcast %add3A_1553 : i32 to vector<16xi32>
      %add3A_1555 = arith.addi %iota3A, %add3A_1554 : vector<16xi32>
      %gather3A_1556 = tpu.vector_load_idx %run_scoped3A[%add3A_1555, %add3A_1336] : memref<512x128xf32, #tpu.memory_space<vmem>>[vector<16xi32>, vector<16xi32>], vector<16xf32>,
      %swap3A_1557 = arith.constant 5 : i32
      %swap3A_1558 = arith.index_cast %swap3A_1557 : i32 to index
      %swap3A_1559 = arith.constant 432 : index
      %swap3A_1560 = tpu.vector_load %arg5[%swap3A_1558, %swap3A_1559] {strides = array<i32>} : memref<8x512xf32, #tpu.memory_space<vmem>>, vector<16xf32>,
      tpu.vector_store %arg5[%swap3A_1558, %swap3A_1559], %gather3A_1556 {strides = array<i32>} : memref<8x512xf32, #tpu.memory_space<vmem>>, vector<16xf32>,
      %add3A_1561 = arith.constant 448 : i32
      %add3A_1562 = vector.broadcast %add3A_1561 : i32 to vector<16xi32>
      %add3A_1563 = arith.addi %iota3A, %add3A_1562 : vector<16xi32>
      %gather3A_1564 = tpu.vector_load_idx %run_scoped3A[%add3A_1563, %add3A_1336] : memref<512x128xf32, #tpu.memory_space<vmem>>[vector<16xi32>, vector<16xi32>], vector<16xf32>,
      %swap3A_1565 = arith.constant 5 : i32
      %swap3A_1566 = arith.index_cast %swap3A_1565 : i32 to index
      %swap3A_1567 = arith.constant 448 : index
      %swap3A_1568 = tpu.vector_load %arg5[%swap3A_1566, %swap3A_1567] {strides = array<i32>} : memref<8x512xf32, #tpu.memory_space<vmem>>, vector<16xf32>,
      tpu.vector_store %arg5[%swap3A_1566, %swap3A_1567], %gather3A_1564 {strides = array<i32>} : memref<8x512xf32, #tpu.memory_space<vmem>>, vector<16xf32>,
      %add3A_1569 = arith.constant 464 : i32
      %add3A_1570 = vector.broadcast %add3A_1569 : i32 to vector<16xi32>
      %add3A_1571 = arith.addi %iota3A, %add3A_1570 : vector<16xi32>
      %gather3A_1572 = tpu.vector_load_idx %run_scoped3A[%add3A_1571, %add3A_1336] : memref<512x128xf32, #tpu.memory_space<vmem>>[vector<16xi32>, vector<16xi32>], vector<16xf32>,
      %swap3A_1573 = arith.constant 5 : i32
      %swap3A_1574 = arith.index_cast %swap3A_1573 : i32 to index
      %swap3A_1575 = arith.constant 464 : index
      %swap3A_1576 = tpu.vector_load %arg5[%swap3A_1574, %swap3A_1575] {strides = array<i32>} : memref<8x512xf32, #tpu.memory_space<vmem>>, vector<16xf32>,
      tpu.vector_store %arg5[%swap3A_1574, %swap3A_1575], %gather3A_1572 {strides = array<i32>} : memref<8x512xf32, #tpu.memory_space<vmem>>, vector<16xf32>,
      %add3A_1577 = arith.constant 480 : i32
      %add3A_1578 = vector.broadcast %add3A_1577 : i32 to vector<16xi32>
      %add3A_1579 = arith.addi %iota3A, %add3A_1578 : vector<16xi32>
      %gather3A_1580 = tpu.vector_load_idx %run_scoped3A[%add3A_1579, %add3A_1336] : memref<512x128xf32, #tpu.memory_space<vmem>>[vector<16xi32>, vector<16xi32>], vector<16xf32>,
      %swap3A_1581 = arith.constant 5 : i32
      %swap3A_1582 = arith.index_cast %swap3A_1581 : i32 to index
      %swap3A_1583 = arith.constant 480 : index
      %swap3A_1584 = tpu.vector_load %arg5[%swap3A_1582, %swap3A_1583] {strides = array<i32>} : memref<8x512xf32, #tpu.memory_space<vmem>>, vector<16xf32>,
      tpu.vector_store %arg5[%swap3A_1582, %swap3A_1583], %gather3A_1580 {strides = array<i32>} : memref<8x512xf32, #tpu.memory_space<vmem>>, vector<16xf32>,
      %add3A_1585 = arith.constant 496 : i32
      %add3A_1586 = vector.broadcast %add3A_1585 : i32 to vector<16xi32>
      %add3A_1587 = arith.addi %iota3A, %add3A_1586 : vector<16xi32>
      %gather3A_1588 = tpu.vector_load_idx %run_scoped3A[%add3A_1587, %add3A_1336] : memref<512x128xf32, #tpu.memory_space<vmem>>[vector<16xi32>, vector<16xi32>], vector<16xf32>,
      %swap3A_1589 = arith.constant 5 : i32
      %swap3A_1590 = arith.index_cast %swap3A_1589 : i32 to index
      %swap3A_1591 = arith.constant 496 : index
      %swap3A_1592 = tpu.vector_load %arg5[%swap3A_1590, %swap3A_1591] {strides = array<i32>} : memref<8x512xf32, #tpu.memory_space<vmem>>, vector<16xf32>,
      tpu.vector_store %arg5[%swap3A_1590, %swap3A_1591], %gather3A_1588 {strides = array<i32>} : memref<8x512xf32, #tpu.memory_space<vmem>>, vector<16xf32>,
      %broadcast_in_dim3A_1593 = arith.constant 0 : i32
      %broadcast_in_dim3A_1594 = vector.broadcast %broadcast_in_dim3A_1593 : i32 to vector<16xi32>
      %add3A_1595 = arith.constant 6 : i32
      %add3A_1596 = arith.addi %rem3A_6, %add3A_1595 : i32
      %add3A_1597 = vector.broadcast %add3A_1596 : i32 to vector<16xi32>
      %add3A_1598 = arith.addi %broadcast_in_dim3A_1594, %add3A_1597 : vector<16xi32>
      %add3A_1599 = arith.constant 0 : i32
      %add3A_1600 = vector.broadcast %add3A_1599 : i32 to vector<16xi32>
      %add3A_1601 = arith.addi %iota3A, %add3A_1600 : vector<16xi32>
      %gather3A_1602 = tpu.vector_load_idx %run_scoped3A[%add3A_1601, %add3A_1598] : memref<512x128xf32, #tpu.memory_space<vmem>>[vector<16xi32>, vector<16xi32>], vector<16xf32>,
      %swap3A_1603 = arith.constant 6 : i32
      %swap3A_1604 = arith.index_cast %swap3A_1603 : i32 to index
      %swap3A_1605 = arith.constant 0 : index
      %swap3A_1606 = tpu.vector_load %arg5[%swap3A_1604, %swap3A_1605] {strides = array<i32>} : memref<8x512xf32, #tpu.memory_space<vmem>>, vector<16xf32>,
      tpu.vector_store %arg5[%swap3A_1604, %swap3A_1605], %gather3A_1602 {strides = array<i32>} : memref<8x512xf32, #tpu.memory_space<vmem>>, vector<16xf32>,
      %add3A_1607 = arith.constant 16 : i32
      %add3A_1608 = vector.broadcast %add3A_1607 : i32 to vector<16xi32>
      %add3A_1609 = arith.addi %iota3A, %add3A_1608 : vector<16xi32>
      %gather3A_1610 = tpu.vector_load_idx %run_scoped3A[%add3A_1609, %add3A_1598] : memref<512x128xf32, #tpu.memory_space<vmem>>[vector<16xi32>, vector<16xi32>], vector<16xf32>,
      %swap3A_1611 = arith.constant 6 : i32
      %swap3A_1612 = arith.index_cast %swap3A_1611 : i32 to index
      %swap3A_1613 = arith.constant 16 : index
      %swap3A_1614 = tpu.vector_load %arg5[%swap3A_1612, %swap3A_1613] {strides = array<i32>} : memref<8x512xf32, #tpu.memory_space<vmem>>, vector<16xf32>,
      tpu.vector_store %arg5[%swap3A_1612, %swap3A_1613], %gather3A_1610 {strides = array<i32>} : memref<8x512xf32, #tpu.memory_space<vmem>>, vector<16xf32>,
      %add3A_1615 = arith.constant 32 : i32
      %add3A_1616 = vector.broadcast %add3A_1615 : i32 to vector<16xi32>
      %add3A_1617 = arith.addi %iota3A, %add3A_1616 : vector<16xi32>
      %gather3A_1618 = tpu.vector_load_idx %run_scoped3A[%add3A_1617, %add3A_1598] : memref<512x128xf32, #tpu.memory_space<vmem>>[vector<16xi32>, vector<16xi32>], vector<16xf32>,
      %swap3A_1619 = arith.constant 6 : i32
      %swap3A_1620 = arith.index_cast %swap3A_1619 : i32 to index
      %swap3A_1621 = arith.constant 32 : index
      %swap3A_1622 = tpu.vector_load %arg5[%swap3A_1620, %swap3A_1621] {strides = array<i32>} : memref<8x512xf32, #tpu.memory_space<vmem>>, vector<16xf32>,
      tpu.vector_store %arg5[%swap3A_1620, %swap3A_1621], %gather3A_1618 {strides = array<i32>} : memref<8x512xf32, #tpu.memory_space<vmem>>, vector<16xf32>,
      %add3A_1623 = arith.constant 48 : i32
      %add3A_1624 = vector.broadcast %add3A_1623 : i32 to vector<16xi32>
      %add3A_1625 = arith.addi %iota3A, %add3A_1624 : vector<16xi32>
      %gather3A_1626 = tpu.vector_load_idx %run_scoped3A[%add3A_1625, %add3A_1598] : memref<512x128xf32, #tpu.memory_space<vmem>>[vector<16xi32>, vector<16xi32>], vector<16xf32>,
      %swap3A_1627 = arith.constant 6 : i32
      %swap3A_1628 = arith.index_cast %swap3A_1627 : i32 to index
      %swap3A_1629 = arith.constant 48 : index
      %swap3A_1630 = tpu.vector_load %arg5[%swap3A_1628, %swap3A_1629] {strides = array<i32>} : memref<8x512xf32, #tpu.memory_space<vmem>>, vector<16xf32>,
      tpu.vector_store %arg5[%swap3A_1628, %swap3A_1629], %gather3A_1626 {strides = array<i32>} : memref<8x512xf32, #tpu.memory_space<vmem>>, vector<16xf32>,
      %add3A_1631 = arith.constant 64 : i32
      %add3A_1632 = vector.broadcast %add3A_1631 : i32 to vector<16xi32>
      %add3A_1633 = arith.addi %iota3A, %add3A_1632 : vector<16xi32>
      %gather3A_1634 = tpu.vector_load_idx %run_scoped3A[%add3A_1633, %add3A_1598] : memref<512x128xf32, #tpu.memory_space<vmem>>[vector<16xi32>, vector<16xi32>], vector<16xf32>,
      %swap3A_1635 = arith.constant 6 : i32
      %swap3A_1636 = arith.index_cast %swap3A_1635 : i32 to index
      %swap3A_1637 = arith.constant 64 : index
      %swap3A_1638 = tpu.vector_load %arg5[%swap3A_1636, %swap3A_1637] {strides = array<i32>} : memref<8x512xf32, #tpu.memory_space<vmem>>, vector<16xf32>,
      tpu.vector_store %arg5[%swap3A_1636, %swap3A_1637], %gather3A_1634 {strides = array<i32>} : memref<8x512xf32, #tpu.memory_space<vmem>>, vector<16xf32>,
      %add3A_1639 = arith.constant 80 : i32
      %add3A_1640 = vector.broadcast %add3A_1639 : i32 to vector<16xi32>
      %add3A_1641 = arith.addi %iota3A, %add3A_1640 : vector<16xi32>
      %gather3A_1642 = tpu.vector_load_idx %run_scoped3A[%add3A_1641, %add3A_1598] : memref<512x128xf32, #tpu.memory_space<vmem>>[vector<16xi32>, vector<16xi32>], vector<16xf32>,
      %swap3A_1643 = arith.constant 6 : i32
      %swap3A_1644 = arith.index_cast %swap3A_1643 : i32 to index
      %swap3A_1645 = arith.constant 80 : index
      %swap3A_1646 = tpu.vector_load %arg5[%swap3A_1644, %swap3A_1645] {strides = array<i32>} : memref<8x512xf32, #tpu.memory_space<vmem>>, vector<16xf32>,
      tpu.vector_store %arg5[%swap3A_1644, %swap3A_1645], %gather3A_1642 {strides = array<i32>} : memref<8x512xf32, #tpu.memory_space<vmem>>, vector<16xf32>,
      %add3A_1647 = arith.constant 96 : i32
      %add3A_1648 = vector.broadcast %add3A_1647 : i32 to vector<16xi32>
      %add3A_1649 = arith.addi %iota3A, %add3A_1648 : vector<16xi32>
      %gather3A_1650 = tpu.vector_load_idx %run_scoped3A[%add3A_1649, %add3A_1598] : memref<512x128xf32, #tpu.memory_space<vmem>>[vector<16xi32>, vector<16xi32>], vector<16xf32>,
      %swap3A_1651 = arith.constant 6 : i32
      %swap3A_1652 = arith.index_cast %swap3A_1651 : i32 to index
      %swap3A_1653 = arith.constant 96 : index
      %swap3A_1654 = tpu.vector_load %arg5[%swap3A_1652, %swap3A_1653] {strides = array<i32>} : memref<8x512xf32, #tpu.memory_space<vmem>>, vector<16xf32>,
      tpu.vector_store %arg5[%swap3A_1652, %swap3A_1653], %gather3A_1650 {strides = array<i32>} : memref<8x512xf32, #tpu.memory_space<vmem>>, vector<16xf32>,
      %add3A_1655 = arith.constant 112 : i32
      %add3A_1656 = vector.broadcast %add3A_1655 : i32 to vector<16xi32>
      %add3A_1657 = arith.addi %iota3A, %add3A_1656 : vector<16xi32>
      %gather3A_1658 = tpu.vector_load_idx %run_scoped3A[%add3A_1657, %add3A_1598] : memref<512x128xf32, #tpu.memory_space<vmem>>[vector<16xi32>, vector<16xi32>], vector<16xf32>,
      %swap3A_1659 = arith.constant 6 : i32
      %swap3A_1660 = arith.index_cast %swap3A_1659 : i32 to index
      %swap3A_1661 = arith.constant 112 : index
      %swap3A_1662 = tpu.vector_load %arg5[%swap3A_1660, %swap3A_1661] {strides = array<i32>} : memref<8x512xf32, #tpu.memory_space<vmem>>, vector<16xf32>,
      tpu.vector_store %arg5[%swap3A_1660, %swap3A_1661], %gather3A_1658 {strides = array<i32>} : memref<8x512xf32, #tpu.memory_space<vmem>>, vector<16xf32>,
      %add3A_1663 = arith.constant 128 : i32
      %add3A_1664 = vector.broadcast %add3A_1663 : i32 to vector<16xi32>
      %add3A_1665 = arith.addi %iota3A, %add3A_1664 : vector<16xi32>
      %gather3A_1666 = tpu.vector_load_idx %run_scoped3A[%add3A_1665, %add3A_1598] : memref<512x128xf32, #tpu.memory_space<vmem>>[vector<16xi32>, vector<16xi32>], vector<16xf32>,
      %swap3A_1667 = arith.constant 6 : i32
      %swap3A_1668 = arith.index_cast %swap3A_1667 : i32 to index
      %swap3A_1669 = arith.constant 128 : index
      %swap3A_1670 = tpu.vector_load %arg5[%swap3A_1668, %swap3A_1669] {strides = array<i32>} : memref<8x512xf32, #tpu.memory_space<vmem>>, vector<16xf32>,
      tpu.vector_store %arg5[%swap3A_1668, %swap3A_1669], %gather3A_1666 {strides = array<i32>} : memref<8x512xf32, #tpu.memory_space<vmem>>, vector<16xf32>,
      %add3A_1671 = arith.constant 144 : i32
      %add3A_1672 = vector.broadcast %add3A_1671 : i32 to vector<16xi32>
      %add3A_1673 = arith.addi %iota3A, %add3A_1672 : vector<16xi32>
      %gather3A_1674 = tpu.vector_load_idx %run_scoped3A[%add3A_1673, %add3A_1598] : memref<512x128xf32, #tpu.memory_space<vmem>>[vector<16xi32>, vector<16xi32>], vector<16xf32>,
      %swap3A_1675 = arith.constant 6 : i32
      %swap3A_1676 = arith.index_cast %swap3A_1675 : i32 to index
      %swap3A_1677 = arith.constant 144 : index
      %swap3A_1678 = tpu.vector_load %arg5[%swap3A_1676, %swap3A_1677] {strides = array<i32>} : memref<8x512xf32, #tpu.memory_space<vmem>>, vector<16xf32>,
      tpu.vector_store %arg5[%swap3A_1676, %swap3A_1677], %gather3A_1674 {strides = array<i32>} : memref<8x512xf32, #tpu.memory_space<vmem>>, vector<16xf32>,
      %add3A_1679 = arith.constant 160 : i32
      %add3A_1680 = vector.broadcast %add3A_1679 : i32 to vector<16xi32>
      %add3A_1681 = arith.addi %iota3A, %add3A_1680 : vector<16xi32>
      %gather3A_1682 = tpu.vector_load_idx %run_scoped3A[%add3A_1681, %add3A_1598] : memref<512x128xf32, #tpu.memory_space<vmem>>[vector<16xi32>, vector<16xi32>], vector<16xf32>,
      %swap3A_1683 = arith.constant 6 : i32
      %swap3A_1684 = arith.index_cast %swap3A_1683 : i32 to index
      %swap3A_1685 = arith.constant 160 : index
      %swap3A_1686 = tpu.vector_load %arg5[%swap3A_1684, %swap3A_1685] {strides = array<i32>} : memref<8x512xf32, #tpu.memory_space<vmem>>, vector<16xf32>,
      tpu.vector_store %arg5[%swap3A_1684, %swap3A_1685], %gather3A_1682 {strides = array<i32>} : memref<8x512xf32, #tpu.memory_space<vmem>>, vector<16xf32>,
      %add3A_1687 = arith.constant 176 : i32
      %add3A_1688 = vector.broadcast %add3A_1687 : i32 to vector<16xi32>
      %add3A_1689 = arith.addi %iota3A, %add3A_1688 : vector<16xi32>
      %gather3A_1690 = tpu.vector_load_idx %run_scoped3A[%add3A_1689, %add3A_1598] : memref<512x128xf32, #tpu.memory_space<vmem>>[vector<16xi32>, vector<16xi32>], vector<16xf32>,
      %swap3A_1691 = arith.constant 6 : i32
      %swap3A_1692 = arith.index_cast %swap3A_1691 : i32 to index
      %swap3A_1693 = arith.constant 176 : index
      %swap3A_1694 = tpu.vector_load %arg5[%swap3A_1692, %swap3A_1693] {strides = array<i32>} : memref<8x512xf32, #tpu.memory_space<vmem>>, vector<16xf32>,
      tpu.vector_store %arg5[%swap3A_1692, %swap3A_1693], %gather3A_1690 {strides = array<i32>} : memref<8x512xf32, #tpu.memory_space<vmem>>, vector<16xf32>,
      %add3A_1695 = arith.constant 192 : i32
      %add3A_1696 = vector.broadcast %add3A_1695 : i32 to vector<16xi32>
      %add3A_1697 = arith.addi %iota3A, %add3A_1696 : vector<16xi32>
      %gather3A_1698 = tpu.vector_load_idx %run_scoped3A[%add3A_1697, %add3A_1598] : memref<512x128xf32, #tpu.memory_space<vmem>>[vector<16xi32>, vector<16xi32>], vector<16xf32>,
      %swap3A_1699 = arith.constant 6 : i32
      %swap3A_1700 = arith.index_cast %swap3A_1699 : i32 to index
      %swap3A_1701 = arith.constant 192 : index
      %swap3A_1702 = tpu.vector_load %arg5[%swap3A_1700, %swap3A_1701] {strides = array<i32>} : memref<8x512xf32, #tpu.memory_space<vmem>>, vector<16xf32>,
      tpu.vector_store %arg5[%swap3A_1700, %swap3A_1701], %gather3A_1698 {strides = array<i32>} : memref<8x512xf32, #tpu.memory_space<vmem>>, vector<16xf32>,
      %add3A_1703 = arith.constant 208 : i32
      %add3A_1704 = vector.broadcast %add3A_1703 : i32 to vector<16xi32>
      %add3A_1705 = arith.addi %iota3A, %add3A_1704 : vector<16xi32>
      %gather3A_1706 = tpu.vector_load_idx %run_scoped3A[%add3A_1705, %add3A_1598] : memref<512x128xf32, #tpu.memory_space<vmem>>[vector<16xi32>, vector<16xi32>], vector<16xf32>,
      %swap3A_1707 = arith.constant 6 : i32
      %swap3A_1708 = arith.index_cast %swap3A_1707 : i32 to index
      %swap3A_1709 = arith.constant 208 : index
      %swap3A_1710 = tpu.vector_load %arg5[%swap3A_1708, %swap3A_1709] {strides = array<i32>} : memref<8x512xf32, #tpu.memory_space<vmem>>, vector<16xf32>,
      tpu.vector_store %arg5[%swap3A_1708, %swap3A_1709], %gather3A_1706 {strides = array<i32>} : memref<8x512xf32, #tpu.memory_space<vmem>>, vector<16xf32>,
      %add3A_1711 = arith.constant 224 : i32
      %add3A_1712 = vector.broadcast %add3A_1711 : i32 to vector<16xi32>
      %add3A_1713 = arith.addi %iota3A, %add3A_1712 : vector<16xi32>
      %gather3A_1714 = tpu.vector_load_idx %run_scoped3A[%add3A_1713, %add3A_1598] : memref<512x128xf32, #tpu.memory_space<vmem>>[vector<16xi32>, vector<16xi32>], vector<16xf32>,
      %swap3A_1715 = arith.constant 6 : i32
      %swap3A_1716 = arith.index_cast %swap3A_1715 : i32 to index
      %swap3A_1717 = arith.constant 224 : index
      %swap3A_1718 = tpu.vector_load %arg5[%swap3A_1716, %swap3A_1717] {strides = array<i32>} : memref<8x512xf32, #tpu.memory_space<vmem>>, vector<16xf32>,
      tpu.vector_store %arg5[%swap3A_1716, %swap3A_1717], %gather3A_1714 {strides = array<i32>} : memref<8x512xf32, #tpu.memory_space<vmem>>, vector<16xf32>,
      %add3A_1719 = arith.constant 240 : i32
      %add3A_1720 = vector.broadcast %add3A_1719 : i32 to vector<16xi32>
      %add3A_1721 = arith.addi %iota3A, %add3A_1720 : vector<16xi32>
      %gather3A_1722 = tpu.vector_load_idx %run_scoped3A[%add3A_1721, %add3A_1598] : memref<512x128xf32, #tpu.memory_space<vmem>>[vector<16xi32>, vector<16xi32>], vector<16xf32>,
      %swap3A_1723 = arith.constant 6 : i32
      %swap3A_1724 = arith.index_cast %swap3A_1723 : i32 to index
      %swap3A_1725 = arith.constant 240 : index
      %swap3A_1726 = tpu.vector_load %arg5[%swap3A_1724, %swap3A_1725] {strides = array<i32>} : memref<8x512xf32, #tpu.memory_space<vmem>>, vector<16xf32>,
      tpu.vector_store %arg5[%swap3A_1724, %swap3A_1725], %gather3A_1722 {strides = array<i32>} : memref<8x512xf32, #tpu.memory_space<vmem>>, vector<16xf32>,
      %add3A_1727 = arith.constant 256 : i32
      %add3A_1728 = vector.broadcast %add3A_1727 : i32 to vector<16xi32>
      %add3A_1729 = arith.addi %iota3A, %add3A_1728 : vector<16xi32>
      %gather3A_1730 = tpu.vector_load_idx %run_scoped3A[%add3A_1729, %add3A_1598] : memref<512x128xf32, #tpu.memory_space<vmem>>[vector<16xi32>, vector<16xi32>], vector<16xf32>,
      %swap3A_1731 = arith.constant 6 : i32
      %swap3A_1732 = arith.index_cast %swap3A_1731 : i32 to index
      %swap3A_1733 = arith.constant 256 : index
      %swap3A_1734 = tpu.vector_load %arg5[%swap3A_1732, %swap3A_1733] {strides = array<i32>} : memref<8x512xf32, #tpu.memory_space<vmem>>, vector<16xf32>,
      tpu.vector_store %arg5[%swap3A_1732, %swap3A_1733], %gather3A_1730 {strides = array<i32>} : memref<8x512xf32, #tpu.memory_space<vmem>>, vector<16xf32>,
      %add3A_1735 = arith.constant 272 : i32
      %add3A_1736 = vector.broadcast %add3A_1735 : i32 to vector<16xi32>
      %add3A_1737 = arith.addi %iota3A, %add3A_1736 : vector<16xi32>
      %gather3A_1738 = tpu.vector_load_idx %run_scoped3A[%add3A_1737, %add3A_1598] : memref<512x128xf32, #tpu.memory_space<vmem>>[vector<16xi32>, vector<16xi32>], vector<16xf32>,
      %swap3A_1739 = arith.constant 6 : i32
      %swap3A_1740 = arith.index_cast %swap3A_1739 : i32 to index
      %swap3A_1741 = arith.constant 272 : index
      %swap3A_1742 = tpu.vector_load %arg5[%swap3A_1740, %swap3A_1741] {strides = array<i32>} : memref<8x512xf32, #tpu.memory_space<vmem>>, vector<16xf32>,
      tpu.vector_store %arg5[%swap3A_1740, %swap3A_1741], %gather3A_1738 {strides = array<i32>} : memref<8x512xf32, #tpu.memory_space<vmem>>, vector<16xf32>,
      %add3A_1743 = arith.constant 288 : i32
      %add3A_1744 = vector.broadcast %add3A_1743 : i32 to vector<16xi32>
      %add3A_1745 = arith.addi %iota3A, %add3A_1744 : vector<16xi32>
      %gather3A_1746 = tpu.vector_load_idx %run_scoped3A[%add3A_1745, %add3A_1598] : memref<512x128xf32, #tpu.memory_space<vmem>>[vector<16xi32>, vector<16xi32>], vector<16xf32>,
      %swap3A_1747 = arith.constant 6 : i32
      %swap3A_1748 = arith.index_cast %swap3A_1747 : i32 to index
      %swap3A_1749 = arith.constant 288 : index
      %swap3A_1750 = tpu.vector_load %arg5[%swap3A_1748, %swap3A_1749] {strides = array<i32>} : memref<8x512xf32, #tpu.memory_space<vmem>>, vector<16xf32>,
      tpu.vector_store %arg5[%swap3A_1748, %swap3A_1749], %gather3A_1746 {strides = array<i32>} : memref<8x512xf32, #tpu.memory_space<vmem>>, vector<16xf32>,
      %add3A_1751 = arith.constant 304 : i32
      %add3A_1752 = vector.broadcast %add3A_1751 : i32 to vector<16xi32>
      %add3A_1753 = arith.addi %iota3A, %add3A_1752 : vector<16xi32>
      %gather3A_1754 = tpu.vector_load_idx %run_scoped3A[%add3A_1753, %add3A_1598] : memref<512x128xf32, #tpu.memory_space<vmem>>[vector<16xi32>, vector<16xi32>], vector<16xf32>,
      %swap3A_1755 = arith.constant 6 : i32
      %swap3A_1756 = arith.index_cast %swap3A_1755 : i32 to index
      %swap3A_1757 = arith.constant 304 : index
      %swap3A_1758 = tpu.vector_load %arg5[%swap3A_1756, %swap3A_1757] {strides = array<i32>} : memref<8x512xf32, #tpu.memory_space<vmem>>, vector<16xf32>,
      tpu.vector_store %arg5[%swap3A_1756, %swap3A_1757], %gather3A_1754 {strides = array<i32>} : memref<8x512xf32, #tpu.memory_space<vmem>>, vector<16xf32>,
      %add3A_1759 = arith.constant 320 : i32
      %add3A_1760 = vector.broadcast %add3A_1759 : i32 to vector<16xi32>
      %add3A_1761 = arith.addi %iota3A, %add3A_1760 : vector<16xi32>
      %gather3A_1762 = tpu.vector_load_idx %run_scoped3A[%add3A_1761, %add3A_1598] : memref<512x128xf32, #tpu.memory_space<vmem>>[vector<16xi32>, vector<16xi32>], vector<16xf32>,
      %swap3A_1763 = arith.constant 6 : i32
      %swap3A_1764 = arith.index_cast %swap3A_1763 : i32 to index
      %swap3A_1765 = arith.constant 320 : index
      %swap3A_1766 = tpu.vector_load %arg5[%swap3A_1764, %swap3A_1765] {strides = array<i32>} : memref<8x512xf32, #tpu.memory_space<vmem>>, vector<16xf32>,
      tpu.vector_store %arg5[%swap3A_1764, %swap3A_1765], %gather3A_1762 {strides = array<i32>} : memref<8x512xf32, #tpu.memory_space<vmem>>, vector<16xf32>,
      %add3A_1767 = arith.constant 336 : i32
      %add3A_1768 = vector.broadcast %add3A_1767 : i32 to vector<16xi32>
      %add3A_1769 = arith.addi %iota3A, %add3A_1768 : vector<16xi32>
      %gather3A_1770 = tpu.vector_load_idx %run_scoped3A[%add3A_1769, %add3A_1598] : memref<512x128xf32, #tpu.memory_space<vmem>>[vector<16xi32>, vector<16xi32>], vector<16xf32>,
      %swap3A_1771 = arith.constant 6 : i32
      %swap3A_1772 = arith.index_cast %swap3A_1771 : i32 to index
      %swap3A_1773 = arith.constant 336 : index
      %swap3A_1774 = tpu.vector_load %arg5[%swap3A_1772, %swap3A_1773] {strides = array<i32>} : memref<8x512xf32, #tpu.memory_space<vmem>>, vector<16xf32>,
      tpu.vector_store %arg5[%swap3A_1772, %swap3A_1773], %gather3A_1770 {strides = array<i32>} : memref<8x512xf32, #tpu.memory_space<vmem>>, vector<16xf32>,
      %add3A_1775 = arith.constant 352 : i32
      %add3A_1776 = vector.broadcast %add3A_1775 : i32 to vector<16xi32>
      %add3A_1777 = arith.addi %iota3A, %add3A_1776 : vector<16xi32>
      %gather3A_1778 = tpu.vector_load_idx %run_scoped3A[%add3A_1777, %add3A_1598] : memref<512x128xf32, #tpu.memory_space<vmem>>[vector<16xi32>, vector<16xi32>], vector<16xf32>,
      %swap3A_1779 = arith.constant 6 : i32
      %swap3A_1780 = arith.index_cast %swap3A_1779 : i32 to index
      %swap3A_1781 = arith.constant 352 : index
      %swap3A_1782 = tpu.vector_load %arg5[%swap3A_1780, %swap3A_1781] {strides = array<i32>} : memref<8x512xf32, #tpu.memory_space<vmem>>, vector<16xf32>,
      tpu.vector_store %arg5[%swap3A_1780, %swap3A_1781], %gather3A_1778 {strides = array<i32>} : memref<8x512xf32, #tpu.memory_space<vmem>>, vector<16xf32>,
      %add3A_1783 = arith.constant 368 : i32
      %add3A_1784 = vector.broadcast %add3A_1783 : i32 to vector<16xi32>
      %add3A_1785 = arith.addi %iota3A, %add3A_1784 : vector<16xi32>
      %gather3A_1786 = tpu.vector_load_idx %run_scoped3A[%add3A_1785, %add3A_1598] : memref<512x128xf32, #tpu.memory_space<vmem>>[vector<16xi32>, vector<16xi32>], vector<16xf32>,
      %swap3A_1787 = arith.constant 6 : i32
      %swap3A_1788 = arith.index_cast %swap3A_1787 : i32 to index
      %swap3A_1789 = arith.constant 368 : index
      %swap3A_1790 = tpu.vector_load %arg5[%swap3A_1788, %swap3A_1789] {strides = array<i32>} : memref<8x512xf32, #tpu.memory_space<vmem>>, vector<16xf32>,
      tpu.vector_store %arg5[%swap3A_1788, %swap3A_1789], %gather3A_1786 {strides = array<i32>} : memref<8x512xf32, #tpu.memory_space<vmem>>, vector<16xf32>,
      %add3A_1791 = arith.constant 384 : i32
      %add3A_1792 = vector.broadcast %add3A_1791 : i32 to vector<16xi32>
      %add3A_1793 = arith.addi %iota3A, %add3A_1792 : vector<16xi32>
      %gather3A_1794 = tpu.vector_load_idx %run_scoped3A[%add3A_1793, %add3A_1598] : memref<512x128xf32, #tpu.memory_space<vmem>>[vector<16xi32>, vector<16xi32>], vector<16xf32>,
      %swap3A_1795 = arith.constant 6 : i32
      %swap3A_1796 = arith.index_cast %swap3A_1795 : i32 to index
      %swap3A_1797 = arith.constant 384 : index
      %swap3A_1798 = tpu.vector_load %arg5[%swap3A_1796, %swap3A_1797] {strides = array<i32>} : memref<8x512xf32, #tpu.memory_space<vmem>>, vector<16xf32>,
      tpu.vector_store %arg5[%swap3A_1796, %swap3A_1797], %gather3A_1794 {strides = array<i32>} : memref<8x512xf32, #tpu.memory_space<vmem>>, vector<16xf32>,
      %add3A_1799 = arith.constant 400 : i32
      %add3A_1800 = vector.broadcast %add3A_1799 : i32 to vector<16xi32>
      %add3A_1801 = arith.addi %iota3A, %add3A_1800 : vector<16xi32>
      %gather3A_1802 = tpu.vector_load_idx %run_scoped3A[%add3A_1801, %add3A_1598] : memref<512x128xf32, #tpu.memory_space<vmem>>[vector<16xi32>, vector<16xi32>], vector<16xf32>,
      %swap3A_1803 = arith.constant 6 : i32
      %swap3A_1804 = arith.index_cast %swap3A_1803 : i32 to index
      %swap3A_1805 = arith.constant 400 : index
      %swap3A_1806 = tpu.vector_load %arg5[%swap3A_1804, %swap3A_1805] {strides = array<i32>} : memref<8x512xf32, #tpu.memory_space<vmem>>, vector<16xf32>,
      tpu.vector_store %arg5[%swap3A_1804, %swap3A_1805], %gather3A_1802 {strides = array<i32>} : memref<8x512xf32, #tpu.memory_space<vmem>>, vector<16xf32>,
      %add3A_1807 = arith.constant 416 : i32
      %add3A_1808 = vector.broadcast %add3A_1807 : i32 to vector<16xi32>
      %add3A_1809 = arith.addi %iota3A, %add3A_1808 : vector<16xi32>
      %gather3A_1810 = tpu.vector_load_idx %run_scoped3A[%add3A_1809, %add3A_1598] : memref<512x128xf32, #tpu.memory_space<vmem>>[vector<16xi32>, vector<16xi32>], vector<16xf32>,
      %swap3A_1811 = arith.constant 6 : i32
      %swap3A_1812 = arith.index_cast %swap3A_1811 : i32 to index
      %swap3A_1813 = arith.constant 416 : index
      %swap3A_1814 = tpu.vector_load %arg5[%swap3A_1812, %swap3A_1813] {strides = array<i32>} : memref<8x512xf32, #tpu.memory_space<vmem>>, vector<16xf32>,
      tpu.vector_store %arg5[%swap3A_1812, %swap3A_1813], %gather3A_1810 {strides = array<i32>} : memref<8x512xf32, #tpu.memory_space<vmem>>, vector<16xf32>,
      %add3A_1815 = arith.constant 432 : i32
      %add3A_1816 = vector.broadcast %add3A_1815 : i32 to vector<16xi32>
      %add3A_1817 = arith.addi %iota3A, %add3A_1816 : vector<16xi32>
      %gather3A_1818 = tpu.vector_load_idx %run_scoped3A[%add3A_1817, %add3A_1598] : memref<512x128xf32, #tpu.memory_space<vmem>>[vector<16xi32>, vector<16xi32>], vector<16xf32>,
      %swap3A_1819 = arith.constant 6 : i32
      %swap3A_1820 = arith.index_cast %swap3A_1819 : i32 to index
      %swap3A_1821 = arith.constant 432 : index
      %swap3A_1822 = tpu.vector_load %arg5[%swap3A_1820, %swap3A_1821] {strides = array<i32>} : memref<8x512xf32, #tpu.memory_space<vmem>>, vector<16xf32>,
      tpu.vector_store %arg5[%swap3A_1820, %swap3A_1821], %gather3A_1818 {strides = array<i32>} : memref<8x512xf32, #tpu.memory_space<vmem>>, vector<16xf32>,
      %add3A_1823 = arith.constant 448 : i32
      %add3A_1824 = vector.broadcast %add3A_1823 : i32 to vector<16xi32>
      %add3A_1825 = arith.addi %iota3A, %add3A_1824 : vector<16xi32>
      %gather3A_1826 = tpu.vector_load_idx %run_scoped3A[%add3A_1825, %add3A_1598] : memref<512x128xf32, #tpu.memory_space<vmem>>[vector<16xi32>, vector<16xi32>], vector<16xf32>,
      %swap3A_1827 = arith.constant 6 : i32
      %swap3A_1828 = arith.index_cast %swap3A_1827 : i32 to index
      %swap3A_1829 = arith.constant 448 : index
      %swap3A_1830 = tpu.vector_load %arg5[%swap3A_1828, %swap3A_1829] {strides = array<i32>} : memref<8x512xf32, #tpu.memory_space<vmem>>, vector<16xf32>,
      tpu.vector_store %arg5[%swap3A_1828, %swap3A_1829], %gather3A_1826 {strides = array<i32>} : memref<8x512xf32, #tpu.memory_space<vmem>>, vector<16xf32>,
      %add3A_1831 = arith.constant 464 : i32
      %add3A_1832 = vector.broadcast %add3A_1831 : i32 to vector<16xi32>
      %add3A_1833 = arith.addi %iota3A, %add3A_1832 : vector<16xi32>
      %gather3A_1834 = tpu.vector_load_idx %run_scoped3A[%add3A_1833, %add3A_1598] : memref<512x128xf32, #tpu.memory_space<vmem>>[vector<16xi32>, vector<16xi32>], vector<16xf32>,
      %swap3A_1835 = arith.constant 6 : i32
      %swap3A_1836 = arith.index_cast %swap3A_1835 : i32 to index
      %swap3A_1837 = arith.constant 464 : index
      %swap3A_1838 = tpu.vector_load %arg5[%swap3A_1836, %swap3A_1837] {strides = array<i32>} : memref<8x512xf32, #tpu.memory_space<vmem>>, vector<16xf32>,
      tpu.vector_store %arg5[%swap3A_1836, %swap3A_1837], %gather3A_1834 {strides = array<i32>} : memref<8x512xf32, #tpu.memory_space<vmem>>, vector<16xf32>,
      %add3A_1839 = arith.constant 480 : i32
      %add3A_1840 = vector.broadcast %add3A_1839 : i32 to vector<16xi32>
      %add3A_1841 = arith.addi %iota3A, %add3A_1840 : vector<16xi32>
      %gather3A_1842 = tpu.vector_load_idx %run_scoped3A[%add3A_1841, %add3A_1598] : memref<512x128xf32, #tpu.memory_space<vmem>>[vector<16xi32>, vector<16xi32>], vector<16xf32>,
      %swap3A_1843 = arith.constant 6 : i32
      %swap3A_1844 = arith.index_cast %swap3A_1843 : i32 to index
      %swap3A_1845 = arith.constant 480 : index
      %swap3A_1846 = tpu.vector_load %arg5[%swap3A_1844, %swap3A_1845] {strides = array<i32>} : memref<8x512xf32, #tpu.memory_space<vmem>>, vector<16xf32>,
      tpu.vector_store %arg5[%swap3A_1844, %swap3A_1845], %gather3A_1842 {strides = array<i32>} : memref<8x512xf32, #tpu.memory_space<vmem>>, vector<16xf32>,
      %add3A_1847 = arith.constant 496 : i32
      %add3A_1848 = vector.broadcast %add3A_1847 : i32 to vector<16xi32>
      %add3A_1849 = arith.addi %iota3A, %add3A_1848 : vector<16xi32>
      %gather3A_1850 = tpu.vector_load_idx %run_scoped3A[%add3A_1849, %add3A_1598] : memref<512x128xf32, #tpu.memory_space<vmem>>[vector<16xi32>, vector<16xi32>], vector<16xf32>,
      %swap3A_1851 = arith.constant 6 : i32
      %swap3A_1852 = arith.index_cast %swap3A_1851 : i32 to index
      %swap3A_1853 = arith.constant 496 : index
      %swap3A_1854 = tpu.vector_load %arg5[%swap3A_1852, %swap3A_1853] {strides = array<i32>} : memref<8x512xf32, #tpu.memory_space<vmem>>, vector<16xf32>,
      tpu.vector_store %arg5[%swap3A_1852, %swap3A_1853], %gather3A_1850 {strides = array<i32>} : memref<8x512xf32, #tpu.memory_space<vmem>>, vector<16xf32>,
      %broadcast_in_dim3A_1855 = arith.constant 0 : i32
      %broadcast_in_dim3A_1856 = vector.broadcast %broadcast_in_dim3A_1855 : i32 to vector<16xi32>
      %add3A_1857 = arith.constant 7 : i32
      %add3A_1858 = arith.addi %rem3A_6, %add3A_1857 : i32
      %add3A_1859 = vector.broadcast %add3A_1858 : i32 to vector<16xi32>
      %add3A_1860 = arith.addi %broadcast_in_dim3A_1856, %add3A_1859 : vector<16xi32>
      %add3A_1861 = arith.constant 0 : i32
      %add3A_1862 = vector.broadcast %add3A_1861 : i32 to vector<16xi32>
      %add3A_1863 = arith.addi %iota3A, %add3A_1862 : vector<16xi32>
      %gather3A_1864 = tpu.vector_load_idx %run_scoped3A[%add3A_1863, %add3A_1860] : memref<512x128xf32, #tpu.memory_space<vmem>>[vector<16xi32>, vector<16xi32>], vector<16xf32>,
      %swap3A_1865 = arith.constant 7 : i32
      %swap3A_1866 = arith.index_cast %swap3A_1865 : i32 to index
      %swap3A_1867 = arith.constant 0 : index
      %swap3A_1868 = tpu.vector_load %arg5[%swap3A_1866, %swap3A_1867] {strides = array<i32>} : memref<8x512xf32, #tpu.memory_space<vmem>>, vector<16xf32>,
      tpu.vector_store %arg5[%swap3A_1866, %swap3A_1867], %gather3A_1864 {strides = array<i32>} : memref<8x512xf32, #tpu.memory_space<vmem>>, vector<16xf32>,
      %add3A_1869 = arith.constant 16 : i32
      %add3A_1870 = vector.broadcast %add3A_1869 : i32 to vector<16xi32>
      %add3A_1871 = arith.addi %iota3A, %add3A_1870 : vector<16xi32>
      %gather3A_1872 = tpu.vector_load_idx %run_scoped3A[%add3A_1871, %add3A_1860] : memref<512x128xf32, #tpu.memory_space<vmem>>[vector<16xi32>, vector<16xi32>], vector<16xf32>,
      %swap3A_1873 = arith.constant 7 : i32
      %swap3A_1874 = arith.index_cast %swap3A_1873 : i32 to index
      %swap3A_1875 = arith.constant 16 : index
      %swap3A_1876 = tpu.vector_load %arg5[%swap3A_1874, %swap3A_1875] {strides = array<i32>} : memref<8x512xf32, #tpu.memory_space<vmem>>, vector<16xf32>,
      tpu.vector_store %arg5[%swap3A_1874, %swap3A_1875], %gather3A_1872 {strides = array<i32>} : memref<8x512xf32, #tpu.memory_space<vmem>>, vector<16xf32>,
      %add3A_1877 = arith.constant 32 : i32
      %add3A_1878 = vector.broadcast %add3A_1877 : i32 to vector<16xi32>
      %add3A_1879 = arith.addi %iota3A, %add3A_1878 : vector<16xi32>
      %gather3A_1880 = tpu.vector_load_idx %run_scoped3A[%add3A_1879, %add3A_1860] : memref<512x128xf32, #tpu.memory_space<vmem>>[vector<16xi32>, vector<16xi32>], vector<16xf32>,
      %swap3A_1881 = arith.constant 7 : i32
      %swap3A_1882 = arith.index_cast %swap3A_1881 : i32 to index
      %swap3A_1883 = arith.constant 32 : index
      %swap3A_1884 = tpu.vector_load %arg5[%swap3A_1882, %swap3A_1883] {strides = array<i32>} : memref<8x512xf32, #tpu.memory_space<vmem>>, vector<16xf32>,
      tpu.vector_store %arg5[%swap3A_1882, %swap3A_1883], %gather3A_1880 {strides = array<i32>} : memref<8x512xf32, #tpu.memory_space<vmem>>, vector<16xf32>,
      %add3A_1885 = arith.constant 48 : i32
      %add3A_1886 = vector.broadcast %add3A_1885 : i32 to vector<16xi32>
      %add3A_1887 = arith.addi %iota3A, %add3A_1886 : vector<16xi32>
      %gather3A_1888 = tpu.vector_load_idx %run_scoped3A[%add3A_1887, %add3A_1860] : memref<512x128xf32, #tpu.memory_space<vmem>>[vector<16xi32>, vector<16xi32>], vector<16xf32>,
      %swap3A_1889 = arith.constant 7 : i32
      %swap3A_1890 = arith.index_cast %swap3A_1889 : i32 to index
      %swap3A_1891 = arith.constant 48 : index
      %swap3A_1892 = tpu.vector_load %arg5[%swap3A_1890, %swap3A_1891] {strides = array<i32>} : memref<8x512xf32, #tpu.memory_space<vmem>>, vector<16xf32>,
      tpu.vector_store %arg5[%swap3A_1890, %swap3A_1891], %gather3A_1888 {strides = array<i32>} : memref<8x512xf32, #tpu.memory_space<vmem>>, vector<16xf32>,
      %add3A_1893 = arith.constant 64 : i32
      %add3A_1894 = vector.broadcast %add3A_1893 : i32 to vector<16xi32>
      %add3A_1895 = arith.addi %iota3A, %add3A_1894 : vector<16xi32>
      %gather3A_1896 = tpu.vector_load_idx %run_scoped3A[%add3A_1895, %add3A_1860] : memref<512x128xf32, #tpu.memory_space<vmem>>[vector<16xi32>, vector<16xi32>], vector<16xf32>,
      %swap3A_1897 = arith.constant 7 : i32
      %swap3A_1898 = arith.index_cast %swap3A_1897 : i32 to index
      %swap3A_1899 = arith.constant 64 : index
      %swap3A_1900 = tpu.vector_load %arg5[%swap3A_1898, %swap3A_1899] {strides = array<i32>} : memref<8x512xf32, #tpu.memory_space<vmem>>, vector<16xf32>,
      tpu.vector_store %arg5[%swap3A_1898, %swap3A_1899], %gather3A_1896 {strides = array<i32>} : memref<8x512xf32, #tpu.memory_space<vmem>>, vector<16xf32>,
      %add3A_1901 = arith.constant 80 : i32
      %add3A_1902 = vector.broadcast %add3A_1901 : i32 to vector<16xi32>
      %add3A_1903 = arith.addi %iota3A, %add3A_1902 : vector<16xi32>
      %gather3A_1904 = tpu.vector_load_idx %run_scoped3A[%add3A_1903, %add3A_1860] : memref<512x128xf32, #tpu.memory_space<vmem>>[vector<16xi32>, vector<16xi32>], vector<16xf32>,
      %swap3A_1905 = arith.constant 7 : i32
      %swap3A_1906 = arith.index_cast %swap3A_1905 : i32 to index
      %swap3A_1907 = arith.constant 80 : index
      %swap3A_1908 = tpu.vector_load %arg5[%swap3A_1906, %swap3A_1907] {strides = array<i32>} : memref<8x512xf32, #tpu.memory_space<vmem>>, vector<16xf32>,
      tpu.vector_store %arg5[%swap3A_1906, %swap3A_1907], %gather3A_1904 {strides = array<i32>} : memref<8x512xf32, #tpu.memory_space<vmem>>, vector<16xf32>,
      %add3A_1909 = arith.constant 96 : i32
      %add3A_1910 = vector.broadcast %add3A_1909 : i32 to vector<16xi32>
      %add3A_1911 = arith.addi %iota3A, %add3A_1910 : vector<16xi32>
      %gather3A_1912 = tpu.vector_load_idx %run_scoped3A[%add3A_1911, %add3A_1860] : memref<512x128xf32, #tpu.memory_space<vmem>>[vector<16xi32>, vector<16xi32>], vector<16xf32>,
      %swap3A_1913 = arith.constant 7 : i32
      %swap3A_1914 = arith.index_cast %swap3A_1913 : i32 to index
      %swap3A_1915 = arith.constant 96 : index
      %swap3A_1916 = tpu.vector_load %arg5[%swap3A_1914, %swap3A_1915] {strides = array<i32>} : memref<8x512xf32, #tpu.memory_space<vmem>>, vector<16xf32>,
      tpu.vector_store %arg5[%swap3A_1914, %swap3A_1915], %gather3A_1912 {strides = array<i32>} : memref<8x512xf32, #tpu.memory_space<vmem>>, vector<16xf32>,
      %add3A_1917 = arith.constant 112 : i32
      %add3A_1918 = vector.broadcast %add3A_1917 : i32 to vector<16xi32>
      %add3A_1919 = arith.addi %iota3A, %add3A_1918 : vector<16xi32>
      %gather3A_1920 = tpu.vector_load_idx %run_scoped3A[%add3A_1919, %add3A_1860] : memref<512x128xf32, #tpu.memory_space<vmem>>[vector<16xi32>, vector<16xi32>], vector<16xf32>,
      %swap3A_1921 = arith.constant 7 : i32
      %swap3A_1922 = arith.index_cast %swap3A_1921 : i32 to index
      %swap3A_1923 = arith.constant 112 : index
      %swap3A_1924 = tpu.vector_load %arg5[%swap3A_1922, %swap3A_1923] {strides = array<i32>} : memref<8x512xf32, #tpu.memory_space<vmem>>, vector<16xf32>,
      tpu.vector_store %arg5[%swap3A_1922, %swap3A_1923], %gather3A_1920 {strides = array<i32>} : memref<8x512xf32, #tpu.memory_space<vmem>>, vector<16xf32>,
      %add3A_1925 = arith.constant 128 : i32
      %add3A_1926 = vector.broadcast %add3A_1925 : i32 to vector<16xi32>
      %add3A_1927 = arith.addi %iota3A, %add3A_1926 : vector<16xi32>
      %gather3A_1928 = tpu.vector_load_idx %run_scoped3A[%add3A_1927, %add3A_1860] : memref<512x128xf32, #tpu.memory_space<vmem>>[vector<16xi32>, vector<16xi32>], vector<16xf32>,
      %swap3A_1929 = arith.constant 7 : i32
      %swap3A_1930 = arith.index_cast %swap3A_1929 : i32 to index
      %swap3A_1931 = arith.constant 128 : index
      %swap3A_1932 = tpu.vector_load %arg5[%swap3A_1930, %swap3A_1931] {strides = array<i32>} : memref<8x512xf32, #tpu.memory_space<vmem>>, vector<16xf32>,
      tpu.vector_store %arg5[%swap3A_1930, %swap3A_1931], %gather3A_1928 {strides = array<i32>} : memref<8x512xf32, #tpu.memory_space<vmem>>, vector<16xf32>,
      %add3A_1933 = arith.constant 144 : i32
      %add3A_1934 = vector.broadcast %add3A_1933 : i32 to vector<16xi32>
      %add3A_1935 = arith.addi %iota3A, %add3A_1934 : vector<16xi32>
      %gather3A_1936 = tpu.vector_load_idx %run_scoped3A[%add3A_1935, %add3A_1860] : memref<512x128xf32, #tpu.memory_space<vmem>>[vector<16xi32>, vector<16xi32>], vector<16xf32>,
      %swap3A_1937 = arith.constant 7 : i32
      %swap3A_1938 = arith.index_cast %swap3A_1937 : i32 to index
      %swap3A_1939 = arith.constant 144 : index
      %swap3A_1940 = tpu.vector_load %arg5[%swap3A_1938, %swap3A_1939] {strides = array<i32>} : memref<8x512xf32, #tpu.memory_space<vmem>>, vector<16xf32>,
      tpu.vector_store %arg5[%swap3A_1938, %swap3A_1939], %gather3A_1936 {strides = array<i32>} : memref<8x512xf32, #tpu.memory_space<vmem>>, vector<16xf32>,
      %add3A_1941 = arith.constant 160 : i32
      %add3A_1942 = vector.broadcast %add3A_1941 : i32 to vector<16xi32>
      %add3A_1943 = arith.addi %iota3A, %add3A_1942 : vector<16xi32>
      %gather3A_1944 = tpu.vector_load_idx %run_scoped3A[%add3A_1943, %add3A_1860] : memref<512x128xf32, #tpu.memory_space<vmem>>[vector<16xi32>, vector<16xi32>], vector<16xf32>,
      %swap3A_1945 = arith.constant 7 : i32
      %swap3A_1946 = arith.index_cast %swap3A_1945 : i32 to index
      %swap3A_1947 = arith.constant 160 : index
      %swap3A_1948 = tpu.vector_load %arg5[%swap3A_1946, %swap3A_1947] {strides = array<i32>} : memref<8x512xf32, #tpu.memory_space<vmem>>, vector<16xf32>,
      tpu.vector_store %arg5[%swap3A_1946, %swap3A_1947], %gather3A_1944 {strides = array<i32>} : memref<8x512xf32, #tpu.memory_space<vmem>>, vector<16xf32>,
      %add3A_1949 = arith.constant 176 : i32
      %add3A_1950 = vector.broadcast %add3A_1949 : i32 to vector<16xi32>
      %add3A_1951 = arith.addi %iota3A, %add3A_1950 : vector<16xi32>
      %gather3A_1952 = tpu.vector_load_idx %run_scoped3A[%add3A_1951, %add3A_1860] : memref<512x128xf32, #tpu.memory_space<vmem>>[vector<16xi32>, vector<16xi32>], vector<16xf32>,
      %swap3A_1953 = arith.constant 7 : i32
      %swap3A_1954 = arith.index_cast %swap3A_1953 : i32 to index
      %swap3A_1955 = arith.constant 176 : index
      %swap3A_1956 = tpu.vector_load %arg5[%swap3A_1954, %swap3A_1955] {strides = array<i32>} : memref<8x512xf32, #tpu.memory_space<vmem>>, vector<16xf32>,
      tpu.vector_store %arg5[%swap3A_1954, %swap3A_1955], %gather3A_1952 {strides = array<i32>} : memref<8x512xf32, #tpu.memory_space<vmem>>, vector<16xf32>,
      %add3A_1957 = arith.constant 192 : i32
      %add3A_1958 = vector.broadcast %add3A_1957 : i32 to vector<16xi32>
      %add3A_1959 = arith.addi %iota3A, %add3A_1958 : vector<16xi32>
      %gather3A_1960 = tpu.vector_load_idx %run_scoped3A[%add3A_1959, %add3A_1860] : memref<512x128xf32, #tpu.memory_space<vmem>>[vector<16xi32>, vector<16xi32>], vector<16xf32>,
      %swap3A_1961 = arith.constant 7 : i32
      %swap3A_1962 = arith.index_cast %swap3A_1961 : i32 to index
      %swap3A_1963 = arith.constant 192 : index
      %swap3A_1964 = tpu.vector_load %arg5[%swap3A_1962, %swap3A_1963] {strides = array<i32>} : memref<8x512xf32, #tpu.memory_space<vmem>>, vector<16xf32>,
      tpu.vector_store %arg5[%swap3A_1962, %swap3A_1963], %gather3A_1960 {strides = array<i32>} : memref<8x512xf32, #tpu.memory_space<vmem>>, vector<16xf32>,
      %add3A_1965 = arith.constant 208 : i32
      %add3A_1966 = vector.broadcast %add3A_1965 : i32 to vector<16xi32>
      %add3A_1967 = arith.addi %iota3A, %add3A_1966 : vector<16xi32>
      %gather3A_1968 = tpu.vector_load_idx %run_scoped3A[%add3A_1967, %add3A_1860] : memref<512x128xf32, #tpu.memory_space<vmem>>[vector<16xi32>, vector<16xi32>], vector<16xf32>,
      %swap3A_1969 = arith.constant 7 : i32
      %swap3A_1970 = arith.index_cast %swap3A_1969 : i32 to index
      %swap3A_1971 = arith.constant 208 : index
      %swap3A_1972 = tpu.vector_load %arg5[%swap3A_1970, %swap3A_1971] {strides = array<i32>} : memref<8x512xf32, #tpu.memory_space<vmem>>, vector<16xf32>,
      tpu.vector_store %arg5[%swap3A_1970, %swap3A_1971], %gather3A_1968 {strides = array<i32>} : memref<8x512xf32, #tpu.memory_space<vmem>>, vector<16xf32>,
      %add3A_1973 = arith.constant 224 : i32
      %add3A_1974 = vector.broadcast %add3A_1973 : i32 to vector<16xi32>
      %add3A_1975 = arith.addi %iota3A, %add3A_1974 : vector<16xi32>
      %gather3A_1976 = tpu.vector_load_idx %run_scoped3A[%add3A_1975, %add3A_1860] : memref<512x128xf32, #tpu.memory_space<vmem>>[vector<16xi32>, vector<16xi32>], vector<16xf32>,
      %swap3A_1977 = arith.constant 7 : i32
      %swap3A_1978 = arith.index_cast %swap3A_1977 : i32 to index
      %swap3A_1979 = arith.constant 224 : index
      %swap3A_1980 = tpu.vector_load %arg5[%swap3A_1978, %swap3A_1979] {strides = array<i32>} : memref<8x512xf32, #tpu.memory_space<vmem>>, vector<16xf32>,
      tpu.vector_store %arg5[%swap3A_1978, %swap3A_1979], %gather3A_1976 {strides = array<i32>} : memref<8x512xf32, #tpu.memory_space<vmem>>, vector<16xf32>,
      %add3A_1981 = arith.constant 240 : i32
      %add3A_1982 = vector.broadcast %add3A_1981 : i32 to vector<16xi32>
      %add3A_1983 = arith.addi %iota3A, %add3A_1982 : vector<16xi32>
      %gather3A_1984 = tpu.vector_load_idx %run_scoped3A[%add3A_1983, %add3A_1860] : memref<512x128xf32, #tpu.memory_space<vmem>>[vector<16xi32>, vector<16xi32>], vector<16xf32>,
      %swap3A_1985 = arith.constant 7 : i32
      %swap3A_1986 = arith.index_cast %swap3A_1985 : i32 to index
      %swap3A_1987 = arith.constant 240 : index
      %swap3A_1988 = tpu.vector_load %arg5[%swap3A_1986, %swap3A_1987] {strides = array<i32>} : memref<8x512xf32, #tpu.memory_space<vmem>>, vector<16xf32>,
      tpu.vector_store %arg5[%swap3A_1986, %swap3A_1987], %gather3A_1984 {strides = array<i32>} : memref<8x512xf32, #tpu.memory_space<vmem>>, vector<16xf32>,
      %add3A_1989 = arith.constant 256 : i32
      %add3A_1990 = vector.broadcast %add3A_1989 : i32 to vector<16xi32>
      %add3A_1991 = arith.addi %iota3A, %add3A_1990 : vector<16xi32>
      %gather3A_1992 = tpu.vector_load_idx %run_scoped3A[%add3A_1991, %add3A_1860] : memref<512x128xf32, #tpu.memory_space<vmem>>[vector<16xi32>, vector<16xi32>], vector<16xf32>,
      %swap3A_1993 = arith.constant 7 : i32
      %swap3A_1994 = arith.index_cast %swap3A_1993 : i32 to index
      %swap3A_1995 = arith.constant 256 : index
      %swap3A_1996 = tpu.vector_load %arg5[%swap3A_1994, %swap3A_1995] {strides = array<i32>} : memref<8x512xf32, #tpu.memory_space<vmem>>, vector<16xf32>,
      tpu.vector_store %arg5[%swap3A_1994, %swap3A_1995], %gather3A_1992 {strides = array<i32>} : memref<8x512xf32, #tpu.memory_space<vmem>>, vector<16xf32>,
      %add3A_1997 = arith.constant 272 : i32
      %add3A_1998 = vector.broadcast %add3A_1997 : i32 to vector<16xi32>
      %add3A_1999 = arith.addi %iota3A, %add3A_1998 : vector<16xi32>
      %gather3A_2000 = tpu.vector_load_idx %run_scoped3A[%add3A_1999, %add3A_1860] : memref<512x128xf32, #tpu.memory_space<vmem>>[vector<16xi32>, vector<16xi32>], vector<16xf32>,
      %swap3A_2001 = arith.constant 7 : i32
      %swap3A_2002 = arith.index_cast %swap3A_2001 : i32 to index
      %swap3A_2003 = arith.constant 272 : index
      %swap3A_2004 = tpu.vector_load %arg5[%swap3A_2002, %swap3A_2003] {strides = array<i32>} : memref<8x512xf32, #tpu.memory_space<vmem>>, vector<16xf32>,
      tpu.vector_store %arg5[%swap3A_2002, %swap3A_2003], %gather3A_2000 {strides = array<i32>} : memref<8x512xf32, #tpu.memory_space<vmem>>, vector<16xf32>,
      %add3A_2005 = arith.constant 288 : i32
      %add3A_2006 = vector.broadcast %add3A_2005 : i32 to vector<16xi32>
      %add3A_2007 = arith.addi %iota3A, %add3A_2006 : vector<16xi32>
      %gather3A_2008 = tpu.vector_load_idx %run_scoped3A[%add3A_2007, %add3A_1860] : memref<512x128xf32, #tpu.memory_space<vmem>>[vector<16xi32>, vector<16xi32>], vector<16xf32>,
      %swap3A_2009 = arith.constant 7 : i32
      %swap3A_2010 = arith.index_cast %swap3A_2009 : i32 to index
      %swap3A_2011 = arith.constant 288 : index
      %swap3A_2012 = tpu.vector_load %arg5[%swap3A_2010, %swap3A_2011] {strides = array<i32>} : memref<8x512xf32, #tpu.memory_space<vmem>>, vector<16xf32>,
      tpu.vector_store %arg5[%swap3A_2010, %swap3A_2011], %gather3A_2008 {strides = array<i32>} : memref<8x512xf32, #tpu.memory_space<vmem>>, vector<16xf32>,
      %add3A_2013 = arith.constant 304 : i32
      %add3A_2014 = vector.broadcast %add3A_2013 : i32 to vector<16xi32>
      %add3A_2015 = arith.addi %iota3A, %add3A_2014 : vector<16xi32>
      %gather3A_2016 = tpu.vector_load_idx %run_scoped3A[%add3A_2015, %add3A_1860] : memref<512x128xf32, #tpu.memory_space<vmem>>[vector<16xi32>, vector<16xi32>], vector<16xf32>,
      %swap3A_2017 = arith.constant 7 : i32
      %swap3A_2018 = arith.index_cast %swap3A_2017 : i32 to index
      %swap3A_2019 = arith.constant 304 : index
      %swap3A_2020 = tpu.vector_load %arg5[%swap3A_2018, %swap3A_2019] {strides = array<i32>} : memref<8x512xf32, #tpu.memory_space<vmem>>, vector<16xf32>,
      tpu.vector_store %arg5[%swap3A_2018, %swap3A_2019], %gather3A_2016 {strides = array<i32>} : memref<8x512xf32, #tpu.memory_space<vmem>>, vector<16xf32>,
      %add3A_2021 = arith.constant 320 : i32
      %add3A_2022 = vector.broadcast %add3A_2021 : i32 to vector<16xi32>
      %add3A_2023 = arith.addi %iota3A, %add3A_2022 : vector<16xi32>
      %gather3A_2024 = tpu.vector_load_idx %run_scoped3A[%add3A_2023, %add3A_1860] : memref<512x128xf32, #tpu.memory_space<vmem>>[vector<16xi32>, vector<16xi32>], vector<16xf32>,
      %swap3A_2025 = arith.constant 7 : i32
      %swap3A_2026 = arith.index_cast %swap3A_2025 : i32 to index
      %swap3A_2027 = arith.constant 320 : index
      %swap3A_2028 = tpu.vector_load %arg5[%swap3A_2026, %swap3A_2027] {strides = array<i32>} : memref<8x512xf32, #tpu.memory_space<vmem>>, vector<16xf32>,
      tpu.vector_store %arg5[%swap3A_2026, %swap3A_2027], %gather3A_2024 {strides = array<i32>} : memref<8x512xf32, #tpu.memory_space<vmem>>, vector<16xf32>,
      %add3A_2029 = arith.constant 336 : i32
      %add3A_2030 = vector.broadcast %add3A_2029 : i32 to vector<16xi32>
      %add3A_2031 = arith.addi %iota3A, %add3A_2030 : vector<16xi32>
      %gather3A_2032 = tpu.vector_load_idx %run_scoped3A[%add3A_2031, %add3A_1860] : memref<512x128xf32, #tpu.memory_space<vmem>>[vector<16xi32>, vector<16xi32>], vector<16xf32>,
      %swap3A_2033 = arith.constant 7 : i32
      %swap3A_2034 = arith.index_cast %swap3A_2033 : i32 to index
      %swap3A_2035 = arith.constant 336 : index
      %swap3A_2036 = tpu.vector_load %arg5[%swap3A_2034, %swap3A_2035] {strides = array<i32>} : memref<8x512xf32, #tpu.memory_space<vmem>>, vector<16xf32>,
      tpu.vector_store %arg5[%swap3A_2034, %swap3A_2035], %gather3A_2032 {strides = array<i32>} : memref<8x512xf32, #tpu.memory_space<vmem>>, vector<16xf32>,
      %add3A_2037 = arith.constant 352 : i32
      %add3A_2038 = vector.broadcast %add3A_2037 : i32 to vector<16xi32>
      %add3A_2039 = arith.addi %iota3A, %add3A_2038 : vector<16xi32>
      %gather3A_2040 = tpu.vector_load_idx %run_scoped3A[%add3A_2039, %add3A_1860] : memref<512x128xf32, #tpu.memory_space<vmem>>[vector<16xi32>, vector<16xi32>], vector<16xf32>,
      %swap3A_2041 = arith.constant 7 : i32
      %swap3A_2042 = arith.index_cast %swap3A_2041 : i32 to index
      %swap3A_2043 = arith.constant 352 : index
      %swap3A_2044 = tpu.vector_load %arg5[%swap3A_2042, %swap3A_2043] {strides = array<i32>} : memref<8x512xf32, #tpu.memory_space<vmem>>, vector<16xf32>,
      tpu.vector_store %arg5[%swap3A_2042, %swap3A_2043], %gather3A_2040 {strides = array<i32>} : memref<8x512xf32, #tpu.memory_space<vmem>>, vector<16xf32>,
      %add3A_2045 = arith.constant 368 : i32
      %add3A_2046 = vector.broadcast %add3A_2045 : i32 to vector<16xi32>
      %add3A_2047 = arith.addi %iota3A, %add3A_2046 : vector<16xi32>
      %gather3A_2048 = tpu.vector_load_idx %run_scoped3A[%add3A_2047, %add3A_1860] : memref<512x128xf32, #tpu.memory_space<vmem>>[vector<16xi32>, vector<16xi32>], vector<16xf32>,
      %swap3A_2049 = arith.constant 7 : i32
      %swap3A_2050 = arith.index_cast %swap3A_2049 : i32 to index
      %swap3A_2051 = arith.constant 368 : index
      %swap3A_2052 = tpu.vector_load %arg5[%swap3A_2050, %swap3A_2051] {strides = array<i32>} : memref<8x512xf32, #tpu.memory_space<vmem>>, vector<16xf32>,
      tpu.vector_store %arg5[%swap3A_2050, %swap3A_2051], %gather3A_2048 {strides = array<i32>} : memref<8x512xf32, #tpu.memory_space<vmem>>, vector<16xf32>,
      %add3A_2053 = arith.constant 384 : i32
      %add3A_2054 = vector.broadcast %add3A_2053 : i32 to vector<16xi32>
      %add3A_2055 = arith.addi %iota3A, %add3A_2054 : vector<16xi32>
      %gather3A_2056 = tpu.vector_load_idx %run_scoped3A[%add3A_2055, %add3A_1860] : memref<512x128xf32, #tpu.memory_space<vmem>>[vector<16xi32>, vector<16xi32>], vector<16xf32>,
      %swap3A_2057 = arith.constant 7 : i32
      %swap3A_2058 = arith.index_cast %swap3A_2057 : i32 to index
      %swap3A_2059 = arith.constant 384 : index
      %swap3A_2060 = tpu.vector_load %arg5[%swap3A_2058, %swap3A_2059] {strides = array<i32>} : memref<8x512xf32, #tpu.memory_space<vmem>>, vector<16xf32>,
      tpu.vector_store %arg5[%swap3A_2058, %swap3A_2059], %gather3A_2056 {strides = array<i32>} : memref<8x512xf32, #tpu.memory_space<vmem>>, vector<16xf32>,
      %add3A_2061 = arith.constant 400 : i32
      %add3A_2062 = vector.broadcast %add3A_2061 : i32 to vector<16xi32>
      %add3A_2063 = arith.addi %iota3A, %add3A_2062 : vector<16xi32>
      %gather3A_2064 = tpu.vector_load_idx %run_scoped3A[%add3A_2063, %add3A_1860] : memref<512x128xf32, #tpu.memory_space<vmem>>[vector<16xi32>, vector<16xi32>], vector<16xf32>,
      %swap3A_2065 = arith.constant 7 : i32
      %swap3A_2066 = arith.index_cast %swap3A_2065 : i32 to index
      %swap3A_2067 = arith.constant 400 : index
      %swap3A_2068 = tpu.vector_load %arg5[%swap3A_2066, %swap3A_2067] {strides = array<i32>} : memref<8x512xf32, #tpu.memory_space<vmem>>, vector<16xf32>,
      tpu.vector_store %arg5[%swap3A_2066, %swap3A_2067], %gather3A_2064 {strides = array<i32>} : memref<8x512xf32, #tpu.memory_space<vmem>>, vector<16xf32>,
      %add3A_2069 = arith.constant 416 : i32
      %add3A_2070 = vector.broadcast %add3A_2069 : i32 to vector<16xi32>
      %add3A_2071 = arith.addi %iota3A, %add3A_2070 : vector<16xi32>
      %gather3A_2072 = tpu.vector_load_idx %run_scoped3A[%add3A_2071, %add3A_1860] : memref<512x128xf32, #tpu.memory_space<vmem>>[vector<16xi32>, vector<16xi32>], vector<16xf32>,
      %swap3A_2073 = arith.constant 7 : i32
      %swap3A_2074 = arith.index_cast %swap3A_2073 : i32 to index
      %swap3A_2075 = arith.constant 416 : index
      %swap3A_2076 = tpu.vector_load %arg5[%swap3A_2074, %swap3A_2075] {strides = array<i32>} : memref<8x512xf32, #tpu.memory_space<vmem>>, vector<16xf32>,
      tpu.vector_store %arg5[%swap3A_2074, %swap3A_2075], %gather3A_2072 {strides = array<i32>} : memref<8x512xf32, #tpu.memory_space<vmem>>, vector<16xf32>,
      %add3A_2077 = arith.constant 432 : i32
      %add3A_2078 = vector.broadcast %add3A_2077 : i32 to vector<16xi32>
      %add3A_2079 = arith.addi %iota3A, %add3A_2078 : vector<16xi32>
      %gather3A_2080 = tpu.vector_load_idx %run_scoped3A[%add3A_2079, %add3A_1860] : memref<512x128xf32, #tpu.memory_space<vmem>>[vector<16xi32>, vector<16xi32>], vector<16xf32>,
      %swap3A_2081 = arith.constant 7 : i32
      %swap3A_2082 = arith.index_cast %swap3A_2081 : i32 to index
      %swap3A_2083 = arith.constant 432 : index
      %swap3A_2084 = tpu.vector_load %arg5[%swap3A_2082, %swap3A_2083] {strides = array<i32>} : memref<8x512xf32, #tpu.memory_space<vmem>>, vector<16xf32>,
      tpu.vector_store %arg5[%swap3A_2082, %swap3A_2083], %gather3A_2080 {strides = array<i32>} : memref<8x512xf32, #tpu.memory_space<vmem>>, vector<16xf32>,
      %add3A_2085 = arith.constant 448 : i32
      %add3A_2086 = vector.broadcast %add3A_2085 : i32 to vector<16xi32>
      %add3A_2087 = arith.addi %iota3A, %add3A_2086 : vector<16xi32>
      %gather3A_2088 = tpu.vector_load_idx %run_scoped3A[%add3A_2087, %add3A_1860] : memref<512x128xf32, #tpu.memory_space<vmem>>[vector<16xi32>, vector<16xi32>], vector<16xf32>,
      %swap3A_2089 = arith.constant 7 : i32
      %swap3A_2090 = arith.index_cast %swap3A_2089 : i32 to index
      %swap3A_2091 = arith.constant 448 : index
      %swap3A_2092 = tpu.vector_load %arg5[%swap3A_2090, %swap3A_2091] {strides = array<i32>} : memref<8x512xf32, #tpu.memory_space<vmem>>, vector<16xf32>,
      tpu.vector_store %arg5[%swap3A_2090, %swap3A_2091], %gather3A_2088 {strides = array<i32>} : memref<8x512xf32, #tpu.memory_space<vmem>>, vector<16xf32>,
      %add3A_2093 = arith.constant 464 : i32
      %add3A_2094 = vector.broadcast %add3A_2093 : i32 to vector<16xi32>
      %add3A_2095 = arith.addi %iota3A, %add3A_2094 : vector<16xi32>
      %gather3A_2096 = tpu.vector_load_idx %run_scoped3A[%add3A_2095, %add3A_1860] : memref<512x128xf32, #tpu.memory_space<vmem>>[vector<16xi32>, vector<16xi32>], vector<16xf32>,
      %swap3A_2097 = arith.constant 7 : i32
      %swap3A_2098 = arith.index_cast %swap3A_2097 : i32 to index
      %swap3A_2099 = arith.constant 464 : index
      %swap3A_2100 = tpu.vector_load %arg5[%swap3A_2098, %swap3A_2099] {strides = array<i32>} : memref<8x512xf32, #tpu.memory_space<vmem>>, vector<16xf32>,
      tpu.vector_store %arg5[%swap3A_2098, %swap3A_2099], %gather3A_2096 {strides = array<i32>} : memref<8x512xf32, #tpu.memory_space<vmem>>, vector<16xf32>,
      %add3A_2101 = arith.constant 480 : i32
      %add3A_2102 = vector.broadcast %add3A_2101 : i32 to vector<16xi32>
      %add3A_2103 = arith.addi %iota3A, %add3A_2102 : vector<16xi32>
      %gather3A_2104 = tpu.vector_load_idx %run_scoped3A[%add3A_2103, %add3A_1860] : memref<512x128xf32, #tpu.memory_space<vmem>>[vector<16xi32>, vector<16xi32>], vector<16xf32>,
      %swap3A_2105 = arith.constant 7 : i32
      %swap3A_2106 = arith.index_cast %swap3A_2105 : i32 to index
      %swap3A_2107 = arith.constant 480 : index
      %swap3A_2108 = tpu.vector_load %arg5[%swap3A_2106, %swap3A_2107] {strides = array<i32>} : memref<8x512xf32, #tpu.memory_space<vmem>>, vector<16xf32>,
      tpu.vector_store %arg5[%swap3A_2106, %swap3A_2107], %gather3A_2104 {strides = array<i32>} : memref<8x512xf32, #tpu.memory_space<vmem>>, vector<16xf32>,
      %add3A_2109 = arith.constant 496 : i32
      %add3A_2110 = vector.broadcast %add3A_2109 : i32 to vector<16xi32>
      %add3A_2111 = arith.addi %iota3A, %add3A_2110 : vector<16xi32>
      %gather3A_2112 = tpu.vector_load_idx %run_scoped3A[%add3A_2111, %add3A_1860] : memref<512x128xf32, #tpu.memory_space<vmem>>[vector<16xi32>, vector<16xi32>], vector<16xf32>,
      %swap3A_2113 = arith.constant 7 : i32
      %swap3A_2114 = arith.index_cast %swap3A_2113 : i32 to index
      %swap3A_2115 = arith.constant 496 : index
      %swap3A_2116 = tpu.vector_load %arg5[%swap3A_2114, %swap3A_2115] {strides = array<i32>} : memref<8x512xf32, #tpu.memory_space<vmem>>, vector<16xf32>,
      tpu.vector_store %arg5[%swap3A_2114, %swap3A_2115], %gather3A_2112 {strides = array<i32>} : memref<8x512xf32, #tpu.memory_space<vmem>>, vector<16xf32>,
      tpu.yield
    }) : () -> ()
    %dma_start3A = arith.constant 0 : i32
    %dma_start3A_7 = arith.constant 0 : i32
    %dma_start3A_8 = arith.constant 0 : i32
    %dma_start3A_9 = arith.constant 0 : i32
    %dma_start3A_10 = tpu.memref_slice %arg6[%dma_start3A, %dma_start3A_8, %dma_start3A_9] : memref<2x8x256xf32, #tpu.memory_space<vmem>> -> memref<1x8x256xf32, #tpu.memory_space<vmem>>
    %dma_start3A_11 = tpu.memref_squeeze %dma_start3A_10 : memref<1x8x256xf32, #tpu.memory_space<vmem>> -> memref<8x256xf32, #tpu.memory_space<vmem>>
    %dma_start3A_12 = arith.constant 0 : i32
    %dma_start3A_13 = arith.constant 0 : i32
    %dma_start3A_14 = tpu.memref_slice %arg2[%dma_start3A_12, %dma_start3A_13] : memref<256x256xf32, #tpu.memory_space<hbm>> -> memref<8x256xf32, #tpu.memory_space<hbm>>
    %dma_start3A_15 = tpu.memref_slice %arg7[%dma_start3A_7] : memref<2x!tpu.dma_semaphore, #tpu.memory_space<semaphore_mem>> -> memref<1x!tpu.dma_semaphore, #tpu.memory_space<semaphore_mem>>
    %dma_start3A_16 = tpu.memref_squeeze %dma_start3A_15 : memref<1x!tpu.dma_semaphore, #tpu.memory_space<semaphore_mem>> -> memref<!tpu.dma_semaphore, #tpu.memory_space<semaphore_mem>>
    %dma_start3A_17 = arith.constant 0 : i32
    %dma_start3A_18 = arith.constant 0 : i32
    %dma_start3A_19 = tpu.memref_slice %arg6[%dma_start3A, %dma_start3A_17, %dma_start3A_18] : memref<2x8x256xf32, #tpu.memory_space<vmem>> -> memref<1x8x256xf32, #tpu.memory_space<vmem>>
    %dma_start3A_20 = tpu.memref_squeeze %dma_start3A_19 : memref<1x8x256xf32, #tpu.memory_space<vmem>> -> memref<8x256xf32, #tpu.memory_space<vmem>>
    %dma_start3A_21 = arith.constant 0 : i32
    %dma_start3A_22 = arith.constant 0 : i32
    %dma_start3A_23 = tpu.memref_slice %arg2[%dma_start3A_21, %dma_start3A_22] : memref<256x256xf32, #tpu.memory_space<hbm>> -> memref<8x256xf32, #tpu.memory_space<hbm>>
    tpu.enqueue_dma source(%dma_start3A_23 : memref<8x256xf32, #tpu.memory_space<hbm>>) target(%dma_start3A_20 : memref<8x256xf32, #tpu.memory_space<vmem>>) target_semaphore(%dma_start3A_16 : memref<!tpu.dma_semaphore, #tpu.memory_space<semaphore_mem>>)
    "tpu.region"() ({
      %run_scoped3A = memref.alloca() : memref<4x8x8x256xf32, #tpu.memory_space<vmem>>
      %scan3A = arith.constant 0 : i32
      %scan3A_24 = arith.constant 0 : i32
      %scan3A_25 = arith.constant 32 : i32
      %scan3A_26 = arith.addi %scan3A_24, %scan3A_25 : i32
      %scan3A_27 = arith.constant 1 : i32
      scf.for %scan3A_764 = %scan3A_24 to %scan3A_26 step %scan3A_27  : i32 {
        %mul3A_765 = arith.constant 8 : i32
        %mul3A_766 = arith.muli %scan3A_764, %mul3A_765 : i32
        %rem3A_767 = arith.constant 4 : i32
        %rem3A_768 = arith.remsi %scan3A_764, %rem3A_767 : i32
        %rem3A_769 = arith.constant 2 : i32
        %rem3A_770 = arith.remsi %scan3A_764, %rem3A_769 : i32
        %ge3A = arith.constant 4 : i32
        %ge3A_771 = arith.cmpi sge, %scan3A_764, %ge3A : i32
        %convert_element_type3A = arith.extui %ge3A_771 : i1 to i32
        %cond3A = arith.constant 0 : i32
        %cond3A_772 = arith.cmpi ne, %convert_element_type3A, %cond3A : i32
        scf.if %cond3A_772 {
          %add3A_1100 = arith.constant 0 : i32
          %add3A_1101 = arith.addi %mul3A_2, %add3A_1100 : i32
          %dma_wait3A_1102 = arith.constant 0 : i32
          %dma_wait3A_1103 = arith.constant 0 : i32
          %dma_wait3A_1104 = arith.constant 0 : i32
          %dma_wait3A_1105 = tpu.memref_slice %run_scoped3A[%rem3A_768, %dma_wait3A_1102, %dma_wait3A_1103, %dma_wait3A_1104] : memref<4x8x8x256xf32, #tpu.memory_space<vmem>> -> memref<1x1x8x256xf32, #tpu.memory_space<vmem>>
          %dma_wait3A_1106 = tpu.memref_squeeze %dma_wait3A_1105 : memref<1x1x8x256xf32, #tpu.memory_space<vmem>> -> memref<8x256xf32, #tpu.memory_space<vmem>>
          %dma_wait3A_1107 = arith.constant 0 : i32
          %dma_wait3A_1108 = arith.constant 0 : i32
          %dma_wait3A_1109 = tpu.memref_slice %arg4[%add3A_1101, %dma_wait3A_1107, %dma_wait3A_1108] : memref<256x256x256xf32, #tpu.memory_space<hbm>> -> memref<1x8x256xf32, #tpu.memory_space<hbm>>
          %dma_wait3A_1110 = tpu.memref_squeeze %dma_wait3A_1109 : memref<1x8x256xf32, #tpu.memory_space<hbm>> -> memref<8x256xf32, #tpu.memory_space<hbm>>
          %dma_wait3A_1111 = tpu.memref_slice %arg8[%rem3A_768] : memref<4x!tpu.dma_semaphore, #tpu.memory_space<semaphore_mem>> -> memref<1x!tpu.dma_semaphore, #tpu.memory_space<semaphore_mem>>
          %dma_wait3A_1112 = tpu.memref_squeeze %dma_wait3A_1111 : memref<1x!tpu.dma_semaphore, #tpu.memory_space<semaphore_mem>> -> memref<!tpu.dma_semaphore, #tpu.memory_space<semaphore_mem>>
          %dma_wait3A_1113 = arith.constant 0 : i32
          %dma_wait3A_1114 = arith.constant 0 : i32
          %dma_wait3A_1115 = tpu.memref_slice %arg4[%add3A_1101, %dma_wait3A_1113, %dma_wait3A_1114] : memref<256x256x256xf32, #tpu.memory_space<hbm>> -> memref<1x8x256xf32, #tpu.memory_space<hbm>>
          %dma_wait3A_1116 = tpu.memref_squeeze %dma_wait3A_1115 : memref<1x8x256xf32, #tpu.memory_space<hbm>> -> memref<8x256xf32, #tpu.memory_space<hbm>>
          %dma_wait3A_1117 = arith.constant 0 : i32
          %dma_wait3A_1118 = arith.constant 0 : i32
          %dma_wait3A_1119 = tpu.memref_slice %run_scoped3A[%rem3A_768, %dma_wait3A_1102, %dma_wait3A_1117, %dma_wait3A_1118] : memref<4x8x8x256xf32, #tpu.memory_space<vmem>> -> memref<1x1x8x256xf32, #tpu.memory_space<vmem>>
          %dma_wait3A_1120 = tpu.memref_squeeze %dma_wait3A_1119 : memref<1x1x8x256xf32, #tpu.memory_space<vmem>> -> memref<8x256xf32, #tpu.memory_space<vmem>>
          tpu.wait_dma2 semaphore(%dma_wait3A_1112 : memref<!tpu.dma_semaphore, #tpu.memory_space<semaphore_mem>>) src(%dma_wait3A_1120 : memref<8x256xf32, #tpu.memory_space<vmem>>) dst(%dma_wait3A_1116 : memref<8x256xf32, #tpu.memory_space<hbm>>)
          %add3A_1121 = arith.constant 1 : i32
          %add3A_1122 = arith.addi %mul3A_2, %add3A_1121 : i32
          %dma_wait3A_1123 = arith.constant 1 : i32
          %dma_wait3A_1124 = arith.constant 0 : i32
          %dma_wait3A_1125 = arith.constant 0 : i32
          %dma_wait3A_1126 = tpu.memref_slice %run_scoped3A[%rem3A_768, %dma_wait3A_1123, %dma_wait3A_1124, %dma_wait3A_1125] : memref<4x8x8x256xf32, #tpu.memory_space<vmem>> -> memref<1x1x8x256xf32, #tpu.memory_space<vmem>>
          %dma_wait3A_1127 = tpu.memref_squeeze %dma_wait3A_1126 : memref<1x1x8x256xf32, #tpu.memory_space<vmem>> -> memref<8x256xf32, #tpu.memory_space<vmem>>
          %dma_wait3A_1128 = arith.constant 0 : i32
          %dma_wait3A_1129 = arith.constant 0 : i32
          %dma_wait3A_1130 = tpu.memref_slice %arg4[%add3A_1122, %dma_wait3A_1128, %dma_wait3A_1129] : memref<256x256x256xf32, #tpu.memory_space<hbm>> -> memref<1x8x256xf32, #tpu.memory_space<hbm>>
          %dma_wait3A_1131 = tpu.memref_squeeze %dma_wait3A_1130 : memref<1x8x256xf32, #tpu.memory_space<hbm>> -> memref<8x256xf32, #tpu.memory_space<hbm>>
          %dma_wait3A_1132 = tpu.memref_slice %arg8[%rem3A_768] : memref<4x!tpu.dma_semaphore, #tpu.memory_space<semaphore_mem>> -> memref<1x!tpu.dma_semaphore, #tpu.memory_space<semaphore_mem>>
          %dma_wait3A_1133 = tpu.memref_squeeze %dma_wait3A_1132 : memref<1x!tpu.dma_semaphore, #tpu.memory_space<semaphore_mem>> -> memref<!tpu.dma_semaphore, #tpu.memory_space<semaphore_mem>>
          %dma_wait3A_1134 = arith.constant 0 : i32
          %dma_wait3A_1135 = arith.constant 0 : i32
          %dma_wait3A_1136 = tpu.memref_slice %arg4[%add3A_1122, %dma_wait3A_1134, %dma_wait3A_1135] : memref<256x256x256xf32, #tpu.memory_space<hbm>> -> memref<1x8x256xf32, #tpu.memory_space<hbm>>
          %dma_wait3A_1137 = tpu.memref_squeeze %dma_wait3A_1136 : memref<1x8x256xf32, #tpu.memory_space<hbm>> -> memref<8x256xf32, #tpu.memory_space<hbm>>
          %dma_wait3A_1138 = arith.constant 0 : i32
          %dma_wait3A_1139 = arith.constant 0 : i32
          %dma_wait3A_1140 = tpu.memref_slice %run_scoped3A[%rem3A_768, %dma_wait3A_1123, %dma_wait3A_1138, %dma_wait3A_1139] : memref<4x8x8x256xf32, #tpu.memory_space<vmem>> -> memref<1x1x8x256xf32, #tpu.memory_space<vmem>>
          %dma_wait3A_1141 = tpu.memref_squeeze %dma_wait3A_1140 : memref<1x1x8x256xf32, #tpu.memory_space<vmem>> -> memref<8x256xf32, #tpu.memory_space<vmem>>
          tpu.wait_dma2 semaphore(%dma_wait3A_1133 : memref<!tpu.dma_semaphore, #tpu.memory_space<semaphore_mem>>) src(%dma_wait3A_1141 : memref<8x256xf32, #tpu.memory_space<vmem>>) dst(%dma_wait3A_1137 : memref<8x256xf32, #tpu.memory_space<hbm>>)
          %add3A_1142 = arith.constant 2 : i32
          %add3A_1143 = arith.addi %mul3A_2, %add3A_1142 : i32
          %dma_wait3A_1144 = arith.constant 2 : i32
          %dma_wait3A_1145 = arith.constant 0 : i32
          %dma_wait3A_1146 = arith.constant 0 : i32
          %dma_wait3A_1147 = tpu.memref_slice %run_scoped3A[%rem3A_768, %dma_wait3A_1144, %dma_wait3A_1145, %dma_wait3A_1146] : memref<4x8x8x256xf32, #tpu.memory_space<vmem>> -> memref<1x1x8x256xf32, #tpu.memory_space<vmem>>
          %dma_wait3A_1148 = tpu.memref_squeeze %dma_wait3A_1147 : memref<1x1x8x256xf32, #tpu.memory_space<vmem>> -> memref<8x256xf32, #tpu.memory_space<vmem>>
          %dma_wait3A_1149 = arith.constant 0 : i32
          %dma_wait3A_1150 = arith.constant 0 : i32
          %dma_wait3A_1151 = tpu.memref_slice %arg4[%add3A_1143, %dma_wait3A_1149, %dma_wait3A_1150] : memref<256x256x256xf32, #tpu.memory_space<hbm>> -> memref<1x8x256xf32, #tpu.memory_space<hbm>>
          %dma_wait3A_1152 = tpu.memref_squeeze %dma_wait3A_1151 : memref<1x8x256xf32, #tpu.memory_space<hbm>> -> memref<8x256xf32, #tpu.memory_space<hbm>>
          %dma_wait3A_1153 = tpu.memref_slice %arg8[%rem3A_768] : memref<4x!tpu.dma_semaphore, #tpu.memory_space<semaphore_mem>> -> memref<1x!tpu.dma_semaphore, #tpu.memory_space<semaphore_mem>>
          %dma_wait3A_1154 = tpu.memref_squeeze %dma_wait3A_1153 : memref<1x!tpu.dma_semaphore, #tpu.memory_space<semaphore_mem>> -> memref<!tpu.dma_semaphore, #tpu.memory_space<semaphore_mem>>
          %dma_wait3A_1155 = arith.constant 0 : i32
          %dma_wait3A_1156 = arith.constant 0 : i32
          %dma_wait3A_1157 = tpu.memref_slice %arg4[%add3A_1143, %dma_wait3A_1155, %dma_wait3A_1156] : memref<256x256x256xf32, #tpu.memory_space<hbm>> -> memref<1x8x256xf32, #tpu.memory_space<hbm>>
          %dma_wait3A_1158 = tpu.memref_squeeze %dma_wait3A_1157 : memref<1x8x256xf32, #tpu.memory_space<hbm>> -> memref<8x256xf32, #tpu.memory_space<hbm>>
          %dma_wait3A_1159 = arith.constant 0 : i32
          %dma_wait3A_1160 = arith.constant 0 : i32
          %dma_wait3A_1161 = tpu.memref_slice %run_scoped3A[%rem3A_768, %dma_wait3A_1144, %dma_wait3A_1159, %dma_wait3A_1160] : memref<4x8x8x256xf32, #tpu.memory_space<vmem>> -> memref<1x1x8x256xf32, #tpu.memory_space<vmem>>
          %dma_wait3A_1162 = tpu.memref_squeeze %dma_wait3A_1161 : memref<1x1x8x256xf32, #tpu.memory_space<vmem>> -> memref<8x256xf32, #tpu.memory_space<vmem>>
          tpu.wait_dma2 semaphore(%dma_wait3A_1154 : memref<!tpu.dma_semaphore, #tpu.memory_space<semaphore_mem>>) src(%dma_wait3A_1162 : memref<8x256xf32, #tpu.memory_space<vmem>>) dst(%dma_wait3A_1158 : memref<8x256xf32, #tpu.memory_space<hbm>>)
          %add3A_1163 = arith.constant 3 : i32
          %add3A_1164 = arith.addi %mul3A_2, %add3A_1163 : i32
          %dma_wait3A_1165 = arith.constant 3 : i32
          %dma_wait3A_1166 = arith.constant 0 : i32
          %dma_wait3A_1167 = arith.constant 0 : i32
          %dma_wait3A_1168 = tpu.memref_slice %run_scoped3A[%rem3A_768, %dma_wait3A_1165, %dma_wait3A_1166, %dma_wait3A_1167] : memref<4x8x8x256xf32, #tpu.memory_space<vmem>> -> memref<1x1x8x256xf32, #tpu.memory_space<vmem>>
          %dma_wait3A_1169 = tpu.memref_squeeze %dma_wait3A_1168 : memref<1x1x8x256xf32, #tpu.memory_space<vmem>> -> memref<8x256xf32, #tpu.memory_space<vmem>>
          %dma_wait3A_1170 = arith.constant 0 : i32
          %dma_wait3A_1171 = arith.constant 0 : i32
          %dma_wait3A_1172 = tpu.memref_slice %arg4[%add3A_1164, %dma_wait3A_1170, %dma_wait3A_1171] : memref<256x256x256xf32, #tpu.memory_space<hbm>> -> memref<1x8x256xf32, #tpu.memory_space<hbm>>
          %dma_wait3A_1173 = tpu.memref_squeeze %dma_wait3A_1172 : memref<1x8x256xf32, #tpu.memory_space<hbm>> -> memref<8x256xf32, #tpu.memory_space<hbm>>
          %dma_wait3A_1174 = tpu.memref_slice %arg8[%rem3A_768] : memref<4x!tpu.dma_semaphore, #tpu.memory_space<semaphore_mem>> -> memref<1x!tpu.dma_semaphore, #tpu.memory_space<semaphore_mem>>
          %dma_wait3A_1175 = tpu.memref_squeeze %dma_wait3A_1174 : memref<1x!tpu.dma_semaphore, #tpu.memory_space<semaphore_mem>> -> memref<!tpu.dma_semaphore, #tpu.memory_space<semaphore_mem>>
          %dma_wait3A_1176 = arith.constant 0 : i32
          %dma_wait3A_1177 = arith.constant 0 : i32
          %dma_wait3A_1178 = tpu.memref_slice %arg4[%add3A_1164, %dma_wait3A_1176, %dma_wait3A_1177] : memref<256x256x256xf32, #tpu.memory_space<hbm>> -> memref<1x8x256xf32, #tpu.memory_space<hbm>>
          %dma_wait3A_1179 = tpu.memref_squeeze %dma_wait3A_1178 : memref<1x8x256xf32, #tpu.memory_space<hbm>> -> memref<8x256xf32, #tpu.memory_space<hbm>>
          %dma_wait3A_1180 = arith.constant 0 : i32
          %dma_wait3A_1181 = arith.constant 0 : i32
          %dma_wait3A_1182 = tpu.memref_slice %run_scoped3A[%rem3A_768, %dma_wait3A_1165, %dma_wait3A_1180, %dma_wait3A_1181] : memref<4x8x8x256xf32, #tpu.memory_space<vmem>> -> memref<1x1x8x256xf32, #tpu.memory_space<vmem>>
          %dma_wait3A_1183 = tpu.memref_squeeze %dma_wait3A_1182 : memref<1x1x8x256xf32, #tpu.memory_space<vmem>> -> memref<8x256xf32, #tpu.memory_space<vmem>>
          tpu.wait_dma2 semaphore(%dma_wait3A_1175 : memref<!tpu.dma_semaphore, #tpu.memory_space<semaphore_mem>>) src(%dma_wait3A_1183 : memref<8x256xf32, #tpu.memory_space<vmem>>) dst(%dma_wait3A_1179 : memref<8x256xf32, #tpu.memory_space<hbm>>)
          %add3A_1184 = arith.constant 4 : i32
          %add3A_1185 = arith.addi %mul3A_2, %add3A_1184 : i32
          %dma_wait3A_1186 = arith.constant 4 : i32
          %dma_wait3A_1187 = arith.constant 0 : i32
          %dma_wait3A_1188 = arith.constant 0 : i32
          %dma_wait3A_1189 = tpu.memref_slice %run_scoped3A[%rem3A_768, %dma_wait3A_1186, %dma_wait3A_1187, %dma_wait3A_1188] : memref<4x8x8x256xf32, #tpu.memory_space<vmem>> -> memref<1x1x8x256xf32, #tpu.memory_space<vmem>>
          %dma_wait3A_1190 = tpu.memref_squeeze %dma_wait3A_1189 : memref<1x1x8x256xf32, #tpu.memory_space<vmem>> -> memref<8x256xf32, #tpu.memory_space<vmem>>
          %dma_wait3A_1191 = arith.constant 0 : i32
          %dma_wait3A_1192 = arith.constant 0 : i32
          %dma_wait3A_1193 = tpu.memref_slice %arg4[%add3A_1185, %dma_wait3A_1191, %dma_wait3A_1192] : memref<256x256x256xf32, #tpu.memory_space<hbm>> -> memref<1x8x256xf32, #tpu.memory_space<hbm>>
          %dma_wait3A_1194 = tpu.memref_squeeze %dma_wait3A_1193 : memref<1x8x256xf32, #tpu.memory_space<hbm>> -> memref<8x256xf32, #tpu.memory_space<hbm>>
          %dma_wait3A_1195 = tpu.memref_slice %arg8[%rem3A_768] : memref<4x!tpu.dma_semaphore, #tpu.memory_space<semaphore_mem>> -> memref<1x!tpu.dma_semaphore, #tpu.memory_space<semaphore_mem>>
          %dma_wait3A_1196 = tpu.memref_squeeze %dma_wait3A_1195 : memref<1x!tpu.dma_semaphore, #tpu.memory_space<semaphore_mem>> -> memref<!tpu.dma_semaphore, #tpu.memory_space<semaphore_mem>>
          %dma_wait3A_1197 = arith.constant 0 : i32
          %dma_wait3A_1198 = arith.constant 0 : i32
          %dma_wait3A_1199 = tpu.memref_slice %arg4[%add3A_1185, %dma_wait3A_1197, %dma_wait3A_1198] : memref<256x256x256xf32, #tpu.memory_space<hbm>> -> memref<1x8x256xf32, #tpu.memory_space<hbm>>
          %dma_wait3A_1200 = tpu.memref_squeeze %dma_wait3A_1199 : memref<1x8x256xf32, #tpu.memory_space<hbm>> -> memref<8x256xf32, #tpu.memory_space<hbm>>
          %dma_wait3A_1201 = arith.constant 0 : i32
          %dma_wait3A_1202 = arith.constant 0 : i32
          %dma_wait3A_1203 = tpu.memref_slice %run_scoped3A[%rem3A_768, %dma_wait3A_1186, %dma_wait3A_1201, %dma_wait3A_1202] : memref<4x8x8x256xf32, #tpu.memory_space<vmem>> -> memref<1x1x8x256xf32, #tpu.memory_space<vmem>>
          %dma_wait3A_1204 = tpu.memref_squeeze %dma_wait3A_1203 : memref<1x1x8x256xf32, #tpu.memory_space<vmem>> -> memref<8x256xf32, #tpu.memory_space<vmem>>
          tpu.wait_dma2 semaphore(%dma_wait3A_1196 : memref<!tpu.dma_semaphore, #tpu.memory_space<semaphore_mem>>) src(%dma_wait3A_1204 : memref<8x256xf32, #tpu.memory_space<vmem>>) dst(%dma_wait3A_1200 : memref<8x256xf32, #tpu.memory_space<hbm>>)
          %add3A_1205 = arith.constant 5 : i32
          %add3A_1206 = arith.addi %mul3A_2, %add3A_1205 : i32
          %dma_wait3A_1207 = arith.constant 5 : i32
          %dma_wait3A_1208 = arith.constant 0 : i32
          %dma_wait3A_1209 = arith.constant 0 : i32
          %dma_wait3A_1210 = tpu.memref_slice %run_scoped3A[%rem3A_768, %dma_wait3A_1207, %dma_wait3A_1208, %dma_wait3A_1209] : memref<4x8x8x256xf32, #tpu.memory_space<vmem>> -> memref<1x1x8x256xf32, #tpu.memory_space<vmem>>
          %dma_wait3A_1211 = tpu.memref_squeeze %dma_wait3A_1210 : memref<1x1x8x256xf32, #tpu.memory_space<vmem>> -> memref<8x256xf32, #tpu.memory_space<vmem>>
          %dma_wait3A_1212 = arith.constant 0 : i32
          %dma_wait3A_1213 = arith.constant 0 : i32
          %dma_wait3A_1214 = tpu.memref_slice %arg4[%add3A_1206, %dma_wait3A_1212, %dma_wait3A_1213] : memref<256x256x256xf32, #tpu.memory_space<hbm>> -> memref<1x8x256xf32, #tpu.memory_space<hbm>>
          %dma_wait3A_1215 = tpu.memref_squeeze %dma_wait3A_1214 : memref<1x8x256xf32, #tpu.memory_space<hbm>> -> memref<8x256xf32, #tpu.memory_space<hbm>>
          %dma_wait3A_1216 = tpu.memref_slice %arg8[%rem3A_768] : memref<4x!tpu.dma_semaphore, #tpu.memory_space<semaphore_mem>> -> memref<1x!tpu.dma_semaphore, #tpu.memory_space<semaphore_mem>>
          %dma_wait3A_1217 = tpu.memref_squeeze %dma_wait3A_1216 : memref<1x!tpu.dma_semaphore, #tpu.memory_space<semaphore_mem>> -> memref<!tpu.dma_semaphore, #tpu.memory_space<semaphore_mem>>
          %dma_wait3A_1218 = arith.constant 0 : i32
          %dma_wait3A_1219 = arith.constant 0 : i32
          %dma_wait3A_1220 = tpu.memref_slice %arg4[%add3A_1206, %dma_wait3A_1218, %dma_wait3A_1219] : memref<256x256x256xf32, #tpu.memory_space<hbm>> -> memref<1x8x256xf32, #tpu.memory_space<hbm>>
          %dma_wait3A_1221 = tpu.memref_squeeze %dma_wait3A_1220 : memref<1x8x256xf32, #tpu.memory_space<hbm>> -> memref<8x256xf32, #tpu.memory_space<hbm>>
          %dma_wait3A_1222 = arith.constant 0 : i32
          %dma_wait3A_1223 = arith.constant 0 : i32
          %dma_wait3A_1224 = tpu.memref_slice %run_scoped3A[%rem3A_768, %dma_wait3A_1207, %dma_wait3A_1222, %dma_wait3A_1223] : memref<4x8x8x256xf32, #tpu.memory_space<vmem>> -> memref<1x1x8x256xf32, #tpu.memory_space<vmem>>
          %dma_wait3A_1225 = tpu.memref_squeeze %dma_wait3A_1224 : memref<1x1x8x256xf32, #tpu.memory_space<vmem>> -> memref<8x256xf32, #tpu.memory_space<vmem>>
          tpu.wait_dma2 semaphore(%dma_wait3A_1217 : memref<!tpu.dma_semaphore, #tpu.memory_space<semaphore_mem>>) src(%dma_wait3A_1225 : memref<8x256xf32, #tpu.memory_space<vmem>>) dst(%dma_wait3A_1221 : memref<8x256xf32, #tpu.memory_space<hbm>>)
          %add3A_1226 = arith.constant 6 : i32
          %add3A_1227 = arith.addi %mul3A_2, %add3A_1226 : i32
          %dma_wait3A_1228 = arith.constant 6 : i32
          %dma_wait3A_1229 = arith.constant 0 : i32
          %dma_wait3A_1230 = arith.constant 0 : i32
          %dma_wait3A_1231 = tpu.memref_slice %run_scoped3A[%rem3A_768, %dma_wait3A_1228, %dma_wait3A_1229, %dma_wait3A_1230] : memref<4x8x8x256xf32, #tpu.memory_space<vmem>> -> memref<1x1x8x256xf32, #tpu.memory_space<vmem>>
          %dma_wait3A_1232 = tpu.memref_squeeze %dma_wait3A_1231 : memref<1x1x8x256xf32, #tpu.memory_space<vmem>> -> memref<8x256xf32, #tpu.memory_space<vmem>>
          %dma_wait3A_1233 = arith.constant 0 : i32
          %dma_wait3A_1234 = arith.constant 0 : i32
          %dma_wait3A_1235 = tpu.memref_slice %arg4[%add3A_1227, %dma_wait3A_1233, %dma_wait3A_1234] : memref<256x256x256xf32, #tpu.memory_space<hbm>> -> memref<1x8x256xf32, #tpu.memory_space<hbm>>
          %dma_wait3A_1236 = tpu.memref_squeeze %dma_wait3A_1235 : memref<1x8x256xf32, #tpu.memory_space<hbm>> -> memref<8x256xf32, #tpu.memory_space<hbm>>
          %dma_wait3A_1237 = tpu.memref_slice %arg8[%rem3A_768] : memref<4x!tpu.dma_semaphore, #tpu.memory_space<semaphore_mem>> -> memref<1x!tpu.dma_semaphore, #tpu.memory_space<semaphore_mem>>
          %dma_wait3A_1238 = tpu.memref_squeeze %dma_wait3A_1237 : memref<1x!tpu.dma_semaphore, #tpu.memory_space<semaphore_mem>> -> memref<!tpu.dma_semaphore, #tpu.memory_space<semaphore_mem>>
          %dma_wait3A_1239 = arith.constant 0 : i32
          %dma_wait3A_1240 = arith.constant 0 : i32
          %dma_wait3A_1241 = tpu.memref_slice %arg4[%add3A_1227, %dma_wait3A_1239, %dma_wait3A_1240] : memref<256x256x256xf32, #tpu.memory_space<hbm>> -> memref<1x8x256xf32, #tpu.memory_space<hbm>>
          %dma_wait3A_1242 = tpu.memref_squeeze %dma_wait3A_1241 : memref<1x8x256xf32, #tpu.memory_space<hbm>> -> memref<8x256xf32, #tpu.memory_space<hbm>>
          %dma_wait3A_1243 = arith.constant 0 : i32
          %dma_wait3A_1244 = arith.constant 0 : i32
          %dma_wait3A_1245 = tpu.memref_slice %run_scoped3A[%rem3A_768, %dma_wait3A_1228, %dma_wait3A_1243, %dma_wait3A_1244] : memref<4x8x8x256xf32, #tpu.memory_space<vmem>> -> memref<1x1x8x256xf32, #tpu.memory_space<vmem>>
          %dma_wait3A_1246 = tpu.memref_squeeze %dma_wait3A_1245 : memref<1x1x8x256xf32, #tpu.memory_space<vmem>> -> memref<8x256xf32, #tpu.memory_space<vmem>>
          tpu.wait_dma2 semaphore(%dma_wait3A_1238 : memref<!tpu.dma_semaphore, #tpu.memory_space<semaphore_mem>>) src(%dma_wait3A_1246 : memref<8x256xf32, #tpu.memory_space<vmem>>) dst(%dma_wait3A_1242 : memref<8x256xf32, #tpu.memory_space<hbm>>)
          %add3A_1247 = arith.constant 7 : i32
          %add3A_1248 = arith.addi %mul3A_2, %add3A_1247 : i32
          %dma_wait3A_1249 = arith.constant 7 : i32
          %dma_wait3A_1250 = arith.constant 0 : i32
          %dma_wait3A_1251 = arith.constant 0 : i32
          %dma_wait3A_1252 = tpu.memref_slice %run_scoped3A[%rem3A_768, %dma_wait3A_1249, %dma_wait3A_1250, %dma_wait3A_1251] : memref<4x8x8x256xf32, #tpu.memory_space<vmem>> -> memref<1x1x8x256xf32, #tpu.memory_space<vmem>>
          %dma_wait3A_1253 = tpu.memref_squeeze %dma_wait3A_1252 : memref<1x1x8x256xf32, #tpu.memory_space<vmem>> -> memref<8x256xf32, #tpu.memory_space<vmem>>
          %dma_wait3A_1254 = arith.constant 0 : i32
          %dma_wait3A_1255 = arith.constant 0 : i32
          %dma_wait3A_1256 = tpu.memref_slice %arg4[%add3A_1248, %dma_wait3A_1254, %dma_wait3A_1255] : memref<256x256x256xf32, #tpu.memory_space<hbm>> -> memref<1x8x256xf32, #tpu.memory_space<hbm>>
          %dma_wait3A_1257 = tpu.memref_squeeze %dma_wait3A_1256 : memref<1x8x256xf32, #tpu.memory_space<hbm>> -> memref<8x256xf32, #tpu.memory_space<hbm>>
          %dma_wait3A_1258 = tpu.memref_slice %arg8[%rem3A_768] : memref<4x!tpu.dma_semaphore, #tpu.memory_space<semaphore_mem>> -> memref<1x!tpu.dma_semaphore, #tpu.memory_space<semaphore_mem>>
          %dma_wait3A_1259 = tpu.memref_squeeze %dma_wait3A_1258 : memref<1x!tpu.dma_semaphore, #tpu.memory_space<semaphore_mem>> -> memref<!tpu.dma_semaphore, #tpu.memory_space<semaphore_mem>>
          %dma_wait3A_1260 = arith.constant 0 : i32
          %dma_wait3A_1261 = arith.constant 0 : i32
          %dma_wait3A_1262 = tpu.memref_slice %arg4[%add3A_1248, %dma_wait3A_1260, %dma_wait3A_1261] : memref<256x256x256xf32, #tpu.memory_space<hbm>> -> memref<1x8x256xf32, #tpu.memory_space<hbm>>
          %dma_wait3A_1263 = tpu.memref_squeeze %dma_wait3A_1262 : memref<1x8x256xf32, #tpu.memory_space<hbm>> -> memref<8x256xf32, #tpu.memory_space<hbm>>
          %dma_wait3A_1264 = arith.constant 0 : i32
          %dma_wait3A_1265 = arith.constant 0 : i32
          %dma_wait3A_1266 = tpu.memref_slice %run_scoped3A[%rem3A_768, %dma_wait3A_1249, %dma_wait3A_1264, %dma_wait3A_1265] : memref<4x8x8x256xf32, #tpu.memory_space<vmem>> -> memref<1x1x8x256xf32, #tpu.memory_space<vmem>>
          %dma_wait3A_1267 = tpu.memref_squeeze %dma_wait3A_1266 : memref<1x1x8x256xf32, #tpu.memory_space<vmem>> -> memref<8x256xf32, #tpu.memory_space<vmem>>
          tpu.wait_dma2 semaphore(%dma_wait3A_1259 : memref<!tpu.dma_semaphore, #tpu.memory_space<semaphore_mem>>) src(%dma_wait3A_1267 : memref<8x256xf32, #tpu.memory_space<vmem>>) dst(%dma_wait3A_1263 : memref<8x256xf32, #tpu.memory_space<hbm>>)
        } else {
        }
        %dma_wait3A_773 = arith.constant 0 : i32
        %dma_wait3A_774 = arith.constant 0 : i32
        %dma_wait3A_775 = tpu.memref_slice %arg6[%rem3A_770, %dma_wait3A_773, %dma_wait3A_774] : memref<2x8x256xf32, #tpu.memory_space<vmem>> -> memref<1x8x256xf32, #tpu.memory_space<vmem>>
        %dma_wait3A_776 = tpu.memref_squeeze %dma_wait3A_775 : memref<1x8x256xf32, #tpu.memory_space<vmem>> -> memref<8x256xf32, #tpu.memory_space<vmem>>
        %dma_wait3A_777 = arith.constant 0 : i32
        %dma_wait3A_778 = tpu.memref_slice %arg2[%mul3A_766, %dma_wait3A_777] : memref<256x256xf32, #tpu.memory_space<hbm>> -> memref<8x256xf32, #tpu.memory_space<hbm>>
        %dma_wait3A_779 = tpu.memref_slice %arg7[%rem3A_770] : memref<2x!tpu.dma_semaphore, #tpu.memory_space<semaphore_mem>> -> memref<1x!tpu.dma_semaphore, #tpu.memory_space<semaphore_mem>>
        %dma_wait3A_780 = tpu.memref_squeeze %dma_wait3A_779 : memref<1x!tpu.dma_semaphore, #tpu.memory_space<semaphore_mem>> -> memref<!tpu.dma_semaphore, #tpu.memory_space<semaphore_mem>>
        %dma_wait3A_781 = arith.constant 0 : i32
        %dma_wait3A_782 = arith.constant 0 : i32
        %dma_wait3A_783 = tpu.memref_slice %arg6[%rem3A_770, %dma_wait3A_781, %dma_wait3A_782] : memref<2x8x256xf32, #tpu.memory_space<vmem>> -> memref<1x8x256xf32, #tpu.memory_space<vmem>>
        %dma_wait3A_784 = tpu.memref_squeeze %dma_wait3A_783 : memref<1x8x256xf32, #tpu.memory_space<vmem>> -> memref<8x256xf32, #tpu.memory_space<vmem>>
        %dma_wait3A_785 = arith.constant 0 : i32
        %dma_wait3A_786 = tpu.memref_slice %arg2[%mul3A_766, %dma_wait3A_785] : memref<256x256xf32, #tpu.memory_space<hbm>> -> memref<8x256xf32, #tpu.memory_space<hbm>>
        tpu.wait_dma2 semaphore(%dma_wait3A_780 : memref<!tpu.dma_semaphore, #tpu.memory_space<semaphore_mem>>) src(%dma_wait3A_786 : memref<8x256xf32, #tpu.memory_space<hbm>>) dst(%dma_wait3A_784 : memref<8x256xf32, #tpu.memory_space<vmem>>)
        %add3A_787 = arith.constant 1 : i32
        %add3A_788 = arith.addi %scan3A_764, %add3A_787 : i32
        %lt3A = arith.constant 32 : i32
        %lt3A_789 = arith.cmpi slt, %add3A_788, %lt3A : i32
        %convert_element_type3A_790 = arith.extui %lt3A_789 : i1 to i32
        %cond3A_791 = arith.constant 0 : i32
        %cond3A_792 = arith.cmpi ne, %convert_element_type3A_790, %cond3A_791 : i32
        scf.if %cond3A_792 {
          %add3A_1100 = arith.constant 8 : i32
          %add3A_1101 = arith.addi %mul3A_766, %add3A_1100 : i32
          %sub3A = arith.constant 1 : i32
          %sub3A_1102 = arith.subi %sub3A, %rem3A_770 : i32
          %sub3A_1103 = arith.constant 1 : i32
          %sub3A_1104 = arith.subi %sub3A_1103, %rem3A_770 : i32
          %dma_start3A_1105 = arith.constant 0 : i32
          %dma_start3A_1106 = arith.constant 0 : i32
          %dma_start3A_1107 = tpu.memref_slice %arg6[%sub3A_1102, %dma_start3A_1105, %dma_start3A_1106] : memref<2x8x256xf32, #tpu.memory_space<vmem>> -> memref<1x8x256xf32, #tpu.memory_space<vmem>>
          %dma_start3A_1108 = tpu.memref_squeeze %dma_start3A_1107 : memref<1x8x256xf32, #tpu.memory_space<vmem>> -> memref<8x256xf32, #tpu.memory_space<vmem>>
          %dma_start3A_1109 = arith.constant 0 : i32
          %dma_start3A_1110 = tpu.memref_slice %arg2[%add3A_1101, %dma_start3A_1109] : memref<256x256xf32, #tpu.memory_space<hbm>> -> memref<8x256xf32, #tpu.memory_space<hbm>>
          %dma_start3A_1111 = tpu.memref_slice %arg7[%sub3A_1104] : memref<2x!tpu.dma_semaphore, #tpu.memory_space<semaphore_mem>> -> memref<1x!tpu.dma_semaphore, #tpu.memory_space<semaphore_mem>>
          %dma_start3A_1112 = tpu.memref_squeeze %dma_start3A_1111 : memref<1x!tpu.dma_semaphore, #tpu.memory_space<semaphore_mem>> -> memref<!tpu.dma_semaphore, #tpu.memory_space<semaphore_mem>>
          %dma_start3A_1113 = arith.constant 0 : i32
          %dma_start3A_1114 = arith.constant 0 : i32
          %dma_start3A_1115 = tpu.memref_slice %arg6[%sub3A_1102, %dma_start3A_1113, %dma_start3A_1114] : memref<2x8x256xf32, #tpu.memory_space<vmem>> -> memref<1x8x256xf32, #tpu.memory_space<vmem>>
          %dma_start3A_1116 = tpu.memref_squeeze %dma_start3A_1115 : memref<1x8x256xf32, #tpu.memory_space<vmem>> -> memref<8x256xf32, #tpu.memory_space<vmem>>
          %dma_start3A_1117 = arith.constant 0 : i32
          %dma_start3A_1118 = tpu.memref_slice %arg2[%add3A_1101, %dma_start3A_1117] : memref<256x256xf32, #tpu.memory_space<hbm>> -> memref<8x256xf32, #tpu.memory_space<hbm>>
          tpu.enqueue_dma source(%dma_start3A_1118 : memref<8x256xf32, #tpu.memory_space<hbm>>) target(%dma_start3A_1116 : memref<8x256xf32, #tpu.memory_space<vmem>>) target_semaphore(%dma_start3A_1112 : memref<!tpu.dma_semaphore, #tpu.memory_space<semaphore_mem>>)
        } else {
        }
        %iota3A_793 = tpu.iota {dimensions = array<i32: 0>} : vector<16xi32>
        %parallel_loop3A = arith.constant 0 : i32
        %parallel_loop3A_794 = arith.constant 128 : i32
        %parallel_loop3A_795 = arith.constant 1 : i32
        scf.for %parallel_loop3A_1100 = %parallel_loop3A to %parallel_loop3A_794 step %parallel_loop3A_795  : i32 {
          %parallel_loop3A_1101 = arith.constant 4 : i32
          %parallel_loop3A_1102 = arith.shrui %parallel_loop3A_1100, %parallel_loop3A_1101 : i32
          %parallel_loop3A_1103 = arith.constant 15 : i32
          %parallel_loop3A_1104 = arith.andi %parallel_loop3A_1100, %parallel_loop3A_1103 : i32
          %parallel_loop3A_1105 = arith.constant 4 : i32
          %parallel_loop3A_1106 = arith.shli %parallel_loop3A_1104, %parallel_loop3A_1105 : i32
          %parallel_loop3A_1107 = arith.addi %mul3A_766, %parallel_loop3A_1102 : i32
          %parallel_loop3A_1108 = arith.constant 255 : i32
          %parallel_loop3A_1109 = arith.subi %parallel_loop3A_1108, %parallel_loop3A_1107 : i32
          %parallel_loop3A_1110 = arith.addi %parallel_loop3A_1109, %parallel_loop3A_1106 : i32
          %parallel_loop3A_1111 = vector.broadcast %parallel_loop3A_1110 : i32 to vector<16xi32>
          %parallel_loop3A_1112 = arith.addi %parallel_loop3A_1111, %iota3A_793 : vector<16xi32>
          %parallel_loop3A_1113 = arith.index_cast %rem3A_770 : i32 to index
          %parallel_loop3A_1114 = arith.index_cast %parallel_loop3A_1102 : i32 to index
          %parallel_loop3A_1115 = arith.index_cast %parallel_loop3A_1106 : i32 to index
          %parallel_loop3A_1116 = tpu.vector_load %arg6[%parallel_loop3A_1113, %parallel_loop3A_1114, %parallel_loop3A_1115] {strides = array<i32>} : memref<2x8x256xf32, #tpu.memory_space<vmem>>, vector<16xf32>,
          %parallel_loop3A_1117 = arith.constant 0 : i32
          %parallel_loop3A_1118 = vector.broadcast %parallel_loop3A_1117 : i32 to vector<16xi32>
          %parallel_loop3A_1119 = arith.constant 0 : i32
          %parallel_loop3A_1120 = vector.broadcast %parallel_loop3A_1119 : i32 to vector<16xi32>
          %parallel_loop3A_1121 = arith.addi %parallel_loop3A_1118, %parallel_loop3A_1120 : vector<16xi32>
          %parallel_loop3A_1122 = tpu.vector_load_idx %arg5[%parallel_loop3A_1121, %parallel_loop3A_1112] : memref<8x512xf32, #tpu.memory_space<vmem>>[vector<16xi32>, vector<16xi32>], vector<16xf32>,
          %parallel_loop3A_1123 = arith.addf %parallel_loop3A_1116, %parallel_loop3A_1122 : vector<16xf32>
          %parallel_loop3A_1124 = arith.constant 0 : i32
          %parallel_loop3A_1125 = arith.index_cast %rem3A_768 : i32 to index
          %parallel_loop3A_1126 = arith.index_cast %parallel_loop3A_1124 : i32 to index
          %parallel_loop3A_1127 = arith.index_cast %parallel_loop3A_1102 : i32 to index
          %parallel_loop3A_1128 = arith.index_cast %parallel_loop3A_1106 : i32 to index
          %parallel_loop3A_1129 = tpu.vector_load %run_scoped3A[%parallel_loop3A_1125, %parallel_loop3A_1126, %parallel_loop3A_1127, %parallel_loop3A_1128] {strides = array<i32>} : memref<4x8x8x256xf32, #tpu.memory_space<vmem>>, vector<16xf32>,
          tpu.vector_store %run_scoped3A[%parallel_loop3A_1125, %parallel_loop3A_1126, %parallel_loop3A_1127, %parallel_loop3A_1128], %parallel_loop3A_1123 {strides = array<i32>} : memref<4x8x8x256xf32, #tpu.memory_space<vmem>>, vector<16xf32>,
          %parallel_loop3A_1130 = arith.constant 0 : i32
          %parallel_loop3A_1131 = vector.broadcast %parallel_loop3A_1130 : i32 to vector<16xi32>
          %parallel_loop3A_1132 = arith.constant 1 : i32
          %parallel_loop3A_1133 = vector.broadcast %parallel_loop3A_1132 : i32 to vector<16xi32>
          %parallel_loop3A_1134 = arith.addi %parallel_loop3A_1131, %parallel_loop3A_1133 : vector<16xi32>
          %parallel_loop3A_1135 = tpu.vector_load_idx %arg5[%parallel_loop3A_1134, %parallel_loop3A_1112] : memref<8x512xf32, #tpu.memory_space<vmem>>[vector<16xi32>, vector<16xi32>], vector<16xf32>,
          %parallel_loop3A_1136 = arith.addf %parallel_loop3A_1116, %parallel_loop3A_1135 : vector<16xf32>
          %parallel_loop3A_1137 = arith.constant 1 : i32
          %parallel_loop3A_1138 = arith.index_cast %rem3A_768 : i32 to index
          %parallel_loop3A_1139 = arith.index_cast %parallel_loop3A_1137 : i32 to index
          %parallel_loop3A_1140 = arith.index_cast %parallel_loop3A_1102 : i32 to index
          %parallel_loop3A_1141 = arith.index_cast %parallel_loop3A_1106 : i32 to index
          %parallel_loop3A_1142 = tpu.vector_load %run_scoped3A[%parallel_loop3A_1138, %parallel_loop3A_1139, %parallel_loop3A_1140, %parallel_loop3A_1141] {strides = array<i32>} : memref<4x8x8x256xf32, #tpu.memory_space<vmem>>, vector<16xf32>,
          tpu.vector_store %run_scoped3A[%parallel_loop3A_1138, %parallel_loop3A_1139, %parallel_loop3A_1140, %parallel_loop3A_1141], %parallel_loop3A_1136 {strides = array<i32>} : memref<4x8x8x256xf32, #tpu.memory_space<vmem>>, vector<16xf32>,
          %parallel_loop3A_1143 = arith.constant 0 : i32
          %parallel_loop3A_1144 = vector.broadcast %parallel_loop3A_1143 : i32 to vector<16xi32>
          %parallel_loop3A_1145 = arith.constant 2 : i32
          %parallel_loop3A_1146 = vector.broadcast %parallel_loop3A_1145 : i32 to vector<16xi32>
          %parallel_loop3A_1147 = arith.addi %parallel_loop3A_1144, %parallel_loop3A_1146 : vector<16xi32>
          %parallel_loop3A_1148 = tpu.vector_load_idx %arg5[%parallel_loop3A_1147, %parallel_loop3A_1112] : memref<8x512xf32, #tpu.memory_space<vmem>>[vector<16xi32>, vector<16xi32>], vector<16xf32>,
          %parallel_loop3A_1149 = arith.addf %parallel_loop3A_1116, %parallel_loop3A_1148 : vector<16xf32>
          %parallel_loop3A_1150 = arith.constant 2 : i32
          %parallel_loop3A_1151 = arith.index_cast %rem3A_768 : i32 to index
          %parallel_loop3A_1152 = arith.index_cast %parallel_loop3A_1150 : i32 to index
          %parallel_loop3A_1153 = arith.index_cast %parallel_loop3A_1102 : i32 to index
          %parallel_loop3A_1154 = arith.index_cast %parallel_loop3A_1106 : i32 to index
          %parallel_loop3A_1155 = tpu.vector_load %run_scoped3A[%parallel_loop3A_1151, %parallel_loop3A_1152, %parallel_loop3A_1153, %parallel_loop3A_1154] {strides = array<i32>} : memref<4x8x8x256xf32, #tpu.memory_space<vmem>>, vector<16xf32>,
          tpu.vector_store %run_scoped3A[%parallel_loop3A_1151, %parallel_loop3A_1152, %parallel_loop3A_1153, %parallel_loop3A_1154], %parallel_loop3A_1149 {strides = array<i32>} : memref<4x8x8x256xf32, #tpu.memory_space<vmem>>, vector<16xf32>,
          %parallel_loop3A_1156 = arith.constant 0 : i32
          %parallel_loop3A_1157 = vector.broadcast %parallel_loop3A_1156 : i32 to vector<16xi32>
          %parallel_loop3A_1158 = arith.constant 3 : i32
          %parallel_loop3A_1159 = vector.broadcast %parallel_loop3A_1158 : i32 to vector<16xi32>
          %parallel_loop3A_1160 = arith.addi %parallel_loop3A_1157, %parallel_loop3A_1159 : vector<16xi32>
          %parallel_loop3A_1161 = tpu.vector_load_idx %arg5[%parallel_loop3A_1160, %parallel_loop3A_1112] : memref<8x512xf32, #tpu.memory_space<vmem>>[vector<16xi32>, vector<16xi32>], vector<16xf32>,
          %parallel_loop3A_1162 = arith.addf %parallel_loop3A_1116, %parallel_loop3A_1161 : vector<16xf32>
          %parallel_loop3A_1163 = arith.constant 3 : i32
          %parallel_loop3A_1164 = arith.index_cast %rem3A_768 : i32 to index
          %parallel_loop3A_1165 = arith.index_cast %parallel_loop3A_1163 : i32 to index
          %parallel_loop3A_1166 = arith.index_cast %parallel_loop3A_1102 : i32 to index
          %parallel_loop3A_1167 = arith.index_cast %parallel_loop3A_1106 : i32 to index
          %parallel_loop3A_1168 = tpu.vector_load %run_scoped3A[%parallel_loop3A_1164, %parallel_loop3A_1165, %parallel_loop3A_1166, %parallel_loop3A_1167] {strides = array<i32>} : memref<4x8x8x256xf32, #tpu.memory_space<vmem>>, vector<16xf32>,
          tpu.vector_store %run_scoped3A[%parallel_loop3A_1164, %parallel_loop3A_1165, %parallel_loop3A_1166, %parallel_loop3A_1167], %parallel_loop3A_1162 {strides = array<i32>} : memref<4x8x8x256xf32, #tpu.memory_space<vmem>>, vector<16xf32>,
          %parallel_loop3A_1169 = arith.constant 0 : i32
          %parallel_loop3A_1170 = vector.broadcast %parallel_loop3A_1169 : i32 to vector<16xi32>
          %parallel_loop3A_1171 = arith.constant 4 : i32
          %parallel_loop3A_1172 = vector.broadcast %parallel_loop3A_1171 : i32 to vector<16xi32>
          %parallel_loop3A_1173 = arith.addi %parallel_loop3A_1170, %parallel_loop3A_1172 : vector<16xi32>
          %parallel_loop3A_1174 = tpu.vector_load_idx %arg5[%parallel_loop3A_1173, %parallel_loop3A_1112] : memref<8x512xf32, #tpu.memory_space<vmem>>[vector<16xi32>, vector<16xi32>], vector<16xf32>,
          %parallel_loop3A_1175 = arith.addf %parallel_loop3A_1116, %parallel_loop3A_1174 : vector<16xf32>
          %parallel_loop3A_1176 = arith.constant 4 : i32
          %parallel_loop3A_1177 = arith.index_cast %rem3A_768 : i32 to index
          %parallel_loop3A_1178 = arith.index_cast %parallel_loop3A_1176 : i32 to index
          %parallel_loop3A_1179 = arith.index_cast %parallel_loop3A_1102 : i32 to index
          %parallel_loop3A_1180 = arith.index_cast %parallel_loop3A_1106 : i32 to index
          %parallel_loop3A_1181 = tpu.vector_load %run_scoped3A[%parallel_loop3A_1177, %parallel_loop3A_1178, %parallel_loop3A_1179, %parallel_loop3A_1180] {strides = array<i32>} : memref<4x8x8x256xf32, #tpu.memory_space<vmem>>, vector<16xf32>,
          tpu.vector_store %run_scoped3A[%parallel_loop3A_1177, %parallel_loop3A_1178, %parallel_loop3A_1179, %parallel_loop3A_1180], %parallel_loop3A_1175 {strides = array<i32>} : memref<4x8x8x256xf32, #tpu.memory_space<vmem>>, vector<16xf32>,
          %parallel_loop3A_1182 = arith.constant 0 : i32
          %parallel_loop3A_1183 = vector.broadcast %parallel_loop3A_1182 : i32 to vector<16xi32>
          %parallel_loop3A_1184 = arith.constant 5 : i32
          %parallel_loop3A_1185 = vector.broadcast %parallel_loop3A_1184 : i32 to vector<16xi32>
          %parallel_loop3A_1186 = arith.addi %parallel_loop3A_1183, %parallel_loop3A_1185 : vector<16xi32>
          %parallel_loop3A_1187 = tpu.vector_load_idx %arg5[%parallel_loop3A_1186, %parallel_loop3A_1112] : memref<8x512xf32, #tpu.memory_space<vmem>>[vector<16xi32>, vector<16xi32>], vector<16xf32>,
          %parallel_loop3A_1188 = arith.addf %parallel_loop3A_1116, %parallel_loop3A_1187 : vector<16xf32>
          %parallel_loop3A_1189 = arith.constant 5 : i32
          %parallel_loop3A_1190 = arith.index_cast %rem3A_768 : i32 to index
          %parallel_loop3A_1191 = arith.index_cast %parallel_loop3A_1189 : i32 to index
          %parallel_loop3A_1192 = arith.index_cast %parallel_loop3A_1102 : i32 to index
          %parallel_loop3A_1193 = arith.index_cast %parallel_loop3A_1106 : i32 to index
          %parallel_loop3A_1194 = tpu.vector_load %run_scoped3A[%parallel_loop3A_1190, %parallel_loop3A_1191, %parallel_loop3A_1192, %parallel_loop3A_1193] {strides = array<i32>} : memref<4x8x8x256xf32, #tpu.memory_space<vmem>>, vector<16xf32>,
          tpu.vector_store %run_scoped3A[%parallel_loop3A_1190, %parallel_loop3A_1191, %parallel_loop3A_1192, %parallel_loop3A_1193], %parallel_loop3A_1188 {strides = array<i32>} : memref<4x8x8x256xf32, #tpu.memory_space<vmem>>, vector<16xf32>,
          %parallel_loop3A_1195 = arith.constant 0 : i32
          %parallel_loop3A_1196 = vector.broadcast %parallel_loop3A_1195 : i32 to vector<16xi32>
          %parallel_loop3A_1197 = arith.constant 6 : i32
          %parallel_loop3A_1198 = vector.broadcast %parallel_loop3A_1197 : i32 to vector<16xi32>
          %parallel_loop3A_1199 = arith.addi %parallel_loop3A_1196, %parallel_loop3A_1198 : vector<16xi32>
          %parallel_loop3A_1200 = tpu.vector_load_idx %arg5[%parallel_loop3A_1199, %parallel_loop3A_1112] : memref<8x512xf32, #tpu.memory_space<vmem>>[vector<16xi32>, vector<16xi32>], vector<16xf32>,
          %parallel_loop3A_1201 = arith.addf %parallel_loop3A_1116, %parallel_loop3A_1200 : vector<16xf32>
          %parallel_loop3A_1202 = arith.constant 6 : i32
          %parallel_loop3A_1203 = arith.index_cast %rem3A_768 : i32 to index
          %parallel_loop3A_1204 = arith.index_cast %parallel_loop3A_1202 : i32 to index
          %parallel_loop3A_1205 = arith.index_cast %parallel_loop3A_1102 : i32 to index
          %parallel_loop3A_1206 = arith.index_cast %parallel_loop3A_1106 : i32 to index
          %parallel_loop3A_1207 = tpu.vector_load %run_scoped3A[%parallel_loop3A_1203, %parallel_loop3A_1204, %parallel_loop3A_1205, %parallel_loop3A_1206] {strides = array<i32>} : memref<4x8x8x256xf32, #tpu.memory_space<vmem>>, vector<16xf32>,
          tpu.vector_store %run_scoped3A[%parallel_loop3A_1203, %parallel_loop3A_1204, %parallel_loop3A_1205, %parallel_loop3A_1206], %parallel_loop3A_1201 {strides = array<i32>} : memref<4x8x8x256xf32, #tpu.memory_space<vmem>>, vector<16xf32>,
          %parallel_loop3A_1208 = arith.constant 0 : i32
          %parallel_loop3A_1209 = vector.broadcast %parallel_loop3A_1208 : i32 to vector<16xi32>
          %parallel_loop3A_1210 = arith.constant 7 : i32
          %parallel_loop3A_1211 = vector.broadcast %parallel_loop3A_1210 : i32 to vector<16xi32>
          %parallel_loop3A_1212 = arith.addi %parallel_loop3A_1209, %parallel_loop3A_1211 : vector<16xi32>
          %parallel_loop3A_1213 = tpu.vector_load_idx %arg5[%parallel_loop3A_1212, %parallel_loop3A_1112] : memref<8x512xf32, #tpu.memory_space<vmem>>[vector<16xi32>, vector<16xi32>], vector<16xf32>,
          %parallel_loop3A_1214 = arith.addf %parallel_loop3A_1116, %parallel_loop3A_1213 : vector<16xf32>
          %parallel_loop3A_1215 = arith.constant 7 : i32
          %parallel_loop3A_1216 = arith.index_cast %rem3A_768 : i32 to index
          %parallel_loop3A_1217 = arith.index_cast %parallel_loop3A_1215 : i32 to index
          %parallel_loop3A_1218 = arith.index_cast %parallel_loop3A_1102 : i32 to index
          %parallel_loop3A_1219 = arith.index_cast %parallel_loop3A_1106 : i32 to index
          %parallel_loop3A_1220 = tpu.vector_load %run_scoped3A[%parallel_loop3A_1216, %parallel_loop3A_1217, %parallel_loop3A_1218, %parallel_loop3A_1219] {strides = array<i32>} : memref<4x8x8x256xf32, #tpu.memory_space<vmem>>, vector<16xf32>,
          tpu.vector_store %run_scoped3A[%parallel_loop3A_1216, %parallel_loop3A_1217, %parallel_loop3A_1218, %parallel_loop3A_1219], %parallel_loop3A_1214 {strides = array<i32>} : memref<4x8x8x256xf32, #tpu.memory_space<vmem>>, vector<16xf32>,
        } {sc.loop_unroll_factor = 2 : i64, sc.parallel_access}
        %add3A_796 = arith.constant 0 : i32
        %add3A_797 = arith.addi %mul3A_2, %add3A_796 : i32
        %dma_start3A_798 = arith.constant 0 : i32
        %dma_start3A_799 = arith.constant 0 : i32
        %dma_start3A_800 = arith.constant 0 : i32
        %dma_start3A_801 = tpu.memref_slice %run_scoped3A[%rem3A_768, %dma_start3A_798, %dma_start3A_799, %dma_start3A_800] : memref<4x8x8x256xf32, #tpu.memory_space<vmem>> -> memref<1x1x8x128xf32, #tpu.memory_space<vmem>>
        %dma_start3A_802 = tpu.memref_squeeze %dma_start3A_801 : memref<1x1x8x128xf32, #tpu.memory_space<vmem>> -> memref<8x128xf32, #tpu.memory_space<vmem>>
        %dma_start3A_803 = arith.constant 0 : i32
        %dma_start3A_804 = tpu.memref_slice %arg4[%add3A_797, %mul3A_766, %dma_start3A_803] : memref<256x256x256xf32, #tpu.memory_space<hbm>> -> memref<1x8x128xf32, #tpu.memory_space<hbm>>
        %dma_start3A_805 = tpu.memref_squeeze %dma_start3A_804 : memref<1x8x128xf32, #tpu.memory_space<hbm>> -> memref<8x128xf32, #tpu.memory_space<hbm>>
        %dma_start3A_806 = tpu.memref_slice %arg8[%rem3A_768] : memref<4x!tpu.dma_semaphore, #tpu.memory_space<semaphore_mem>> -> memref<1x!tpu.dma_semaphore, #tpu.memory_space<semaphore_mem>>
        %dma_start3A_807 = tpu.memref_squeeze %dma_start3A_806 : memref<1x!tpu.dma_semaphore, #tpu.memory_space<semaphore_mem>> -> memref<!tpu.dma_semaphore, #tpu.memory_space<semaphore_mem>>
        %dma_start3A_808 = arith.constant 0 : i32
        %dma_start3A_809 = tpu.memref_slice %arg4[%add3A_797, %mul3A_766, %dma_start3A_808] : memref<256x256x256xf32, #tpu.memory_space<hbm>> -> memref<1x8x128xf32, #tpu.memory_space<hbm>>
        %dma_start3A_810 = tpu.memref_squeeze %dma_start3A_809 : memref<1x8x128xf32, #tpu.memory_space<hbm>> -> memref<8x128xf32, #tpu.memory_space<hbm>>
        %dma_start3A_811 = arith.constant 0 : i32
        %dma_start3A_812 = arith.constant 0 : i32
        %dma_start3A_813 = tpu.memref_slice %run_scoped3A[%rem3A_768, %dma_start3A_798, %dma_start3A_811, %dma_start3A_812] : memref<4x8x8x256xf32, #tpu.memory_space<vmem>> -> memref<1x1x8x128xf32, #tpu.memory_space<vmem>>
        %dma_start3A_814 = tpu.memref_squeeze %dma_start3A_813 : memref<1x1x8x128xf32, #tpu.memory_space<vmem>> -> memref<8x128xf32, #tpu.memory_space<vmem>>
        tpu.enqueue_dma source(%dma_start3A_814 : memref<8x128xf32, #tpu.memory_space<vmem>>) target(%dma_start3A_810 : memref<8x128xf32, #tpu.memory_space<hbm>>) target_semaphore(%dma_start3A_807 : memref<!tpu.dma_semaphore, #tpu.memory_space<semaphore_mem>>)
        %add3A_815 = arith.constant 0 : i32
        %add3A_816 = arith.addi %mul3A_2, %add3A_815 : i32
        %dma_start3A_817 = arith.constant 0 : i32
        %dma_start3A_818 = arith.constant 0 : i32
        %dma_start3A_819 = arith.constant 128 : i32
        %dma_start3A_820 = tpu.memref_slice %run_scoped3A[%rem3A_768, %dma_start3A_817, %dma_start3A_818, %dma_start3A_819] : memref<4x8x8x256xf32, #tpu.memory_space<vmem>> -> memref<1x1x8x128xf32, #tpu.memory_space<vmem>>
        %dma_start3A_821 = tpu.memref_squeeze %dma_start3A_820 : memref<1x1x8x128xf32, #tpu.memory_space<vmem>> -> memref<8x128xf32, #tpu.memory_space<vmem>>
        %dma_start3A_822 = arith.constant 128 : i32
        %dma_start3A_823 = tpu.memref_slice %arg4[%add3A_816, %mul3A_766, %dma_start3A_822] : memref<256x256x256xf32, #tpu.memory_space<hbm>> -> memref<1x8x128xf32, #tpu.memory_space<hbm>>
        %dma_start3A_824 = tpu.memref_squeeze %dma_start3A_823 : memref<1x8x128xf32, #tpu.memory_space<hbm>> -> memref<8x128xf32, #tpu.memory_space<hbm>>
        %dma_start3A_825 = tpu.memref_slice %arg8[%rem3A_768] : memref<4x!tpu.dma_semaphore, #tpu.memory_space<semaphore_mem>> -> memref<1x!tpu.dma_semaphore, #tpu.memory_space<semaphore_mem>>
        %dma_start3A_826 = tpu.memref_squeeze %dma_start3A_825 : memref<1x!tpu.dma_semaphore, #tpu.memory_space<semaphore_mem>> -> memref<!tpu.dma_semaphore, #tpu.memory_space<semaphore_mem>>
        %dma_start3A_827 = arith.constant 128 : i32
        %dma_start3A_828 = tpu.memref_slice %arg4[%add3A_816, %mul3A_766, %dma_start3A_827] : memref<256x256x256xf32, #tpu.memory_space<hbm>> -> memref<1x8x128xf32, #tpu.memory_space<hbm>>
        %dma_start3A_829 = tpu.memref_squeeze %dma_start3A_828 : memref<1x8x128xf32, #tpu.memory_space<hbm>> -> memref<8x128xf32, #tpu.memory_space<hbm>>
        %dma_start3A_830 = arith.constant 0 : i32
        %dma_start3A_831 = arith.constant 128 : i32
        %dma_start3A_832 = tpu.memref_slice %run_scoped3A[%rem3A_768, %dma_start3A_817, %dma_start3A_830, %dma_start3A_831] : memref<4x8x8x256xf32, #tpu.memory_space<vmem>> -> memref<1x1x8x128xf32, #tpu.memory_space<vmem>>
        %dma_start3A_833 = tpu.memref_squeeze %dma_start3A_832 : memref<1x1x8x128xf32, #tpu.memory_space<vmem>> -> memref<8x128xf32, #tpu.memory_space<vmem>>
        tpu.enqueue_dma source(%dma_start3A_833 : memref<8x128xf32, #tpu.memory_space<vmem>>) target(%dma_start3A_829 : memref<8x128xf32, #tpu.memory_space<hbm>>) target_semaphore(%dma_start3A_826 : memref<!tpu.dma_semaphore, #tpu.memory_space<semaphore_mem>>)
        %add3A_834 = arith.constant 1 : i32
        %add3A_835 = arith.addi %mul3A_2, %add3A_834 : i32
        %dma_start3A_836 = arith.constant 1 : i32
        %dma_start3A_837 = arith.constant 0 : i32
        %dma_start3A_838 = arith.constant 0 : i32
        %dma_start3A_839 = tpu.memref_slice %run_scoped3A[%rem3A_768, %dma_start3A_836, %dma_start3A_837, %dma_start3A_838] : memref<4x8x8x256xf32, #tpu.memory_space<vmem>> -> memref<1x1x8x128xf32, #tpu.memory_space<vmem>>
        %dma_start3A_840 = tpu.memref_squeeze %dma_start3A_839 : memref<1x1x8x128xf32, #tpu.memory_space<vmem>> -> memref<8x128xf32, #tpu.memory_space<vmem>>
        %dma_start3A_841 = arith.constant 0 : i32
        %dma_start3A_842 = tpu.memref_slice %arg4[%add3A_835, %mul3A_766, %dma_start3A_841] : memref<256x256x256xf32, #tpu.memory_space<hbm>> -> memref<1x8x128xf32, #tpu.memory_space<hbm>>
        %dma_start3A_843 = tpu.memref_squeeze %dma_start3A_842 : memref<1x8x128xf32, #tpu.memory_space<hbm>> -> memref<8x128xf32, #tpu.memory_space<hbm>>
        %dma_start3A_844 = tpu.memref_slice %arg8[%rem3A_768] : memref<4x!tpu.dma_semaphore, #tpu.memory_space<semaphore_mem>> -> memref<1x!tpu.dma_semaphore, #tpu.memory_space<semaphore_mem>>
        %dma_start3A_845 = tpu.memref_squeeze %dma_start3A_844 : memref<1x!tpu.dma_semaphore, #tpu.memory_space<semaphore_mem>> -> memref<!tpu.dma_semaphore, #tpu.memory_space<semaphore_mem>>
        %dma_start3A_846 = arith.constant 0 : i32
        %dma_start3A_847 = tpu.memref_slice %arg4[%add3A_835, %mul3A_766, %dma_start3A_846] : memref<256x256x256xf32, #tpu.memory_space<hbm>> -> memref<1x8x128xf32, #tpu.memory_space<hbm>>
        %dma_start3A_848 = tpu.memref_squeeze %dma_start3A_847 : memref<1x8x128xf32, #tpu.memory_space<hbm>> -> memref<8x128xf32, #tpu.memory_space<hbm>>
        %dma_start3A_849 = arith.constant 0 : i32
        %dma_start3A_850 = arith.constant 0 : i32
        %dma_start3A_851 = tpu.memref_slice %run_scoped3A[%rem3A_768, %dma_start3A_836, %dma_start3A_849, %dma_start3A_850] : memref<4x8x8x256xf32, #tpu.memory_space<vmem>> -> memref<1x1x8x128xf32, #tpu.memory_space<vmem>>
        %dma_start3A_852 = tpu.memref_squeeze %dma_start3A_851 : memref<1x1x8x128xf32, #tpu.memory_space<vmem>> -> memref<8x128xf32, #tpu.memory_space<vmem>>
        tpu.enqueue_dma source(%dma_start3A_852 : memref<8x128xf32, #tpu.memory_space<vmem>>) target(%dma_start3A_848 : memref<8x128xf32, #tpu.memory_space<hbm>>) target_semaphore(%dma_start3A_845 : memref<!tpu.dma_semaphore, #tpu.memory_space<semaphore_mem>>)
        %add3A_853 = arith.constant 1 : i32
        %add3A_854 = arith.addi %mul3A_2, %add3A_853 : i32
        %dma_start3A_855 = arith.constant 1 : i32
        %dma_start3A_856 = arith.constant 0 : i32
        %dma_start3A_857 = arith.constant 128 : i32
        %dma_start3A_858 = tpu.memref_slice %run_scoped3A[%rem3A_768, %dma_start3A_855, %dma_start3A_856, %dma_start3A_857] : memref<4x8x8x256xf32, #tpu.memory_space<vmem>> -> memref<1x1x8x128xf32, #tpu.memory_space<vmem>>
        %dma_start3A_859 = tpu.memref_squeeze %dma_start3A_858 : memref<1x1x8x128xf32, #tpu.memory_space<vmem>> -> memref<8x128xf32, #tpu.memory_space<vmem>>
        %dma_start3A_860 = arith.constant 128 : i32
        %dma_start3A_861 = tpu.memref_slice %arg4[%add3A_854, %mul3A_766, %dma_start3A_860] : memref<256x256x256xf32, #tpu.memory_space<hbm>> -> memref<1x8x128xf32, #tpu.memory_space<hbm>>
        %dma_start3A_862 = tpu.memref_squeeze %dma_start3A_861 : memref<1x8x128xf32, #tpu.memory_space<hbm>> -> memref<8x128xf32, #tpu.memory_space<hbm>>
        %dma_start3A_863 = tpu.memref_slice %arg8[%rem3A_768] : memref<4x!tpu.dma_semaphore, #tpu.memory_space<semaphore_mem>> -> memref<1x!tpu.dma_semaphore, #tpu.memory_space<semaphore_mem>>
        %dma_start3A_864 = tpu.memref_squeeze %dma_start3A_863 : memref<1x!tpu.dma_semaphore, #tpu.memory_space<semaphore_mem>> -> memref<!tpu.dma_semaphore, #tpu.memory_space<semaphore_mem>>
        %dma_start3A_865 = arith.constant 128 : i32
        %dma_start3A_866 = tpu.memref_slice %arg4[%add3A_854, %mul3A_766, %dma_start3A_865] : memref<256x256x256xf32, #tpu.memory_space<hbm>> -> memref<1x8x128xf32, #tpu.memory_space<hbm>>
        %dma_start3A_867 = tpu.memref_squeeze %dma_start3A_866 : memref<1x8x128xf32, #tpu.memory_space<hbm>> -> memref<8x128xf32, #tpu.memory_space<hbm>>
        %dma_start3A_868 = arith.constant 0 : i32
        %dma_start3A_869 = arith.constant 128 : i32
        %dma_start3A_870 = tpu.memref_slice %run_scoped3A[%rem3A_768, %dma_start3A_855, %dma_start3A_868, %dma_start3A_869] : memref<4x8x8x256xf32, #tpu.memory_space<vmem>> -> memref<1x1x8x128xf32, #tpu.memory_space<vmem>>
        %dma_start3A_871 = tpu.memref_squeeze %dma_start3A_870 : memref<1x1x8x128xf32, #tpu.memory_space<vmem>> -> memref<8x128xf32, #tpu.memory_space<vmem>>
        tpu.enqueue_dma source(%dma_start3A_871 : memref<8x128xf32, #tpu.memory_space<vmem>>) target(%dma_start3A_867 : memref<8x128xf32, #tpu.memory_space<hbm>>) target_semaphore(%dma_start3A_864 : memref<!tpu.dma_semaphore, #tpu.memory_space<semaphore_mem>>)
        %add3A_872 = arith.constant 2 : i32
        %add3A_873 = arith.addi %mul3A_2, %add3A_872 : i32
        %dma_start3A_874 = arith.constant 2 : i32
        %dma_start3A_875 = arith.constant 0 : i32
        %dma_start3A_876 = arith.constant 0 : i32
        %dma_start3A_877 = tpu.memref_slice %run_scoped3A[%rem3A_768, %dma_start3A_874, %dma_start3A_875, %dma_start3A_876] : memref<4x8x8x256xf32, #tpu.memory_space<vmem>> -> memref<1x1x8x128xf32, #tpu.memory_space<vmem>>
        %dma_start3A_878 = tpu.memref_squeeze %dma_start3A_877 : memref<1x1x8x128xf32, #tpu.memory_space<vmem>> -> memref<8x128xf32, #tpu.memory_space<vmem>>
        %dma_start3A_879 = arith.constant 0 : i32
        %dma_start3A_880 = tpu.memref_slice %arg4[%add3A_873, %mul3A_766, %dma_start3A_879] : memref<256x256x256xf32, #tpu.memory_space<hbm>> -> memref<1x8x128xf32, #tpu.memory_space<hbm>>
        %dma_start3A_881 = tpu.memref_squeeze %dma_start3A_880 : memref<1x8x128xf32, #tpu.memory_space<hbm>> -> memref<8x128xf32, #tpu.memory_space<hbm>>
        %dma_start3A_882 = tpu.memref_slice %arg8[%rem3A_768] : memref<4x!tpu.dma_semaphore, #tpu.memory_space<semaphore_mem>> -> memref<1x!tpu.dma_semaphore, #tpu.memory_space<semaphore_mem>>
        %dma_start3A_883 = tpu.memref_squeeze %dma_start3A_882 : memref<1x!tpu.dma_semaphore, #tpu.memory_space<semaphore_mem>> -> memref<!tpu.dma_semaphore, #tpu.memory_space<semaphore_mem>>
        %dma_start3A_884 = arith.constant 0 : i32
        %dma_start3A_885 = tpu.memref_slice %arg4[%add3A_873, %mul3A_766, %dma_start3A_884] : memref<256x256x256xf32, #tpu.memory_space<hbm>> -> memref<1x8x128xf32, #tpu.memory_space<hbm>>
        %dma_start3A_886 = tpu.memref_squeeze %dma_start3A_885 : memref<1x8x128xf32, #tpu.memory_space<hbm>> -> memref<8x128xf32, #tpu.memory_space<hbm>>
        %dma_start3A_887 = arith.constant 0 : i32
        %dma_start3A_888 = arith.constant 0 : i32
        %dma_start3A_889 = tpu.memref_slice %run_scoped3A[%rem3A_768, %dma_start3A_874, %dma_start3A_887, %dma_start3A_888] : memref<4x8x8x256xf32, #tpu.memory_space<vmem>> -> memref<1x1x8x128xf32, #tpu.memory_space<vmem>>
        %dma_start3A_890 = tpu.memref_squeeze %dma_start3A_889 : memref<1x1x8x128xf32, #tpu.memory_space<vmem>> -> memref<8x128xf32, #tpu.memory_space<vmem>>
        tpu.enqueue_dma source(%dma_start3A_890 : memref<8x128xf32, #tpu.memory_space<vmem>>) target(%dma_start3A_886 : memref<8x128xf32, #tpu.memory_space<hbm>>) target_semaphore(%dma_start3A_883 : memref<!tpu.dma_semaphore, #tpu.memory_space<semaphore_mem>>)
        %add3A_891 = arith.constant 2 : i32
        %add3A_892 = arith.addi %mul3A_2, %add3A_891 : i32
        %dma_start3A_893 = arith.constant 2 : i32
        %dma_start3A_894 = arith.constant 0 : i32
        %dma_start3A_895 = arith.constant 128 : i32
        %dma_start3A_896 = tpu.memref_slice %run_scoped3A[%rem3A_768, %dma_start3A_893, %dma_start3A_894, %dma_start3A_895] : memref<4x8x8x256xf32, #tpu.memory_space<vmem>> -> memref<1x1x8x128xf32, #tpu.memory_space<vmem>>
        %dma_start3A_897 = tpu.memref_squeeze %dma_start3A_896 : memref<1x1x8x128xf32, #tpu.memory_space<vmem>> -> memref<8x128xf32, #tpu.memory_space<vmem>>
        %dma_start3A_898 = arith.constant 128 : i32
        %dma_start3A_899 = tpu.memref_slice %arg4[%add3A_892, %mul3A_766, %dma_start3A_898] : memref<256x256x256xf32, #tpu.memory_space<hbm>> -> memref<1x8x128xf32, #tpu.memory_space<hbm>>
        %dma_start3A_900 = tpu.memref_squeeze %dma_start3A_899 : memref<1x8x128xf32, #tpu.memory_space<hbm>> -> memref<8x128xf32, #tpu.memory_space<hbm>>
        %dma_start3A_901 = tpu.memref_slice %arg8[%rem3A_768] : memref<4x!tpu.dma_semaphore, #tpu.memory_space<semaphore_mem>> -> memref<1x!tpu.dma_semaphore, #tpu.memory_space<semaphore_mem>>
        %dma_start3A_902 = tpu.memref_squeeze %dma_start3A_901 : memref<1x!tpu.dma_semaphore, #tpu.memory_space<semaphore_mem>> -> memref<!tpu.dma_semaphore, #tpu.memory_space<semaphore_mem>>
        %dma_start3A_903 = arith.constant 128 : i32
        %dma_start3A_904 = tpu.memref_slice %arg4[%add3A_892, %mul3A_766, %dma_start3A_903] : memref<256x256x256xf32, #tpu.memory_space<hbm>> -> memref<1x8x128xf32, #tpu.memory_space<hbm>>
        %dma_start3A_905 = tpu.memref_squeeze %dma_start3A_904 : memref<1x8x128xf32, #tpu.memory_space<hbm>> -> memref<8x128xf32, #tpu.memory_space<hbm>>
        %dma_start3A_906 = arith.constant 0 : i32
        %dma_start3A_907 = arith.constant 128 : i32
        %dma_start3A_908 = tpu.memref_slice %run_scoped3A[%rem3A_768, %dma_start3A_893, %dma_start3A_906, %dma_start3A_907] : memref<4x8x8x256xf32, #tpu.memory_space<vmem>> -> memref<1x1x8x128xf32, #tpu.memory_space<vmem>>
        %dma_start3A_909 = tpu.memref_squeeze %dma_start3A_908 : memref<1x1x8x128xf32, #tpu.memory_space<vmem>> -> memref<8x128xf32, #tpu.memory_space<vmem>>
        tpu.enqueue_dma source(%dma_start3A_909 : memref<8x128xf32, #tpu.memory_space<vmem>>) target(%dma_start3A_905 : memref<8x128xf32, #tpu.memory_space<hbm>>) target_semaphore(%dma_start3A_902 : memref<!tpu.dma_semaphore, #tpu.memory_space<semaphore_mem>>)
        %add3A_910 = arith.constant 3 : i32
        %add3A_911 = arith.addi %mul3A_2, %add3A_910 : i32
        %dma_start3A_912 = arith.constant 3 : i32
        %dma_start3A_913 = arith.constant 0 : i32
        %dma_start3A_914 = arith.constant 0 : i32
        %dma_start3A_915 = tpu.memref_slice %run_scoped3A[%rem3A_768, %dma_start3A_912, %dma_start3A_913, %dma_start3A_914] : memref<4x8x8x256xf32, #tpu.memory_space<vmem>> -> memref<1x1x8x128xf32, #tpu.memory_space<vmem>>
        %dma_start3A_916 = tpu.memref_squeeze %dma_start3A_915 : memref<1x1x8x128xf32, #tpu.memory_space<vmem>> -> memref<8x128xf32, #tpu.memory_space<vmem>>
        %dma_start3A_917 = arith.constant 0 : i32
        %dma_start3A_918 = tpu.memref_slice %arg4[%add3A_911, %mul3A_766, %dma_start3A_917] : memref<256x256x256xf32, #tpu.memory_space<hbm>> -> memref<1x8x128xf32, #tpu.memory_space<hbm>>
        %dma_start3A_919 = tpu.memref_squeeze %dma_start3A_918 : memref<1x8x128xf32, #tpu.memory_space<hbm>> -> memref<8x128xf32, #tpu.memory_space<hbm>>
        %dma_start3A_920 = tpu.memref_slice %arg8[%rem3A_768] : memref<4x!tpu.dma_semaphore, #tpu.memory_space<semaphore_mem>> -> memref<1x!tpu.dma_semaphore, #tpu.memory_space<semaphore_mem>>
        %dma_start3A_921 = tpu.memref_squeeze %dma_start3A_920 : memref<1x!tpu.dma_semaphore, #tpu.memory_space<semaphore_mem>> -> memref<!tpu.dma_semaphore, #tpu.memory_space<semaphore_mem>>
        %dma_start3A_922 = arith.constant 0 : i32
        %dma_start3A_923 = tpu.memref_slice %arg4[%add3A_911, %mul3A_766, %dma_start3A_922] : memref<256x256x256xf32, #tpu.memory_space<hbm>> -> memref<1x8x128xf32, #tpu.memory_space<hbm>>
        %dma_start3A_924 = tpu.memref_squeeze %dma_start3A_923 : memref<1x8x128xf32, #tpu.memory_space<hbm>> -> memref<8x128xf32, #tpu.memory_space<hbm>>
        %dma_start3A_925 = arith.constant 0 : i32
        %dma_start3A_926 = arith.constant 0 : i32
        %dma_start3A_927 = tpu.memref_slice %run_scoped3A[%rem3A_768, %dma_start3A_912, %dma_start3A_925, %dma_start3A_926] : memref<4x8x8x256xf32, #tpu.memory_space<vmem>> -> memref<1x1x8x128xf32, #tpu.memory_space<vmem>>
        %dma_start3A_928 = tpu.memref_squeeze %dma_start3A_927 : memref<1x1x8x128xf32, #tpu.memory_space<vmem>> -> memref<8x128xf32, #tpu.memory_space<vmem>>
        tpu.enqueue_dma source(%dma_start3A_928 : memref<8x128xf32, #tpu.memory_space<vmem>>) target(%dma_start3A_924 : memref<8x128xf32, #tpu.memory_space<hbm>>) target_semaphore(%dma_start3A_921 : memref<!tpu.dma_semaphore, #tpu.memory_space<semaphore_mem>>)
        %add3A_929 = arith.constant 3 : i32
        %add3A_930 = arith.addi %mul3A_2, %add3A_929 : i32
        %dma_start3A_931 = arith.constant 3 : i32
        %dma_start3A_932 = arith.constant 0 : i32
        %dma_start3A_933 = arith.constant 128 : i32
        %dma_start3A_934 = tpu.memref_slice %run_scoped3A[%rem3A_768, %dma_start3A_931, %dma_start3A_932, %dma_start3A_933] : memref<4x8x8x256xf32, #tpu.memory_space<vmem>> -> memref<1x1x8x128xf32, #tpu.memory_space<vmem>>
        %dma_start3A_935 = tpu.memref_squeeze %dma_start3A_934 : memref<1x1x8x128xf32, #tpu.memory_space<vmem>> -> memref<8x128xf32, #tpu.memory_space<vmem>>
        %dma_start3A_936 = arith.constant 128 : i32
        %dma_start3A_937 = tpu.memref_slice %arg4[%add3A_930, %mul3A_766, %dma_start3A_936] : memref<256x256x256xf32, #tpu.memory_space<hbm>> -> memref<1x8x128xf32, #tpu.memory_space<hbm>>
        %dma_start3A_938 = tpu.memref_squeeze %dma_start3A_937 : memref<1x8x128xf32, #tpu.memory_space<hbm>> -> memref<8x128xf32, #tpu.memory_space<hbm>>
        %dma_start3A_939 = tpu.memref_slice %arg8[%rem3A_768] : memref<4x!tpu.dma_semaphore, #tpu.memory_space<semaphore_mem>> -> memref<1x!tpu.dma_semaphore, #tpu.memory_space<semaphore_mem>>
        %dma_start3A_940 = tpu.memref_squeeze %dma_start3A_939 : memref<1x!tpu.dma_semaphore, #tpu.memory_space<semaphore_mem>> -> memref<!tpu.dma_semaphore, #tpu.memory_space<semaphore_mem>>
        %dma_start3A_941 = arith.constant 128 : i32
        %dma_start3A_942 = tpu.memref_slice %arg4[%add3A_930, %mul3A_766, %dma_start3A_941] : memref<256x256x256xf32, #tpu.memory_space<hbm>> -> memref<1x8x128xf32, #tpu.memory_space<hbm>>
        %dma_start3A_943 = tpu.memref_squeeze %dma_start3A_942 : memref<1x8x128xf32, #tpu.memory_space<hbm>> -> memref<8x128xf32, #tpu.memory_space<hbm>>
        %dma_start3A_944 = arith.constant 0 : i32
        %dma_start3A_945 = arith.constant 128 : i32
        %dma_start3A_946 = tpu.memref_slice %run_scoped3A[%rem3A_768, %dma_start3A_931, %dma_start3A_944, %dma_start3A_945] : memref<4x8x8x256xf32, #tpu.memory_space<vmem>> -> memref<1x1x8x128xf32, #tpu.memory_space<vmem>>
        %dma_start3A_947 = tpu.memref_squeeze %dma_start3A_946 : memref<1x1x8x128xf32, #tpu.memory_space<vmem>> -> memref<8x128xf32, #tpu.memory_space<vmem>>
        tpu.enqueue_dma source(%dma_start3A_947 : memref<8x128xf32, #tpu.memory_space<vmem>>) target(%dma_start3A_943 : memref<8x128xf32, #tpu.memory_space<hbm>>) target_semaphore(%dma_start3A_940 : memref<!tpu.dma_semaphore, #tpu.memory_space<semaphore_mem>>)
        %add3A_948 = arith.constant 4 : i32
        %add3A_949 = arith.addi %mul3A_2, %add3A_948 : i32
        %dma_start3A_950 = arith.constant 4 : i32
        %dma_start3A_951 = arith.constant 0 : i32
        %dma_start3A_952 = arith.constant 0 : i32
        %dma_start3A_953 = tpu.memref_slice %run_scoped3A[%rem3A_768, %dma_start3A_950, %dma_start3A_951, %dma_start3A_952] : memref<4x8x8x256xf32, #tpu.memory_space<vmem>> -> memref<1x1x8x128xf32, #tpu.memory_space<vmem>>
        %dma_start3A_954 = tpu.memref_squeeze %dma_start3A_953 : memref<1x1x8x128xf32, #tpu.memory_space<vmem>> -> memref<8x128xf32, #tpu.memory_space<vmem>>
        %dma_start3A_955 = arith.constant 0 : i32
        %dma_start3A_956 = tpu.memref_slice %arg4[%add3A_949, %mul3A_766, %dma_start3A_955] : memref<256x256x256xf32, #tpu.memory_space<hbm>> -> memref<1x8x128xf32, #tpu.memory_space<hbm>>
        %dma_start3A_957 = tpu.memref_squeeze %dma_start3A_956 : memref<1x8x128xf32, #tpu.memory_space<hbm>> -> memref<8x128xf32, #tpu.memory_space<hbm>>
        %dma_start3A_958 = tpu.memref_slice %arg8[%rem3A_768] : memref<4x!tpu.dma_semaphore, #tpu.memory_space<semaphore_mem>> -> memref<1x!tpu.dma_semaphore, #tpu.memory_space<semaphore_mem>>
        %dma_start3A_959 = tpu.memref_squeeze %dma_start3A_958 : memref<1x!tpu.dma_semaphore, #tpu.memory_space<semaphore_mem>> -> memref<!tpu.dma_semaphore, #tpu.memory_space<semaphore_mem>>
        %dma_start3A_960 = arith.constant 0 : i32
        %dma_start3A_961 = tpu.memref_slice %arg4[%add3A_949, %mul3A_766, %dma_start3A_960] : memref<256x256x256xf32, #tpu.memory_space<hbm>> -> memref<1x8x128xf32, #tpu.memory_space<hbm>>
        %dma_start3A_962 = tpu.memref_squeeze %dma_start3A_961 : memref<1x8x128xf32, #tpu.memory_space<hbm>> -> memref<8x128xf32, #tpu.memory_space<hbm>>
        %dma_start3A_963 = arith.constant 0 : i32
        %dma_start3A_964 = arith.constant 0 : i32
        %dma_start3A_965 = tpu.memref_slice %run_scoped3A[%rem3A_768, %dma_start3A_950, %dma_start3A_963, %dma_start3A_964] : memref<4x8x8x256xf32, #tpu.memory_space<vmem>> -> memref<1x1x8x128xf32, #tpu.memory_space<vmem>>
        %dma_start3A_966 = tpu.memref_squeeze %dma_start3A_965 : memref<1x1x8x128xf32, #tpu.memory_space<vmem>> -> memref<8x128xf32, #tpu.memory_space<vmem>>
        tpu.enqueue_dma source(%dma_start3A_966 : memref<8x128xf32, #tpu.memory_space<vmem>>) target(%dma_start3A_962 : memref<8x128xf32, #tpu.memory_space<hbm>>) target_semaphore(%dma_start3A_959 : memref<!tpu.dma_semaphore, #tpu.memory_space<semaphore_mem>>)
        %add3A_967 = arith.constant 4 : i32
        %add3A_968 = arith.addi %mul3A_2, %add3A_967 : i32
        %dma_start3A_969 = arith.constant 4 : i32
        %dma_start3A_970 = arith.constant 0 : i32
        %dma_start3A_971 = arith.constant 128 : i32
        %dma_start3A_972 = tpu.memref_slice %run_scoped3A[%rem3A_768, %dma_start3A_969, %dma_start3A_970, %dma_start3A_971] : memref<4x8x8x256xf32, #tpu.memory_space<vmem>> -> memref<1x1x8x128xf32, #tpu.memory_space<vmem>>
        %dma_start3A_973 = tpu.memref_squeeze %dma_start3A_972 : memref<1x1x8x128xf32, #tpu.memory_space<vmem>> -> memref<8x128xf32, #tpu.memory_space<vmem>>
        %dma_start3A_974 = arith.constant 128 : i32
        %dma_start3A_975 = tpu.memref_slice %arg4[%add3A_968, %mul3A_766, %dma_start3A_974] : memref<256x256x256xf32, #tpu.memory_space<hbm>> -> memref<1x8x128xf32, #tpu.memory_space<hbm>>
        %dma_start3A_976 = tpu.memref_squeeze %dma_start3A_975 : memref<1x8x128xf32, #tpu.memory_space<hbm>> -> memref<8x128xf32, #tpu.memory_space<hbm>>
        %dma_start3A_977 = tpu.memref_slice %arg8[%rem3A_768] : memref<4x!tpu.dma_semaphore, #tpu.memory_space<semaphore_mem>> -> memref<1x!tpu.dma_semaphore, #tpu.memory_space<semaphore_mem>>
        %dma_start3A_978 = tpu.memref_squeeze %dma_start3A_977 : memref<1x!tpu.dma_semaphore, #tpu.memory_space<semaphore_mem>> -> memref<!tpu.dma_semaphore, #tpu.memory_space<semaphore_mem>>
        %dma_start3A_979 = arith.constant 128 : i32
        %dma_start3A_980 = tpu.memref_slice %arg4[%add3A_968, %mul3A_766, %dma_start3A_979] : memref<256x256x256xf32, #tpu.memory_space<hbm>> -> memref<1x8x128xf32, #tpu.memory_space<hbm>>
        %dma_start3A_981 = tpu.memref_squeeze %dma_start3A_980 : memref<1x8x128xf32, #tpu.memory_space<hbm>> -> memref<8x128xf32, #tpu.memory_space<hbm>>
        %dma_start3A_982 = arith.constant 0 : i32
        %dma_start3A_983 = arith.constant 128 : i32
        %dma_start3A_984 = tpu.memref_slice %run_scoped3A[%rem3A_768, %dma_start3A_969, %dma_start3A_982, %dma_start3A_983] : memref<4x8x8x256xf32, #tpu.memory_space<vmem>> -> memref<1x1x8x128xf32, #tpu.memory_space<vmem>>
        %dma_start3A_985 = tpu.memref_squeeze %dma_start3A_984 : memref<1x1x8x128xf32, #tpu.memory_space<vmem>> -> memref<8x128xf32, #tpu.memory_space<vmem>>
        tpu.enqueue_dma source(%dma_start3A_985 : memref<8x128xf32, #tpu.memory_space<vmem>>) target(%dma_start3A_981 : memref<8x128xf32, #tpu.memory_space<hbm>>) target_semaphore(%dma_start3A_978 : memref<!tpu.dma_semaphore, #tpu.memory_space<semaphore_mem>>)
        %add3A_986 = arith.constant 5 : i32
        %add3A_987 = arith.addi %mul3A_2, %add3A_986 : i32
        %dma_start3A_988 = arith.constant 5 : i32
        %dma_start3A_989 = arith.constant 0 : i32
        %dma_start3A_990 = arith.constant 0 : i32
        %dma_start3A_991 = tpu.memref_slice %run_scoped3A[%rem3A_768, %dma_start3A_988, %dma_start3A_989, %dma_start3A_990] : memref<4x8x8x256xf32, #tpu.memory_space<vmem>> -> memref<1x1x8x128xf32, #tpu.memory_space<vmem>>
        %dma_start3A_992 = tpu.memref_squeeze %dma_start3A_991 : memref<1x1x8x128xf32, #tpu.memory_space<vmem>> -> memref<8x128xf32, #tpu.memory_space<vmem>>
        %dma_start3A_993 = arith.constant 0 : i32
        %dma_start3A_994 = tpu.memref_slice %arg4[%add3A_987, %mul3A_766, %dma_start3A_993] : memref<256x256x256xf32, #tpu.memory_space<hbm>> -> memref<1x8x128xf32, #tpu.memory_space<hbm>>
        %dma_start3A_995 = tpu.memref_squeeze %dma_start3A_994 : memref<1x8x128xf32, #tpu.memory_space<hbm>> -> memref<8x128xf32, #tpu.memory_space<hbm>>
        %dma_start3A_996 = tpu.memref_slice %arg8[%rem3A_768] : memref<4x!tpu.dma_semaphore, #tpu.memory_space<semaphore_mem>> -> memref<1x!tpu.dma_semaphore, #tpu.memory_space<semaphore_mem>>
        %dma_start3A_997 = tpu.memref_squeeze %dma_start3A_996 : memref<1x!tpu.dma_semaphore, #tpu.memory_space<semaphore_mem>> -> memref<!tpu.dma_semaphore, #tpu.memory_space<semaphore_mem>>
        %dma_start3A_998 = arith.constant 0 : i32
        %dma_start3A_999 = tpu.memref_slice %arg4[%add3A_987, %mul3A_766, %dma_start3A_998] : memref<256x256x256xf32, #tpu.memory_space<hbm>> -> memref<1x8x128xf32, #tpu.memory_space<hbm>>
        %dma_start3A_1000 = tpu.memref_squeeze %dma_start3A_999 : memref<1x8x128xf32, #tpu.memory_space<hbm>> -> memref<8x128xf32, #tpu.memory_space<hbm>>
        %dma_start3A_1001 = arith.constant 0 : i32
        %dma_start3A_1002 = arith.constant 0 : i32
        %dma_start3A_1003 = tpu.memref_slice %run_scoped3A[%rem3A_768, %dma_start3A_988, %dma_start3A_1001, %dma_start3A_1002] : memref<4x8x8x256xf32, #tpu.memory_space<vmem>> -> memref<1x1x8x128xf32, #tpu.memory_space<vmem>>
        %dma_start3A_1004 = tpu.memref_squeeze %dma_start3A_1003 : memref<1x1x8x128xf32, #tpu.memory_space<vmem>> -> memref<8x128xf32, #tpu.memory_space<vmem>>
        tpu.enqueue_dma source(%dma_start3A_1004 : memref<8x128xf32, #tpu.memory_space<vmem>>) target(%dma_start3A_1000 : memref<8x128xf32, #tpu.memory_space<hbm>>) target_semaphore(%dma_start3A_997 : memref<!tpu.dma_semaphore, #tpu.memory_space<semaphore_mem>>)
        %add3A_1005 = arith.constant 5 : i32
        %add3A_1006 = arith.addi %mul3A_2, %add3A_1005 : i32
        %dma_start3A_1007 = arith.constant 5 : i32
        %dma_start3A_1008 = arith.constant 0 : i32
        %dma_start3A_1009 = arith.constant 128 : i32
        %dma_start3A_1010 = tpu.memref_slice %run_scoped3A[%rem3A_768, %dma_start3A_1007, %dma_start3A_1008, %dma_start3A_1009] : memref<4x8x8x256xf32, #tpu.memory_space<vmem>> -> memref<1x1x8x128xf32, #tpu.memory_space<vmem>>
        %dma_start3A_1011 = tpu.memref_squeeze %dma_start3A_1010 : memref<1x1x8x128xf32, #tpu.memory_space<vmem>> -> memref<8x128xf32, #tpu.memory_space<vmem>>
        %dma_start3A_1012 = arith.constant 128 : i32
        %dma_start3A_1013 = tpu.memref_slice %arg4[%add3A_1006, %mul3A_766, %dma_start3A_1012] : memref<256x256x256xf32, #tpu.memory_space<hbm>> -> memref<1x8x128xf32, #tpu.memory_space<hbm>>
        %dma_start3A_1014 = tpu.memref_squeeze %dma_start3A_1013 : memref<1x8x128xf32, #tpu.memory_space<hbm>> -> memref<8x128xf32, #tpu.memory_space<hbm>>
        %dma_start3A_1015 = tpu.memref_slice %arg8[%rem3A_768] : memref<4x!tpu.dma_semaphore, #tpu.memory_space<semaphore_mem>> -> memref<1x!tpu.dma_semaphore, #tpu.memory_space<semaphore_mem>>
        %dma_start3A_1016 = tpu.memref_squeeze %dma_start3A_1015 : memref<1x!tpu.dma_semaphore, #tpu.memory_space<semaphore_mem>> -> memref<!tpu.dma_semaphore, #tpu.memory_space<semaphore_mem>>
        %dma_start3A_1017 = arith.constant 128 : i32
        %dma_start3A_1018 = tpu.memref_slice %arg4[%add3A_1006, %mul3A_766, %dma_start3A_1017] : memref<256x256x256xf32, #tpu.memory_space<hbm>> -> memref<1x8x128xf32, #tpu.memory_space<hbm>>
        %dma_start3A_1019 = tpu.memref_squeeze %dma_start3A_1018 : memref<1x8x128xf32, #tpu.memory_space<hbm>> -> memref<8x128xf32, #tpu.memory_space<hbm>>
        %dma_start3A_1020 = arith.constant 0 : i32
        %dma_start3A_1021 = arith.constant 128 : i32
        %dma_start3A_1022 = tpu.memref_slice %run_scoped3A[%rem3A_768, %dma_start3A_1007, %dma_start3A_1020, %dma_start3A_1021] : memref<4x8x8x256xf32, #tpu.memory_space<vmem>> -> memref<1x1x8x128xf32, #tpu.memory_space<vmem>>
        %dma_start3A_1023 = tpu.memref_squeeze %dma_start3A_1022 : memref<1x1x8x128xf32, #tpu.memory_space<vmem>> -> memref<8x128xf32, #tpu.memory_space<vmem>>
        tpu.enqueue_dma source(%dma_start3A_1023 : memref<8x128xf32, #tpu.memory_space<vmem>>) target(%dma_start3A_1019 : memref<8x128xf32, #tpu.memory_space<hbm>>) target_semaphore(%dma_start3A_1016 : memref<!tpu.dma_semaphore, #tpu.memory_space<semaphore_mem>>)
        %add3A_1024 = arith.constant 6 : i32
        %add3A_1025 = arith.addi %mul3A_2, %add3A_1024 : i32
        %dma_start3A_1026 = arith.constant 6 : i32
        %dma_start3A_1027 = arith.constant 0 : i32
        %dma_start3A_1028 = arith.constant 0 : i32
        %dma_start3A_1029 = tpu.memref_slice %run_scoped3A[%rem3A_768, %dma_start3A_1026, %dma_start3A_1027, %dma_start3A_1028] : memref<4x8x8x256xf32, #tpu.memory_space<vmem>> -> memref<1x1x8x128xf32, #tpu.memory_space<vmem>>
        %dma_start3A_1030 = tpu.memref_squeeze %dma_start3A_1029 : memref<1x1x8x128xf32, #tpu.memory_space<vmem>> -> memref<8x128xf32, #tpu.memory_space<vmem>>
        %dma_start3A_1031 = arith.constant 0 : i32
        %dma_start3A_1032 = tpu.memref_slice %arg4[%add3A_1025, %mul3A_766, %dma_start3A_1031] : memref<256x256x256xf32, #tpu.memory_space<hbm>> -> memref<1x8x128xf32, #tpu.memory_space<hbm>>
        %dma_start3A_1033 = tpu.memref_squeeze %dma_start3A_1032 : memref<1x8x128xf32, #tpu.memory_space<hbm>> -> memref<8x128xf32, #tpu.memory_space<hbm>>
        %dma_start3A_1034 = tpu.memref_slice %arg8[%rem3A_768] : memref<4x!tpu.dma_semaphore, #tpu.memory_space<semaphore_mem>> -> memref<1x!tpu.dma_semaphore, #tpu.memory_space<semaphore_mem>>
        %dma_start3A_1035 = tpu.memref_squeeze %dma_start3A_1034 : memref<1x!tpu.dma_semaphore, #tpu.memory_space<semaphore_mem>> -> memref<!tpu.dma_semaphore, #tpu.memory_space<semaphore_mem>>
        %dma_start3A_1036 = arith.constant 0 : i32
        %dma_start3A_1037 = tpu.memref_slice %arg4[%add3A_1025, %mul3A_766, %dma_start3A_1036] : memref<256x256x256xf32, #tpu.memory_space<hbm>> -> memref<1x8x128xf32, #tpu.memory_space<hbm>>
        %dma_start3A_1038 = tpu.memref_squeeze %dma_start3A_1037 : memref<1x8x128xf32, #tpu.memory_space<hbm>> -> memref<8x128xf32, #tpu.memory_space<hbm>>
        %dma_start3A_1039 = arith.constant 0 : i32
        %dma_start3A_1040 = arith.constant 0 : i32
        %dma_start3A_1041 = tpu.memref_slice %run_scoped3A[%rem3A_768, %dma_start3A_1026, %dma_start3A_1039, %dma_start3A_1040] : memref<4x8x8x256xf32, #tpu.memory_space<vmem>> -> memref<1x1x8x128xf32, #tpu.memory_space<vmem>>
        %dma_start3A_1042 = tpu.memref_squeeze %dma_start3A_1041 : memref<1x1x8x128xf32, #tpu.memory_space<vmem>> -> memref<8x128xf32, #tpu.memory_space<vmem>>
        tpu.enqueue_dma source(%dma_start3A_1042 : memref<8x128xf32, #tpu.memory_space<vmem>>) target(%dma_start3A_1038 : memref<8x128xf32, #tpu.memory_space<hbm>>) target_semaphore(%dma_start3A_1035 : memref<!tpu.dma_semaphore, #tpu.memory_space<semaphore_mem>>)
        %add3A_1043 = arith.constant 6 : i32
        %add3A_1044 = arith.addi %mul3A_2, %add3A_1043 : i32
        %dma_start3A_1045 = arith.constant 6 : i32
        %dma_start3A_1046 = arith.constant 0 : i32
        %dma_start3A_1047 = arith.constant 128 : i32
        %dma_start3A_1048 = tpu.memref_slice %run_scoped3A[%rem3A_768, %dma_start3A_1045, %dma_start3A_1046, %dma_start3A_1047] : memref<4x8x8x256xf32, #tpu.memory_space<vmem>> -> memref<1x1x8x128xf32, #tpu.memory_space<vmem>>
        %dma_start3A_1049 = tpu.memref_squeeze %dma_start3A_1048 : memref<1x1x8x128xf32, #tpu.memory_space<vmem>> -> memref<8x128xf32, #tpu.memory_space<vmem>>
        %dma_start3A_1050 = arith.constant 128 : i32
        %dma_start3A_1051 = tpu.memref_slice %arg4[%add3A_1044, %mul3A_766, %dma_start3A_1050] : memref<256x256x256xf32, #tpu.memory_space<hbm>> -> memref<1x8x128xf32, #tpu.memory_space<hbm>>
        %dma_start3A_1052 = tpu.memref_squeeze %dma_start3A_1051 : memref<1x8x128xf32, #tpu.memory_space<hbm>> -> memref<8x128xf32, #tpu.memory_space<hbm>>
        %dma_start3A_1053 = tpu.memref_slice %arg8[%rem3A_768] : memref<4x!tpu.dma_semaphore, #tpu.memory_space<semaphore_mem>> -> memref<1x!tpu.dma_semaphore, #tpu.memory_space<semaphore_mem>>
        %dma_start3A_1054 = tpu.memref_squeeze %dma_start3A_1053 : memref<1x!tpu.dma_semaphore, #tpu.memory_space<semaphore_mem>> -> memref<!tpu.dma_semaphore, #tpu.memory_space<semaphore_mem>>
        %dma_start3A_1055 = arith.constant 128 : i32
        %dma_start3A_1056 = tpu.memref_slice %arg4[%add3A_1044, %mul3A_766, %dma_start3A_1055] : memref<256x256x256xf32, #tpu.memory_space<hbm>> -> memref<1x8x128xf32, #tpu.memory_space<hbm>>
        %dma_start3A_1057 = tpu.memref_squeeze %dma_start3A_1056 : memref<1x8x128xf32, #tpu.memory_space<hbm>> -> memref<8x128xf32, #tpu.memory_space<hbm>>
        %dma_start3A_1058 = arith.constant 0 : i32
        %dma_start3A_1059 = arith.constant 128 : i32
        %dma_start3A_1060 = tpu.memref_slice %run_scoped3A[%rem3A_768, %dma_start3A_1045, %dma_start3A_1058, %dma_start3A_1059] : memref<4x8x8x256xf32, #tpu.memory_space<vmem>> -> memref<1x1x8x128xf32, #tpu.memory_space<vmem>>
        %dma_start3A_1061 = tpu.memref_squeeze %dma_start3A_1060 : memref<1x1x8x128xf32, #tpu.memory_space<vmem>> -> memref<8x128xf32, #tpu.memory_space<vmem>>
        tpu.enqueue_dma source(%dma_start3A_1061 : memref<8x128xf32, #tpu.memory_space<vmem>>) target(%dma_start3A_1057 : memref<8x128xf32, #tpu.memory_space<hbm>>) target_semaphore(%dma_start3A_1054 : memref<!tpu.dma_semaphore, #tpu.memory_space<semaphore_mem>>)
        %add3A_1062 = arith.constant 7 : i32
        %add3A_1063 = arith.addi %mul3A_2, %add3A_1062 : i32
        %dma_start3A_1064 = arith.constant 7 : i32
        %dma_start3A_1065 = arith.constant 0 : i32
        %dma_start3A_1066 = arith.constant 0 : i32
        %dma_start3A_1067 = tpu.memref_slice %run_scoped3A[%rem3A_768, %dma_start3A_1064, %dma_start3A_1065, %dma_start3A_1066] : memref<4x8x8x256xf32, #tpu.memory_space<vmem>> -> memref<1x1x8x128xf32, #tpu.memory_space<vmem>>
        %dma_start3A_1068 = tpu.memref_squeeze %dma_start3A_1067 : memref<1x1x8x128xf32, #tpu.memory_space<vmem>> -> memref<8x128xf32, #tpu.memory_space<vmem>>
        %dma_start3A_1069 = arith.constant 0 : i32
        %dma_start3A_1070 = tpu.memref_slice %arg4[%add3A_1063, %mul3A_766, %dma_start3A_1069] : memref<256x256x256xf32, #tpu.memory_space<hbm>> -> memref<1x8x128xf32, #tpu.memory_space<hbm>>
        %dma_start3A_1071 = tpu.memref_squeeze %dma_start3A_1070 : memref<1x8x128xf32, #tpu.memory_space<hbm>> -> memref<8x128xf32, #tpu.memory_space<hbm>>
        %dma_start3A_1072 = tpu.memref_slice %arg8[%rem3A_768] : memref<4x!tpu.dma_semaphore, #tpu.memory_space<semaphore_mem>> -> memref<1x!tpu.dma_semaphore, #tpu.memory_space<semaphore_mem>>
        %dma_start3A_1073 = tpu.memref_squeeze %dma_start3A_1072 : memref<1x!tpu.dma_semaphore, #tpu.memory_space<semaphore_mem>> -> memref<!tpu.dma_semaphore, #tpu.memory_space<semaphore_mem>>
        %dma_start3A_1074 = arith.constant 0 : i32
        %dma_start3A_1075 = tpu.memref_slice %arg4[%add3A_1063, %mul3A_766, %dma_start3A_1074] : memref<256x256x256xf32, #tpu.memory_space<hbm>> -> memref<1x8x128xf32, #tpu.memory_space<hbm>>
        %dma_start3A_1076 = tpu.memref_squeeze %dma_start3A_1075 : memref<1x8x128xf32, #tpu.memory_space<hbm>> -> memref<8x128xf32, #tpu.memory_space<hbm>>
        %dma_start3A_1077 = arith.constant 0 : i32
        %dma_start3A_1078 = arith.constant 0 : i32
        %dma_start3A_1079 = tpu.memref_slice %run_scoped3A[%rem3A_768, %dma_start3A_1064, %dma_start3A_1077, %dma_start3A_1078] : memref<4x8x8x256xf32, #tpu.memory_space<vmem>> -> memref<1x1x8x128xf32, #tpu.memory_space<vmem>>
        %dma_start3A_1080 = tpu.memref_squeeze %dma_start3A_1079 : memref<1x1x8x128xf32, #tpu.memory_space<vmem>> -> memref<8x128xf32, #tpu.memory_space<vmem>>
        tpu.enqueue_dma source(%dma_start3A_1080 : memref<8x128xf32, #tpu.memory_space<vmem>>) target(%dma_start3A_1076 : memref<8x128xf32, #tpu.memory_space<hbm>>) target_semaphore(%dma_start3A_1073 : memref<!tpu.dma_semaphore, #tpu.memory_space<semaphore_mem>>)
        %add3A_1081 = arith.constant 7 : i32
        %add3A_1082 = arith.addi %mul3A_2, %add3A_1081 : i32
        %dma_start3A_1083 = arith.constant 7 : i32
        %dma_start3A_1084 = arith.constant 0 : i32
        %dma_start3A_1085 = arith.constant 128 : i32
        %dma_start3A_1086 = tpu.memref_slice %run_scoped3A[%rem3A_768, %dma_start3A_1083, %dma_start3A_1084, %dma_start3A_1085] : memref<4x8x8x256xf32, #tpu.memory_space<vmem>> -> memref<1x1x8x128xf32, #tpu.memory_space<vmem>>
        %dma_start3A_1087 = tpu.memref_squeeze %dma_start3A_1086 : memref<1x1x8x128xf32, #tpu.memory_space<vmem>> -> memref<8x128xf32, #tpu.memory_space<vmem>>
        %dma_start3A_1088 = arith.constant 128 : i32
        %dma_start3A_1089 = tpu.memref_slice %arg4[%add3A_1082, %mul3A_766, %dma_start3A_1088] : memref<256x256x256xf32, #tpu.memory_space<hbm>> -> memref<1x8x128xf32, #tpu.memory_space<hbm>>
        %dma_start3A_1090 = tpu.memref_squeeze %dma_start3A_1089 : memref<1x8x128xf32, #tpu.memory_space<hbm>> -> memref<8x128xf32, #tpu.memory_space<hbm>>
        %dma_start3A_1091 = tpu.memref_slice %arg8[%rem3A_768] : memref<4x!tpu.dma_semaphore, #tpu.memory_space<semaphore_mem>> -> memref<1x!tpu.dma_semaphore, #tpu.memory_space<semaphore_mem>>
        %dma_start3A_1092 = tpu.memref_squeeze %dma_start3A_1091 : memref<1x!tpu.dma_semaphore, #tpu.memory_space<semaphore_mem>> -> memref<!tpu.dma_semaphore, #tpu.memory_space<semaphore_mem>>
        %dma_start3A_1093 = arith.constant 128 : i32
        %dma_start3A_1094 = tpu.memref_slice %arg4[%add3A_1082, %mul3A_766, %dma_start3A_1093] : memref<256x256x256xf32, #tpu.memory_space<hbm>> -> memref<1x8x128xf32, #tpu.memory_space<hbm>>
        %dma_start3A_1095 = tpu.memref_squeeze %dma_start3A_1094 : memref<1x8x128xf32, #tpu.memory_space<hbm>> -> memref<8x128xf32, #tpu.memory_space<hbm>>
        %dma_start3A_1096 = arith.constant 0 : i32
        %dma_start3A_1097 = arith.constant 128 : i32
        %dma_start3A_1098 = tpu.memref_slice %run_scoped3A[%rem3A_768, %dma_start3A_1083, %dma_start3A_1096, %dma_start3A_1097] : memref<4x8x8x256xf32, #tpu.memory_space<vmem>> -> memref<1x1x8x128xf32, #tpu.memory_space<vmem>>
        %dma_start3A_1099 = tpu.memref_squeeze %dma_start3A_1098 : memref<1x1x8x128xf32, #tpu.memory_space<vmem>> -> memref<8x128xf32, #tpu.memory_space<vmem>>
        tpu.enqueue_dma source(%dma_start3A_1099 : memref<8x128xf32, #tpu.memory_space<vmem>>) target(%dma_start3A_1095 : memref<8x128xf32, #tpu.memory_space<hbm>>) target_semaphore(%dma_start3A_1092 : memref<!tpu.dma_semaphore, #tpu.memory_space<semaphore_mem>>)
      }
      %scan3A_28 = arith.constant 32 : i32
      %add3A_29 = arith.constant 0 : i32
      %add3A_30 = arith.addi %mul3A_2, %add3A_29 : i32
      %dma_wait3A = arith.constant 0 : i32
      %dma_wait3A_31 = arith.constant 0 : i32
      %dma_wait3A_32 = arith.constant 0 : i32
      %dma_wait3A_33 = arith.constant 0 : i32
      %dma_wait3A_34 = arith.constant 0 : i32
      %dma_wait3A_35 = tpu.memref_slice %run_scoped3A[%dma_wait3A, %dma_wait3A_31, %dma_wait3A_33, %dma_wait3A_34] : memref<4x8x8x256xf32, #tpu.memory_space<vmem>> -> memref<1x1x8x256xf32, #tpu.memory_space<vmem>>
      %dma_wait3A_36 = tpu.memref_squeeze %dma_wait3A_35 : memref<1x1x8x256xf32, #tpu.memory_space<vmem>> -> memref<8x256xf32, #tpu.memory_space<vmem>>
      %dma_wait3A_37 = arith.constant 0 : i32
      %dma_wait3A_38 = arith.constant 0 : i32
      %dma_wait3A_39 = tpu.memref_slice %arg4[%add3A_30, %dma_wait3A_37, %dma_wait3A_38] : memref<256x256x256xf32, #tpu.memory_space<hbm>> -> memref<1x8x256xf32, #tpu.memory_space<hbm>>
      %dma_wait3A_40 = tpu.memref_squeeze %dma_wait3A_39 : memref<1x8x256xf32, #tpu.memory_space<hbm>> -> memref<8x256xf32, #tpu.memory_space<hbm>>
      %dma_wait3A_41 = tpu.memref_slice %arg8[%dma_wait3A_32] : memref<4x!tpu.dma_semaphore, #tpu.memory_space<semaphore_mem>> -> memref<1x!tpu.dma_semaphore, #tpu.memory_space<semaphore_mem>>
      %dma_wait3A_42 = tpu.memref_squeeze %dma_wait3A_41 : memref<1x!tpu.dma_semaphore, #tpu.memory_space<semaphore_mem>> -> memref<!tpu.dma_semaphore, #tpu.memory_space<semaphore_mem>>
      %dma_wait3A_43 = arith.constant 0 : i32
      %dma_wait3A_44 = arith.constant 0 : i32
      %dma_wait3A_45 = tpu.memref_slice %arg4[%add3A_30, %dma_wait3A_43, %dma_wait3A_44] : memref<256x256x256xf32, #tpu.memory_space<hbm>> -> memref<1x8x256xf32, #tpu.memory_space<hbm>>
      %dma_wait3A_46 = tpu.memref_squeeze %dma_wait3A_45 : memref<1x8x256xf32, #tpu.memory_space<hbm>> -> memref<8x256xf32, #tpu.memory_space<hbm>>
      %dma_wait3A_47 = arith.constant 0 : i32
      %dma_wait3A_48 = arith.constant 0 : i32
      %dma_wait3A_49 = tpu.memref_slice %run_scoped3A[%dma_wait3A, %dma_wait3A_31, %dma_wait3A_47, %dma_wait3A_48] : memref<4x8x8x256xf32, #tpu.memory_space<vmem>> -> memref<1x1x8x256xf32, #tpu.memory_space<vmem>>
      %dma_wait3A_50 = tpu.memref_squeeze %dma_wait3A_49 : memref<1x1x8x256xf32, #tpu.memory_space<vmem>> -> memref<8x256xf32, #tpu.memory_space<vmem>>
      tpu.wait_dma2 semaphore(%dma_wait3A_42 : memref<!tpu.dma_semaphore, #tpu.memory_space<semaphore_mem>>) src(%dma_wait3A_50 : memref<8x256xf32, #tpu.memory_space<vmem>>) dst(%dma_wait3A_46 : memref<8x256xf32, #tpu.memory_space<hbm>>)
      %add3A_51 = arith.constant 1 : i32
      %add3A_52 = arith.addi %mul3A_2, %add3A_51 : i32
      %dma_wait3A_53 = arith.constant 0 : i32
      %dma_wait3A_54 = arith.constant 1 : i32
      %dma_wait3A_55 = arith.constant 0 : i32
      %dma_wait3A_56 = arith.constant 0 : i32
      %dma_wait3A_57 = arith.constant 0 : i32
      %dma_wait3A_58 = tpu.memref_slice %run_scoped3A[%dma_wait3A_53, %dma_wait3A_54, %dma_wait3A_56, %dma_wait3A_57] : memref<4x8x8x256xf32, #tpu.memory_space<vmem>> -> memref<1x1x8x256xf32, #tpu.memory_space<vmem>>
      %dma_wait3A_59 = tpu.memref_squeeze %dma_wait3A_58 : memref<1x1x8x256xf32, #tpu.memory_space<vmem>> -> memref<8x256xf32, #tpu.memory_space<vmem>>
      %dma_wait3A_60 = arith.constant 0 : i32
      %dma_wait3A_61 = arith.constant 0 : i32
      %dma_wait3A_62 = tpu.memref_slice %arg4[%add3A_52, %dma_wait3A_60, %dma_wait3A_61] : memref<256x256x256xf32, #tpu.memory_space<hbm>> -> memref<1x8x256xf32, #tpu.memory_space<hbm>>
      %dma_wait3A_63 = tpu.memref_squeeze %dma_wait3A_62 : memref<1x8x256xf32, #tpu.memory_space<hbm>> -> memref<8x256xf32, #tpu.memory_space<hbm>>
      %dma_wait3A_64 = tpu.memref_slice %arg8[%dma_wait3A_55] : memref<4x!tpu.dma_semaphore, #tpu.memory_space<semaphore_mem>> -> memref<1x!tpu.dma_semaphore, #tpu.memory_space<semaphore_mem>>
      %dma_wait3A_65 = tpu.memref_squeeze %dma_wait3A_64 : memref<1x!tpu.dma_semaphore, #tpu.memory_space<semaphore_mem>> -> memref<!tpu.dma_semaphore, #tpu.memory_space<semaphore_mem>>
      %dma_wait3A_66 = arith.constant 0 : i32
      %dma_wait3A_67 = arith.constant 0 : i32
      %dma_wait3A_68 = tpu.memref_slice %arg4[%add3A_52, %dma_wait3A_66, %dma_wait3A_67] : memref<256x256x256xf32, #tpu.memory_space<hbm>> -> memref<1x8x256xf32, #tpu.memory_space<hbm>>
      %dma_wait3A_69 = tpu.memref_squeeze %dma_wait3A_68 : memref<1x8x256xf32, #tpu.memory_space<hbm>> -> memref<8x256xf32, #tpu.memory_space<hbm>>
      %dma_wait3A_70 = arith.constant 0 : i32
      %dma_wait3A_71 = arith.constant 0 : i32
      %dma_wait3A_72 = tpu.memref_slice %run_scoped3A[%dma_wait3A_53, %dma_wait3A_54, %dma_wait3A_70, %dma_wait3A_71] : memref<4x8x8x256xf32, #tpu.memory_space<vmem>> -> memref<1x1x8x256xf32, #tpu.memory_space<vmem>>
      %dma_wait3A_73 = tpu.memref_squeeze %dma_wait3A_72 : memref<1x1x8x256xf32, #tpu.memory_space<vmem>> -> memref<8x256xf32, #tpu.memory_space<vmem>>
      tpu.wait_dma2 semaphore(%dma_wait3A_65 : memref<!tpu.dma_semaphore, #tpu.memory_space<semaphore_mem>>) src(%dma_wait3A_73 : memref<8x256xf32, #tpu.memory_space<vmem>>) dst(%dma_wait3A_69 : memref<8x256xf32, #tpu.memory_space<hbm>>)
      %add3A_74 = arith.constant 2 : i32
      %add3A_75 = arith.addi %mul3A_2, %add3A_74 : i32
      %dma_wait3A_76 = arith.constant 0 : i32
      %dma_wait3A_77 = arith.constant 2 : i32
      %dma_wait3A_78 = arith.constant 0 : i32
      %dma_wait3A_79 = arith.constant 0 : i32
      %dma_wait3A_80 = arith.constant 0 : i32
      %dma_wait3A_81 = tpu.memref_slice %run_scoped3A[%dma_wait3A_76, %dma_wait3A_77, %dma_wait3A_79, %dma_wait3A_80] : memref<4x8x8x256xf32, #tpu.memory_space<vmem>> -> memref<1x1x8x256xf32, #tpu.memory_space<vmem>>
      %dma_wait3A_82 = tpu.memref_squeeze %dma_wait3A_81 : memref<1x1x8x256xf32, #tpu.memory_space<vmem>> -> memref<8x256xf32, #tpu.memory_space<vmem>>
      %dma_wait3A_83 = arith.constant 0 : i32
      %dma_wait3A_84 = arith.constant 0 : i32
      %dma_wait3A_85 = tpu.memref_slice %arg4[%add3A_75, %dma_wait3A_83, %dma_wait3A_84] : memref<256x256x256xf32, #tpu.memory_space<hbm>> -> memref<1x8x256xf32, #tpu.memory_space<hbm>>
      %dma_wait3A_86 = tpu.memref_squeeze %dma_wait3A_85 : memref<1x8x256xf32, #tpu.memory_space<hbm>> -> memref<8x256xf32, #tpu.memory_space<hbm>>
      %dma_wait3A_87 = tpu.memref_slice %arg8[%dma_wait3A_78] : memref<4x!tpu.dma_semaphore, #tpu.memory_space<semaphore_mem>> -> memref<1x!tpu.dma_semaphore, #tpu.memory_space<semaphore_mem>>
      %dma_wait3A_88 = tpu.memref_squeeze %dma_wait3A_87 : memref<1x!tpu.dma_semaphore, #tpu.memory_space<semaphore_mem>> -> memref<!tpu.dma_semaphore, #tpu.memory_space<semaphore_mem>>
      %dma_wait3A_89 = arith.constant 0 : i32
      %dma_wait3A_90 = arith.constant 0 : i32
      %dma_wait3A_91 = tpu.memref_slice %arg4[%add3A_75, %dma_wait3A_89, %dma_wait3A_90] : memref<256x256x256xf32, #tpu.memory_space<hbm>> -> memref<1x8x256xf32, #tpu.memory_space<hbm>>
      %dma_wait3A_92 = tpu.memref_squeeze %dma_wait3A_91 : memref<1x8x256xf32, #tpu.memory_space<hbm>> -> memref<8x256xf32, #tpu.memory_space<hbm>>
      %dma_wait3A_93 = arith.constant 0 : i32
      %dma_wait3A_94 = arith.constant 0 : i32
      %dma_wait3A_95 = tpu.memref_slice %run_scoped3A[%dma_wait3A_76, %dma_wait3A_77, %dma_wait3A_93, %dma_wait3A_94] : memref<4x8x8x256xf32, #tpu.memory_space<vmem>> -> memref<1x1x8x256xf32, #tpu.memory_space<vmem>>
      %dma_wait3A_96 = tpu.memref_squeeze %dma_wait3A_95 : memref<1x1x8x256xf32, #tpu.memory_space<vmem>> -> memref<8x256xf32, #tpu.memory_space<vmem>>
      tpu.wait_dma2 semaphore(%dma_wait3A_88 : memref<!tpu.dma_semaphore, #tpu.memory_space<semaphore_mem>>) src(%dma_wait3A_96 : memref<8x256xf32, #tpu.memory_space<vmem>>) dst(%dma_wait3A_92 : memref<8x256xf32, #tpu.memory_space<hbm>>)
      %add3A_97 = arith.constant 3 : i32
      %add3A_98 = arith.addi %mul3A_2, %add3A_97 : i32
      %dma_wait3A_99 = arith.constant 0 : i32
      %dma_wait3A_100 = arith.constant 3 : i32
      %dma_wait3A_101 = arith.constant 0 : i32
      %dma_wait3A_102 = arith.constant 0 : i32
      %dma_wait3A_103 = arith.constant 0 : i32
      %dma_wait3A_104 = tpu.memref_slice %run_scoped3A[%dma_wait3A_99, %dma_wait3A_100, %dma_wait3A_102, %dma_wait3A_103] : memref<4x8x8x256xf32, #tpu.memory_space<vmem>> -> memref<1x1x8x256xf32, #tpu.memory_space<vmem>>
      %dma_wait3A_105 = tpu.memref_squeeze %dma_wait3A_104 : memref<1x1x8x256xf32, #tpu.memory_space<vmem>> -> memref<8x256xf32, #tpu.memory_space<vmem>>
      %dma_wait3A_106 = arith.constant 0 : i32
      %dma_wait3A_107 = arith.constant 0 : i32
      %dma_wait3A_108 = tpu.memref_slice %arg4[%add3A_98, %dma_wait3A_106, %dma_wait3A_107] : memref<256x256x256xf32, #tpu.memory_space<hbm>> -> memref<1x8x256xf32, #tpu.memory_space<hbm>>
      %dma_wait3A_109 = tpu.memref_squeeze %dma_wait3A_108 : memref<1x8x256xf32, #tpu.memory_space<hbm>> -> memref<8x256xf32, #tpu.memory_space<hbm>>
      %dma_wait3A_110 = tpu.memref_slice %arg8[%dma_wait3A_101] : memref<4x!tpu.dma_semaphore, #tpu.memory_space<semaphore_mem>> -> memref<1x!tpu.dma_semaphore, #tpu.memory_space<semaphore_mem>>
      %dma_wait3A_111 = tpu.memref_squeeze %dma_wait3A_110 : memref<1x!tpu.dma_semaphore, #tpu.memory_space<semaphore_mem>> -> memref<!tpu.dma_semaphore, #tpu.memory_space<semaphore_mem>>
      %dma_wait3A_112 = arith.constant 0 : i32
      %dma_wait3A_113 = arith.constant 0 : i32
      %dma_wait3A_114 = tpu.memref_slice %arg4[%add3A_98, %dma_wait3A_112, %dma_wait3A_113] : memref<256x256x256xf32, #tpu.memory_space<hbm>> -> memref<1x8x256xf32, #tpu.memory_space<hbm>>
      %dma_wait3A_115 = tpu.memref_squeeze %dma_wait3A_114 : memref<1x8x256xf32, #tpu.memory_space<hbm>> -> memref<8x256xf32, #tpu.memory_space<hbm>>
      %dma_wait3A_116 = arith.constant 0 : i32
      %dma_wait3A_117 = arith.constant 0 : i32
      %dma_wait3A_118 = tpu.memref_slice %run_scoped3A[%dma_wait3A_99, %dma_wait3A_100, %dma_wait3A_116, %dma_wait3A_117] : memref<4x8x8x256xf32, #tpu.memory_space<vmem>> -> memref<1x1x8x256xf32, #tpu.memory_space<vmem>>
      %dma_wait3A_119 = tpu.memref_squeeze %dma_wait3A_118 : memref<1x1x8x256xf32, #tpu.memory_space<vmem>> -> memref<8x256xf32, #tpu.memory_space<vmem>>
      tpu.wait_dma2 semaphore(%dma_wait3A_111 : memref<!tpu.dma_semaphore, #tpu.memory_space<semaphore_mem>>) src(%dma_wait3A_119 : memref<8x256xf32, #tpu.memory_space<vmem>>) dst(%dma_wait3A_115 : memref<8x256xf32, #tpu.memory_space<hbm>>)
      %add3A_120 = arith.constant 4 : i32
      %add3A_121 = arith.addi %mul3A_2, %add3A_120 : i32
      %dma_wait3A_122 = arith.constant 0 : i32
      %dma_wait3A_123 = arith.constant 4 : i32
      %dma_wait3A_124 = arith.constant 0 : i32
      %dma_wait3A_125 = arith.constant 0 : i32
      %dma_wait3A_126 = arith.constant 0 : i32
      %dma_wait3A_127 = tpu.memref_slice %run_scoped3A[%dma_wait3A_122, %dma_wait3A_123, %dma_wait3A_125, %dma_wait3A_126] : memref<4x8x8x256xf32, #tpu.memory_space<vmem>> -> memref<1x1x8x256xf32, #tpu.memory_space<vmem>>
      %dma_wait3A_128 = tpu.memref_squeeze %dma_wait3A_127 : memref<1x1x8x256xf32, #tpu.memory_space<vmem>> -> memref<8x256xf32, #tpu.memory_space<vmem>>
      %dma_wait3A_129 = arith.constant 0 : i32
      %dma_wait3A_130 = arith.constant 0 : i32
      %dma_wait3A_131 = tpu.memref_slice %arg4[%add3A_121, %dma_wait3A_129, %dma_wait3A_130] : memref<256x256x256xf32, #tpu.memory_space<hbm>> -> memref<1x8x256xf32, #tpu.memory_space<hbm>>
      %dma_wait3A_132 = tpu.memref_squeeze %dma_wait3A_131 : memref<1x8x256xf32, #tpu.memory_space<hbm>> -> memref<8x256xf32, #tpu.memory_space<hbm>>
      %dma_wait3A_133 = tpu.memref_slice %arg8[%dma_wait3A_124] : memref<4x!tpu.dma_semaphore, #tpu.memory_space<semaphore_mem>> -> memref<1x!tpu.dma_semaphore, #tpu.memory_space<semaphore_mem>>
      %dma_wait3A_134 = tpu.memref_squeeze %dma_wait3A_133 : memref<1x!tpu.dma_semaphore, #tpu.memory_space<semaphore_mem>> -> memref<!tpu.dma_semaphore, #tpu.memory_space<semaphore_mem>>
      %dma_wait3A_135 = arith.constant 0 : i32
      %dma_wait3A_136 = arith.constant 0 : i32
      %dma_wait3A_137 = tpu.memref_slice %arg4[%add3A_121, %dma_wait3A_135, %dma_wait3A_136] : memref<256x256x256xf32, #tpu.memory_space<hbm>> -> memref<1x8x256xf32, #tpu.memory_space<hbm>>
      %dma_wait3A_138 = tpu.memref_squeeze %dma_wait3A_137 : memref<1x8x256xf32, #tpu.memory_space<hbm>> -> memref<8x256xf32, #tpu.memory_space<hbm>>
      %dma_wait3A_139 = arith.constant 0 : i32
      %dma_wait3A_140 = arith.constant 0 : i32
      %dma_wait3A_141 = tpu.memref_slice %run_scoped3A[%dma_wait3A_122, %dma_wait3A_123, %dma_wait3A_139, %dma_wait3A_140] : memref<4x8x8x256xf32, #tpu.memory_space<vmem>> -> memref<1x1x8x256xf32, #tpu.memory_space<vmem>>
      %dma_wait3A_142 = tpu.memref_squeeze %dma_wait3A_141 : memref<1x1x8x256xf32, #tpu.memory_space<vmem>> -> memref<8x256xf32, #tpu.memory_space<vmem>>
      tpu.wait_dma2 semaphore(%dma_wait3A_134 : memref<!tpu.dma_semaphore, #tpu.memory_space<semaphore_mem>>) src(%dma_wait3A_142 : memref<8x256xf32, #tpu.memory_space<vmem>>) dst(%dma_wait3A_138 : memref<8x256xf32, #tpu.memory_space<hbm>>)
      %add3A_143 = arith.constant 5 : i32
      %add3A_144 = arith.addi %mul3A_2, %add3A_143 : i32
      %dma_wait3A_145 = arith.constant 0 : i32
      %dma_wait3A_146 = arith.constant 5 : i32
      %dma_wait3A_147 = arith.constant 0 : i32
      %dma_wait3A_148 = arith.constant 0 : i32
      %dma_wait3A_149 = arith.constant 0 : i32
      %dma_wait3A_150 = tpu.memref_slice %run_scoped3A[%dma_wait3A_145, %dma_wait3A_146, %dma_wait3A_148, %dma_wait3A_149] : memref<4x8x8x256xf32, #tpu.memory_space<vmem>> -> memref<1x1x8x256xf32, #tpu.memory_space<vmem>>
      %dma_wait3A_151 = tpu.memref_squeeze %dma_wait3A_150 : memref<1x1x8x256xf32, #tpu.memory_space<vmem>> -> memref<8x256xf32, #tpu.memory_space<vmem>>
      %dma_wait3A_152 = arith.constant 0 : i32
      %dma_wait3A_153 = arith.constant 0 : i32
      %dma_wait3A_154 = tpu.memref_slice %arg4[%add3A_144, %dma_wait3A_152, %dma_wait3A_153] : memref<256x256x256xf32, #tpu.memory_space<hbm>> -> memref<1x8x256xf32, #tpu.memory_space<hbm>>
      %dma_wait3A_155 = tpu.memref_squeeze %dma_wait3A_154 : memref<1x8x256xf32, #tpu.memory_space<hbm>> -> memref<8x256xf32, #tpu.memory_space<hbm>>
      %dma_wait3A_156 = tpu.memref_slice %arg8[%dma_wait3A_147] : memref<4x!tpu.dma_semaphore, #tpu.memory_space<semaphore_mem>> -> memref<1x!tpu.dma_semaphore, #tpu.memory_space<semaphore_mem>>
      %dma_wait3A_157 = tpu.memref_squeeze %dma_wait3A_156 : memref<1x!tpu.dma_semaphore, #tpu.memory_space<semaphore_mem>> -> memref<!tpu.dma_semaphore, #tpu.memory_space<semaphore_mem>>
      %dma_wait3A_158 = arith.constant 0 : i32
      %dma_wait3A_159 = arith.constant 0 : i32
      %dma_wait3A_160 = tpu.memref_slice %arg4[%add3A_144, %dma_wait3A_158, %dma_wait3A_159] : memref<256x256x256xf32, #tpu.memory_space<hbm>> -> memref<1x8x256xf32, #tpu.memory_space<hbm>>
      %dma_wait3A_161 = tpu.memref_squeeze %dma_wait3A_160 : memref<1x8x256xf32, #tpu.memory_space<hbm>> -> memref<8x256xf32, #tpu.memory_space<hbm>>
      %dma_wait3A_162 = arith.constant 0 : i32
      %dma_wait3A_163 = arith.constant 0 : i32
      %dma_wait3A_164 = tpu.memref_slice %run_scoped3A[%dma_wait3A_145, %dma_wait3A_146, %dma_wait3A_162, %dma_wait3A_163] : memref<4x8x8x256xf32, #tpu.memory_space<vmem>> -> memref<1x1x8x256xf32, #tpu.memory_space<vmem>>
      %dma_wait3A_165 = tpu.memref_squeeze %dma_wait3A_164 : memref<1x1x8x256xf32, #tpu.memory_space<vmem>> -> memref<8x256xf32, #tpu.memory_space<vmem>>
      tpu.wait_dma2 semaphore(%dma_wait3A_157 : memref<!tpu.dma_semaphore, #tpu.memory_space<semaphore_mem>>) src(%dma_wait3A_165 : memref<8x256xf32, #tpu.memory_space<vmem>>) dst(%dma_wait3A_161 : memref<8x256xf32, #tpu.memory_space<hbm>>)
      %add3A_166 = arith.constant 6 : i32
      %add3A_167 = arith.addi %mul3A_2, %add3A_166 : i32
      %dma_wait3A_168 = arith.constant 0 : i32
      %dma_wait3A_169 = arith.constant 6 : i32
      %dma_wait3A_170 = arith.constant 0 : i32
      %dma_wait3A_171 = arith.constant 0 : i32
      %dma_wait3A_172 = arith.constant 0 : i32
      %dma_wait3A_173 = tpu.memref_slice %run_scoped3A[%dma_wait3A_168, %dma_wait3A_169, %dma_wait3A_171, %dma_wait3A_172] : memref<4x8x8x256xf32, #tpu.memory_space<vmem>> -> memref<1x1x8x256xf32, #tpu.memory_space<vmem>>
      %dma_wait3A_174 = tpu.memref_squeeze %dma_wait3A_173 : memref<1x1x8x256xf32, #tpu.memory_space<vmem>> -> memref<8x256xf32, #tpu.memory_space<vmem>>
      %dma_wait3A_175 = arith.constant 0 : i32
      %dma_wait3A_176 = arith.constant 0 : i32
      %dma_wait3A_177 = tpu.memref_slice %arg4[%add3A_167, %dma_wait3A_175, %dma_wait3A_176] : memref<256x256x256xf32, #tpu.memory_space<hbm>> -> memref<1x8x256xf32, #tpu.memory_space<hbm>>
      %dma_wait3A_178 = tpu.memref_squeeze %dma_wait3A_177 : memref<1x8x256xf32, #tpu.memory_space<hbm>> -> memref<8x256xf32, #tpu.memory_space<hbm>>
      %dma_wait3A_179 = tpu.memref_slice %arg8[%dma_wait3A_170] : memref<4x!tpu.dma_semaphore, #tpu.memory_space<semaphore_mem>> -> memref<1x!tpu.dma_semaphore, #tpu.memory_space<semaphore_mem>>
      %dma_wait3A_180 = tpu.memref_squeeze %dma_wait3A_179 : memref<1x!tpu.dma_semaphore, #tpu.memory_space<semaphore_mem>> -> memref<!tpu.dma_semaphore, #tpu.memory_space<semaphore_mem>>
      %dma_wait3A_181 = arith.constant 0 : i32
      %dma_wait3A_182 = arith.constant 0 : i32
      %dma_wait3A_183 = tpu.memref_slice %arg4[%add3A_167, %dma_wait3A_181, %dma_wait3A_182] : memref<256x256x256xf32, #tpu.memory_space<hbm>> -> memref<1x8x256xf32, #tpu.memory_space<hbm>>
      %dma_wait3A_184 = tpu.memref_squeeze %dma_wait3A_183 : memref<1x8x256xf32, #tpu.memory_space<hbm>> -> memref<8x256xf32, #tpu.memory_space<hbm>>
      %dma_wait3A_185 = arith.constant 0 : i32
      %dma_wait3A_186 = arith.constant 0 : i32
      %dma_wait3A_187 = tpu.memref_slice %run_scoped3A[%dma_wait3A_168, %dma_wait3A_169, %dma_wait3A_185, %dma_wait3A_186] : memref<4x8x8x256xf32, #tpu.memory_space<vmem>> -> memref<1x1x8x256xf32, #tpu.memory_space<vmem>>
      %dma_wait3A_188 = tpu.memref_squeeze %dma_wait3A_187 : memref<1x1x8x256xf32, #tpu.memory_space<vmem>> -> memref<8x256xf32, #tpu.memory_space<vmem>>
      tpu.wait_dma2 semaphore(%dma_wait3A_180 : memref<!tpu.dma_semaphore, #tpu.memory_space<semaphore_mem>>) src(%dma_wait3A_188 : memref<8x256xf32, #tpu.memory_space<vmem>>) dst(%dma_wait3A_184 : memref<8x256xf32, #tpu.memory_space<hbm>>)
      %add3A_189 = arith.constant 7 : i32
      %add3A_190 = arith.addi %mul3A_2, %add3A_189 : i32
      %dma_wait3A_191 = arith.constant 0 : i32
      %dma_wait3A_192 = arith.constant 7 : i32
      %dma_wait3A_193 = arith.constant 0 : i32
      %dma_wait3A_194 = arith.constant 0 : i32
      %dma_wait3A_195 = arith.constant 0 : i32
      %dma_wait3A_196 = tpu.memref_slice %run_scoped3A[%dma_wait3A_191, %dma_wait3A_192, %dma_wait3A_194, %dma_wait3A_195] : memref<4x8x8x256xf32, #tpu.memory_space<vmem>> -> memref<1x1x8x256xf32, #tpu.memory_space<vmem>>
      %dma_wait3A_197 = tpu.memref_squeeze %dma_wait3A_196 : memref<1x1x8x256xf32, #tpu.memory_space<vmem>> -> memref<8x256xf32, #tpu.memory_space<vmem>>
      %dma_wait3A_198 = arith.constant 0 : i32
      %dma_wait3A_199 = arith.constant 0 : i32
      %dma_wait3A_200 = tpu.memref_slice %arg4[%add3A_190, %dma_wait3A_198, %dma_wait3A_199] : memref<256x256x256xf32, #tpu.memory_space<hbm>> -> memref<1x8x256xf32, #tpu.memory_space<hbm>>
      %dma_wait3A_201 = tpu.memref_squeeze %dma_wait3A_200 : memref<1x8x256xf32, #tpu.memory_space<hbm>> -> memref<8x256xf32, #tpu.memory_space<hbm>>
      %dma_wait3A_202 = tpu.memref_slice %arg8[%dma_wait3A_193] : memref<4x!tpu.dma_semaphore, #tpu.memory_space<semaphore_mem>> -> memref<1x!tpu.dma_semaphore, #tpu.memory_space<semaphore_mem>>
      %dma_wait3A_203 = tpu.memref_squeeze %dma_wait3A_202 : memref<1x!tpu.dma_semaphore, #tpu.memory_space<semaphore_mem>> -> memref<!tpu.dma_semaphore, #tpu.memory_space<semaphore_mem>>
      %dma_wait3A_204 = arith.constant 0 : i32
      %dma_wait3A_205 = arith.constant 0 : i32
      %dma_wait3A_206 = tpu.memref_slice %arg4[%add3A_190, %dma_wait3A_204, %dma_wait3A_205] : memref<256x256x256xf32, #tpu.memory_space<hbm>> -> memref<1x8x256xf32, #tpu.memory_space<hbm>>
      %dma_wait3A_207 = tpu.memref_squeeze %dma_wait3A_206 : memref<1x8x256xf32, #tpu.memory_space<hbm>> -> memref<8x256xf32, #tpu.memory_space<hbm>>
      %dma_wait3A_208 = arith.constant 0 : i32
      %dma_wait3A_209 = arith.constant 0 : i32
      %dma_wait3A_210 = tpu.memref_slice %run_scoped3A[%dma_wait3A_191, %dma_wait3A_192, %dma_wait3A_208, %dma_wait3A_209] : memref<4x8x8x256xf32, #tpu.memory_space<vmem>> -> memref<1x1x8x256xf32, #tpu.memory_space<vmem>>
      %dma_wait3A_211 = tpu.memref_squeeze %dma_wait3A_210 : memref<1x1x8x256xf32, #tpu.memory_space<vmem>> -> memref<8x256xf32, #tpu.memory_space<vmem>>
      tpu.wait_dma2 semaphore(%dma_wait3A_203 : memref<!tpu.dma_semaphore, #tpu.memory_space<semaphore_mem>>) src(%dma_wait3A_211 : memref<8x256xf32, #tpu.memory_space<vmem>>) dst(%dma_wait3A_207 : memref<8x256xf32, #tpu.memory_space<hbm>>)
      %add3A_212 = arith.constant 0 : i32
      %add3A_213 = arith.addi %mul3A_2, %add3A_212 : i32
      %dma_wait3A_214 = arith.constant 1 : i32
      %dma_wait3A_215 = arith.constant 0 : i32
      %dma_wait3A_216 = arith.constant 1 : i32
      %dma_wait3A_217 = arith.constant 0 : i32
      %dma_wait3A_218 = arith.constant 0 : i32
      %dma_wait3A_219 = tpu.memref_slice %run_scoped3A[%dma_wait3A_214, %dma_wait3A_215, %dma_wait3A_217, %dma_wait3A_218] : memref<4x8x8x256xf32, #tpu.memory_space<vmem>> -> memref<1x1x8x256xf32, #tpu.memory_space<vmem>>
      %dma_wait3A_220 = tpu.memref_squeeze %dma_wait3A_219 : memref<1x1x8x256xf32, #tpu.memory_space<vmem>> -> memref<8x256xf32, #tpu.memory_space<vmem>>
      %dma_wait3A_221 = arith.constant 0 : i32
      %dma_wait3A_222 = arith.constant 0 : i32
      %dma_wait3A_223 = tpu.memref_slice %arg4[%add3A_213, %dma_wait3A_221, %dma_wait3A_222] : memref<256x256x256xf32, #tpu.memory_space<hbm>> -> memref<1x8x256xf32, #tpu.memory_space<hbm>>
      %dma_wait3A_224 = tpu.memref_squeeze %dma_wait3A_223 : memref<1x8x256xf32, #tpu.memory_space<hbm>> -> memref<8x256xf32, #tpu.memory_space<hbm>>
      %dma_wait3A_225 = tpu.memref_slice %arg8[%dma_wait3A_216] : memref<4x!tpu.dma_semaphore, #tpu.memory_space<semaphore_mem>> -> memref<1x!tpu.dma_semaphore, #tpu.memory_space<semaphore_mem>>
      %dma_wait3A_226 = tpu.memref_squeeze %dma_wait3A_225 : memref<1x!tpu.dma_semaphore, #tpu.memory_space<semaphore_mem>> -> memref<!tpu.dma_semaphore, #tpu.memory_space<semaphore_mem>>
      %dma_wait3A_227 = arith.constant 0 : i32
      %dma_wait3A_228 = arith.constant 0 : i32
      %dma_wait3A_229 = tpu.memref_slice %arg4[%add3A_213, %dma_wait3A_227, %dma_wait3A_228] : memref<256x256x256xf32, #tpu.memory_space<hbm>> -> memref<1x8x256xf32, #tpu.memory_space<hbm>>
      %dma_wait3A_230 = tpu.memref_squeeze %dma_wait3A_229 : memref<1x8x256xf32, #tpu.memory_space<hbm>> -> memref<8x256xf32, #tpu.memory_space<hbm>>
      %dma_wait3A_231 = arith.constant 0 : i32
      %dma_wait3A_232 = arith.constant 0 : i32
      %dma_wait3A_233 = tpu.memref_slice %run_scoped3A[%dma_wait3A_214, %dma_wait3A_215, %dma_wait3A_231, %dma_wait3A_232] : memref<4x8x8x256xf32, #tpu.memory_space<vmem>> -> memref<1x1x8x256xf32, #tpu.memory_space<vmem>>
      %dma_wait3A_234 = tpu.memref_squeeze %dma_wait3A_233 : memref<1x1x8x256xf32, #tpu.memory_space<vmem>> -> memref<8x256xf32, #tpu.memory_space<vmem>>
      tpu.wait_dma2 semaphore(%dma_wait3A_226 : memref<!tpu.dma_semaphore, #tpu.memory_space<semaphore_mem>>) src(%dma_wait3A_234 : memref<8x256xf32, #tpu.memory_space<vmem>>) dst(%dma_wait3A_230 : memref<8x256xf32, #tpu.memory_space<hbm>>)
      %add3A_235 = arith.constant 1 : i32
      %add3A_236 = arith.addi %mul3A_2, %add3A_235 : i32
      %dma_wait3A_237 = arith.constant 1 : i32
      %dma_wait3A_238 = arith.constant 1 : i32
      %dma_wait3A_239 = arith.constant 1 : i32
      %dma_wait3A_240 = arith.constant 0 : i32
      %dma_wait3A_241 = arith.constant 0 : i32
      %dma_wait3A_242 = tpu.memref_slice %run_scoped3A[%dma_wait3A_237, %dma_wait3A_238, %dma_wait3A_240, %dma_wait3A_241] : memref<4x8x8x256xf32, #tpu.memory_space<vmem>> -> memref<1x1x8x256xf32, #tpu.memory_space<vmem>>
      %dma_wait3A_243 = tpu.memref_squeeze %dma_wait3A_242 : memref<1x1x8x256xf32, #tpu.memory_space<vmem>> -> memref<8x256xf32, #tpu.memory_space<vmem>>
      %dma_wait3A_244 = arith.constant 0 : i32
      %dma_wait3A_245 = arith.constant 0 : i32
      %dma_wait3A_246 = tpu.memref_slice %arg4[%add3A_236, %dma_wait3A_244, %dma_wait3A_245] : memref<256x256x256xf32, #tpu.memory_space<hbm>> -> memref<1x8x256xf32, #tpu.memory_space<hbm>>
      %dma_wait3A_247 = tpu.memref_squeeze %dma_wait3A_246 : memref<1x8x256xf32, #tpu.memory_space<hbm>> -> memref<8x256xf32, #tpu.memory_space<hbm>>
      %dma_wait3A_248 = tpu.memref_slice %arg8[%dma_wait3A_239] : memref<4x!tpu.dma_semaphore, #tpu.memory_space<semaphore_mem>> -> memref<1x!tpu.dma_semaphore, #tpu.memory_space<semaphore_mem>>
      %dma_wait3A_249 = tpu.memref_squeeze %dma_wait3A_248 : memref<1x!tpu.dma_semaphore, #tpu.memory_space<semaphore_mem>> -> memref<!tpu.dma_semaphore, #tpu.memory_space<semaphore_mem>>
      %dma_wait3A_250 = arith.constant 0 : i32
      %dma_wait3A_251 = arith.constant 0 : i32
      %dma_wait3A_252 = tpu.memref_slice %arg4[%add3A_236, %dma_wait3A_250, %dma_wait3A_251] : memref<256x256x256xf32, #tpu.memory_space<hbm>> -> memref<1x8x256xf32, #tpu.memory_space<hbm>>
      %dma_wait3A_253 = tpu.memref_squeeze %dma_wait3A_252 : memref<1x8x256xf32, #tpu.memory_space<hbm>> -> memref<8x256xf32, #tpu.memory_space<hbm>>
      %dma_wait3A_254 = arith.constant 0 : i32
      %dma_wait3A_255 = arith.constant 0 : i32
      %dma_wait3A_256 = tpu.memref_slice %run_scoped3A[%dma_wait3A_237, %dma_wait3A_238, %dma_wait3A_254, %dma_wait3A_255] : memref<4x8x8x256xf32, #tpu.memory_space<vmem>> -> memref<1x1x8x256xf32, #tpu.memory_space<vmem>>
      %dma_wait3A_257 = tpu.memref_squeeze %dma_wait3A_256 : memref<1x1x8x256xf32, #tpu.memory_space<vmem>> -> memref<8x256xf32, #tpu.memory_space<vmem>>
      tpu.wait_dma2 semaphore(%dma_wait3A_249 : memref<!tpu.dma_semaphore, #tpu.memory_space<semaphore_mem>>) src(%dma_wait3A_257 : memref<8x256xf32, #tpu.memory_space<vmem>>) dst(%dma_wait3A_253 : memref<8x256xf32, #tpu.memory_space<hbm>>)
      %add3A_258 = arith.constant 2 : i32
      %add3A_259 = arith.addi %mul3A_2, %add3A_258 : i32
      %dma_wait3A_260 = arith.constant 1 : i32
      %dma_wait3A_261 = arith.constant 2 : i32
      %dma_wait3A_262 = arith.constant 1 : i32
      %dma_wait3A_263 = arith.constant 0 : i32
      %dma_wait3A_264 = arith.constant 0 : i32
      %dma_wait3A_265 = tpu.memref_slice %run_scoped3A[%dma_wait3A_260, %dma_wait3A_261, %dma_wait3A_263, %dma_wait3A_264] : memref<4x8x8x256xf32, #tpu.memory_space<vmem>> -> memref<1x1x8x256xf32, #tpu.memory_space<vmem>>
      %dma_wait3A_266 = tpu.memref_squeeze %dma_wait3A_265 : memref<1x1x8x256xf32, #tpu.memory_space<vmem>> -> memref<8x256xf32, #tpu.memory_space<vmem>>
      %dma_wait3A_267 = arith.constant 0 : i32
      %dma_wait3A_268 = arith.constant 0 : i32
      %dma_wait3A_269 = tpu.memref_slice %arg4[%add3A_259, %dma_wait3A_267, %dma_wait3A_268] : memref<256x256x256xf32, #tpu.memory_space<hbm>> -> memref<1x8x256xf32, #tpu.memory_space<hbm>>
      %dma_wait3A_270 = tpu.memref_squeeze %dma_wait3A_269 : memref<1x8x256xf32, #tpu.memory_space<hbm>> -> memref<8x256xf32, #tpu.memory_space<hbm>>
      %dma_wait3A_271 = tpu.memref_slice %arg8[%dma_wait3A_262] : memref<4x!tpu.dma_semaphore, #tpu.memory_space<semaphore_mem>> -> memref<1x!tpu.dma_semaphore, #tpu.memory_space<semaphore_mem>>
      %dma_wait3A_272 = tpu.memref_squeeze %dma_wait3A_271 : memref<1x!tpu.dma_semaphore, #tpu.memory_space<semaphore_mem>> -> memref<!tpu.dma_semaphore, #tpu.memory_space<semaphore_mem>>
      %dma_wait3A_273 = arith.constant 0 : i32
      %dma_wait3A_274 = arith.constant 0 : i32
      %dma_wait3A_275 = tpu.memref_slice %arg4[%add3A_259, %dma_wait3A_273, %dma_wait3A_274] : memref<256x256x256xf32, #tpu.memory_space<hbm>> -> memref<1x8x256xf32, #tpu.memory_space<hbm>>
      %dma_wait3A_276 = tpu.memref_squeeze %dma_wait3A_275 : memref<1x8x256xf32, #tpu.memory_space<hbm>> -> memref<8x256xf32, #tpu.memory_space<hbm>>
      %dma_wait3A_277 = arith.constant 0 : i32
      %dma_wait3A_278 = arith.constant 0 : i32
      %dma_wait3A_279 = tpu.memref_slice %run_scoped3A[%dma_wait3A_260, %dma_wait3A_261, %dma_wait3A_277, %dma_wait3A_278] : memref<4x8x8x256xf32, #tpu.memory_space<vmem>> -> memref<1x1x8x256xf32, #tpu.memory_space<vmem>>
      %dma_wait3A_280 = tpu.memref_squeeze %dma_wait3A_279 : memref<1x1x8x256xf32, #tpu.memory_space<vmem>> -> memref<8x256xf32, #tpu.memory_space<vmem>>
      tpu.wait_dma2 semaphore(%dma_wait3A_272 : memref<!tpu.dma_semaphore, #tpu.memory_space<semaphore_mem>>) src(%dma_wait3A_280 : memref<8x256xf32, #tpu.memory_space<vmem>>) dst(%dma_wait3A_276 : memref<8x256xf32, #tpu.memory_space<hbm>>)
      %add3A_281 = arith.constant 3 : i32
      %add3A_282 = arith.addi %mul3A_2, %add3A_281 : i32
      %dma_wait3A_283 = arith.constant 1 : i32
      %dma_wait3A_284 = arith.constant 3 : i32
      %dma_wait3A_285 = arith.constant 1 : i32
      %dma_wait3A_286 = arith.constant 0 : i32
      %dma_wait3A_287 = arith.constant 0 : i32
      %dma_wait3A_288 = tpu.memref_slice %run_scoped3A[%dma_wait3A_283, %dma_wait3A_284, %dma_wait3A_286, %dma_wait3A_287] : memref<4x8x8x256xf32, #tpu.memory_space<vmem>> -> memref<1x1x8x256xf32, #tpu.memory_space<vmem>>
      %dma_wait3A_289 = tpu.memref_squeeze %dma_wait3A_288 : memref<1x1x8x256xf32, #tpu.memory_space<vmem>> -> memref<8x256xf32, #tpu.memory_space<vmem>>
      %dma_wait3A_290 = arith.constant 0 : i32
      %dma_wait3A_291 = arith.constant 0 : i32
      %dma_wait3A_292 = tpu.memref_slice %arg4[%add3A_282, %dma_wait3A_290, %dma_wait3A_291] : memref<256x256x256xf32, #tpu.memory_space<hbm>> -> memref<1x8x256xf32, #tpu.memory_space<hbm>>
      %dma_wait3A_293 = tpu.memref_squeeze %dma_wait3A_292 : memref<1x8x256xf32, #tpu.memory_space<hbm>> -> memref<8x256xf32, #tpu.memory_space<hbm>>
      %dma_wait3A_294 = tpu.memref_slice %arg8[%dma_wait3A_285] : memref<4x!tpu.dma_semaphore, #tpu.memory_space<semaphore_mem>> -> memref<1x!tpu.dma_semaphore, #tpu.memory_space<semaphore_mem>>
      %dma_wait3A_295 = tpu.memref_squeeze %dma_wait3A_294 : memref<1x!tpu.dma_semaphore, #tpu.memory_space<semaphore_mem>> -> memref<!tpu.dma_semaphore, #tpu.memory_space<semaphore_mem>>
      %dma_wait3A_296 = arith.constant 0 : i32
      %dma_wait3A_297 = arith.constant 0 : i32
      %dma_wait3A_298 = tpu.memref_slice %arg4[%add3A_282, %dma_wait3A_296, %dma_wait3A_297] : memref<256x256x256xf32, #tpu.memory_space<hbm>> -> memref<1x8x256xf32, #tpu.memory_space<hbm>>
      %dma_wait3A_299 = tpu.memref_squeeze %dma_wait3A_298 : memref<1x8x256xf32, #tpu.memory_space<hbm>> -> memref<8x256xf32, #tpu.memory_space<hbm>>
      %dma_wait3A_300 = arith.constant 0 : i32
      %dma_wait3A_301 = arith.constant 0 : i32
      %dma_wait3A_302 = tpu.memref_slice %run_scoped3A[%dma_wait3A_283, %dma_wait3A_284, %dma_wait3A_300, %dma_wait3A_301] : memref<4x8x8x256xf32, #tpu.memory_space<vmem>> -> memref<1x1x8x256xf32, #tpu.memory_space<vmem>>
      %dma_wait3A_303 = tpu.memref_squeeze %dma_wait3A_302 : memref<1x1x8x256xf32, #tpu.memory_space<vmem>> -> memref<8x256xf32, #tpu.memory_space<vmem>>
      tpu.wait_dma2 semaphore(%dma_wait3A_295 : memref<!tpu.dma_semaphore, #tpu.memory_space<semaphore_mem>>) src(%dma_wait3A_303 : memref<8x256xf32, #tpu.memory_space<vmem>>) dst(%dma_wait3A_299 : memref<8x256xf32, #tpu.memory_space<hbm>>)
      %add3A_304 = arith.constant 4 : i32
      %add3A_305 = arith.addi %mul3A_2, %add3A_304 : i32
      %dma_wait3A_306 = arith.constant 1 : i32
      %dma_wait3A_307 = arith.constant 4 : i32
      %dma_wait3A_308 = arith.constant 1 : i32
      %dma_wait3A_309 = arith.constant 0 : i32
      %dma_wait3A_310 = arith.constant 0 : i32
      %dma_wait3A_311 = tpu.memref_slice %run_scoped3A[%dma_wait3A_306, %dma_wait3A_307, %dma_wait3A_309, %dma_wait3A_310] : memref<4x8x8x256xf32, #tpu.memory_space<vmem>> -> memref<1x1x8x256xf32, #tpu.memory_space<vmem>>
      %dma_wait3A_312 = tpu.memref_squeeze %dma_wait3A_311 : memref<1x1x8x256xf32, #tpu.memory_space<vmem>> -> memref<8x256xf32, #tpu.memory_space<vmem>>
      %dma_wait3A_313 = arith.constant 0 : i32
      %dma_wait3A_314 = arith.constant 0 : i32
      %dma_wait3A_315 = tpu.memref_slice %arg4[%add3A_305, %dma_wait3A_313, %dma_wait3A_314] : memref<256x256x256xf32, #tpu.memory_space<hbm>> -> memref<1x8x256xf32, #tpu.memory_space<hbm>>
      %dma_wait3A_316 = tpu.memref_squeeze %dma_wait3A_315 : memref<1x8x256xf32, #tpu.memory_space<hbm>> -> memref<8x256xf32, #tpu.memory_space<hbm>>
      %dma_wait3A_317 = tpu.memref_slice %arg8[%dma_wait3A_308] : memref<4x!tpu.dma_semaphore, #tpu.memory_space<semaphore_mem>> -> memref<1x!tpu.dma_semaphore, #tpu.memory_space<semaphore_mem>>
      %dma_wait3A_318 = tpu.memref_squeeze %dma_wait3A_317 : memref<1x!tpu.dma_semaphore, #tpu.memory_space<semaphore_mem>> -> memref<!tpu.dma_semaphore, #tpu.memory_space<semaphore_mem>>
      %dma_wait3A_319 = arith.constant 0 : i32
      %dma_wait3A_320 = arith.constant 0 : i32
      %dma_wait3A_321 = tpu.memref_slice %arg4[%add3A_305, %dma_wait3A_319, %dma_wait3A_320] : memref<256x256x256xf32, #tpu.memory_space<hbm>> -> memref<1x8x256xf32, #tpu.memory_space<hbm>>
      %dma_wait3A_322 = tpu.memref_squeeze %dma_wait3A_321 : memref<1x8x256xf32, #tpu.memory_space<hbm>> -> memref<8x256xf32, #tpu.memory_space<hbm>>
      %dma_wait3A_323 = arith.constant 0 : i32
      %dma_wait3A_324 = arith.constant 0 : i32
      %dma_wait3A_325 = tpu.memref_slice %run_scoped3A[%dma_wait3A_306, %dma_wait3A_307, %dma_wait3A_323, %dma_wait3A_324] : memref<4x8x8x256xf32, #tpu.memory_space<vmem>> -> memref<1x1x8x256xf32, #tpu.memory_space<vmem>>
      %dma_wait3A_326 = tpu.memref_squeeze %dma_wait3A_325 : memref<1x1x8x256xf32, #tpu.memory_space<vmem>> -> memref<8x256xf32, #tpu.memory_space<vmem>>
      tpu.wait_dma2 semaphore(%dma_wait3A_318 : memref<!tpu.dma_semaphore, #tpu.memory_space<semaphore_mem>>) src(%dma_wait3A_326 : memref<8x256xf32, #tpu.memory_space<vmem>>) dst(%dma_wait3A_322 : memref<8x256xf32, #tpu.memory_space<hbm>>)
      %add3A_327 = arith.constant 5 : i32
      %add3A_328 = arith.addi %mul3A_2, %add3A_327 : i32
      %dma_wait3A_329 = arith.constant 1 : i32
      %dma_wait3A_330 = arith.constant 5 : i32
      %dma_wait3A_331 = arith.constant 1 : i32
      %dma_wait3A_332 = arith.constant 0 : i32
      %dma_wait3A_333 = arith.constant 0 : i32
      %dma_wait3A_334 = tpu.memref_slice %run_scoped3A[%dma_wait3A_329, %dma_wait3A_330, %dma_wait3A_332, %dma_wait3A_333] : memref<4x8x8x256xf32, #tpu.memory_space<vmem>> -> memref<1x1x8x256xf32, #tpu.memory_space<vmem>>
      %dma_wait3A_335 = tpu.memref_squeeze %dma_wait3A_334 : memref<1x1x8x256xf32, #tpu.memory_space<vmem>> -> memref<8x256xf32, #tpu.memory_space<vmem>>
      %dma_wait3A_336 = arith.constant 0 : i32
      %dma_wait3A_337 = arith.constant 0 : i32
      %dma_wait3A_338 = tpu.memref_slice %arg4[%add3A_328, %dma_wait3A_336, %dma_wait3A_337] : memref<256x256x256xf32, #tpu.memory_space<hbm>> -> memref<1x8x256xf32, #tpu.memory_space<hbm>>
      %dma_wait3A_339 = tpu.memref_squeeze %dma_wait3A_338 : memref<1x8x256xf32, #tpu.memory_space<hbm>> -> memref<8x256xf32, #tpu.memory_space<hbm>>
      %dma_wait3A_340 = tpu.memref_slice %arg8[%dma_wait3A_331] : memref<4x!tpu.dma_semaphore, #tpu.memory_space<semaphore_mem>> -> memref<1x!tpu.dma_semaphore, #tpu.memory_space<semaphore_mem>>
      %dma_wait3A_341 = tpu.memref_squeeze %dma_wait3A_340 : memref<1x!tpu.dma_semaphore, #tpu.memory_space<semaphore_mem>> -> memref<!tpu.dma_semaphore, #tpu.memory_space<semaphore_mem>>
      %dma_wait3A_342 = arith.constant 0 : i32
      %dma_wait3A_343 = arith.constant 0 : i32
      %dma_wait3A_344 = tpu.memref_slice %arg4[%add3A_328, %dma_wait3A_342, %dma_wait3A_343] : memref<256x256x256xf32, #tpu.memory_space<hbm>> -> memref<1x8x256xf32, #tpu.memory_space<hbm>>
      %dma_wait3A_345 = tpu.memref_squeeze %dma_wait3A_344 : memref<1x8x256xf32, #tpu.memory_space<hbm>> -> memref<8x256xf32, #tpu.memory_space<hbm>>
      %dma_wait3A_346 = arith.constant 0 : i32
      %dma_wait3A_347 = arith.constant 0 : i32
      %dma_wait3A_348 = tpu.memref_slice %run_scoped3A[%dma_wait3A_329, %dma_wait3A_330, %dma_wait3A_346, %dma_wait3A_347] : memref<4x8x8x256xf32, #tpu.memory_space<vmem>> -> memref<1x1x8x256xf32, #tpu.memory_space<vmem>>
      %dma_wait3A_349 = tpu.memref_squeeze %dma_wait3A_348 : memref<1x1x8x256xf32, #tpu.memory_space<vmem>> -> memref<8x256xf32, #tpu.memory_space<vmem>>
      tpu.wait_dma2 semaphore(%dma_wait3A_341 : memref<!tpu.dma_semaphore, #tpu.memory_space<semaphore_mem>>) src(%dma_wait3A_349 : memref<8x256xf32, #tpu.memory_space<vmem>>) dst(%dma_wait3A_345 : memref<8x256xf32, #tpu.memory_space<hbm>>)
      %add3A_350 = arith.constant 6 : i32
      %add3A_351 = arith.addi %mul3A_2, %add3A_350 : i32
      %dma_wait3A_352 = arith.constant 1 : i32
      %dma_wait3A_353 = arith.constant 6 : i32
      %dma_wait3A_354 = arith.constant 1 : i32
      %dma_wait3A_355 = arith.constant 0 : i32
      %dma_wait3A_356 = arith.constant 0 : i32
      %dma_wait3A_357 = tpu.memref_slice %run_scoped3A[%dma_wait3A_352, %dma_wait3A_353, %dma_wait3A_355, %dma_wait3A_356] : memref<4x8x8x256xf32, #tpu.memory_space<vmem>> -> memref<1x1x8x256xf32, #tpu.memory_space<vmem>>
      %dma_wait3A_358 = tpu.memref_squeeze %dma_wait3A_357 : memref<1x1x8x256xf32, #tpu.memory_space<vmem>> -> memref<8x256xf32, #tpu.memory_space<vmem>>
      %dma_wait3A_359 = arith.constant 0 : i32
      %dma_wait3A_360 = arith.constant 0 : i32
      %dma_wait3A_361 = tpu.memref_slice %arg4[%add3A_351, %dma_wait3A_359, %dma_wait3A_360] : memref<256x256x256xf32, #tpu.memory_space<hbm>> -> memref<1x8x256xf32, #tpu.memory_space<hbm>>
      %dma_wait3A_362 = tpu.memref_squeeze %dma_wait3A_361 : memref<1x8x256xf32, #tpu.memory_space<hbm>> -> memref<8x256xf32, #tpu.memory_space<hbm>>
      %dma_wait3A_363 = tpu.memref_slice %arg8[%dma_wait3A_354] : memref<4x!tpu.dma_semaphore, #tpu.memory_space<semaphore_mem>> -> memref<1x!tpu.dma_semaphore, #tpu.memory_space<semaphore_mem>>
      %dma_wait3A_364 = tpu.memref_squeeze %dma_wait3A_363 : memref<1x!tpu.dma_semaphore, #tpu.memory_space<semaphore_mem>> -> memref<!tpu.dma_semaphore, #tpu.memory_space<semaphore_mem>>
      %dma_wait3A_365 = arith.constant 0 : i32
      %dma_wait3A_366 = arith.constant 0 : i32
      %dma_wait3A_367 = tpu.memref_slice %arg4[%add3A_351, %dma_wait3A_365, %dma_wait3A_366] : memref<256x256x256xf32, #tpu.memory_space<hbm>> -> memref<1x8x256xf32, #tpu.memory_space<hbm>>
      %dma_wait3A_368 = tpu.memref_squeeze %dma_wait3A_367 : memref<1x8x256xf32, #tpu.memory_space<hbm>> -> memref<8x256xf32, #tpu.memory_space<hbm>>
      %dma_wait3A_369 = arith.constant 0 : i32
      %dma_wait3A_370 = arith.constant 0 : i32
      %dma_wait3A_371 = tpu.memref_slice %run_scoped3A[%dma_wait3A_352, %dma_wait3A_353, %dma_wait3A_369, %dma_wait3A_370] : memref<4x8x8x256xf32, #tpu.memory_space<vmem>> -> memref<1x1x8x256xf32, #tpu.memory_space<vmem>>
      %dma_wait3A_372 = tpu.memref_squeeze %dma_wait3A_371 : memref<1x1x8x256xf32, #tpu.memory_space<vmem>> -> memref<8x256xf32, #tpu.memory_space<vmem>>
      tpu.wait_dma2 semaphore(%dma_wait3A_364 : memref<!tpu.dma_semaphore, #tpu.memory_space<semaphore_mem>>) src(%dma_wait3A_372 : memref<8x256xf32, #tpu.memory_space<vmem>>) dst(%dma_wait3A_368 : memref<8x256xf32, #tpu.memory_space<hbm>>)
      %add3A_373 = arith.constant 7 : i32
      %add3A_374 = arith.addi %mul3A_2, %add3A_373 : i32
      %dma_wait3A_375 = arith.constant 1 : i32
      %dma_wait3A_376 = arith.constant 7 : i32
      %dma_wait3A_377 = arith.constant 1 : i32
      %dma_wait3A_378 = arith.constant 0 : i32
      %dma_wait3A_379 = arith.constant 0 : i32
      %dma_wait3A_380 = tpu.memref_slice %run_scoped3A[%dma_wait3A_375, %dma_wait3A_376, %dma_wait3A_378, %dma_wait3A_379] : memref<4x8x8x256xf32, #tpu.memory_space<vmem>> -> memref<1x1x8x256xf32, #tpu.memory_space<vmem>>
      %dma_wait3A_381 = tpu.memref_squeeze %dma_wait3A_380 : memref<1x1x8x256xf32, #tpu.memory_space<vmem>> -> memref<8x256xf32, #tpu.memory_space<vmem>>
      %dma_wait3A_382 = arith.constant 0 : i32
      %dma_wait3A_383 = arith.constant 0 : i32
      %dma_wait3A_384 = tpu.memref_slice %arg4[%add3A_374, %dma_wait3A_382, %dma_wait3A_383] : memref<256x256x256xf32, #tpu.memory_space<hbm>> -> memref<1x8x256xf32, #tpu.memory_space<hbm>>
      %dma_wait3A_385 = tpu.memref_squeeze %dma_wait3A_384 : memref<1x8x256xf32, #tpu.memory_space<hbm>> -> memref<8x256xf32, #tpu.memory_space<hbm>>
      %dma_wait3A_386 = tpu.memref_slice %arg8[%dma_wait3A_377] : memref<4x!tpu.dma_semaphore, #tpu.memory_space<semaphore_mem>> -> memref<1x!tpu.dma_semaphore, #tpu.memory_space<semaphore_mem>>
      %dma_wait3A_387 = tpu.memref_squeeze %dma_wait3A_386 : memref<1x!tpu.dma_semaphore, #tpu.memory_space<semaphore_mem>> -> memref<!tpu.dma_semaphore, #tpu.memory_space<semaphore_mem>>
      %dma_wait3A_388 = arith.constant 0 : i32
      %dma_wait3A_389 = arith.constant 0 : i32
      %dma_wait3A_390 = tpu.memref_slice %arg4[%add3A_374, %dma_wait3A_388, %dma_wait3A_389] : memref<256x256x256xf32, #tpu.memory_space<hbm>> -> memref<1x8x256xf32, #tpu.memory_space<hbm>>
      %dma_wait3A_391 = tpu.memref_squeeze %dma_wait3A_390 : memref<1x8x256xf32, #tpu.memory_space<hbm>> -> memref<8x256xf32, #tpu.memory_space<hbm>>
      %dma_wait3A_392 = arith.constant 0 : i32
      %dma_wait3A_393 = arith.constant 0 : i32
      %dma_wait3A_394 = tpu.memref_slice %run_scoped3A[%dma_wait3A_375, %dma_wait3A_376, %dma_wait3A_392, %dma_wait3A_393] : memref<4x8x8x256xf32, #tpu.memory_space<vmem>> -> memref<1x1x8x256xf32, #tpu.memory_space<vmem>>
      %dma_wait3A_395 = tpu.memref_squeeze %dma_wait3A_394 : memref<1x1x8x256xf32, #tpu.memory_space<vmem>> -> memref<8x256xf32, #tpu.memory_space<vmem>>
      tpu.wait_dma2 semaphore(%dma_wait3A_387 : memref<!tpu.dma_semaphore, #tpu.memory_space<semaphore_mem>>) src(%dma_wait3A_395 : memref<8x256xf32, #tpu.memory_space<vmem>>) dst(%dma_wait3A_391 : memref<8x256xf32, #tpu.memory_space<hbm>>)
      %add3A_396 = arith.constant 0 : i32
      %add3A_397 = arith.addi %mul3A_2, %add3A_396 : i32
      %dma_wait3A_398 = arith.constant 2 : i32
      %dma_wait3A_399 = arith.constant 0 : i32
      %dma_wait3A_400 = arith.constant 2 : i32
      %dma_wait3A_401 = arith.constant 0 : i32
      %dma_wait3A_402 = arith.constant 0 : i32
      %dma_wait3A_403 = tpu.memref_slice %run_scoped3A[%dma_wait3A_398, %dma_wait3A_399, %dma_wait3A_401, %dma_wait3A_402] : memref<4x8x8x256xf32, #tpu.memory_space<vmem>> -> memref<1x1x8x256xf32, #tpu.memory_space<vmem>>
      %dma_wait3A_404 = tpu.memref_squeeze %dma_wait3A_403 : memref<1x1x8x256xf32, #tpu.memory_space<vmem>> -> memref<8x256xf32, #tpu.memory_space<vmem>>
      %dma_wait3A_405 = arith.constant 0 : i32
      %dma_wait3A_406 = arith.constant 0 : i32
      %dma_wait3A_407 = tpu.memref_slice %arg4[%add3A_397, %dma_wait3A_405, %dma_wait3A_406] : memref<256x256x256xf32, #tpu.memory_space<hbm>> -> memref<1x8x256xf32, #tpu.memory_space<hbm>>
      %dma_wait3A_408 = tpu.memref_squeeze %dma_wait3A_407 : memref<1x8x256xf32, #tpu.memory_space<hbm>> -> memref<8x256xf32, #tpu.memory_space<hbm>>
      %dma_wait3A_409 = tpu.memref_slice %arg8[%dma_wait3A_400] : memref<4x!tpu.dma_semaphore, #tpu.memory_space<semaphore_mem>> -> memref<1x!tpu.dma_semaphore, #tpu.memory_space<semaphore_mem>>
      %dma_wait3A_410 = tpu.memref_squeeze %dma_wait3A_409 : memref<1x!tpu.dma_semaphore, #tpu.memory_space<semaphore_mem>> -> memref<!tpu.dma_semaphore, #tpu.memory_space<semaphore_mem>>
      %dma_wait3A_411 = arith.constant 0 : i32
      %dma_wait3A_412 = arith.constant 0 : i32
      %dma_wait3A_413 = tpu.memref_slice %arg4[%add3A_397, %dma_wait3A_411, %dma_wait3A_412] : memref<256x256x256xf32, #tpu.memory_space<hbm>> -> memref<1x8x256xf32, #tpu.memory_space<hbm>>
      %dma_wait3A_414 = tpu.memref_squeeze %dma_wait3A_413 : memref<1x8x256xf32, #tpu.memory_space<hbm>> -> memref<8x256xf32, #tpu.memory_space<hbm>>
      %dma_wait3A_415 = arith.constant 0 : i32
      %dma_wait3A_416 = arith.constant 0 : i32
      %dma_wait3A_417 = tpu.memref_slice %run_scoped3A[%dma_wait3A_398, %dma_wait3A_399, %dma_wait3A_415, %dma_wait3A_416] : memref<4x8x8x256xf32, #tpu.memory_space<vmem>> -> memref<1x1x8x256xf32, #tpu.memory_space<vmem>>
      %dma_wait3A_418 = tpu.memref_squeeze %dma_wait3A_417 : memref<1x1x8x256xf32, #tpu.memory_space<vmem>> -> memref<8x256xf32, #tpu.memory_space<vmem>>
      tpu.wait_dma2 semaphore(%dma_wait3A_410 : memref<!tpu.dma_semaphore, #tpu.memory_space<semaphore_mem>>) src(%dma_wait3A_418 : memref<8x256xf32, #tpu.memory_space<vmem>>) dst(%dma_wait3A_414 : memref<8x256xf32, #tpu.memory_space<hbm>>)
      %add3A_419 = arith.constant 1 : i32
      %add3A_420 = arith.addi %mul3A_2, %add3A_419 : i32
      %dma_wait3A_421 = arith.constant 2 : i32
      %dma_wait3A_422 = arith.constant 1 : i32
      %dma_wait3A_423 = arith.constant 2 : i32
      %dma_wait3A_424 = arith.constant 0 : i32
      %dma_wait3A_425 = arith.constant 0 : i32
      %dma_wait3A_426 = tpu.memref_slice %run_scoped3A[%dma_wait3A_421, %dma_wait3A_422, %dma_wait3A_424, %dma_wait3A_425] : memref<4x8x8x256xf32, #tpu.memory_space<vmem>> -> memref<1x1x8x256xf32, #tpu.memory_space<vmem>>
      %dma_wait3A_427 = tpu.memref_squeeze %dma_wait3A_426 : memref<1x1x8x256xf32, #tpu.memory_space<vmem>> -> memref<8x256xf32, #tpu.memory_space<vmem>>
      %dma_wait3A_428 = arith.constant 0 : i32
      %dma_wait3A_429 = arith.constant 0 : i32
      %dma_wait3A_430 = tpu.memref_slice %arg4[%add3A_420, %dma_wait3A_428, %dma_wait3A_429] : memref<256x256x256xf32, #tpu.memory_space<hbm>> -> memref<1x8x256xf32, #tpu.memory_space<hbm>>
      %dma_wait3A_431 = tpu.memref_squeeze %dma_wait3A_430 : memref<1x8x256xf32, #tpu.memory_space<hbm>> -> memref<8x256xf32, #tpu.memory_space<hbm>>
      %dma_wait3A_432 = tpu.memref_slice %arg8[%dma_wait3A_423] : memref<4x!tpu.dma_semaphore, #tpu.memory_space<semaphore_mem>> -> memref<1x!tpu.dma_semaphore, #tpu.memory_space<semaphore_mem>>
      %dma_wait3A_433 = tpu.memref_squeeze %dma_wait3A_432 : memref<1x!tpu.dma_semaphore, #tpu.memory_space<semaphore_mem>> -> memref<!tpu.dma_semaphore, #tpu.memory_space<semaphore_mem>>
      %dma_wait3A_434 = arith.constant 0 : i32
      %dma_wait3A_435 = arith.constant 0 : i32
      %dma_wait3A_436 = tpu.memref_slice %arg4[%add3A_420, %dma_wait3A_434, %dma_wait3A_435] : memref<256x256x256xf32, #tpu.memory_space<hbm>> -> memref<1x8x256xf32, #tpu.memory_space<hbm>>
      %dma_wait3A_437 = tpu.memref_squeeze %dma_wait3A_436 : memref<1x8x256xf32, #tpu.memory_space<hbm>> -> memref<8x256xf32, #tpu.memory_space<hbm>>
      %dma_wait3A_438 = arith.constant 0 : i32
      %dma_wait3A_439 = arith.constant 0 : i32
      %dma_wait3A_440 = tpu.memref_slice %run_scoped3A[%dma_wait3A_421, %dma_wait3A_422, %dma_wait3A_438, %dma_wait3A_439] : memref<4x8x8x256xf32, #tpu.memory_space<vmem>> -> memref<1x1x8x256xf32, #tpu.memory_space<vmem>>
      %dma_wait3A_441 = tpu.memref_squeeze %dma_wait3A_440 : memref<1x1x8x256xf32, #tpu.memory_space<vmem>> -> memref<8x256xf32, #tpu.memory_space<vmem>>
      tpu.wait_dma2 semaphore(%dma_wait3A_433 : memref<!tpu.dma_semaphore, #tpu.memory_space<semaphore_mem>>) src(%dma_wait3A_441 : memref<8x256xf32, #tpu.memory_space<vmem>>) dst(%dma_wait3A_437 : memref<8x256xf32, #tpu.memory_space<hbm>>)
      %add3A_442 = arith.constant 2 : i32
      %add3A_443 = arith.addi %mul3A_2, %add3A_442 : i32
      %dma_wait3A_444 = arith.constant 2 : i32
      %dma_wait3A_445 = arith.constant 2 : i32
      %dma_wait3A_446 = arith.constant 2 : i32
      %dma_wait3A_447 = arith.constant 0 : i32
      %dma_wait3A_448 = arith.constant 0 : i32
      %dma_wait3A_449 = tpu.memref_slice %run_scoped3A[%dma_wait3A_444, %dma_wait3A_445, %dma_wait3A_447, %dma_wait3A_448] : memref<4x8x8x256xf32, #tpu.memory_space<vmem>> -> memref<1x1x8x256xf32, #tpu.memory_space<vmem>>
      %dma_wait3A_450 = tpu.memref_squeeze %dma_wait3A_449 : memref<1x1x8x256xf32, #tpu.memory_space<vmem>> -> memref<8x256xf32, #tpu.memory_space<vmem>>
      %dma_wait3A_451 = arith.constant 0 : i32
      %dma_wait3A_452 = arith.constant 0 : i32
      %dma_wait3A_453 = tpu.memref_slice %arg4[%add3A_443, %dma_wait3A_451, %dma_wait3A_452] : memref<256x256x256xf32, #tpu.memory_space<hbm>> -> memref<1x8x256xf32, #tpu.memory_space<hbm>>
      %dma_wait3A_454 = tpu.memref_squeeze %dma_wait3A_453 : memref<1x8x256xf32, #tpu.memory_space<hbm>> -> memref<8x256xf32, #tpu.memory_space<hbm>>
      %dma_wait3A_455 = tpu.memref_slice %arg8[%dma_wait3A_446] : memref<4x!tpu.dma_semaphore, #tpu.memory_space<semaphore_mem>> -> memref<1x!tpu.dma_semaphore, #tpu.memory_space<semaphore_mem>>
      %dma_wait3A_456 = tpu.memref_squeeze %dma_wait3A_455 : memref<1x!tpu.dma_semaphore, #tpu.memory_space<semaphore_mem>> -> memref<!tpu.dma_semaphore, #tpu.memory_space<semaphore_mem>>
      %dma_wait3A_457 = arith.constant 0 : i32
      %dma_wait3A_458 = arith.constant 0 : i32
      %dma_wait3A_459 = tpu.memref_slice %arg4[%add3A_443, %dma_wait3A_457, %dma_wait3A_458] : memref<256x256x256xf32, #tpu.memory_space<hbm>> -> memref<1x8x256xf32, #tpu.memory_space<hbm>>
      %dma_wait3A_460 = tpu.memref_squeeze %dma_wait3A_459 : memref<1x8x256xf32, #tpu.memory_space<hbm>> -> memref<8x256xf32, #tpu.memory_space<hbm>>
      %dma_wait3A_461 = arith.constant 0 : i32
      %dma_wait3A_462 = arith.constant 0 : i32
      %dma_wait3A_463 = tpu.memref_slice %run_scoped3A[%dma_wait3A_444, %dma_wait3A_445, %dma_wait3A_461, %dma_wait3A_462] : memref<4x8x8x256xf32, #tpu.memory_space<vmem>> -> memref<1x1x8x256xf32, #tpu.memory_space<vmem>>
      %dma_wait3A_464 = tpu.memref_squeeze %dma_wait3A_463 : memref<1x1x8x256xf32, #tpu.memory_space<vmem>> -> memref<8x256xf32, #tpu.memory_space<vmem>>
      tpu.wait_dma2 semaphore(%dma_wait3A_456 : memref<!tpu.dma_semaphore, #tpu.memory_space<semaphore_mem>>) src(%dma_wait3A_464 : memref<8x256xf32, #tpu.memory_space<vmem>>) dst(%dma_wait3A_460 : memref<8x256xf32, #tpu.memory_space<hbm>>)
      %add3A_465 = arith.constant 3 : i32
      %add3A_466 = arith.addi %mul3A_2, %add3A_465 : i32
      %dma_wait3A_467 = arith.constant 2 : i32
      %dma_wait3A_468 = arith.constant 3 : i32
      %dma_wait3A_469 = arith.constant 2 : i32
      %dma_wait3A_470 = arith.constant 0 : i32
      %dma_wait3A_471 = arith.constant 0 : i32
      %dma_wait3A_472 = tpu.memref_slice %run_scoped3A[%dma_wait3A_467, %dma_wait3A_468, %dma_wait3A_470, %dma_wait3A_471] : memref<4x8x8x256xf32, #tpu.memory_space<vmem>> -> memref<1x1x8x256xf32, #tpu.memory_space<vmem>>
      %dma_wait3A_473 = tpu.memref_squeeze %dma_wait3A_472 : memref<1x1x8x256xf32, #tpu.memory_space<vmem>> -> memref<8x256xf32, #tpu.memory_space<vmem>>
      %dma_wait3A_474 = arith.constant 0 : i32
      %dma_wait3A_475 = arith.constant 0 : i32
      %dma_wait3A_476 = tpu.memref_slice %arg4[%add3A_466, %dma_wait3A_474, %dma_wait3A_475] : memref<256x256x256xf32, #tpu.memory_space<hbm>> -> memref<1x8x256xf32, #tpu.memory_space<hbm>>
      %dma_wait3A_477 = tpu.memref_squeeze %dma_wait3A_476 : memref<1x8x256xf32, #tpu.memory_space<hbm>> -> memref<8x256xf32, #tpu.memory_space<hbm>>
      %dma_wait3A_478 = tpu.memref_slice %arg8[%dma_wait3A_469] : memref<4x!tpu.dma_semaphore, #tpu.memory_space<semaphore_mem>> -> memref<1x!tpu.dma_semaphore, #tpu.memory_space<semaphore_mem>>
      %dma_wait3A_479 = tpu.memref_squeeze %dma_wait3A_478 : memref<1x!tpu.dma_semaphore, #tpu.memory_space<semaphore_mem>> -> memref<!tpu.dma_semaphore, #tpu.memory_space<semaphore_mem>>
      %dma_wait3A_480 = arith.constant 0 : i32
      %dma_wait3A_481 = arith.constant 0 : i32
      %dma_wait3A_482 = tpu.memref_slice %arg4[%add3A_466, %dma_wait3A_480, %dma_wait3A_481] : memref<256x256x256xf32, #tpu.memory_space<hbm>> -> memref<1x8x256xf32, #tpu.memory_space<hbm>>
      %dma_wait3A_483 = tpu.memref_squeeze %dma_wait3A_482 : memref<1x8x256xf32, #tpu.memory_space<hbm>> -> memref<8x256xf32, #tpu.memory_space<hbm>>
      %dma_wait3A_484 = arith.constant 0 : i32
      %dma_wait3A_485 = arith.constant 0 : i32
      %dma_wait3A_486 = tpu.memref_slice %run_scoped3A[%dma_wait3A_467, %dma_wait3A_468, %dma_wait3A_484, %dma_wait3A_485] : memref<4x8x8x256xf32, #tpu.memory_space<vmem>> -> memref<1x1x8x256xf32, #tpu.memory_space<vmem>>
      %dma_wait3A_487 = tpu.memref_squeeze %dma_wait3A_486 : memref<1x1x8x256xf32, #tpu.memory_space<vmem>> -> memref<8x256xf32, #tpu.memory_space<vmem>>
      tpu.wait_dma2 semaphore(%dma_wait3A_479 : memref<!tpu.dma_semaphore, #tpu.memory_space<semaphore_mem>>) src(%dma_wait3A_487 : memref<8x256xf32, #tpu.memory_space<vmem>>) dst(%dma_wait3A_483 : memref<8x256xf32, #tpu.memory_space<hbm>>)
      %add3A_488 = arith.constant 4 : i32
      %add3A_489 = arith.addi %mul3A_2, %add3A_488 : i32
      %dma_wait3A_490 = arith.constant 2 : i32
      %dma_wait3A_491 = arith.constant 4 : i32
      %dma_wait3A_492 = arith.constant 2 : i32
      %dma_wait3A_493 = arith.constant 0 : i32
      %dma_wait3A_494 = arith.constant 0 : i32
      %dma_wait3A_495 = tpu.memref_slice %run_scoped3A[%dma_wait3A_490, %dma_wait3A_491, %dma_wait3A_493, %dma_wait3A_494] : memref<4x8x8x256xf32, #tpu.memory_space<vmem>> -> memref<1x1x8x256xf32, #tpu.memory_space<vmem>>
      %dma_wait3A_496 = tpu.memref_squeeze %dma_wait3A_495 : memref<1x1x8x256xf32, #tpu.memory_space<vmem>> -> memref<8x256xf32, #tpu.memory_space<vmem>>
      %dma_wait3A_497 = arith.constant 0 : i32
      %dma_wait3A_498 = arith.constant 0 : i32
      %dma_wait3A_499 = tpu.memref_slice %arg4[%add3A_489, %dma_wait3A_497, %dma_wait3A_498] : memref<256x256x256xf32, #tpu.memory_space<hbm>> -> memref<1x8x256xf32, #tpu.memory_space<hbm>>
      %dma_wait3A_500 = tpu.memref_squeeze %dma_wait3A_499 : memref<1x8x256xf32, #tpu.memory_space<hbm>> -> memref<8x256xf32, #tpu.memory_space<hbm>>
      %dma_wait3A_501 = tpu.memref_slice %arg8[%dma_wait3A_492] : memref<4x!tpu.dma_semaphore, #tpu.memory_space<semaphore_mem>> -> memref<1x!tpu.dma_semaphore, #tpu.memory_space<semaphore_mem>>
      %dma_wait3A_502 = tpu.memref_squeeze %dma_wait3A_501 : memref<1x!tpu.dma_semaphore, #tpu.memory_space<semaphore_mem>> -> memref<!tpu.dma_semaphore, #tpu.memory_space<semaphore_mem>>
      %dma_wait3A_503 = arith.constant 0 : i32
      %dma_wait3A_504 = arith.constant 0 : i32
      %dma_wait3A_505 = tpu.memref_slice %arg4[%add3A_489, %dma_wait3A_503, %dma_wait3A_504] : memref<256x256x256xf32, #tpu.memory_space<hbm>> -> memref<1x8x256xf32, #tpu.memory_space<hbm>>
      %dma_wait3A_506 = tpu.memref_squeeze %dma_wait3A_505 : memref<1x8x256xf32, #tpu.memory_space<hbm>> -> memref<8x256xf32, #tpu.memory_space<hbm>>
      %dma_wait3A_507 = arith.constant 0 : i32
      %dma_wait3A_508 = arith.constant 0 : i32
      %dma_wait3A_509 = tpu.memref_slice %run_scoped3A[%dma_wait3A_490, %dma_wait3A_491, %dma_wait3A_507, %dma_wait3A_508] : memref<4x8x8x256xf32, #tpu.memory_space<vmem>> -> memref<1x1x8x256xf32, #tpu.memory_space<vmem>>
      %dma_wait3A_510 = tpu.memref_squeeze %dma_wait3A_509 : memref<1x1x8x256xf32, #tpu.memory_space<vmem>> -> memref<8x256xf32, #tpu.memory_space<vmem>>
      tpu.wait_dma2 semaphore(%dma_wait3A_502 : memref<!tpu.dma_semaphore, #tpu.memory_space<semaphore_mem>>) src(%dma_wait3A_510 : memref<8x256xf32, #tpu.memory_space<vmem>>) dst(%dma_wait3A_506 : memref<8x256xf32, #tpu.memory_space<hbm>>)
      %add3A_511 = arith.constant 5 : i32
      %add3A_512 = arith.addi %mul3A_2, %add3A_511 : i32
      %dma_wait3A_513 = arith.constant 2 : i32
      %dma_wait3A_514 = arith.constant 5 : i32
      %dma_wait3A_515 = arith.constant 2 : i32
      %dma_wait3A_516 = arith.constant 0 : i32
      %dma_wait3A_517 = arith.constant 0 : i32
      %dma_wait3A_518 = tpu.memref_slice %run_scoped3A[%dma_wait3A_513, %dma_wait3A_514, %dma_wait3A_516, %dma_wait3A_517] : memref<4x8x8x256xf32, #tpu.memory_space<vmem>> -> memref<1x1x8x256xf32, #tpu.memory_space<vmem>>
      %dma_wait3A_519 = tpu.memref_squeeze %dma_wait3A_518 : memref<1x1x8x256xf32, #tpu.memory_space<vmem>> -> memref<8x256xf32, #tpu.memory_space<vmem>>
      %dma_wait3A_520 = arith.constant 0 : i32
      %dma_wait3A_521 = arith.constant 0 : i32
      %dma_wait3A_522 = tpu.memref_slice %arg4[%add3A_512, %dma_wait3A_520, %dma_wait3A_521] : memref<256x256x256xf32, #tpu.memory_space<hbm>> -> memref<1x8x256xf32, #tpu.memory_space<hbm>>
      %dma_wait3A_523 = tpu.memref_squeeze %dma_wait3A_522 : memref<1x8x256xf32, #tpu.memory_space<hbm>> -> memref<8x256xf32, #tpu.memory_space<hbm>>
      %dma_wait3A_524 = tpu.memref_slice %arg8[%dma_wait3A_515] : memref<4x!tpu.dma_semaphore, #tpu.memory_space<semaphore_mem>> -> memref<1x!tpu.dma_semaphore, #tpu.memory_space<semaphore_mem>>
      %dma_wait3A_525 = tpu.memref_squeeze %dma_wait3A_524 : memref<1x!tpu.dma_semaphore, #tpu.memory_space<semaphore_mem>> -> memref<!tpu.dma_semaphore, #tpu.memory_space<semaphore_mem>>
      %dma_wait3A_526 = arith.constant 0 : i32
      %dma_wait3A_527 = arith.constant 0 : i32
      %dma_wait3A_528 = tpu.memref_slice %arg4[%add3A_512, %dma_wait3A_526, %dma_wait3A_527] : memref<256x256x256xf32, #tpu.memory_space<hbm>> -> memref<1x8x256xf32, #tpu.memory_space<hbm>>
      %dma_wait3A_529 = tpu.memref_squeeze %dma_wait3A_528 : memref<1x8x256xf32, #tpu.memory_space<hbm>> -> memref<8x256xf32, #tpu.memory_space<hbm>>
      %dma_wait3A_530 = arith.constant 0 : i32
      %dma_wait3A_531 = arith.constant 0 : i32
      %dma_wait3A_532 = tpu.memref_slice %run_scoped3A[%dma_wait3A_513, %dma_wait3A_514, %dma_wait3A_530, %dma_wait3A_531] : memref<4x8x8x256xf32, #tpu.memory_space<vmem>> -> memref<1x1x8x256xf32, #tpu.memory_space<vmem>>
      %dma_wait3A_533 = tpu.memref_squeeze %dma_wait3A_532 : memref<1x1x8x256xf32, #tpu.memory_space<vmem>> -> memref<8x256xf32, #tpu.memory_space<vmem>>
      tpu.wait_dma2 semaphore(%dma_wait3A_525 : memref<!tpu.dma_semaphore, #tpu.memory_space<semaphore_mem>>) src(%dma_wait3A_533 : memref<8x256xf32, #tpu.memory_space<vmem>>) dst(%dma_wait3A_529 : memref<8x256xf32, #tpu.memory_space<hbm>>)
      %add3A_534 = arith.constant 6 : i32
      %add3A_535 = arith.addi %mul3A_2, %add3A_534 : i32
      %dma_wait3A_536 = arith.constant 2 : i32
      %dma_wait3A_537 = arith.constant 6 : i32
      %dma_wait3A_538 = arith.constant 2 : i32
      %dma_wait3A_539 = arith.constant 0 : i32
      %dma_wait3A_540 = arith.constant 0 : i32
      %dma_wait3A_541 = tpu.memref_slice %run_scoped3A[%dma_wait3A_536, %dma_wait3A_537, %dma_wait3A_539, %dma_wait3A_540] : memref<4x8x8x256xf32, #tpu.memory_space<vmem>> -> memref<1x1x8x256xf32, #tpu.memory_space<vmem>>
      %dma_wait3A_542 = tpu.memref_squeeze %dma_wait3A_541 : memref<1x1x8x256xf32, #tpu.memory_space<vmem>> -> memref<8x256xf32, #tpu.memory_space<vmem>>
      %dma_wait3A_543 = arith.constant 0 : i32
      %dma_wait3A_544 = arith.constant 0 : i32
      %dma_wait3A_545 = tpu.memref_slice %arg4[%add3A_535, %dma_wait3A_543, %dma_wait3A_544] : memref<256x256x256xf32, #tpu.memory_space<hbm>> -> memref<1x8x256xf32, #tpu.memory_space<hbm>>
      %dma_wait3A_546 = tpu.memref_squeeze %dma_wait3A_545 : memref<1x8x256xf32, #tpu.memory_space<hbm>> -> memref<8x256xf32, #tpu.memory_space<hbm>>
      %dma_wait3A_547 = tpu.memref_slice %arg8[%dma_wait3A_538] : memref<4x!tpu.dma_semaphore, #tpu.memory_space<semaphore_mem>> -> memref<1x!tpu.dma_semaphore, #tpu.memory_space<semaphore_mem>>
      %dma_wait3A_548 = tpu.memref_squeeze %dma_wait3A_547 : memref<1x!tpu.dma_semaphore, #tpu.memory_space<semaphore_mem>> -> memref<!tpu.dma_semaphore, #tpu.memory_space<semaphore_mem>>
      %dma_wait3A_549 = arith.constant 0 : i32
      %dma_wait3A_550 = arith.constant 0 : i32
      %dma_wait3A_551 = tpu.memref_slice %arg4[%add3A_535, %dma_wait3A_549, %dma_wait3A_550] : memref<256x256x256xf32, #tpu.memory_space<hbm>> -> memref<1x8x256xf32, #tpu.memory_space<hbm>>
      %dma_wait3A_552 = tpu.memref_squeeze %dma_wait3A_551 : memref<1x8x256xf32, #tpu.memory_space<hbm>> -> memref<8x256xf32, #tpu.memory_space<hbm>>
      %dma_wait3A_553 = arith.constant 0 : i32
      %dma_wait3A_554 = arith.constant 0 : i32
      %dma_wait3A_555 = tpu.memref_slice %run_scoped3A[%dma_wait3A_536, %dma_wait3A_537, %dma_wait3A_553, %dma_wait3A_554] : memref<4x8x8x256xf32, #tpu.memory_space<vmem>> -> memref<1x1x8x256xf32, #tpu.memory_space<vmem>>
      %dma_wait3A_556 = tpu.memref_squeeze %dma_wait3A_555 : memref<1x1x8x256xf32, #tpu.memory_space<vmem>> -> memref<8x256xf32, #tpu.memory_space<vmem>>
      tpu.wait_dma2 semaphore(%dma_wait3A_548 : memref<!tpu.dma_semaphore, #tpu.memory_space<semaphore_mem>>) src(%dma_wait3A_556 : memref<8x256xf32, #tpu.memory_space<vmem>>) dst(%dma_wait3A_552 : memref<8x256xf32, #tpu.memory_space<hbm>>)
      %add3A_557 = arith.constant 7 : i32
      %add3A_558 = arith.addi %mul3A_2, %add3A_557 : i32
      %dma_wait3A_559 = arith.constant 2 : i32
      %dma_wait3A_560 = arith.constant 7 : i32
      %dma_wait3A_561 = arith.constant 2 : i32
      %dma_wait3A_562 = arith.constant 0 : i32
      %dma_wait3A_563 = arith.constant 0 : i32
      %dma_wait3A_564 = tpu.memref_slice %run_scoped3A[%dma_wait3A_559, %dma_wait3A_560, %dma_wait3A_562, %dma_wait3A_563] : memref<4x8x8x256xf32, #tpu.memory_space<vmem>> -> memref<1x1x8x256xf32, #tpu.memory_space<vmem>>
      %dma_wait3A_565 = tpu.memref_squeeze %dma_wait3A_564 : memref<1x1x8x256xf32, #tpu.memory_space<vmem>> -> memref<8x256xf32, #tpu.memory_space<vmem>>
      %dma_wait3A_566 = arith.constant 0 : i32
      %dma_wait3A_567 = arith.constant 0 : i32
      %dma_wait3A_568 = tpu.memref_slice %arg4[%add3A_558, %dma_wait3A_566, %dma_wait3A_567] : memref<256x256x256xf32, #tpu.memory_space<hbm>> -> memref<1x8x256xf32, #tpu.memory_space<hbm>>
      %dma_wait3A_569 = tpu.memref_squeeze %dma_wait3A_568 : memref<1x8x256xf32, #tpu.memory_space<hbm>> -> memref<8x256xf32, #tpu.memory_space<hbm>>
      %dma_wait3A_570 = tpu.memref_slice %arg8[%dma_wait3A_561] : memref<4x!tpu.dma_semaphore, #tpu.memory_space<semaphore_mem>> -> memref<1x!tpu.dma_semaphore, #tpu.memory_space<semaphore_mem>>
      %dma_wait3A_571 = tpu.memref_squeeze %dma_wait3A_570 : memref<1x!tpu.dma_semaphore, #tpu.memory_space<semaphore_mem>> -> memref<!tpu.dma_semaphore, #tpu.memory_space<semaphore_mem>>
      %dma_wait3A_572 = arith.constant 0 : i32
      %dma_wait3A_573 = arith.constant 0 : i32
      %dma_wait3A_574 = tpu.memref_slice %arg4[%add3A_558, %dma_wait3A_572, %dma_wait3A_573] : memref<256x256x256xf32, #tpu.memory_space<hbm>> -> memref<1x8x256xf32, #tpu.memory_space<hbm>>
      %dma_wait3A_575 = tpu.memref_squeeze %dma_wait3A_574 : memref<1x8x256xf32, #tpu.memory_space<hbm>> -> memref<8x256xf32, #tpu.memory_space<hbm>>
      %dma_wait3A_576 = arith.constant 0 : i32
      %dma_wait3A_577 = arith.constant 0 : i32
      %dma_wait3A_578 = tpu.memref_slice %run_scoped3A[%dma_wait3A_559, %dma_wait3A_560, %dma_wait3A_576, %dma_wait3A_577] : memref<4x8x8x256xf32, #tpu.memory_space<vmem>> -> memref<1x1x8x256xf32, #tpu.memory_space<vmem>>
      %dma_wait3A_579 = tpu.memref_squeeze %dma_wait3A_578 : memref<1x1x8x256xf32, #tpu.memory_space<vmem>> -> memref<8x256xf32, #tpu.memory_space<vmem>>
      tpu.wait_dma2 semaphore(%dma_wait3A_571 : memref<!tpu.dma_semaphore, #tpu.memory_space<semaphore_mem>>) src(%dma_wait3A_579 : memref<8x256xf32, #tpu.memory_space<vmem>>) dst(%dma_wait3A_575 : memref<8x256xf32, #tpu.memory_space<hbm>>)
      %add3A_580 = arith.constant 0 : i32
      %add3A_581 = arith.addi %mul3A_2, %add3A_580 : i32
      %dma_wait3A_582 = arith.constant 3 : i32
      %dma_wait3A_583 = arith.constant 0 : i32
      %dma_wait3A_584 = arith.constant 3 : i32
      %dma_wait3A_585 = arith.constant 0 : i32
      %dma_wait3A_586 = arith.constant 0 : i32
      %dma_wait3A_587 = tpu.memref_slice %run_scoped3A[%dma_wait3A_582, %dma_wait3A_583, %dma_wait3A_585, %dma_wait3A_586] : memref<4x8x8x256xf32, #tpu.memory_space<vmem>> -> memref<1x1x8x256xf32, #tpu.memory_space<vmem>>
      %dma_wait3A_588 = tpu.memref_squeeze %dma_wait3A_587 : memref<1x1x8x256xf32, #tpu.memory_space<vmem>> -> memref<8x256xf32, #tpu.memory_space<vmem>>
      %dma_wait3A_589 = arith.constant 0 : i32
      %dma_wait3A_590 = arith.constant 0 : i32
      %dma_wait3A_591 = tpu.memref_slice %arg4[%add3A_581, %dma_wait3A_589, %dma_wait3A_590] : memref<256x256x256xf32, #tpu.memory_space<hbm>> -> memref<1x8x256xf32, #tpu.memory_space<hbm>>
      %dma_wait3A_592 = tpu.memref_squeeze %dma_wait3A_591 : memref<1x8x256xf32, #tpu.memory_space<hbm>> -> memref<8x256xf32, #tpu.memory_space<hbm>>
      %dma_wait3A_593 = tpu.memref_slice %arg8[%dma_wait3A_584] : memref<4x!tpu.dma_semaphore, #tpu.memory_space<semaphore_mem>> -> memref<1x!tpu.dma_semaphore, #tpu.memory_space<semaphore_mem>>
      %dma_wait3A_594 = tpu.memref_squeeze %dma_wait3A_593 : memref<1x!tpu.dma_semaphore, #tpu.memory_space<semaphore_mem>> -> memref<!tpu.dma_semaphore, #tpu.memory_space<semaphore_mem>>
      %dma_wait3A_595 = arith.constant 0 : i32
      %dma_wait3A_596 = arith.constant 0 : i32
      %dma_wait3A_597 = tpu.memref_slice %arg4[%add3A_581, %dma_wait3A_595, %dma_wait3A_596] : memref<256x256x256xf32, #tpu.memory_space<hbm>> -> memref<1x8x256xf32, #tpu.memory_space<hbm>>
      %dma_wait3A_598 = tpu.memref_squeeze %dma_wait3A_597 : memref<1x8x256xf32, #tpu.memory_space<hbm>> -> memref<8x256xf32, #tpu.memory_space<hbm>>
      %dma_wait3A_599 = arith.constant 0 : i32
      %dma_wait3A_600 = arith.constant 0 : i32
      %dma_wait3A_601 = tpu.memref_slice %run_scoped3A[%dma_wait3A_582, %dma_wait3A_583, %dma_wait3A_599, %dma_wait3A_600] : memref<4x8x8x256xf32, #tpu.memory_space<vmem>> -> memref<1x1x8x256xf32, #tpu.memory_space<vmem>>
      %dma_wait3A_602 = tpu.memref_squeeze %dma_wait3A_601 : memref<1x1x8x256xf32, #tpu.memory_space<vmem>> -> memref<8x256xf32, #tpu.memory_space<vmem>>
      tpu.wait_dma2 semaphore(%dma_wait3A_594 : memref<!tpu.dma_semaphore, #tpu.memory_space<semaphore_mem>>) src(%dma_wait3A_602 : memref<8x256xf32, #tpu.memory_space<vmem>>) dst(%dma_wait3A_598 : memref<8x256xf32, #tpu.memory_space<hbm>>)
      %add3A_603 = arith.constant 1 : i32
      %add3A_604 = arith.addi %mul3A_2, %add3A_603 : i32
      %dma_wait3A_605 = arith.constant 3 : i32
      %dma_wait3A_606 = arith.constant 1 : i32
      %dma_wait3A_607 = arith.constant 3 : i32
      %dma_wait3A_608 = arith.constant 0 : i32
      %dma_wait3A_609 = arith.constant 0 : i32
      %dma_wait3A_610 = tpu.memref_slice %run_scoped3A[%dma_wait3A_605, %dma_wait3A_606, %dma_wait3A_608, %dma_wait3A_609] : memref<4x8x8x256xf32, #tpu.memory_space<vmem>> -> memref<1x1x8x256xf32, #tpu.memory_space<vmem>>
      %dma_wait3A_611 = tpu.memref_squeeze %dma_wait3A_610 : memref<1x1x8x256xf32, #tpu.memory_space<vmem>> -> memref<8x256xf32, #tpu.memory_space<vmem>>
      %dma_wait3A_612 = arith.constant 0 : i32
      %dma_wait3A_613 = arith.constant 0 : i32
      %dma_wait3A_614 = tpu.memref_slice %arg4[%add3A_604, %dma_wait3A_612, %dma_wait3A_613] : memref<256x256x256xf32, #tpu.memory_space<hbm>> -> memref<1x8x256xf32, #tpu.memory_space<hbm>>
      %dma_wait3A_615 = tpu.memref_squeeze %dma_wait3A_614 : memref<1x8x256xf32, #tpu.memory_space<hbm>> -> memref<8x256xf32, #tpu.memory_space<hbm>>
      %dma_wait3A_616 = tpu.memref_slice %arg8[%dma_wait3A_607] : memref<4x!tpu.dma_semaphore, #tpu.memory_space<semaphore_mem>> -> memref<1x!tpu.dma_semaphore, #tpu.memory_space<semaphore_mem>>
      %dma_wait3A_617 = tpu.memref_squeeze %dma_wait3A_616 : memref<1x!tpu.dma_semaphore, #tpu.memory_space<semaphore_mem>> -> memref<!tpu.dma_semaphore, #tpu.memory_space<semaphore_mem>>
      %dma_wait3A_618 = arith.constant 0 : i32
      %dma_wait3A_619 = arith.constant 0 : i32
      %dma_wait3A_620 = tpu.memref_slice %arg4[%add3A_604, %dma_wait3A_618, %dma_wait3A_619] : memref<256x256x256xf32, #tpu.memory_space<hbm>> -> memref<1x8x256xf32, #tpu.memory_space<hbm>>
      %dma_wait3A_621 = tpu.memref_squeeze %dma_wait3A_620 : memref<1x8x256xf32, #tpu.memory_space<hbm>> -> memref<8x256xf32, #tpu.memory_space<hbm>>
      %dma_wait3A_622 = arith.constant 0 : i32
      %dma_wait3A_623 = arith.constant 0 : i32
      %dma_wait3A_624 = tpu.memref_slice %run_scoped3A[%dma_wait3A_605, %dma_wait3A_606, %dma_wait3A_622, %dma_wait3A_623] : memref<4x8x8x256xf32, #tpu.memory_space<vmem>> -> memref<1x1x8x256xf32, #tpu.memory_space<vmem>>
      %dma_wait3A_625 = tpu.memref_squeeze %dma_wait3A_624 : memref<1x1x8x256xf32, #tpu.memory_space<vmem>> -> memref<8x256xf32, #tpu.memory_space<vmem>>
      tpu.wait_dma2 semaphore(%dma_wait3A_617 : memref<!tpu.dma_semaphore, #tpu.memory_space<semaphore_mem>>) src(%dma_wait3A_625 : memref<8x256xf32, #tpu.memory_space<vmem>>) dst(%dma_wait3A_621 : memref<8x256xf32, #tpu.memory_space<hbm>>)
      %add3A_626 = arith.constant 2 : i32
      %add3A_627 = arith.addi %mul3A_2, %add3A_626 : i32
      %dma_wait3A_628 = arith.constant 3 : i32
      %dma_wait3A_629 = arith.constant 2 : i32
      %dma_wait3A_630 = arith.constant 3 : i32
      %dma_wait3A_631 = arith.constant 0 : i32
      %dma_wait3A_632 = arith.constant 0 : i32
      %dma_wait3A_633 = tpu.memref_slice %run_scoped3A[%dma_wait3A_628, %dma_wait3A_629, %dma_wait3A_631, %dma_wait3A_632] : memref<4x8x8x256xf32, #tpu.memory_space<vmem>> -> memref<1x1x8x256xf32, #tpu.memory_space<vmem>>
      %dma_wait3A_634 = tpu.memref_squeeze %dma_wait3A_633 : memref<1x1x8x256xf32, #tpu.memory_space<vmem>> -> memref<8x256xf32, #tpu.memory_space<vmem>>
      %dma_wait3A_635 = arith.constant 0 : i32
      %dma_wait3A_636 = arith.constant 0 : i32
      %dma_wait3A_637 = tpu.memref_slice %arg4[%add3A_627, %dma_wait3A_635, %dma_wait3A_636] : memref<256x256x256xf32, #tpu.memory_space<hbm>> -> memref<1x8x256xf32, #tpu.memory_space<hbm>>
      %dma_wait3A_638 = tpu.memref_squeeze %dma_wait3A_637 : memref<1x8x256xf32, #tpu.memory_space<hbm>> -> memref<8x256xf32, #tpu.memory_space<hbm>>
      %dma_wait3A_639 = tpu.memref_slice %arg8[%dma_wait3A_630] : memref<4x!tpu.dma_semaphore, #tpu.memory_space<semaphore_mem>> -> memref<1x!tpu.dma_semaphore, #tpu.memory_space<semaphore_mem>>
      %dma_wait3A_640 = tpu.memref_squeeze %dma_wait3A_639 : memref<1x!tpu.dma_semaphore, #tpu.memory_space<semaphore_mem>> -> memref<!tpu.dma_semaphore, #tpu.memory_space<semaphore_mem>>
      %dma_wait3A_641 = arith.constant 0 : i32
      %dma_wait3A_642 = arith.constant 0 : i32
      %dma_wait3A_643 = tpu.memref_slice %arg4[%add3A_627, %dma_wait3A_641, %dma_wait3A_642] : memref<256x256x256xf32, #tpu.memory_space<hbm>> -> memref<1x8x256xf32, #tpu.memory_space<hbm>>
      %dma_wait3A_644 = tpu.memref_squeeze %dma_wait3A_643 : memref<1x8x256xf32, #tpu.memory_space<hbm>> -> memref<8x256xf32, #tpu.memory_space<hbm>>
      %dma_wait3A_645 = arith.constant 0 : i32
      %dma_wait3A_646 = arith.constant 0 : i32
      %dma_wait3A_647 = tpu.memref_slice %run_scoped3A[%dma_wait3A_628, %dma_wait3A_629, %dma_wait3A_645, %dma_wait3A_646] : memref<4x8x8x256xf32, #tpu.memory_space<vmem>> -> memref<1x1x8x256xf32, #tpu.memory_space<vmem>>
      %dma_wait3A_648 = tpu.memref_squeeze %dma_wait3A_647 : memref<1x1x8x256xf32, #tpu.memory_space<vmem>> -> memref<8x256xf32, #tpu.memory_space<vmem>>
      tpu.wait_dma2 semaphore(%dma_wait3A_640 : memref<!tpu.dma_semaphore, #tpu.memory_space<semaphore_mem>>) src(%dma_wait3A_648 : memref<8x256xf32, #tpu.memory_space<vmem>>) dst(%dma_wait3A_644 : memref<8x256xf32, #tpu.memory_space<hbm>>)
      %add3A_649 = arith.constant 3 : i32
      %add3A_650 = arith.addi %mul3A_2, %add3A_649 : i32
      %dma_wait3A_651 = arith.constant 3 : i32
      %dma_wait3A_652 = arith.constant 3 : i32
      %dma_wait3A_653 = arith.constant 3 : i32
      %dma_wait3A_654 = arith.constant 0 : i32
      %dma_wait3A_655 = arith.constant 0 : i32
      %dma_wait3A_656 = tpu.memref_slice %run_scoped3A[%dma_wait3A_651, %dma_wait3A_652, %dma_wait3A_654, %dma_wait3A_655] : memref<4x8x8x256xf32, #tpu.memory_space<vmem>> -> memref<1x1x8x256xf32, #tpu.memory_space<vmem>>
      %dma_wait3A_657 = tpu.memref_squeeze %dma_wait3A_656 : memref<1x1x8x256xf32, #tpu.memory_space<vmem>> -> memref<8x256xf32, #tpu.memory_space<vmem>>
      %dma_wait3A_658 = arith.constant 0 : i32
      %dma_wait3A_659 = arith.constant 0 : i32
      %dma_wait3A_660 = tpu.memref_slice %arg4[%add3A_650, %dma_wait3A_658, %dma_wait3A_659] : memref<256x256x256xf32, #tpu.memory_space<hbm>> -> memref<1x8x256xf32, #tpu.memory_space<hbm>>
      %dma_wait3A_661 = tpu.memref_squeeze %dma_wait3A_660 : memref<1x8x256xf32, #tpu.memory_space<hbm>> -> memref<8x256xf32, #tpu.memory_space<hbm>>
      %dma_wait3A_662 = tpu.memref_slice %arg8[%dma_wait3A_653] : memref<4x!tpu.dma_semaphore, #tpu.memory_space<semaphore_mem>> -> memref<1x!tpu.dma_semaphore, #tpu.memory_space<semaphore_mem>>
      %dma_wait3A_663 = tpu.memref_squeeze %dma_wait3A_662 : memref<1x!tpu.dma_semaphore, #tpu.memory_space<semaphore_mem>> -> memref<!tpu.dma_semaphore, #tpu.memory_space<semaphore_mem>>
      %dma_wait3A_664 = arith.constant 0 : i32
      %dma_wait3A_665 = arith.constant 0 : i32
      %dma_wait3A_666 = tpu.memref_slice %arg4[%add3A_650, %dma_wait3A_664, %dma_wait3A_665] : memref<256x256x256xf32, #tpu.memory_space<hbm>> -> memref<1x8x256xf32, #tpu.memory_space<hbm>>
      %dma_wait3A_667 = tpu.memref_squeeze %dma_wait3A_666 : memref<1x8x256xf32, #tpu.memory_space<hbm>> -> memref<8x256xf32, #tpu.memory_space<hbm>>
      %dma_wait3A_668 = arith.constant 0 : i32
      %dma_wait3A_669 = arith.constant 0 : i32
      %dma_wait3A_670 = tpu.memref_slice %run_scoped3A[%dma_wait3A_651, %dma_wait3A_652, %dma_wait3A_668, %dma_wait3A_669] : memref<4x8x8x256xf32, #tpu.memory_space<vmem>> -> memref<1x1x8x256xf32, #tpu.memory_space<vmem>>
      %dma_wait3A_671 = tpu.memref_squeeze %dma_wait3A_670 : memref<1x1x8x256xf32, #tpu.memory_space<vmem>> -> memref<8x256xf32, #tpu.memory_space<vmem>>
      tpu.wait_dma2 semaphore(%dma_wait3A_663 : memref<!tpu.dma_semaphore, #tpu.memory_space<semaphore_mem>>) src(%dma_wait3A_671 : memref<8x256xf32, #tpu.memory_space<vmem>>) dst(%dma_wait3A_667 : memref<8x256xf32, #tpu.memory_space<hbm>>)
      %add3A_672 = arith.constant 4 : i32
      %add3A_673 = arith.addi %mul3A_2, %add3A_672 : i32
      %dma_wait3A_674 = arith.constant 3 : i32
      %dma_wait3A_675 = arith.constant 4 : i32
      %dma_wait3A_676 = arith.constant 3 : i32
      %dma_wait3A_677 = arith.constant 0 : i32
      %dma_wait3A_678 = arith.constant 0 : i32
      %dma_wait3A_679 = tpu.memref_slice %run_scoped3A[%dma_wait3A_674, %dma_wait3A_675, %dma_wait3A_677, %dma_wait3A_678] : memref<4x8x8x256xf32, #tpu.memory_space<vmem>> -> memref<1x1x8x256xf32, #tpu.memory_space<vmem>>
      %dma_wait3A_680 = tpu.memref_squeeze %dma_wait3A_679 : memref<1x1x8x256xf32, #tpu.memory_space<vmem>> -> memref<8x256xf32, #tpu.memory_space<vmem>>
      %dma_wait3A_681 = arith.constant 0 : i32
      %dma_wait3A_682 = arith.constant 0 : i32
      %dma_wait3A_683 = tpu.memref_slice %arg4[%add3A_673, %dma_wait3A_681, %dma_wait3A_682] : memref<256x256x256xf32, #tpu.memory_space<hbm>> -> memref<1x8x256xf32, #tpu.memory_space<hbm>>
      %dma_wait3A_684 = tpu.memref_squeeze %dma_wait3A_683 : memref<1x8x256xf32, #tpu.memory_space<hbm>> -> memref<8x256xf32, #tpu.memory_space<hbm>>
      %dma_wait3A_685 = tpu.memref_slice %arg8[%dma_wait3A_676] : memref<4x!tpu.dma_semaphore, #tpu.memory_space<semaphore_mem>> -> memref<1x!tpu.dma_semaphore, #tpu.memory_space<semaphore_mem>>
      %dma_wait3A_686 = tpu.memref_squeeze %dma_wait3A_685 : memref<1x!tpu.dma_semaphore, #tpu.memory_space<semaphore_mem>> -> memref<!tpu.dma_semaphore, #tpu.memory_space<semaphore_mem>>
      %dma_wait3A_687 = arith.constant 0 : i32
      %dma_wait3A_688 = arith.constant 0 : i32
      %dma_wait3A_689 = tpu.memref_slice %arg4[%add3A_673, %dma_wait3A_687, %dma_wait3A_688] : memref<256x256x256xf32, #tpu.memory_space<hbm>> -> memref<1x8x256xf32, #tpu.memory_space<hbm>>
      %dma_wait3A_690 = tpu.memref_squeeze %dma_wait3A_689 : memref<1x8x256xf32, #tpu.memory_space<hbm>> -> memref<8x256xf32, #tpu.memory_space<hbm>>
      %dma_wait3A_691 = arith.constant 0 : i32
      %dma_wait3A_692 = arith.constant 0 : i32
      %dma_wait3A_693 = tpu.memref_slice %run_scoped3A[%dma_wait3A_674, %dma_wait3A_675, %dma_wait3A_691, %dma_wait3A_692] : memref<4x8x8x256xf32, #tpu.memory_space<vmem>> -> memref<1x1x8x256xf32, #tpu.memory_space<vmem>>
      %dma_wait3A_694 = tpu.memref_squeeze %dma_wait3A_693 : memref<1x1x8x256xf32, #tpu.memory_space<vmem>> -> memref<8x256xf32, #tpu.memory_space<vmem>>
      tpu.wait_dma2 semaphore(%dma_wait3A_686 : memref<!tpu.dma_semaphore, #tpu.memory_space<semaphore_mem>>) src(%dma_wait3A_694 : memref<8x256xf32, #tpu.memory_space<vmem>>) dst(%dma_wait3A_690 : memref<8x256xf32, #tpu.memory_space<hbm>>)
      %add3A_695 = arith.constant 5 : i32
      %add3A_696 = arith.addi %mul3A_2, %add3A_695 : i32
      %dma_wait3A_697 = arith.constant 3 : i32
      %dma_wait3A_698 = arith.constant 5 : i32
      %dma_wait3A_699 = arith.constant 3 : i32
      %dma_wait3A_700 = arith.constant 0 : i32
      %dma_wait3A_701 = arith.constant 0 : i32
      %dma_wait3A_702 = tpu.memref_slice %run_scoped3A[%dma_wait3A_697, %dma_wait3A_698, %dma_wait3A_700, %dma_wait3A_701] : memref<4x8x8x256xf32, #tpu.memory_space<vmem>> -> memref<1x1x8x256xf32, #tpu.memory_space<vmem>>
      %dma_wait3A_703 = tpu.memref_squeeze %dma_wait3A_702 : memref<1x1x8x256xf32, #tpu.memory_space<vmem>> -> memref<8x256xf32, #tpu.memory_space<vmem>>
      %dma_wait3A_704 = arith.constant 0 : i32
      %dma_wait3A_705 = arith.constant 0 : i32
      %dma_wait3A_706 = tpu.memref_slice %arg4[%add3A_696, %dma_wait3A_704, %dma_wait3A_705] : memref<256x256x256xf32, #tpu.memory_space<hbm>> -> memref<1x8x256xf32, #tpu.memory_space<hbm>>
      %dma_wait3A_707 = tpu.memref_squeeze %dma_wait3A_706 : memref<1x8x256xf32, #tpu.memory_space<hbm>> -> memref<8x256xf32, #tpu.memory_space<hbm>>
      %dma_wait3A_708 = tpu.memref_slice %arg8[%dma_wait3A_699] : memref<4x!tpu.dma_semaphore, #tpu.memory_space<semaphore_mem>> -> memref<1x!tpu.dma_semaphore, #tpu.memory_space<semaphore_mem>>
      %dma_wait3A_709 = tpu.memref_squeeze %dma_wait3A_708 : memref<1x!tpu.dma_semaphore, #tpu.memory_space<semaphore_mem>> -> memref<!tpu.dma_semaphore, #tpu.memory_space<semaphore_mem>>
      %dma_wait3A_710 = arith.constant 0 : i32
      %dma_wait3A_711 = arith.constant 0 : i32
      %dma_wait3A_712 = tpu.memref_slice %arg4[%add3A_696, %dma_wait3A_710, %dma_wait3A_711] : memref<256x256x256xf32, #tpu.memory_space<hbm>> -> memref<1x8x256xf32, #tpu.memory_space<hbm>>
      %dma_wait3A_713 = tpu.memref_squeeze %dma_wait3A_712 : memref<1x8x256xf32, #tpu.memory_space<hbm>> -> memref<8x256xf32, #tpu.memory_space<hbm>>
      %dma_wait3A_714 = arith.constant 0 : i32
      %dma_wait3A_715 = arith.constant 0 : i32
      %dma_wait3A_716 = tpu.memref_slice %run_scoped3A[%dma_wait3A_697, %dma_wait3A_698, %dma_wait3A_714, %dma_wait3A_715] : memref<4x8x8x256xf32, #tpu.memory_space<vmem>> -> memref<1x1x8x256xf32, #tpu.memory_space<vmem>>
      %dma_wait3A_717 = tpu.memref_squeeze %dma_wait3A_716 : memref<1x1x8x256xf32, #tpu.memory_space<vmem>> -> memref<8x256xf32, #tpu.memory_space<vmem>>
      tpu.wait_dma2 semaphore(%dma_wait3A_709 : memref<!tpu.dma_semaphore, #tpu.memory_space<semaphore_mem>>) src(%dma_wait3A_717 : memref<8x256xf32, #tpu.memory_space<vmem>>) dst(%dma_wait3A_713 : memref<8x256xf32, #tpu.memory_space<hbm>>)
      %add3A_718 = arith.constant 6 : i32
      %add3A_719 = arith.addi %mul3A_2, %add3A_718 : i32
      %dma_wait3A_720 = arith.constant 3 : i32
      %dma_wait3A_721 = arith.constant 6 : i32
      %dma_wait3A_722 = arith.constant 3 : i32
      %dma_wait3A_723 = arith.constant 0 : i32
      %dma_wait3A_724 = arith.constant 0 : i32
      %dma_wait3A_725 = tpu.memref_slice %run_scoped3A[%dma_wait3A_720, %dma_wait3A_721, %dma_wait3A_723, %dma_wait3A_724] : memref<4x8x8x256xf32, #tpu.memory_space<vmem>> -> memref<1x1x8x256xf32, #tpu.memory_space<vmem>>
      %dma_wait3A_726 = tpu.memref_squeeze %dma_wait3A_725 : memref<1x1x8x256xf32, #tpu.memory_space<vmem>> -> memref<8x256xf32, #tpu.memory_space<vmem>>
      %dma_wait3A_727 = arith.constant 0 : i32
      %dma_wait3A_728 = arith.constant 0 : i32
      %dma_wait3A_729 = tpu.memref_slice %arg4[%add3A_719, %dma_wait3A_727, %dma_wait3A_728] : memref<256x256x256xf32, #tpu.memory_space<hbm>> -> memref<1x8x256xf32, #tpu.memory_space<hbm>>
      %dma_wait3A_730 = tpu.memref_squeeze %dma_wait3A_729 : memref<1x8x256xf32, #tpu.memory_space<hbm>> -> memref<8x256xf32, #tpu.memory_space<hbm>>
      %dma_wait3A_731 = tpu.memref_slice %arg8[%dma_wait3A_722] : memref<4x!tpu.dma_semaphore, #tpu.memory_space<semaphore_mem>> -> memref<1x!tpu.dma_semaphore, #tpu.memory_space<semaphore_mem>>
      %dma_wait3A_732 = tpu.memref_squeeze %dma_wait3A_731 : memref<1x!tpu.dma_semaphore, #tpu.memory_space<semaphore_mem>> -> memref<!tpu.dma_semaphore, #tpu.memory_space<semaphore_mem>>
      %dma_wait3A_733 = arith.constant 0 : i32
      %dma_wait3A_734 = arith.constant 0 : i32
      %dma_wait3A_735 = tpu.memref_slice %arg4[%add3A_719, %dma_wait3A_733, %dma_wait3A_734] : memref<256x256x256xf32, #tpu.memory_space<hbm>> -> memref<1x8x256xf32, #tpu.memory_space<hbm>>
      %dma_wait3A_736 = tpu.memref_squeeze %dma_wait3A_735 : memref<1x8x256xf32, #tpu.memory_space<hbm>> -> memref<8x256xf32, #tpu.memory_space<hbm>>
      %dma_wait3A_737 = arith.constant 0 : i32
      %dma_wait3A_738 = arith.constant 0 : i32
      %dma_wait3A_739 = tpu.memref_slice %run_scoped3A[%dma_wait3A_720, %dma_wait3A_721, %dma_wait3A_737, %dma_wait3A_738] : memref<4x8x8x256xf32, #tpu.memory_space<vmem>> -> memref<1x1x8x256xf32, #tpu.memory_space<vmem>>
      %dma_wait3A_740 = tpu.memref_squeeze %dma_wait3A_739 : memref<1x1x8x256xf32, #tpu.memory_space<vmem>> -> memref<8x256xf32, #tpu.memory_space<vmem>>
      tpu.wait_dma2 semaphore(%dma_wait3A_732 : memref<!tpu.dma_semaphore, #tpu.memory_space<semaphore_mem>>) src(%dma_wait3A_740 : memref<8x256xf32, #tpu.memory_space<vmem>>) dst(%dma_wait3A_736 : memref<8x256xf32, #tpu.memory_space<hbm>>)
      %add3A_741 = arith.constant 7 : i32
      %add3A_742 = arith.addi %mul3A_2, %add3A_741 : i32
      %dma_wait3A_743 = arith.constant 3 : i32
      %dma_wait3A_744 = arith.constant 7 : i32
      %dma_wait3A_745 = arith.constant 3 : i32
      %dma_wait3A_746 = arith.constant 0 : i32
      %dma_wait3A_747 = arith.constant 0 : i32
      %dma_wait3A_748 = tpu.memref_slice %run_scoped3A[%dma_wait3A_743, %dma_wait3A_744, %dma_wait3A_746, %dma_wait3A_747] : memref<4x8x8x256xf32, #tpu.memory_space<vmem>> -> memref<1x1x8x256xf32, #tpu.memory_space<vmem>>
      %dma_wait3A_749 = tpu.memref_squeeze %dma_wait3A_748 : memref<1x1x8x256xf32, #tpu.memory_space<vmem>> -> memref<8x256xf32, #tpu.memory_space<vmem>>
      %dma_wait3A_750 = arith.constant 0 : i32
      %dma_wait3A_751 = arith.constant 0 : i32
      %dma_wait3A_752 = tpu.memref_slice %arg4[%add3A_742, %dma_wait3A_750, %dma_wait3A_751] : memref<256x256x256xf32, #tpu.memory_space<hbm>> -> memref<1x8x256xf32, #tpu.memory_space<hbm>>
      %dma_wait3A_753 = tpu.memref_squeeze %dma_wait3A_752 : memref<1x8x256xf32, #tpu.memory_space<hbm>> -> memref<8x256xf32, #tpu.memory_space<hbm>>
      %dma_wait3A_754 = tpu.memref_slice %arg8[%dma_wait3A_745] : memref<4x!tpu.dma_semaphore, #tpu.memory_space<semaphore_mem>> -> memref<1x!tpu.dma_semaphore, #tpu.memory_space<semaphore_mem>>
      %dma_wait3A_755 = tpu.memref_squeeze %dma_wait3A_754 : memref<1x!tpu.dma_semaphore, #tpu.memory_space<semaphore_mem>> -> memref<!tpu.dma_semaphore, #tpu.memory_space<semaphore_mem>>
      %dma_wait3A_756 = arith.constant 0 : i32
      %dma_wait3A_757 = arith.constant 0 : i32
      %dma_wait3A_758 = tpu.memref_slice %arg4[%add3A_742, %dma_wait3A_756, %dma_wait3A_757] : memref<256x256x256xf32, #tpu.memory_space<hbm>> -> memref<1x8x256xf32, #tpu.memory_space<hbm>>
      %dma_wait3A_759 = tpu.memref_squeeze %dma_wait3A_758 : memref<1x8x256xf32, #tpu.memory_space<hbm>> -> memref<8x256xf32, #tpu.memory_space<hbm>>
      %dma_wait3A_760 = arith.constant 0 : i32
      %dma_wait3A_761 = arith.constant 0 : i32
      %dma_wait3A_762 = tpu.memref_slice %run_scoped3A[%dma_wait3A_743, %dma_wait3A_744, %dma_wait3A_760, %dma_wait3A_761] : memref<4x8x8x256xf32, #tpu.memory_space<vmem>> -> memref<1x1x8x256xf32, #tpu.memory_space<vmem>>
      %dma_wait3A_763 = tpu.memref_squeeze %dma_wait3A_762 : memref<1x1x8x256xf32, #tpu.memory_space<vmem>> -> memref<8x256xf32, #tpu.memory_space<vmem>>
      tpu.wait_dma2 semaphore(%dma_wait3A_755 : memref<!tpu.dma_semaphore, #tpu.memory_space<semaphore_mem>>) src(%dma_wait3A_763 : memref<8x256xf32, #tpu.memory_space<vmem>>) dst(%dma_wait3A_759 : memref<8x256xf32, #tpu.memory_space<hbm>>)
      tpu.yield
    }) : () -> ()
    return
  }
}

</mosaic_0001>

<sc_bundles>
// kernel: rel_pos_bias_sc.3.cloned.1.call-start
scs
__scs_entry_jumppad:
0x0: {  	(pc) =	sbr.rel $0x88, $3  }
0x1: {  	(tag) =	ssettag $0x0;
	lr =	simm.s32 $0x1  }
0x2: {  	[smem:$0x3F9F] =	sst lr;
	_ =	strace $0xD0000000  }
0x3: {  	_ = 	snop  }
0x4: {  	_ = 	snop  }
0x5: {  	_ = 	snop  }
0x6: {  	_ = 	snop  }
0x7: {  	_ = 	snop  }
__scs_overlays_trampoline_lowered:
0x8: {  	[smem:$0x3FAE] =	sst s0  }
0x9: {  	[smem:$0x3FAF] =	sst s1  }
0xa: {  	[smem:$0x3FB0] =	sst s2  }
0xb: {  	[smem:$0x3FB1] =	sst s3  }
0xc: {  	[smem:$0x3FB2] =	sst s4  }
0xd: {  	[smem:$0x3FB3] =	sst s5  }
0xe: {  	[smem:$0x3FB4] =	sst s6  }
0xf: {  	[smem:$0x3FB5] =	sst s7  }
0x10: {  	[smem:$0x3FB6] =	sst s8  }
0x11: {  	[smem:$0x3FB7] =	sst s9;
	s0 =	simm.s32 @!p0 $0x0  }
0x12: {  	s1 =	sld [smem:$0x3F9D];
	s0 =	simm.s32 @p0 $0x1  }
0x13: {  	[smem:$0x3FB8] =	sst s0;
	s0 =	simm.s32 @!p1 $0x0  }
0x14: {  	s2 =	sld [smem:$0x3F9C];
	s0 =	simm.s32 @p1 $0x1  }
0x15: {  	[smem:$0x3FB9] =	sst s0;
	s0 =	simm.s32 @!p2 $0x0  }
0x16: {  	s3 =	sld [smem:$0x3FDB];
	s0 =	simm.s32 @p2 $0x1  }
0x17: {  	s4 =	simm.s32 $0x1BF5;
	[smem:$0x3FBB] =	sst s0  }
0x18: {  	s0 =	sld [smem:$0x3F9E];
	_ =	swait.ge [sflag:s4], $0x0  }
0x19: {  	s7 =	sld [smem:$0x3F9F]  }
0x1a: {  	s8 =	sadd.s32 $0xFFFFE003, lr  }
0x1b: {  	s9 =	sadd.s32 $0xFFFFFEF7, lr;
	s5 =	simm.s32 $0xFFFFFFFF;
	p2 =	slt.u32 s8, $0xFFFFF086  }
0x1c: {  	p1 =	slt.u32 s9, $0xF7A;
	s5 =	simm.s32 @!p2 $0x0  }
0x1d: {  	s5 =	simm.s32 @p1 $0x1;
	p0 =	seq.s32 s7, s2  }
0x1e: {  	s7 =	smul.u32 @!p0 $0xF7A, s2;
	p2 =	seq.s32 @!p0 s5, $0x0  }
0x1f: {  	s9 =	smul.u32 $0xF7A, s1;
	s8 =	simm.s32 @!p0 $0x1BF5;
	p2 =	por !p2, p0  }
0x20: {  	[sflag:s8] =	ssyncset.s32 @!p0 $0xFFFFF086;
	s6 =	sadd.s32 @!p0 s3, s7;
	s7 =	simm.s32 @!p0 $0x108  }
0x21: {  	s3 =	sadd.s32 s3, s9;
	s6 =	sadd.s32 @!p0 $0x88, s6;
	s7 =	simm.s32 @p2 $0x1082  }
0x22: {  	[simem:s7], [sflag:s8] =	dma.local @!p0 [hbm:s6], $0xF7A  }
0x23: {  	s9 =	sor.u32 $0xD0000000, s2;
	s6 =	simm.s32 $0x108;
	_ =	swait.ge @!p0 [sflag:s8], $0x0  }
0x24: {  	s3 =	sadd.s32 $0x88, s3;
	s6 =	simm.s32 @!p1 $0x1082;
	[sflag:s4] =	ssyncset.s32 $0xFFFFF086  }
0x25: {  	[simem:s6], [sflag:s4] =	dma.local [hbm:s3], $0xF7A  }
0x26: {  	[smem:$0x3F9F] =	sst s1;
	(tag) =	ssettag s2;
	_ =	strace s9  }
0x27: {  	s1 =	sld [smem:$0x3FAF]  }
0x28: {  	s2 =	sld [smem:$0x3FB0]  }
0x29: {  	s4 =	sld [smem:$0x3FB2]  }
0x2a: {  	p0 =	seq.s32 s5, $0x0;
	s5 =	sld [smem:$0x3FB3]  }
0x2b: {  	s6 =	sld [smem:$0x3FB4]  }
0x2c: {  	s7 =	sld [smem:$0x3FB5]  }
0x2d: {  	s3 =	simm.s32 $0x108;
	s8 =	sld [smem:$0x3FB6]  }
0x2e: {  	s3 =	simm.s32 @!p0 $0x1082;
	s9 =	sld [smem:$0x3FB7]  }
0x2f: {  	lr =	sadd.s32 s0, s3;
	s0 =	sld [smem:$0x3FAE]  }
0x30: {  	s3 =	sld [smem:$0x3FB1]  }
0x31: {  	[smem:$0x3FBA] =	sst s10  }
0x32: {  	s10 =	sld [smem:$0x3FB8];
	_ =	sdelay $0x3  }
0x33: {  	p0 =	seq.s32 s10, $0x1;
	s10 =	sld [smem:$0x3FBA];
	_ =	sdelay $0x3  }
0x34: {  	[smem:$0x3FBA] =	sst s10  }
0x35: {  	s10 =	sld [smem:$0x3FB9];
	_ =	sdelay $0x3  }
0x36: {  	p1 =	seq.s32 s10, $0x1;
	s10 =	sld [smem:$0x3FBA];
	_ =	sdelay $0x3  }
0x37: {  	[smem:$0x3FBA] =	sst s10  }
0x38: {  	s10 =	sld [smem:$0x3FBB]  }
0x39: {  	_ = 	snop;
	(pc) =	sbr.ind lr, $3  }
0x3a: {  	_ = 	snop  }
0x3b: {  	_ = 	snop  }
0x3c: {  	p2 =	seq.s32 s10, $0x1;
	s10 =	sld [smem:$0x3FBA]  }
0x3d: {  	_ =	shalt  }
0x3e: {  	_ =	shalt  }
0x3f: {  	_ =	shalt  }
0x40: {  	_ =	shalt  }
0x41: {  	_ =	shalt  }
0x42: {  	_ =	shalt  }
0x43: {  	_ =	shalt  }
0x44: {  	_ =	shalt  }
0x45: {  	_ =	shalt  }
0x46: {  	_ =	shalt  }
0x47: {  	_ =	shalt  }
0x48: {  	_ =	shalt  }
0x49: {  	_ =	shalt  }
0x4a: {  	_ =	shalt  }
0x4b: {  	_ =	shalt  }
0x4c: {  	_ =	shalt  }
0x4d: {  	_ =	shalt  }
0x4e: {  	_ =	shalt  }
0x4f: {  	_ =	shalt  }
0x50: {  	_ =	shalt  }
0x51: {  	_ =	shalt  }
0x52: {  	_ =	shalt  }
0x53: {  	_ =	shalt  }
0x54: {  	_ =	shalt  }
0x55: {  	_ =	shalt  }
0x56: {  	_ =	shalt  }
0x57: {  	_ =	shalt  }
0x58: {  	_ =	shalt  }
0x59: {  	_ =	shalt  }
0x5a: {  	_ =	shalt  }
0x5b: {  	_ =	shalt  }
0x5c: {  	_ =	shalt  }
0x5d: {  	_ =	shalt  }
0x5e: {  	_ =	shalt  }
0x5f: {  	_ =	shalt  }
0x60: {  	_ =	shalt  }
0x61: {  	_ =	shalt  }
0x62: {  	_ =	shalt  }
0x63: {  	_ =	shalt  }
0x64: {  	_ =	shalt  }
0x65: {  	_ =	shalt  }
0x66: {  	_ =	shalt  }
0x67: {  	_ =	shalt  }
0x68: {  	_ =	shalt  }
0x69: {  	_ =	shalt  }
0x6a: {  	_ =	shalt  }
0x6b: {  	_ =	shalt  }
0x6c: {  	_ =	shalt  }
0x6d: {  	_ =	shalt  }
0x6e: {  	_ =	shalt  }
0x6f: {  	_ =	shalt  }
0x70: {  	_ =	shalt  }
0x71: {  	_ =	shalt  }
0x72: {  	_ =	shalt  }
0x73: {  	_ =	shalt  }
0x74: {  	_ =	shalt  }
0x75: {  	_ =	shalt  }
0x76: {  	_ =	shalt  }
0x77: {  	_ =	shalt  }
0x78: {  	_ =	shalt  }
0x79: {  	_ =	shalt  }
0x7a: {  	_ =	shalt  }
0x7b: {  	_ =	shalt  }
0x7c: {  	_ =	shalt  }
0x7d: {  	_ =	shalt  }
0x7e: {  	_ =	shalt  }
0x7f: {  	_ =	shalt  }
0x80: {  	_ =	shalt  }
0x81: {  	_ =	shalt  }
0x82: {  	_ =	shalt  }
0x83: {  	_ =	shalt  }
0x84: {  	_ =	shalt  }
0x85: {  	_ =	shalt  }
0x86: {  	_ =	shalt  }
0x87: {  	_ =	shalt  }
.Lfunc_end0:
.L_simem_size_0:
called_computation_lowered:
.L_overlay_start_0:
0x88: {  	s2 =	sld [smem:$0x3FD9]  }
0x89: {  	s3 =	sld [smem:$0x3FFE];
	_ =	sdelay $0x1  }
0x8a: {  	s1 =	srdreg.scid  }
0x8b: {  	s0 =	sand.u32 $0x1, s1  }
0x8c: {  	s18 =	sshll.u32 s0, $0xA;
	s2 =	sadd.s32 s3, s2  }
0x8d: {  	s2 =	sadd.s32 s2, s18  }
0x8e: {  	[smem:$0x3FC6] =	sst s2  }
0x8f: {  	_ = 	snop  }
0x90: {  	s2 =	sld [smem:$0x3FC9]  }
0x91: {  	s19 =	sld [smem:$0x3FC8]  }
0x92: {  	s4 =	sld [smem:$0x3FD0];
	(tm) =	ssettm $0x1  }
0x93: {  	s5 =	sld [smem:$0x3FFB];
	_ =	sdelay $0x3  }
0x94: {  	_ =	strace s5  }
0x95: {  	s5 =	sld [smem:$0x3FFC];
	_ =	sdelay $0x3  }
0x96: {  	_ =	strace s5  }
0x97: {  	s5 =	sld [smem:$0x3FFD];
	_ =	sdelay $0x3  }
0x98: {  	_ =	strace s5  }
0x99: {  	_ =	strace $0x8FFFFFFF  }
0x9a: {  	s20 =	sld [smem:$0x3FDB];
	_ =	sdelay $0x1  }
0x9b: {  	s6 =	simm.s32 $_scs_section_size  }
0x9c: {  	s7 =	simm.s32 $_size__tile_overlayer_lowered;
	s8 =	simm.s32 $_tile_overlayer_lowered  }
0x9d: {  	s23 =	simm.s32 $0x1BFF;
	s22 =	sshll.u32 s8, $0x1;
	s5 =	sadd.s32 s6, s20  }
0x9e: {  	s9 =	simm.s32 $0x0;
	s21 =	sshll.u32 s7, $0x1;
	s7 =	sadd.s32 s22, s5  }
0x9f: {  	[timem:s9], [sflag:s23] =	dma.local [hbm:s7], s21  }
0xa0: {  	_ =	swait.ge [sflag:s23], s21  }
0xa1: {  	s6 =	ssub.s32 $0x0, s21;
	[sflag:s23] =	ssyncset.done $0x0  }
0xa2: {  	[sflag:s23] =	ssyncadd.s32 s6;
	_ =	sdelay $0x1  }
0xa3: {  	s24 =	simm.s32 $0x1B8B  }
0xa4: {  	_ =	swait.ge [sflag:s24], $0x1  }
0xa5: {  	[sflag:s24] =	ssyncset.done $0x0  }
0xa6: {  	s25 =	simm.s32 $0x1B8E;
	[sflag:s24] =	ssyncadd.s32 $0xFFFFFFFF  }
0xa7: {  	s26 =	simm.s32 $execute0_lowered;
	[smem:$0x3FD2] =	sst s25  }
0xa8: {  	s6 =	sshll.u32 s26, $0x1;
	_ =	strace $0x80000046;
	[dreg:$0x1] =	wrdreg $0xFFFFFFFF  }
0xa9: {  	s28 =	simm.s32 $_size_execute0_lowered;
	s5 =	sadd.s32 s5, s6;
	[dreg:$0x0] =	wrdreg $0x0  }
0xaa: {  	s6 =	sshll.u32 s28, $0x1;
	[dreg:$0x2] =	wrdreg s5  }
0xab: {  	[dreg:$0x3] =	wrdreg s6  }
0xac: {  	[dreg:$0x4] =	wrdreg $0xC0  }
0xad: {  	_ =	task [dreg:s9], $0x5FFFF  }
0xae: {  	[dreg:$0x1] =	wrdreg $0xFFFFFFFF  }
0xaf: {  	[dreg:$0x0] =	wrdreg $0x60  }
0xb0: {  	[dreg:$0x2] =	wrdreg s2  }
0xb1: {  	[dreg:$0x3] =	wrdreg s19  }
0xb2: {  	[dreg:$0x4] =	wrdreg s4  }
0xb3: {  	[dreg:$0x5] =	wrdreg $0x9  }
0xb4: {  	_ =	task.clear_ibuf [dreg:s9], $0x6FFFF;
	_ =	strace $0x90000046  }
0xb5: {  	s29 =	simm.s32 $0x9;
	_ =	strace $0x80000048  }
0xb6: {  	_ =	swait.ge [sflag:s29], $0x1  }
0xb7: {  	[sflag:s29] =	ssyncadd.s32 $0xFFFFFFFF  }
0xb8: {  	_ =	strace $0x90000048  }
0xb9: {  	_ =	sfence  }
0xba: {  	s30 =	sld [smem:$0x0];
	_ =	sdelay $0x2  }
0xbb: {  	s31 =	sshll.u32 s1, $0xD;
	s1 =	sshrl.u32 s1, $0x2  }
0xbc: {  	s3 =	sand.u32 $0x4000, s31;
	s1 =	sadd.s32 s1, s30  }
0xbd: {  	s0 =	sor.u32 s3, s0;
	s1 =	sshll.u32 s1, $0x11  }
0xbe: {  	s0 =	sor.u32 s1, s0  }
0xbf: {  	s0 =	sadd.s32 $0x8F2B, s0  }
0xc0: {  	[sflag:s0] =	ssyncadd.remote.s32 $0x1  }
0xc1: {  	_ =	sfence.sel $0xFFFF  }
0xc2: {  	[dreg:$0x0] =	wrdreg $0xFFFFFFFF;
	(pc) =	sbr.abs _section_cstart, $3  }
0xc3: {  	[dreg:$0x1] =	wrdreg $0xFFFFFFFF  }
0xc4: {  	_ =	task.clear_ibuf [dreg:s9], $0x2FFFF;
	_ =	strace $0x9FFFFFFF  }
0xc5: {  	(tm) =	ssettm $0x7FFFFFFF  }
tec
execute0_lowered:
.L_overlay_start_1:
0x0: {  	(tag) =	ssettag $0x1  }
0x1: {  	s0 =	srdreg.scid  }
0x2: {  	s2 =	stileid.u32;
	s1 =	sand.u32 $0x1, s0  }
0x3: {  	s2 =	sshll.u32 s2, $0x4;
	s0 =	sshll.u32 s1, $0x3  }
0x4: {  	s0 =	sor.u32 s0, s2  }
0x5: {  	v0 =	vmov s0  }
0x6: {  	v1 =	vand.u32 $0x78, v0;
	v0 =	vlaneseq.u32  }
0x7: {  	v27 =	vbroadcast v1, $0x0;
	v1 =	vmul.u32 $0x80, v0;
	_ =	sdelay $0x1  }
0x8: {  	v2 =	vor.u32 v1, v27;
	v4 =	vor.u32 $0x800, v1  }
0x9: {  	v7 =	vor.u32 $0x3000, v1;
	[tilespmem:$0x1F160] =	vst v2;
	v2 =	vor.u32 v4, v27  }
0xa: {  	v23 =	vor.u32 $0x3800, v1;
	v26 =	vor.u32 v7, v27;
	[tilespmem:$0x1F170] =	vst v2  }
0xb: {  	v9 =	vor.u32 $0x4800, v1;
	v28 =	vor.u32 v23, v27;
	[tilespmem:$0x1F1C0] =	vst v26  }
0xc: {  	v46 =	vor.u32 $0x5000, v1;
	v29 =	vor.u32 v9, v27;
	[tilespmem:$0x1F1D0] =	vst v28  }
0xd: {  	v11 =	vor.u32 $0x6000, v1;
	v30 =	vor.u32 v46, v27;
	[tilespmem:$0x1F1F0] =	vst v29  }
0xe: {  	v49 =	vor.u32 $0x6800, v1;
	v31 =	vor.u32 v11, v27;
	[tilespmem:$0x1F200] =	vst v30  }
0xf: {  	v13 =	vor.u32 $0x7800, v1;
	v32 =	vor.u32 v49, v27;
	[tilespmem:$0x1F220] =	vst v31  }
0x10: {  	v52 =	vor.u32 $0x8000, v1;
	v33 =	vor.u32 v13, v27;
	[tilespmem:$0x1F230] =	vst v32  }
0x11: {  	v15 =	vor.u32 $0x9000, v1;
	v34 =	vor.u32 v52, v27;
	[tilespmem:$0x1F250] =	vst v33  }
0x12: {  	v55 =	vor.u32 $0x9800, v1;
	v35 =	vor.u32 v15, v27;
	[tilespmem:$0x1F260] =	vst v34  }
0x13: {  	v17 =	vor.u32 $0xA800, v1;
	v36 =	vor.u32 v55, v27;
	[tilespmem:$0x1F280] =	vst v35  }
0x14: {  	v58 =	vor.u32 $0xB000, v1;
	v37 =	vor.u32 v17, v27;
	[tilespmem:$0x1F290] =	vst v36  }
0x15: {  	v19 =	vor.u32 $0xC000, v1;
	v38 =	vor.u32 v58, v27;
	[tilespmem:$0x1F2B0] =	vst v37  }
0x16: {  	v61 =	vor.u32 $0xC800, v1;
	v39 =	vor.u32 v19, v27;
	[tilespmem:$0x1F2C0] =	vst v38  }
0x17: {  	v21 =	vor.u32 $0xD800, v1;
	v40 =	vor.u32 v61, v27;
	[tilespmem:$0x1F2E0] =	vst v39  }
0x18: {  	s3 =	sor.u32 $0x1, s0;
	v41 =	vor.u32 v21, v27;
	v2 =	vor.u32 $0x1000, v1;
	[tilespmem:$0x1F2F0] =	vst v40  }
0x19: {  	v3 =	vor.u32 $0x1800, v1;
	[tilespmem:$0x1F310] =	vst v41;
	v26 =	vmov s3;
	v5 =	vor.u32 v2, v27  }
0x1a: {  	v24 =	vor.u32 $0xE000, v1;
	v26 =	vand.u32 $0x79, v26;
	[tilespmem:$0x1F180] =	vst v5;
	v5 =	vor.u32 v3, v27  }
0x1b: {  	v42 =	vor.u32 v24, v27;
	v28 =	vbroadcast v26, $0x0;
	[tilespmem:$0x1F190] =	vst v5;
	v5 =	vor.u32 $0x2000, v1  }
0x1c: {  	[tilespmem:$0x1F320] =	vst v42;
	v6 =	vor.u32 v5, v27  }
0x1d: {  	v44 =	vor.u32 v1, v28;
	[tilespmem:$0x1F1A0] =	vst v6  }
0x1e: {  	v45 =	vor.u32 v4, v28;
	[tilespmem:$0x1F360] =	vst v44  }
0x1f: {  	v47 =	vor.u32 v2, v28;
	[tilespmem:$0x1F370] =	vst v45  }
0x20: {  	v48 =	vor.u32 v3, v28;
	[tilespmem:$0x1F380] =	vst v47  }
0x21: {  	v50 =	vor.u32 v5, v28;
	[tilespmem:$0x1F390] =	vst v48  }
0x22: {  	v53 =	vor.u32 v7, v28;
	[tilespmem:$0x1F3A0] =	vst v50  }
0x23: {  	v54 =	vor.u32 v23, v28;
	[tilespmem:$0x1F3C0] =	vst v53  }
0x24: {  	v57 =	vor.u32 v9, v28;
	[tilespmem:$0x1F3D0] =	vst v54  }
0x25: {  	v59 =	vor.u32 v46, v28;
	[tilespmem:$0x1F3F0] =	vst v57  }
0x26: {  	v62 =	vor.u32 v11, v28;
	[tilespmem:$0x1F400] =	vst v59  }
0x27: {  	v63 =	vor.u32 v49, v28;
	[tilespmem:$0x1F420] =	vst v62  }
0x28: {  	v33 =	vor.u32 v13, v28;
	[tilespmem:$0x1F430] =	vst v63  }
0x29: {  	v34 =	vor.u32 v52, v28;
	[tilespmem:$0x1F450] =	vst v33  }
0x2a: {  	v36 =	vor.u32 v15, v28;
	[tilespmem:$0x1F460] =	vst v34  }
0x2b: {  	v37 =	vor.u32 v55, v28;
	[tilespmem:$0x1F480] =	vst v36  }
0x2c: {  	v39 =	vor.u32 v17, v28;
	[tilespmem:$0x1F490] =	vst v37  }
0x2d: {  	v40 =	vor.u32 v58, v28;
	[tilespmem:$0x1F4B0] =	vst v39  }
0x2e: {  	v42 =	vor.u32 v19, v28;
	[tilespmem:$0x1F4C0] =	vst v40  }
0x2f: {  	[tilespmem:$0x1F4E0] =	vst v42;
	v45 =	vor.u32 v21, v28  }
0x30: {  	v6 =	vor.u32 $0x2800, v1;
	v47 =	vor.u32 v24, v28;
	[tilespmem:$0x1F510] =	vst v45  }
0x31: {  	v8 =	vor.u32 v6, v27;
	[tilespmem:$0x1F520] =	vst v47  }
0x32: {  	v51 =	vor.u32 v6, v28;
	[tilespmem:$0x1F1B0] =	vst v8;
	v8 =	vor.u32 $0x4000, v1  }
0x33: {  	[tilespmem:$0x1F3B0] =	vst v51;
	v10 =	vor.u32 v8, v27  }
0x34: {  	v56 =	vor.u32 v8, v28;
	[tilespmem:$0x1F1E0] =	vst v10;
	v10 =	vor.u32 $0x5800, v1  }
0x35: {  	[tilespmem:$0x1F3E0] =	vst v56;
	v12 =	vor.u32 v10, v27  }
0x36: {  	v60 =	vor.u32 v10, v28;
	[tilespmem:$0x1F210] =	vst v12;
	v12 =	vor.u32 $0x7000, v1  }
0x37: {  	[tilespmem:$0x1F410] =	vst v60;
	v14 =	vor.u32 v12, v27  }
0x38: {  	v32 =	vor.u32 v12, v28;
	[tilespmem:$0x1F240] =	vst v14;
	v14 =	vor.u32 $0x8800, v1  }
0x39: {  	[tilespmem:$0x1F440] =	vst v32;
	v16 =	vor.u32 v14, v27  }
0x3a: {  	v35 =	vor.u32 v14, v28;
	[tilespmem:$0x1F270] =	vst v16;
	v16 =	vor.u32 $0xA000, v1  }
0x3b: {  	[tilespmem:$0x1F470] =	vst v35;
	v18 =	vor.u32 v16, v27  }
0x3c: {  	v38 =	vor.u32 v16, v28;
	[tilespmem:$0x1F2A0] =	vst v18;
	v18 =	vor.u32 $0xB800, v1  }
0x3d: {  	[tilespmem:$0x1F4A0] =	vst v38;
	v20 =	vor.u32 v18, v27  }
0x3e: {  	v41 =	vor.u32 v18, v28;
	[tilespmem:$0x1F2D0] =	vst v20;
	v20 =	vor.u32 $0xD000, v1  }
0x3f: {  	[tilespmem:$0x1F4D0] =	vst v41;
	v22 =	vor.u32 v20, v27  }
0x40: {  	v44 =	vor.u32 v20, v28;
	[tilespmem:$0x1F300] =	vst v22;
	v22 =	vor.u32 $0xE800, v1  }
0x41: {  	[tilespmem:$0x1F500] =	vst v44;
	v25 =	vor.u32 v22, v27  }
0x42: {  	v48 =	vor.u32 v22, v28;
	[tilespmem:$0x1F330] =	vst v25;
	v25 =	vor.u32 $0xF000, v1  }
0x43: {  	s8 =	sor.u32 $0x2, s0;
	v26 =	vor.u32 $0xF800, v1;
	[tilespmem:$0x1F530] =	vst v48;
	v30 =	vor.u32 v25, v27  }
0x44: {  	v29 =	vmov s8;
	v27 =	vor.u32 v26, v27;
	[tilespmem:$0x1F340] =	vst v30  }
0x45: {  	v43 =	vand.u32 $0x7A, v29;
	v50 =	vor.u32 v25, v28;
	[tilespmem:$0x1F350] =	vst v27  }
0x46: {  	v27 =	vbroadcast v43, $0x0;
	v43 =	vor.u32 v61, v28;
	[tilespmem:$0x1F540] =	vst v50  }
0x47: {  	v28 =	vor.u32 v26, v28;
	[tilespmem:$0x1F4F0] =	vst v43  }
0x48: {  	[tilespmem:$0x1F550] =	vst v28;
	v56 =	vor.u32 v1, v27  }
0x49: {  	v57 =	vor.u32 v4, v27;
	[tilespmem:$0x1F560] =	vst v56  }
0x4a: {  	v59 =	vor.u32 v2, v27;
	[tilespmem:$0x1F570] =	vst v57  }
0x4b: {  	v60 =	vor.u32 v3, v27;
	[tilespmem:$0x1F580] =	vst v59  }
0x4c: {  	v62 =	vor.u32 v5, v27;
	[tilespmem:$0x1F590] =	vst v60  }
0x4d: {  	v63 =	vor.u32 v6, v27;
	[tilespmem:$0x1F5A0] =	vst v62  }
0x4e: {  	v33 =	vor.u32 v7, v27;
	[tilespmem:$0x1F5B0] =	vst v63  }
0x4f: {  	v34 =	vor.u32 v23, v27;
	[tilespmem:$0x1F5C0] =	vst v33  }
0x50: {  	v35 =	vor.u32 v8, v27;
	[tilespmem:$0x1F5D0] =	vst v34  }
0x51: {  	v36 =	vor.u32 v9, v27;
	[tilespmem:$0x1F5E0] =	vst v35  }
0x52: {  	v37 =	vor.u32 v46, v27;
	[tilespmem:$0x1F5F0] =	vst v36  }
0x53: {  	v38 =	vor.u32 v10, v27;
	[tilespmem:$0x1F600] =	vst v37  }
0x54: {  	v39 =	vor.u32 v11, v27;
	[tilespmem:$0x1F610] =	vst v38  }
0x55: {  	v40 =	vor.u32 v49, v27;
	[tilespmem:$0x1F620] =	vst v39  }
0x56: {  	v41 =	vor.u32 v12, v27;
	[tilespmem:$0x1F630] =	vst v40  }
0x57: {  	v42 =	vor.u32 v13, v27;
	[tilespmem:$0x1F640] =	vst v41  }
0x58: {  	v43 =	vor.u32 v52, v27;
	[tilespmem:$0x1F650] =	vst v42  }
0x59: {  	v44 =	vor.u32 v14, v27;
	[tilespmem:$0x1F660] =	vst v43  }
0x5a: {  	v45 =	vor.u32 v15, v27;
	[tilespmem:$0x1F670] =	vst v44  }
0x5b: {  	v47 =	vor.u32 v55, v27;
	[tilespmem:$0x1F680] =	vst v45  }
0x5c: {  	s9 =	sor.u32 $0x3, s0;
	v48 =	vor.u32 v16, v27;
	[tilespmem:$0x1F690] =	vst v47  }
0x5d: {  	v51 =	vmov s9;
	v50 =	vor.u32 v17, v27;
	[tilespmem:$0x1F6A0] =	vst v48  }
0x5e: {  	s4 =	sor.u32 $0x4, s0;
	v53 =	vand.u32 $0x7B, v51;
	v51 =	vor.u32 v58, v27;
	[tilespmem:$0x1F6B0] =	vst v50  }
0x5f: {  	v54 =	vmov s4;
	v28 =	vbroadcast v53, $0x0;
	v53 =	vor.u32 v18, v27;
	[tilespmem:$0x1F6C0] =	vst v51  }
0x60: {  	v29 =	vand.u32 $0x7C, v54;
	v54 =	vor.u32 v19, v27;
	[tilespmem:$0x1F6D0] =	vst v53  }
0x61: {  	[tilespmem:$0x1F6E0] =	vst v54;
	v56 =	vor.u32 v61, v27  }
0x62: {  	v57 =	vor.u32 v20, v27;
	[tilespmem:$0x1F6F0] =	vst v56  }
0x63: {  	v59 =	vor.u32 v21, v27;
	[tilespmem:$0x1F700] =	vst v57  }
0x64: {  	v60 =	vor.u32 v24, v27;
	[tilespmem:$0x1F710] =	vst v59  }
0x65: {  	v62 =	vor.u32 v22, v27;
	[tilespmem:$0x1F720] =	vst v60  }
0x66: {  	v63 =	vor.u32 v25, v27;
	[tilespmem:$0x1F730] =	vst v62  }
0x67: {  	v27 =	vor.u32 v26, v27;
	[tilespmem:$0x1F740] =	vst v63  }
0x68: {  	v32 =	vor.u32 v1, v28;
	[tilespmem:$0x1F750] =	vst v27  }
0x69: {  	v33 =	vor.u32 v4, v28;
	[tilespmem:$0x1F760] =	vst v32  }
0x6a: {  	v34 =	vor.u32 v2, v28;
	[tilespmem:$0x1F770] =	vst v33  }
0x6b: {  	v35 =	vor.u32 v3, v28;
	[tilespmem:$0x1F780] =	vst v34  }
0x6c: {  	v36 =	vor.u32 v5, v28;
	[tilespmem:$0x1F790] =	vst v35  }
0x6d: {  	v37 =	vor.u32 v6, v28;
	[tilespmem:$0x1F7A0] =	vst v36  }
0x6e: {  	v38 =	vor.u32 v7, v28;
	[tilespmem:$0x1F7B0] =	vst v37  }
0x6f: {  	v39 =	vor.u32 v23, v28;
	[tilespmem:$0x1F7C0] =	vst v38  }
0x70: {  	v40 =	vor.u32 v8, v28;
	[tilespmem:$0x1F7D0] =	vst v39  }
0x71: {  	v41 =	vor.u32 v9, v28;
	[tilespmem:$0x1F7E0] =	vst v40  }
0x72: {  	v42 =	vor.u32 v46, v28;
	[tilespmem:$0x1F7F0] =	vst v41  }
0x73: {  	v43 =	vor.u32 v10, v28;
	[tilespmem:$0x1F800] =	vst v42  }
0x74: {  	v44 =	vor.u32 v11, v28;
	[tilespmem:$0x1F810] =	vst v43  }
0x75: {  	v45 =	vor.u32 v49, v28;
	[tilespmem:$0x1F820] =	vst v44  }
0x76: {  	v47 =	vor.u32 v12, v28;
	[tilespmem:$0x1F830] =	vst v45  }
0x77: {  	v48 =	vor.u32 v13, v28;
	[tilespmem:$0x1F840] =	vst v47  }
0x78: {  	v50 =	vor.u32 v52, v28;
	[tilespmem:$0x1F850] =	vst v48  }
0x79: {  	v51 =	vor.u32 v14, v28;
	[tilespmem:$0x1F860] =	vst v50  }
0x7a: {  	v53 =	vor.u32 v15, v28;
	[tilespmem:$0x1F870] =	vst v51  }
0x7b: {  	v54 =	vor.u32 v55, v28;
	[tilespmem:$0x1F880] =	vst v53  }
0x7c: {  	[tilespmem:$0x1F890] =	vst v54;
	v56 =	vor.u32 v16, v28  }
0x7d: {  	v57 =	vor.u32 v17, v28;
	[tilespmem:$0x1F8A0] =	vst v56  }
0x7e: {  	v59 =	vor.u32 v58, v28;
	[tilespmem:$0x1F8B0] =	vst v57  }
0x7f: {  	v60 =	vor.u32 v18, v28;
	[tilespmem:$0x1F8C0] =	vst v59  }
0x80: {  	v62 =	vor.u32 v19, v28;
	[tilespmem:$0x1F8D0] =	vst v60  }
0x81: {  	v63 =	vor.u32 v61, v28;
	[tilespmem:$0x1F8E0] =	vst v62  }
0x82: {  	v32 =	vor.u32 v20, v28;
	[tilespmem:$0x1F8F0] =	vst v63  }
0x83: {  	v33 =	vor.u32 v21, v28;
	[tilespmem:$0x1F900] =	vst v32  }
0x84: {  	v34 =	vor.u32 v24, v28;
	[tilespmem:$0x1F910] =	vst v33  }
0x85: {  	v35 =	vor.u32 v22, v28;
	[tilespmem:$0x1F920] =	vst v34  }
0x86: {  	v27 =	vbroadcast v29, $0x0;
	v37 =	vor.u32 v25, v28;
	[tilespmem:$0x1F930] =	vst v35  }
0x87: {  	v28 =	vor.u32 v26, v28;
	[tilespmem:$0x1F940] =	vst v37  }
0x88: {  	[tilespmem:$0x1F950] =	vst v28;
	v39 =	vor.u32 v1, v27  }
0x89: {  	v40 =	vor.u32 v4, v27;
	[tilespmem:$0x1F960] =	vst v39  }
0x8a: {  	v41 =	vor.u32 v2, v27;
	[tilespmem:$0x1F970] =	vst v40  }
0x8b: {  	v42 =	vor.u32 v3, v27;
	[tilespmem:$0x1F980] =	vst v41  }
0x8c: {  	v43 =	vor.u32 v5, v27;
	[tilespmem:$0x1F990] =	vst v42  }
0x8d: {  	v44 =	vor.u32 v6, v27;
	[tilespmem:$0x1F9A0] =	vst v43  }
0x8e: {  	v45 =	vor.u32 v7, v27;
	[tilespmem:$0x1F9B0] =	vst v44  }
0x8f: {  	v47 =	vor.u32 v23, v27;
	[tilespmem:$0x1F9C0] =	vst v45  }
0x90: {  	v48 =	vor.u32 v8, v27;
	[tilespmem:$0x1F9D0] =	vst v47  }
0x91: {  	v50 =	vor.u32 v9, v27;
	[tilespmem:$0x1F9E0] =	vst v48  }
0x92: {  	v51 =	vor.u32 v46, v27;
	[tilespmem:$0x1F9F0] =	vst v50  }
0x93: {  	v53 =	vor.u32 v10, v27;
	[tilespmem:$0x1FA00] =	vst v51  }
0x94: {  	v54 =	vor.u32 v11, v27;
	[tilespmem:$0x1FA10] =	vst v53  }
0x95: {  	v56 =	vor.u32 v49, v27;
	[tilespmem:$0x1FA20] =	vst v54  }
0x96: {  	v57 =	vor.u32 v12, v27;
	[tilespmem:$0x1FA30] =	vst v56  }
0x97: {  	v59 =	vor.u32 v13, v27;
	[tilespmem:$0x1FA40] =	vst v57  }
0x98: {  	v60 =	vor.u32 v52, v27;
	[tilespmem:$0x1FA50] =	vst v59  }
0x99: {  	v62 =	vor.u32 v14, v27;
	[tilespmem:$0x1FA60] =	vst v60  }
0x9a: {  	v63 =	vor.u32 v15, v27;
	[tilespmem:$0x1FA70] =	vst v62  }
0x9b: {  	v32 =	vor.u32 v55, v27;
	[tilespmem:$0x1FA80] =	vst v63  }
0x9c: {  	v33 =	vor.u32 v16, v27;
	[tilespmem:$0x1FA90] =	vst v32  }
0x9d: {  	s10 =	sor.u32 $0x5, s0;
	v34 =	vor.u32 v17, v27;
	[tilespmem:$0x1FAA0] =	vst v33  }
0x9e: {  	v36 =	vmov s10;
	v35 =	vor.u32 v58, v27;
	[tilespmem:$0x1FAB0] =	vst v34  }
0x9f: {  	v38 =	vand.u32 $0x7D, v36;
	v36 =	vor.u32 v18, v27;
	[tilespmem:$0x1FAC0] =	vst v35  }
0xa0: {  	v37 =	vor.u32 v19, v27;
	[tilespmem:$0x1FAD0] =	vst v36  }
0xa1: {  	v28 =	vbroadcast v38, $0x0;
	v38 =	vor.u32 v61, v27;
	[tilespmem:$0x1FAE0] =	vst v37  }
0xa2: {  	[tilespmem:$0x1FAF0] =	vst v38;
	v39 =	vor.u32 v20, v27  }
0xa3: {  	v40 =	vor.u32 v21, v27;
	[tilespmem:$0x1FB00] =	vst v39  }
0xa4: {  	v41 =	vor.u32 v24, v27;
	[tilespmem:$0x1FB10] =	vst v40  }
0xa5: {  	v42 =	vor.u32 v22, v27;
	[tilespmem:$0x1FB20] =	vst v41  }
0xa6: {  	v43 =	vor.u32 v25, v27;
	[tilespmem:$0x1FB30] =	vst v42  }
0xa7: {  	v27 =	vor.u32 v26, v27;
	[tilespmem:$0x1FB40] =	vst v43  }
0xa8: {  	[tilespmem:$0x1FB50] =	vst v27;
	v48 =	vor.u32 v1, v28  }
0xa9: {  	v50 =	vor.u32 v4, v28;
	[tilespmem:$0x1FB60] =	vst v48  }
0xaa: {  	v51 =	vor.u32 v2, v28;
	[tilespmem:$0x1FB70] =	vst v50  }
0xab: {  	v53 =	vor.u32 v3, v28;
	[tilespmem:$0x1FB80] =	vst v51  }
0xac: {  	v54 =	vor.u32 v5, v28;
	[tilespmem:$0x1FB90] =	vst v53  }
0xad: {  	v56 =	vor.u32 v6, v28;
	[tilespmem:$0x1FBA0] =	vst v54  }
0xae: {  	v57 =	vor.u32 v7, v28;
	[tilespmem:$0x1FBB0] =	vst v56  }
0xaf: {  	v59 =	vor.u32 v23, v28;
	[tilespmem:$0x1FBC0] =	vst v57  }
0xb0: {  	v60 =	vor.u32 v8, v28;
	[tilespmem:$0x1FBD0] =	vst v59  }
0xb1: {  	v62 =	vor.u32 v9, v28;
	[tilespmem:$0x1FBE0] =	vst v60  }
0xb2: {  	v63 =	vor.u32 v46, v28;
	[tilespmem:$0x1FBF0] =	vst v62  }
0xb3: {  	v33 =	vor.u32 v10, v28;
	[tilespmem:$0x1FC00] =	vst v63  }
0xb4: {  	v34 =	vor.u32 v11, v28;
	[tilespmem:$0x1FC10] =	vst v33  }
0xb5: {  	v35 =	vor.u32 v49, v28;
	[tilespmem:$0x1FC20] =	vst v34  }
0xb6: {  	v36 =	vor.u32 v12, v28;
	[tilespmem:$0x1FC30] =	vst v35  }
0xb7: {  	v37 =	vor.u32 v13, v28;
	[tilespmem:$0x1FC40] =	vst v36  }
0xb8: {  	v38 =	vor.u32 v52, v28;
	[tilespmem:$0x1FC50] =	vst v37  }
0xb9: {  	v39 =	vor.u32 v14, v28;
	[tilespmem:$0x1FC60] =	vst v38  }
0xba: {  	v40 =	vor.u32 v15, v28;
	[tilespmem:$0x1FC70] =	vst v39  }
0xbb: {  	v41 =	vor.u32 v55, v28;
	[tilespmem:$0x1FC80] =	vst v40  }
0xbc: {  	s11 =	sor.u32 $0x6, s0;
	v42 =	vor.u32 v16, v28;
	[tilespmem:$0x1FC90] =	vst v41  }
0xbd: {  	s12 =	sor.u32 $0x7, s0;
	v44 =	vmov s11;
	v43 =	vor.u32 v17, v28;
	[tilespmem:$0x1FCA0] =	vst v42  }
0xbe: {  	v47 =	vmov s12;
	v45 =	vand.u32 $0x7E, v44;
	v44 =	vor.u32 v58, v28;
	[tilespmem:$0x1FCB0] =	vst v43  }
0xbf: {  	v29 =	vand.u32 $0x7F, v47;
	v47 =	vor.u32 v19, v28;
	[tilespmem:$0x1FCC0] =	vst v44  }
0xc0: {  	v27 =	vbroadcast v45, $0x0;
	v45 =	vor.u32 v18, v28;
	[tilespmem:$0x1FCE0] =	vst v47  }
0xc1: {  	v48 =	vor.u32 v61, v28;
	[tilespmem:$0x1FCD0] =	vst v45  }
0xc2: {  	v50 =	vor.u32 v20, v28;
	[tilespmem:$0x1FCF0] =	vst v48  }
0xc3: {  	v51 =	vor.u32 v21, v28;
	[tilespmem:$0x1FD00] =	vst v50  }
0xc4: {  	v53 =	vor.u32 v24, v28;
	[tilespmem:$0x1FD10] =	vst v51  }
0xc5: {  	v54 =	vor.u32 v22, v28;
	[tilespmem:$0x1FD20] =	vst v53  }
0xc6: {  	v56 =	vor.u32 v25, v28;
	[tilespmem:$0x1FD30] =	vst v54  }
0xc7: {  	v28 =	vor.u32 v26, v28;
	[tilespmem:$0x1FD40] =	vst v56  }
0xc8: {  	[tilespmem:$0x1FD50] =	vst v28;
	v57 =	vor.u32 v1, v27  }
0xc9: {  	v59 =	vor.u32 v4, v27;
	[tilespmem:$0x1FD60] =	vst v57  }
0xca: {  	v60 =	vor.u32 v2, v27;
	[tilespmem:$0x1FD70] =	vst v59  }
0xcb: {  	v62 =	vor.u32 v3, v27;
	[tilespmem:$0x1FD80] =	vst v60  }
0xcc: {  	v63 =	vor.u32 v5, v27;
	[tilespmem:$0x1FD90] =	vst v62  }
0xcd: {  	v32 =	vor.u32 v6, v27;
	[tilespmem:$0x1FDA0] =	vst v63  }
0xce: {  	v33 =	vor.u32 v7, v27;
	[tilespmem:$0x1FDB0] =	vst v32  }
0xcf: {  	v34 =	vor.u32 v23, v27;
	[tilespmem:$0x1FDC0] =	vst v33  }
0xd0: {  	v35 =	vor.u32 v8, v27;
	[tilespmem:$0x1FDD0] =	vst v34  }
0xd1: {  	v36 =	vor.u32 v9, v27;
	[tilespmem:$0x1FDE0] =	vst v35  }
0xd2: {  	v37 =	vor.u32 v46, v27;
	[tilespmem:$0x1FDF0] =	vst v36  }
0xd3: {  	v38 =	vor.u32 v10, v27;
	[tilespmem:$0x1FE00] =	vst v37  }
0xd4: {  	v39 =	vor.u32 v11, v27;
	[tilespmem:$0x1FE10] =	vst v38  }
0xd5: {  	v40 =	vor.u32 v49, v27;
	[tilespmem:$0x1FE20] =	vst v39  }
0xd6: {  	v41 =	vor.u32 v12, v27;
	[tilespmem:$0x1FE30] =	vst v40  }
0xd7: {  	v42 =	vor.u32 v13, v27;
	[tilespmem:$0x1FE40] =	vst v41  }
0xd8: {  	v43 =	vor.u32 v52, v27;
	[tilespmem:$0x1FE50] =	vst v42  }
0xd9: {  	v44 =	vor.u32 v14, v27;
	[tilespmem:$0x1FE60] =	vst v43  }
0xda: {  	v45 =	vor.u32 v15, v27;
	[tilespmem:$0x1FE70] =	vst v44  }
0xdb: {  	v47 =	vor.u32 v55, v27;
	[tilespmem:$0x1FE80] =	vst v45  }
0xdc: {  	v48 =	vor.u32 v16, v27;
	[tilespmem:$0x1FE90] =	vst v47  }
0xdd: {  	v50 =	vor.u32 v17, v27;
	[tilespmem:$0x1FEA0] =	vst v48  }
0xde: {  	v51 =	vor.u32 v58, v27;
	[tilespmem:$0x1FEB0] =	vst v50  }
0xdf: {  	v53 =	vor.u32 v18, v27;
	[tilespmem:$0x1FEC0] =	vst v51  }
0xe0: {  	v54 =	vor.u32 v19, v27;
	[tilespmem:$0x1FED0] =	vst v53  }
0xe1: {  	v56 =	vor.u32 v61, v27;
	[tilespmem:$0x1FEE0] =	vst v54  }
0xe2: {  	[tilespmem:$0x1FEF0] =	vst v56;
	v57 =	vor.u32 v20, v27  }
0xe3: {  	v59 =	vor.u32 v21, v27;
	[tilespmem:$0x1FF00] =	vst v57  }
0xe4: {  	s6 =	rddreg [dreg:$0x0];
	v60 =	vor.u32 v24, v27;
	[tilespmem:$0x1FF10] =	vst v59  }
0xe5: {  	s13 =	rddreg [dreg:$0x1];
	s2 =	sand.u32 $0x80, s2;
	v62 =	vor.u32 v22, v27;
	[tilespmem:$0x1FF20] =	vst v60  }
0xe6: {  	s7 =	rddreg [dreg:$0x2];
	s2 =	sadd.s32 s2, s13;
	s4 =	simm.s32 $0x0;
	v63 =	vor.u32 v25, v27;
	[tilespmem:$0x1FF30] =	vst v62  }
0xe7: {  	s2 =	sadd.s32 $0x3C800, s2;
	[smem:$0x7FF] =	sst s4;
	[tilespmem:$0x1FF40] =	vst v63  }
0xe8: {  	s14 =	sadd.s32 $0x100, s6;
	_ =	strace $0x80000047;
	[dreg:$0xc] =	wrdreg s2  }
0xe9: {  	s0 =	sshll.u32 s0, $0x10;
	[dreg:$0xd] =	wrdreg s14  }
0xea: {  	s15 =	sadd.s32 $0x80, s7;
	[dreg:$0xe] =	wrdreg s0  }
0xeb: {  	s16 =	sadd.s32 $0x2000, s7;
	[dreg:$0xf] =	wrdreg s15  }
0xec: {  	s17 =	sadd.s32 $0x2080, s7;
	[dreg:$0x10] =	wrdreg s16  }
0xed: {  	s18 =	sadd.s32 $0x4000, s7;
	[dreg:$0x11] =	wrdreg s17  }
0xee: {  	s19 =	sadd.s32 $0x4080, s7;
	v28 =	vbroadcast v29, $0x0;
	[dreg:$0x12] =	wrdreg s18  }
0xef: {  	s20 =	sadd.s32 $0x6000, s7;
	v27 =	vor.u32 v26, v27;
	[dreg:$0x13] =	wrdreg s19  }
0xf0: {  	s21 =	sadd.s32 $0x6080, s7;
	v1 =	vor.u32 v1, v28;
	v46 =	vor.u32 v46, v28;
	[tilespmem:$0x1FF50] =	vst v27;
	[dreg:$0x14] =	wrdreg s20  }
0xf1: {  	s22 =	sadd.s32 $0x8000, s7;
	v47 =	vor.u32 v10, v28;
	v48 =	vor.u32 v11, v28;
	[tilespmem:$0x1FF60] =	vst v1;
	v1 =	vor.u32 v4, v28;
	[dreg:$0x15] =	wrdreg s21  }
0xf2: {  	s23 =	sadd.s32 $0x8080, s7;
	v49 =	vor.u32 v49, v28;
	v50 =	vor.u32 v12, v28;
	[dreg:$0x16] =	wrdreg s22;
	[tilespmem:$0x1FF70] =	vst v1;
	v1 =	vor.u32 v2, v28  }
0xf3: {  	s24 =	sadd.s32 $0xA000, s7;
	v51 =	vor.u32 v13, v28;
	v52 =	vor.u32 v52, v28;
	[dreg:$0x17] =	wrdreg s23;
	[tilespmem:$0x1FF80] =	vst v1;
	v1 =	vor.u32 v3, v28  }
0xf4: {  	s25 =	sadd.s32 $0xA080, s7;
	v53 =	vor.u32 v14, v28;
	v54 =	vor.u32 v15, v28;
	[dreg:$0x18] =	wrdreg s24;
	[tilespmem:$0x1FF90] =	vst v1;
	v1 =	vor.u32 v5, v28  }
0xf5: {  	s26 =	sadd.s32 $0xC000, s7;
	v55 =	vor.u32 v55, v28;
	v56 =	vor.u32 v16, v28;
	[dreg:$0x19] =	wrdreg s25;
	[tilespmem:$0x1FFA0] =	vst v1;
	v1 =	vor.u32 v6, v28  }
0xf6: {  	s28 =	sadd.s32 $0xC080, s7;
	s1 =	ssub.s32 $0x2, s1;
	v58 =	vor.u32 v58, v28;
	v61 =	vor.u32 v61, v28;
	[dreg:$0x1a] =	wrdreg s26;
	[tilespmem:$0x1FFB0] =	vst v1;
	v1 =	vor.u32 v7, v28  }
0xf7: {  	s29 =	sadd.s32 $0xE000, s7;
	s5 =	sshrl.u32 s1, $0x1;
	v57 =	vor.u32 v17, v28;
	v59 =	vor.u32 v18, v28;
	[dreg:$0x1b] =	wrdreg s28;
	[tilespmem:$0x1FFC0] =	vst v1;
	v1 =	vor.u32 v23, v28  }
0xf8: {  	s30 =	sadd.s32 $0xE080, s7;
	s1 =	ssub.s32 s1, s5;
	v60 =	vor.u32 v19, v28;
	v62 =	vor.u32 v20, v28;
	[dreg:$0x1c] =	wrdreg s29;
	[tilespmem:$0x1FFD0] =	vst v1;
	v1 =	vor.u32 v8, v28  }
0xf9: {  	s31 =	smax.u32 s1, $0x1;
	v63 =	vor.u32 v21, v28;
	[dreg:$0x1d] =	wrdreg s30;
	v4 =	vor.u32 v26, v28;
	[tilespmem:$0x1FFE0] =	vst v1;
	v1 =	vor.u32 v9, v28  }
0xfa: {  	[dreg:$0x1e] =	wrdreg s31;
	s2 =	simm.s32 $0x0;
	v2 =	vor.u32 v22, v28;
	v3 =	vor.u32 v25, v28;
	[tilespmem:$0x1FFF0] =	vst v1;
	v1 =	vor.u32 v24, v28  }
.LBB2_1:
0xfb: {  	[dreg:$0x1f] =	wrdreg s2  }
0xfc: {  	s0 =	rddreg [dreg:$0xc];
	s1 =	simm.s32 $0x400  }
0xfd: {  	s28 =	simm.s32 $0x800;
	s3 =	simm.s32 $0x2000;
	s29 =	simm.s32 $0x7  }
0xfe: {  	[tilespmem:s3], [sflag:$0x7] =	stream.strided.gather [hbm4b:s0+s1], $0x10000, s28, s1, $0x38;
	[tilespmem:$0x12000] =	vst v63  }
0xff: {  	_ =	swait.ge [sflag:s29], $0x10000  }
0x100: {  	v5 =	vld [tilespmem:$0x1F160];
	_ =	sdelay $0x5  }
0x101: {  	[sflag:s29] =	ssyncset.done $0x0  }
0x102: {  	[sflag:s29] =	ssyncadd.s32 $0xFFFF0000  }
0x103: {  	v5 =	vld.idx.msk [tilespmem:v5+s3+$0x0], $0xffff;
	_ =	sdelay $0x4  }
0x104: {  	[tilespmem:$0x0] =	vst v5;
	v5 =	vld [tilespmem:$0x1F170];
	_ =	sdelay $0x7  }
0x105: {  	v5 =	vld.idx.msk [tilespmem:v5+s3+$0x0], $0xffff;
	_ =	sdelay $0x4  }
0x106: {  	[tilespmem:$0x10] =	vst v5;
	v5 =	vld [tilespmem:$0x1F180];
	_ =	sdelay $0x7  }
0x107: {  	v5 =	vld.idx.msk [tilespmem:v5+s3+$0x0], $0xffff;
	_ =	sdelay $0x4  }
0x108: {  	[tilespmem:$0x20] =	vst v5;
	v5 =	vld [tilespmem:$0x1F190];
	_ =	sdelay $0x7  }
0x109: {  	v5 =	vld.idx.msk [tilespmem:v5+s3+$0x0], $0xffff;
	_ =	sdelay $0x4  }
0x10a: {  	[tilespmem:$0x30] =	vst v5;
	v5 =	vld [tilespmem:$0x1F1A0];
	_ =	sdelay $0x7  }
0x10b: {  	v5 =	vld.idx.msk [tilespmem:v5+s3+$0x0], $0xffff;
	_ =	sdelay $0x4  }
0x10c: {  	[tilespmem:$0x40] =	vst v5;
	v5 =	vld [tilespmem:$0x1F1B0];
	_ =	sdelay $0x7  }
0x10d: {  	v5 =	vld.idx.msk [tilespmem:v5+s3+$0x0], $0xffff;
	_ =	sdelay $0x4  }
0x10e: {  	[tilespmem:$0x50] =	vst v5;
	v5 =	vld [tilespmem:$0x1F1C0];
	_ =	sdelay $0x7  }
0x10f: {  	v5 =	vld.idx.msk [tilespmem:v5+s3+$0x0], $0xffff;
	_ =	sdelay $0x4  }
0x110: {  	[tilespmem:$0x60] =	vst v5;
	v5 =	vld [tilespmem:$0x1F1D0];
	_ =	sdelay $0x7  }
0x111: {  	v5 =	vld.idx.msk [tilespmem:v5+s3+$0x0], $0xffff;
	_ =	sdelay $0x4  }
0x112: {  	[tilespmem:$0x70] =	vst v5;
	v5 =	vld [tilespmem:$0x1F1E0];
	_ =	sdelay $0x7  }
0x113: {  	v5 =	vld.idx.msk [tilespmem:v5+s3+$0x0], $0xffff;
	_ =	sdelay $0x4  }
0x114: {  	[tilespmem:$0x400] =	vst v5;
	v5 =	vld [tilespmem:$0x1F1F0];
	_ =	sdelay $0x7  }
0x115: {  	v5 =	vld.idx.msk [tilespmem:v5+s3+$0x0], $0xffff;
	_ =	sdelay $0x4  }
0x116: {  	[tilespmem:$0x410] =	vst v5;
	v5 =	vld [tilespmem:$0x1F200];
	_ =	sdelay $0x7  }
0x117: {  	v5 =	vld.idx.msk [tilespmem:v5+s3+$0x0], $0xffff;
	_ =	sdelay $0x4  }
0x118: {  	[tilespmem:$0x420] =	vst v5;
	v5 =	vld [tilespmem:$0x1F210];
	_ =	sdelay $0x7  }
0x119: {  	v5 =	vld.idx.msk [tilespmem:v5+s3+$0x0], $0xffff;
	_ =	sdelay $0x4  }
0x11a: {  	[tilespmem:$0x430] =	vst v5;
	v5 =	vld [tilespmem:$0x1F220];
	_ =	sdelay $0x7  }
0x11b: {  	v5 =	vld.idx.msk [tilespmem:v5+s3+$0x0], $0xffff;
	_ =	sdelay $0x4  }
0x11c: {  	[tilespmem:$0x440] =	vst v5;
	v5 =	vld [tilespmem:$0x1F230];
	_ =	sdelay $0x7  }
0x11d: {  	v5 =	vld.idx.msk [tilespmem:v5+s3+$0x0], $0xffff;
	_ =	sdelay $0x4  }
0x11e: {  	[tilespmem:$0x450] =	vst v5;
	v5 =	vld [tilespmem:$0x1F240];
	_ =	sdelay $0x7  }
0x11f: {  	v5 =	vld.idx.msk [tilespmem:v5+s3+$0x0], $0xffff;
	_ =	sdelay $0x4  }
0x120: {  	[tilespmem:$0x460] =	vst v5;
	v5 =	vld [tilespmem:$0x1F250];
	_ =	sdelay $0x7  }
0x121: {  	v5 =	vld.idx.msk [tilespmem:v5+s3+$0x0], $0xffff;
	_ =	sdelay $0x4  }
0x122: {  	[tilespmem:$0x470] =	vst v5;
	v5 =	vld [tilespmem:$0x1F260];
	_ =	sdelay $0x7  }
0x123: {  	v5 =	vld.idx.msk [tilespmem:v5+s3+$0x0], $0xffff;
	_ =	sdelay $0x4  }
0x124: {  	[tilespmem:$0x800] =	vst v5;
	v5 =	vld [tilespmem:$0x1F270];
	_ =	sdelay $0x7  }
0x125: {  	v5 =	vld.idx.msk [tilespmem:v5+s3+$0x0], $0xffff;
	_ =	sdelay $0x4  }
0x126: {  	[tilespmem:$0x810] =	vst v5;
	v5 =	vld [tilespmem:$0x1F280];
	_ =	sdelay $0x7  }
0x127: {  	v5 =	vld.idx.msk [tilespmem:v5+s3+$0x0], $0xffff;
	_ =	sdelay $0x4  }
0x128: {  	[tilespmem:$0x820] =	vst v5;
	v5 =	vld [tilespmem:$0x1F290];
	_ =	sdelay $0x7  }
0x129: {  	v5 =	vld.idx.msk [tilespmem:v5+s3+$0x0], $0xffff;
	_ =	sdelay $0x4  }
0x12a: {  	[tilespmem:$0x830] =	vst v5;
	v5 =	vld [tilespmem:$0x1F2A0];
	_ =	sdelay $0x7  }
0x12b: {  	v5 =	vld.idx.msk [tilespmem:v5+s3+$0x0], $0xffff;
	_ =	sdelay $0x4  }
0x12c: {  	[tilespmem:$0x840] =	vst v5;
	v5 =	vld [tilespmem:$0x1F2B0];
	_ =	sdelay $0x7  }
0x12d: {  	v5 =	vld.idx.msk [tilespmem:v5+s3+$0x0], $0xffff;
	_ =	sdelay $0x4  }
0x12e: {  	[tilespmem:$0x850] =	vst v5;
	v5 =	vld [tilespmem:$0x1F2C0];
	_ =	sdelay $0x7  }
0x12f: {  	v5 =	vld.idx.msk [tilespmem:v5+s3+$0x0], $0xffff;
	_ =	sdelay $0x4  }
0x130: {  	[tilespmem:$0x860] =	vst v5;
	v5 =	vld [tilespmem:$0x1F2D0];
	_ =	sdelay $0x7  }
0x131: {  	v5 =	vld.idx.msk [tilespmem:v5+s3+$0x0], $0xffff;
	_ =	sdelay $0x4  }
0x132: {  	[tilespmem:$0x870] =	vst v5;
	v5 =	vld [tilespmem:$0x1F2E0];
	_ =	sdelay $0x7  }
0x133: {  	v5 =	vld.idx.msk [tilespmem:v5+s3+$0x0], $0xffff;
	_ =	sdelay $0x4  }
0x134: {  	[tilespmem:$0xC00] =	vst v5;
	v5 =	vld [tilespmem:$0x1F2F0];
	_ =	sdelay $0x7  }
0x135: {  	v5 =	vld.idx.msk [tilespmem:v5+s3+$0x0], $0xffff;
	_ =	sdelay $0x4  }
0x136: {  	[tilespmem:$0xC10] =	vst v5;
	v5 =	vld [tilespmem:$0x1F300];
	_ =	sdelay $0x7  }
0x137: {  	v5 =	vld.idx.msk [tilespmem:v5+s3+$0x0], $0xffff;
	_ =	sdelay $0x4  }
0x138: {  	[tilespmem:$0xC20] =	vst v5;
	v5 =	vld [tilespmem:$0x1F310];
	_ =	sdelay $0x7  }
0x139: {  	v5 =	vld.idx.msk [tilespmem:v5+s3+$0x0], $0xffff;
	_ =	sdelay $0x4  }
0x13a: {  	[tilespmem:$0xC30] =	vst v5;
	v5 =	vld [tilespmem:$0x1F320];
	_ =	sdelay $0x7  }
0x13b: {  	v5 =	vld.idx.msk [tilespmem:v5+s3+$0x0], $0xffff;
	_ =	sdelay $0x4  }
0x13c: {  	[tilespmem:$0xC40] =	vst v5;
	v5 =	vld [tilespmem:$0x1F330];
	_ =	sdelay $0x7  }
0x13d: {  	v5 =	vld.idx.msk [tilespmem:v5+s3+$0x0], $0xffff;
	_ =	sdelay $0x4  }
0x13e: {  	[tilespmem:$0xC50] =	vst v5;
	v5 =	vld [tilespmem:$0x1F340];
	_ =	sdelay $0x7  }
0x13f: {  	v5 =	vld.idx.msk [tilespmem:v5+s3+$0x0], $0xffff;
	_ =	sdelay $0x4  }
0x140: {  	[tilespmem:$0xC60] =	vst v5;
	v5 =	vld [tilespmem:$0x1F350];
	_ =	sdelay $0x7  }
0x141: {  	v5 =	vld.idx.msk [tilespmem:v5+s3+$0x0], $0xffff;
	_ =	sdelay $0x4  }
0x142: {  	[tilespmem:$0xC70] =	vst v5;
	v5 =	vld [tilespmem:$0x1F360];
	_ =	sdelay $0x7  }
0x143: {  	v5 =	vld.idx.msk [tilespmem:v5+s3+$0x0], $0xffff;
	_ =	sdelay $0x4  }
0x144: {  	[tilespmem:$0x80] =	vst v5;
	v5 =	vld [tilespmem:$0x1F370];
	_ =	sdelay $0x7  }
0x145: {  	v5 =	vld.idx.msk [tilespmem:v5+s3+$0x0], $0xffff;
	_ =	sdelay $0x4  }
0x146: {  	[tilespmem:$0x90] =	vst v5;
	v5 =	vld [tilespmem:$0x1F380];
	_ =	sdelay $0x7  }
0x147: {  	v5 =	vld.idx.msk [tilespmem:v5+s3+$0x0], $0xffff;
	_ =	sdelay $0x4  }
0x148: {  	[tilespmem:$0xA0] =	vst v5;
	v5 =	vld [tilespmem:$0x1F390];
	_ =	sdelay $0x7  }
0x149: {  	v5 =	vld.idx.msk [tilespmem:v5+s3+$0x0], $0xffff;
	_ =	sdelay $0x4  }
0x14a: {  	[tilespmem:$0xB0] =	vst v5;
	v5 =	vld [tilespmem:$0x1F3A0];
	_ =	sdelay $0x7  }
0x14b: {  	v5 =	vld.idx.msk [tilespmem:v5+s3+$0x0], $0xffff;
	_ =	sdelay $0x4  }
0x14c: {  	[tilespmem:$0xC0] =	vst v5;
	v5 =	vld [tilespmem:$0x1F3B0];
	_ =	sdelay $0x7  }
0x14d: {  	v5 =	vld.idx.msk [tilespmem:v5+s3+$0x0], $0xffff;
	_ =	sdelay $0x4  }
0x14e: {  	[tilespmem:$0xD0] =	vst v5;
	v5 =	vld [tilespmem:$0x1F3C0];
	_ =	sdelay $0x7  }
0x14f: {  	v5 =	vld.idx.msk [tilespmem:v5+s3+$0x0], $0xffff;
	_ =	sdelay $0x4  }
0x150: {  	[tilespmem:$0xE0] =	vst v5;
	v5 =	vld [tilespmem:$0x1F3D0];
	_ =	sdelay $0x7  }
0x151: {  	v5 =	vld.idx.msk [tilespmem:v5+s3+$0x0], $0xffff;
	_ =	sdelay $0x4  }
0x152: {  	[tilespmem:$0xF0] =	vst v5;
	v5 =	vld [tilespmem:$0x1F3E0];
	_ =	sdelay $0x7  }
0x153: {  	v5 =	vld.idx.msk [tilespmem:v5+s3+$0x0], $0xffff;
	_ =	sdelay $0x4  }
0x154: {  	[tilespmem:$0x480] =	vst v5;
	v5 =	vld [tilespmem:$0x1F3F0];
	_ =	sdelay $0x7  }
0x155: {  	v5 =	vld.idx.msk [tilespmem:v5+s3+$0x0], $0xffff;
	_ =	sdelay $0x4  }
0x156: {  	[tilespmem:$0x490] =	vst v5;
	v5 =	vld [tilespmem:$0x1F400];
	_ =	sdelay $0x7  }
0x157: {  	v5 =	vld.idx.msk [tilespmem:v5+s3+$0x0], $0xffff;
	_ =	sdelay $0x4  }
0x158: {  	[tilespmem:$0x4A0] =	vst v5;
	v5 =	vld [tilespmem:$0x1F410];
	_ =	sdelay $0x7  }
0x159: {  	v5 =	vld.idx.msk [tilespmem:v5+s3+$0x0], $0xffff;
	_ =	sdelay $0x4  }
0x15a: {  	[tilespmem:$0x4B0] =	vst v5;
	v5 =	vld [tilespmem:$0x1F420];
	_ =	sdelay $0x7  }
0x15b: {  	v5 =	vld.idx.msk [tilespmem:v5+s3+$0x0], $0xffff;
	_ =	sdelay $0x4  }
0x15c: {  	[tilespmem:$0x4C0] =	vst v5;
	v5 =	vld [tilespmem:$0x1F430];
	_ =	sdelay $0x7  }
0x15d: {  	v5 =	vld.idx.msk [tilespmem:v5+s3+$0x0], $0xffff;
	_ =	sdelay $0x4  }
0x15e: {  	[tilespmem:$0x4D0] =	vst v5;
	v5 =	vld [tilespmem:$0x1F440];
	_ =	sdelay $0x7  }
0x15f: {  	v5 =	vld.idx.msk [tilespmem:v5+s3+$0x0], $0xffff;
	_ =	sdelay $0x4  }
0x160: {  	[tilespmem:$0x4E0] =	vst v5;
	v5 =	vld [tilespmem:$0x1F450];
	_ =	sdelay $0x7  }
0x161: {  	v5 =	vld.idx.msk [tilespmem:v5+s3+$0x0], $0xffff;
	_ =	sdelay $0x4  }
0x162: {  	[tilespmem:$0x4F0] =	vst v5;
	v5 =	vld [tilespmem:$0x1F460];
	_ =	sdelay $0x7  }
0x163: {  	v5 =	vld.idx.msk [tilespmem:v5+s3+$0x0], $0xffff;
	_ =	sdelay $0x4  }
0x164: {  	[tilespmem:$0x880] =	vst v5;
	v5 =	vld [tilespmem:$0x1F470];
	_ =	sdelay $0x7  }
0x165: {  	v5 =	vld.idx.msk [tilespmem:v5+s3+$0x0], $0xffff;
	_ =	sdelay $0x4  }
0x166: {  	[tilespmem:$0x890] =	vst v5;
	v5 =	vld [tilespmem:$0x1F480];
	_ =	sdelay $0x7  }
0x167: {  	v5 =	vld.idx.msk [tilespmem:v5+s3+$0x0], $0xffff;
	_ =	sdelay $0x4  }
0x168: {  	[tilespmem:$0x8A0] =	vst v5;
	v5 =	vld [tilespmem:$0x1F490];
	_ =	sdelay $0x7  }
0x169: {  	v5 =	vld.idx.msk [tilespmem:v5+s3+$0x0], $0xffff;
	_ =	sdelay $0x4  }
0x16a: {  	[tilespmem:$0x8B0] =	vst v5;
	v5 =	vld [tilespmem:$0x1F4A0];
	_ =	sdelay $0x7  }
0x16b: {  	v5 =	vld.idx.msk [tilespmem:v5+s3+$0x0], $0xffff;
	_ =	sdelay $0x4  }
0x16c: {  	[tilespmem:$0x8C0] =	vst v5;
	v5 =	vld [tilespmem:$0x1F4B0];
	_ =	sdelay $0x7  }
0x16d: {  	v5 =	vld.idx.msk [tilespmem:v5+s3+$0x0], $0xffff;
	_ =	sdelay $0x4  }
0x16e: {  	[tilespmem:$0x8D0] =	vst v5;
	v5 =	vld [tilespmem:$0x1F4C0];
	_ =	sdelay $0x7  }
0x16f: {  	v5 =	vld.idx.msk [tilespmem:v5+s3+$0x0], $0xffff;
	_ =	sdelay $0x4  }
0x170: {  	[tilespmem:$0x8E0] =	vst v5;
	v5 =	vld [tilespmem:$0x1F4D0];
	_ =	sdelay $0x7  }
0x171: {  	v5 =	vld.idx.msk [tilespmem:v5+s3+$0x0], $0xffff;
	_ =	sdelay $0x4  }
0x172: {  	[tilespmem:$0x8F0] =	vst v5;
	v5 =	vld [tilespmem:$0x1F4E0];
	_ =	sdelay $0x7  }
0x173: {  	v5 =	vld.idx.msk [tilespmem:v5+s3+$0x0], $0xffff;
	_ =	sdelay $0x4  }
0x174: {  	[tilespmem:$0xC80] =	vst v5;
	v5 =	vld [tilespmem:$0x1F4F0];
	_ =	sdelay $0x7  }
0x175: {  	v5 =	vld.idx.msk [tilespmem:v5+s3+$0x0], $0xffff;
	_ =	sdelay $0x4  }
0x176: {  	[tilespmem:$0xC90] =	vst v5;
	v5 =	vld [tilespmem:$0x1F500];
	_ =	sdelay $0x7  }
0x177: {  	v5 =	vld.idx.msk [tilespmem:v5+s3+$0x0], $0xffff;
	_ =	sdelay $0x4  }
0x178: {  	[tilespmem:$0xCA0] =	vst v5;
	v5 =	vld [tilespmem:$0x1F510];
	_ =	sdelay $0x7  }
0x179: {  	v5 =	vld.idx.msk [tilespmem:v5+s3+$0x0], $0xffff;
	_ =	sdelay $0x4  }
0x17a: {  	[tilespmem:$0xCB0] =	vst v5;
	v5 =	vld [tilespmem:$0x1F520];
	_ =	sdelay $0x7  }
0x17b: {  	v5 =	vld.idx.msk [tilespmem:v5+s3+$0x0], $0xffff;
	_ =	sdelay $0x4  }
0x17c: {  	[tilespmem:$0xCC0] =	vst v5;
	v5 =	vld [tilespmem:$0x1F530];
	_ =	sdelay $0x7  }
0x17d: {  	v5 =	vld.idx.msk [tilespmem:v5+s3+$0x0], $0xffff;
	_ =	sdelay $0x4  }
0x17e: {  	[tilespmem:$0xCD0] =	vst v5;
	v5 =	vld [tilespmem:$0x1F540];
	_ =	sdelay $0x7  }
0x17f: {  	v5 =	vld.idx.msk [tilespmem:v5+s3+$0x0], $0xffff;
	_ =	sdelay $0x4  }
0x180: {  	[tilespmem:$0xCE0] =	vst v5;
	v5 =	vld [tilespmem:$0x1F550];
	_ =	sdelay $0x7  }
0x181: {  	v5 =	vld.idx.msk [tilespmem:v5+s3+$0x0], $0xffff;
	_ =	sdelay $0x4  }
0x182: {  	[tilespmem:$0xCF0] =	vst v5;
	v5 =	vld [tilespmem:$0x1F560];
	_ =	sdelay $0x7  }
0x183: {  	v5 =	vld.idx.msk [tilespmem:v5+s3+$0x0], $0xffff;
	_ =	sdelay $0x4  }
0x184: {  	[tilespmem:$0x100] =	vst v5;
	v5 =	vld [tilespmem:$0x1F570];
	_ =	sdelay $0x7  }
0x185: {  	v5 =	vld.idx.msk [tilespmem:v5+s3+$0x0], $0xffff;
	_ =	sdelay $0x4  }
0x186: {  	[tilespmem:$0x110] =	vst v5;
	v5 =	vld [tilespmem:$0x1F580];
	_ =	sdelay $0x7  }
0x187: {  	v5 =	vld.idx.msk [tilespmem:v5+s3+$0x0], $0xffff;
	_ =	sdelay $0x4  }
0x188: {  	[tilespmem:$0x120] =	vst v5;
	v5 =	vld [tilespmem:$0x1F590];
	_ =	sdelay $0x7  }
0x189: {  	v5 =	vld.idx.msk [tilespmem:v5+s3+$0x0], $0xffff;
	_ =	sdelay $0x4  }
0x18a: {  	[tilespmem:$0x130] =	vst v5;
	v5 =	vld [tilespmem:$0x1F5A0];
	_ =	sdelay $0x7  }
0x18b: {  	v5 =	vld.idx.msk [tilespmem:v5+s3+$0x0], $0xffff;
	_ =	sdelay $0x4  }
0x18c: {  	[tilespmem:$0x140] =	vst v5;
	v5 =	vld [tilespmem:$0x1F5B0];
	_ =	sdelay $0x7  }
0x18d: {  	v5 =	vld.idx.msk [tilespmem:v5+s3+$0x0], $0xffff;
	_ =	sdelay $0x4  }
0x18e: {  	[tilespmem:$0x150] =	vst v5;
	v5 =	vld [tilespmem:$0x1F5C0];
	_ =	sdelay $0x7  }
0x18f: {  	v5 =	vld.idx.msk [tilespmem:v5+s3+$0x0], $0xffff;
	_ =	sdelay $0x4  }
0x190: {  	[tilespmem:$0x160] =	vst v5;
	v5 =	vld [tilespmem:$0x1F5D0];
	_ =	sdelay $0x7  }
0x191: {  	v5 =	vld.idx.msk [tilespmem:v5+s3+$0x0], $0xffff;
	_ =	sdelay $0x4  }
0x192: {  	[tilespmem:$0x170] =	vst v5;
	v5 =	vld [tilespmem:$0x1F5E0];
	_ =	sdelay $0x7  }
0x193: {  	v5 =	vld.idx.msk [tilespmem:v5+s3+$0x0], $0xffff;
	_ =	sdelay $0x4  }
0x194: {  	[tilespmem:$0x500] =	vst v5;
	v5 =	vld [tilespmem:$0x1F5F0];
	_ =	sdelay $0x7  }
0x195: {  	v5 =	vld.idx.msk [tilespmem:v5+s3+$0x0], $0xffff;
	_ =	sdelay $0x4  }
0x196: {  	[tilespmem:$0x510] =	vst v5;
	v5 =	vld [tilespmem:$0x1F600];
	_ =	sdelay $0x7  }
0x197: {  	v5 =	vld.idx.msk [tilespmem:v5+s3+$0x0], $0xffff;
	_ =	sdelay $0x4  }
0x198: {  	[tilespmem:$0x520] =	vst v5;
	v5 =	vld [tilespmem:$0x1F610];
	_ =	sdelay $0x7  }
0x199: {  	v5 =	vld.idx.msk [tilespmem:v5+s3+$0x0], $0xffff;
	_ =	sdelay $0x4  }
0x19a: {  	[tilespmem:$0x530] =	vst v5;
	v5 =	vld [tilespmem:$0x1F620];
	_ =	sdelay $0x7  }
0x19b: {  	v5 =	vld.idx.msk [tilespmem:v5+s3+$0x0], $0xffff;
	_ =	sdelay $0x4  }
0x19c: {  	[tilespmem:$0x540] =	vst v5;
	v5 =	vld [tilespmem:$0x1F630];
	_ =	sdelay $0x7  }
0x19d: {  	v5 =	vld.idx.msk [tilespmem:v5+s3+$0x0], $0xffff;
	_ =	sdelay $0x4  }
0x19e: {  	[tilespmem:$0x550] =	vst v5;
	v5 =	vld [tilespmem:$0x1F640];
	_ =	sdelay $0x7  }
0x19f: {  	v5 =	vld.idx.msk [tilespmem:v5+s3+$0x0], $0xffff;
	_ =	sdelay $0x4  }
0x1a0: {  	[tilespmem:$0x560] =	vst v5;
	v5 =	vld [tilespmem:$0x1F650];
	_ =	sdelay $0x7  }
0x1a1: {  	v5 =	vld.idx.msk [tilespmem:v5+s3+$0x0], $0xffff;
	_ =	sdelay $0x4  }
0x1a2: {  	[tilespmem:$0x570] =	vst v5;
	v5 =	vld [tilespmem:$0x1F660];
	_ =	sdelay $0x7  }
0x1a3: {  	v5 =	vld.idx.msk [tilespmem:v5+s3+$0x0], $0xffff;
	_ =	sdelay $0x4  }
0x1a4: {  	[tilespmem:$0x900] =	vst v5;
	v5 =	vld [tilespmem:$0x1F670];
	_ =	sdelay $0x7  }
0x1a5: {  	v5 =	vld.idx.msk [tilespmem:v5+s3+$0x0], $0xffff;
	_ =	sdelay $0x4  }
0x1a6: {  	[tilespmem:$0x910] =	vst v5;
	v5 =	vld [tilespmem:$0x1F680];
	_ =	sdelay $0x7  }
0x1a7: {  	v5 =	vld.idx.msk [tilespmem:v5+s3+$0x0], $0xffff;
	_ =	sdelay $0x4  }
0x1a8: {  	[tilespmem:$0x920] =	vst v5  }
0x1a9: {  	v5 =	vld [tilespmem:$0x1F690];
	_ =	sdelay $0x7  }
0x1aa: {  	v5 =	vld.idx.msk [tilespmem:v5+s3+$0x0], $0xffff;
	_ =	sdelay $0x4  }
0x1ab: {  	[tilespmem:$0x930] =	vst v5;
	v5 =	vld [tilespmem:$0x1F6A0];
	_ =	sdelay $0x7  }
0x1ac: {  	v5 =	vld.idx.msk [tilespmem:v5+s3+$0x0], $0xffff;
	_ =	sdelay $0x4  }
0x1ad: {  	[tilespmem:$0x940] =	vst v5;
	v5 =	vld [tilespmem:$0x1F6B0];
	_ =	sdelay $0x7  }
0x1ae: {  	v5 =	vld.idx.msk [tilespmem:v5+s3+$0x0], $0xffff;
	_ =	sdelay $0x4  }
0x1af: {  	[tilespmem:$0x950] =	vst v5;
	v5 =	vld [tilespmem:$0x1F6C0];
	_ =	sdelay $0x7  }
0x1b0: {  	v5 =	vld.idx.msk [tilespmem:v5+s3+$0x0], $0xffff;
	_ =	sdelay $0x4  }
0x1b1: {  	[tilespmem:$0x960] =	vst v5;
	v5 =	vld [tilespmem:$0x1F6D0];
	_ =	sdelay $0x7  }
0x1b2: {  	v5 =	vld.idx.msk [tilespmem:v5+s3+$0x0], $0xffff;
	_ =	sdelay $0x4  }
0x1b3: {  	[tilespmem:$0x970] =	vst v5;
	v5 =	vld [tilespmem:$0x1F6E0];
	_ =	sdelay $0x7  }
0x1b4: {  	v5 =	vld.idx.msk [tilespmem:v5+s3+$0x0], $0xffff;
	_ =	sdelay $0x4  }
0x1b5: {  	[tilespmem:$0xD00] =	vst v5;
	v5 =	vld [tilespmem:$0x1F6F0];
	_ =	sdelay $0x7  }
0x1b6: {  	v5 =	vld.idx.msk [tilespmem:v5+s3+$0x0], $0xffff;
	_ =	sdelay $0x4  }
0x1b7: {  	[tilespmem:$0xD10] =	vst v5;
	v5 =	vld [tilespmem:$0x1F700];
	_ =	sdelay $0x7  }
0x1b8: {  	v5 =	vld.idx.msk [tilespmem:v5+s3+$0x0], $0xffff;
	_ =	sdelay $0x4  }
0x1b9: {  	[tilespmem:$0xD20] =	vst v5;
	v5 =	vld [tilespmem:$0x1F710];
	_ =	sdelay $0x7  }
0x1ba: {  	v5 =	vld.idx.msk [tilespmem:v5+s3+$0x0], $0xffff;
	_ =	sdelay $0x4  }
0x1bb: {  	[tilespmem:$0xD30] =	vst v5;
	v5 =	vld [tilespmem:$0x1F720];
	_ =	sdelay $0x7  }
0x1bc: {  	v5 =	vld.idx.msk [tilespmem:v5+s3+$0x0], $0xffff;
	_ =	sdelay $0x4  }
0x1bd: {  	[tilespmem:$0xD40] =	vst v5;
	v5 =	vld [tilespmem:$0x1F730];
	_ =	sdelay $0x7  }
0x1be: {  	v5 =	vld.idx.msk [tilespmem:v5+s3+$0x0], $0xffff;
	_ =	sdelay $0x4  }
0x1bf: {  	[tilespmem:$0xD50] =	vst v5;
	v5 =	vld [tilespmem:$0x1F740];
	_ =	sdelay $0x7  }
0x1c0: {  	v5 =	vld.idx.msk [tilespmem:v5+s3+$0x0], $0xffff;
	_ =	sdelay $0x4  }
0x1c1: {  	[tilespmem:$0xD60] =	vst v5;
	v5 =	vld [tilespmem:$0x1F750];
	_ =	sdelay $0x7  }
0x1c2: {  	v5 =	vld.idx.msk [tilespmem:v5+s3+$0x0], $0xffff;
	_ =	sdelay $0x4  }
0x1c3: {  	[tilespmem:$0xD70] =	vst v5;
	v5 =	vld [tilespmem:$0x1F760];
	_ =	sdelay $0x7  }
0x1c4: {  	v5 =	vld.idx.msk [tilespmem:v5+s3+$0x0], $0xffff;
	_ =	sdelay $0x4  }
0x1c5: {  	[tilespmem:$0x180] =	vst v5;
	v5 =	vld [tilespmem:$0x1F770];
	_ =	sdelay $0x7  }
0x1c6: {  	v5 =	vld.idx.msk [tilespmem:v5+s3+$0x0], $0xffff;
	_ =	sdelay $0x4  }
0x1c7: {  	[tilespmem:$0x190] =	vst v5;
	v5 =	vld [tilespmem:$0x1F780];
	_ =	sdelay $0x7  }
0x1c8: {  	v5 =	vld.idx.msk [tilespmem:v5+s3+$0x0], $0xffff;
	_ =	sdelay $0x4  }
0x1c9: {  	[tilespmem:$0x1A0] =	vst v5;
	v5 =	vld [tilespmem:$0x1F790];
	_ =	sdelay $0x7  }
0x1ca: {  	v5 =	vld.idx.msk [tilespmem:v5+s3+$0x0], $0xffff;
	_ =	sdelay $0x4  }
0x1cb: {  	[tilespmem:$0x1B0] =	vst v5;
	v5 =	vld [tilespmem:$0x1F7A0];
	_ =	sdelay $0x7  }
0x1cc: {  	v5 =	vld.idx.msk [tilespmem:v5+s3+$0x0], $0xffff;
	_ =	sdelay $0x4  }
0x1cd: {  	[tilespmem:$0x1C0] =	vst v5;
	v5 =	vld [tilespmem:$0x1F7B0];
	_ =	sdelay $0x7  }
0x1ce: {  	v5 =	vld.idx.msk [tilespmem:v5+s3+$0x0], $0xffff;
	_ =	sdelay $0x4  }
0x1cf: {  	[tilespmem:$0x1D0] =	vst v5;
	v5 =	vld [tilespmem:$0x1F7C0];
	_ =	sdelay $0x7  }
0x1d0: {  	v5 =	vld.idx.msk [tilespmem:v5+s3+$0x0], $0xffff;
	_ =	sdelay $0x4  }
0x1d1: {  	[tilespmem:$0x1E0] =	vst v5;
	v5 =	vld [tilespmem:$0x1F7D0];
	_ =	sdelay $0x7  }
0x1d2: {  	v5 =	vld.idx.msk [tilespmem:v5+s3+$0x0], $0xffff;
	_ =	sdelay $0x4  }
0x1d3: {  	[tilespmem:$0x1F0] =	vst v5;
	v5 =	vld [tilespmem:$0x1F7E0];
	_ =	sdelay $0x7  }
0x1d4: {  	v5 =	vld.idx.msk [tilespmem:v5+s3+$0x0], $0xffff;
	_ =	sdelay $0x4  }
0x1d5: {  	[tilespmem:$0x580] =	vst v5;
	v5 =	vld [tilespmem:$0x1F7F0];
	_ =	sdelay $0x7  }
0x1d6: {  	v5 =	vld.idx.msk [tilespmem:v5+s3+$0x0], $0xffff;
	_ =	sdelay $0x4  }
0x1d7: {  	[tilespmem:$0x590] =	vst v5;
	v5 =	vld [tilespmem:$0x1F800];
	_ =	sdelay $0x7  }
0x1d8: {  	v5 =	vld.idx.msk [tilespmem:v5+s3+$0x0], $0xffff;
	_ =	sdelay $0x4  }
0x1d9: {  	[tilespmem:$0x5A0] =	vst v5;
	v5 =	vld [tilespmem:$0x1F810];
	_ =	sdelay $0x7  }
0x1da: {  	v5 =	vld.idx.msk [tilespmem:v5+s3+$0x0], $0xffff;
	_ =	sdelay $0x4  }
0x1db: {  	[tilespmem:$0x5B0] =	vst v5;
	v5 =	vld [tilespmem:$0x1F820];
	_ =	sdelay $0x7  }
0x1dc: {  	v5 =	vld.idx.msk [tilespmem:v5+s3+$0x0], $0xffff;
	_ =	sdelay $0x4  }
0x1dd: {  	[tilespmem:$0x5C0] =	vst v5;
	v5 =	vld [tilespmem:$0x1F830];
	_ =	sdelay $0x7  }
0x1de: {  	v5 =	vld.idx.msk [tilespmem:v5+s3+$0x0], $0xffff;
	_ =	sdelay $0x4  }
0x1df: {  	[tilespmem:$0x5D0] =	vst v5;
	v5 =	vld [tilespmem:$0x1F840];
	_ =	sdelay $0x7  }
0x1e0: {  	v5 =	vld.idx.msk [tilespmem:v5+s3+$0x0], $0xffff;
	_ =	sdelay $0x4  }
0x1e1: {  	[tilespmem:$0x5E0] =	vst v5;
	v5 =	vld [tilespmem:$0x1F850];
	_ =	sdelay $0x7  }
0x1e2: {  	v5 =	vld.idx.msk [tilespmem:v5+s3+$0x0], $0xffff;
	_ =	sdelay $0x4  }
0x1e3: {  	[tilespmem:$0x5F0] =	vst v5;
	v5 =	vld [tilespmem:$0x1F860];
	_ =	sdelay $0x7  }
0x1e4: {  	v5 =	vld.idx.msk [tilespmem:v5+s3+$0x0], $0xffff;
	_ =	sdelay $0x4  }
0x1e5: {  	[tilespmem:$0x980] =	vst v5;
	v5 =	vld [tilespmem:$0x1F870];
	_ =	sdelay $0x7  }
0x1e6: {  	v5 =	vld.idx.msk [tilespmem:v5+s3+$0x0], $0xffff;
	_ =	sdelay $0x4  }
0x1e7: {  	[tilespmem:$0x990] =	vst v5;
	v5 =	vld [tilespmem:$0x1F880];
	_ =	sdelay $0x7  }
0x1e8: {  	v5 =	vld.idx.msk [tilespmem:v5+s3+$0x0], $0xffff;
	_ =	sdelay $0x4  }
0x1e9: {  	[tilespmem:$0x9A0] =	vst v5;
	v5 =	vld [tilespmem:$0x1F890];
	_ =	sdelay $0x7  }
0x1ea: {  	v5 =	vld.idx.msk [tilespmem:v5+s3+$0x0], $0xffff;
	_ =	sdelay $0x4  }
0x1eb: {  	[tilespmem:$0x9B0] =	vst v5;
	v5 =	vld [tilespmem:$0x1F8A0];
	_ =	sdelay $0x7  }
0x1ec: {  	v5 =	vld.idx.msk [tilespmem:v5+s3+$0x0], $0xffff;
	_ =	sdelay $0x4  }
0x1ed: {  	[tilespmem:$0x9C0] =	vst v5;
	v5 =	vld [tilespmem:$0x1F8B0];
	_ =	sdelay $0x7  }
0x1ee: {  	v5 =	vld.idx.msk [tilespmem:v5+s3+$0x0], $0xffff;
	_ =	sdelay $0x4  }
0x1ef: {  	[tilespmem:$0x9D0] =	vst v5;
	v5 =	vld [tilespmem:$0x1F8C0];
	_ =	sdelay $0x7  }
0x1f0: {  	v5 =	vld.idx.msk [tilespmem:v5+s3+$0x0], $0xffff;
	_ =	sdelay $0x4  }
0x1f1: {  	[tilespmem:$0x9E0] =	vst v5;
	v5 =	vld [tilespmem:$0x1F8D0];
	_ =	sdelay $0x7  }
0x1f2: {  	v5 =	vld.idx.msk [tilespmem:v5+s3+$0x0], $0xffff;
	_ =	sdelay $0x4  }
0x1f3: {  	[tilespmem:$0x9F0] =	vst v5;
	v5 =	vld [tilespmem:$0x1F8E0];
	_ =	sdelay $0x7  }
0x1f4: {  	v5 =	vld.idx.msk [tilespmem:v5+s3+$0x0], $0xffff;
	_ =	sdelay $0x4  }
0x1f5: {  	[tilespmem:$0xD80] =	vst v5;
	v5 =	vld [tilespmem:$0x1F8F0];
	_ =	sdelay $0x7  }
0x1f6: {  	v5 =	vld.idx.msk [tilespmem:v5+s3+$0x0], $0xffff;
	_ =	sdelay $0x4  }
0x1f7: {  	[tilespmem:$0xD90] =	vst v5;
	v5 =	vld [tilespmem:$0x1F900];
	_ =	sdelay $0x7  }
0x1f8: {  	v5 =	vld.idx.msk [tilespmem:v5+s3+$0x0], $0xffff;
	_ =	sdelay $0x4  }
0x1f9: {  	[tilespmem:$0xDA0] =	vst v5;
	v5 =	vld [tilespmem:$0x1F910];
	_ =	sdelay $0x7  }
0x1fa: {  	v5 =	vld.idx.msk [tilespmem:v5+s3+$0x0], $0xffff;
	_ =	sdelay $0x4  }
0x1fb: {  	[tilespmem:$0xDB0] =	vst v5;
	v5 =	vld [tilespmem:$0x1F920];
	_ =	sdelay $0x7  }
0x1fc: {  	v5 =	vld.idx.msk [tilespmem:v5+s3+$0x0], $0xffff;
	_ =	sdelay $0x4  }
0x1fd: {  	[tilespmem:$0xDC0] =	vst v5;
	v5 =	vld [tilespmem:$0x1F930];
	_ =	sdelay $0x7  }
0x1fe: {  	v5 =	vld.idx.msk [tilespmem:v5+s3+$0x0], $0xffff;
	_ =	sdelay $0x4  }
0x1ff: {  	[tilespmem:$0xDD0] =	vst v5;
	v5 =	vld [tilespmem:$0x1F940];
	_ =	sdelay $0x7  }
0x200: {  	v5 =	vld.idx.msk [tilespmem:v5+s3+$0x0], $0xffff;
	_ =	sdelay $0x4  }
0x201: {  	[tilespmem:$0xDE0] =	vst v5;
	v5 =	vld [tilespmem:$0x1F950];
	_ =	sdelay $0x7  }
0x202: {  	v5 =	vld.idx.msk [tilespmem:v5+s3+$0x0], $0xffff;
	_ =	sdelay $0x4  }
0x203: {  	[tilespmem:$0xDF0] =	vst v5;
	v5 =	vld [tilespmem:$0x1F960];
	_ =	sdelay $0x7  }
0x204: {  	v5 =	vld.idx.msk [tilespmem:v5+s3+$0x0], $0xffff;
	_ =	sdelay $0x4  }
0x205: {  	[tilespmem:$0x200] =	vst v5;
	v5 =	vld [tilespmem:$0x1F970];
	_ =	sdelay $0x7  }
0x206: {  	v5 =	vld.idx.msk [tilespmem:v5+s3+$0x0], $0xffff;
	_ =	sdelay $0x4  }
0x207: {  	[tilespmem:$0x210] =	vst v5;
	v5 =	vld [tilespmem:$0x1F980];
	_ =	sdelay $0x7  }
0x208: {  	v5 =	vld.idx.msk [tilespmem:v5+s3+$0x0], $0xffff;
	_ =	sdelay $0x4  }
0x209: {  	[tilespmem:$0x220] =	vst v5;
	v5 =	vld [tilespmem:$0x1F990];
	_ =	sdelay $0x7  }
0x20a: {  	v5 =	vld.idx.msk [tilespmem:v5+s3+$0x0], $0xffff;
	_ =	sdelay $0x4  }
0x20b: {  	[tilespmem:$0x230] =	vst v5;
	v5 =	vld [tilespmem:$0x1F9A0];
	_ =	sdelay $0x7  }
0x20c: {  	v5 =	vld.idx.msk [tilespmem:v5+s3+$0x0], $0xffff;
	_ =	sdelay $0x4  }
0x20d: {  	[tilespmem:$0x240] =	vst v5;
	v5 =	vld [tilespmem:$0x1F9B0];
	_ =	sdelay $0x7  }
0x20e: {  	v5 =	vld.idx.msk [tilespmem:v5+s3+$0x0], $0xffff;
	_ =	sdelay $0x4  }
0x20f: {  	[tilespmem:$0x250] =	vst v5;
	v5 =	vld [tilespmem:$0x1F9C0];
	_ =	sdelay $0x7  }
0x210: {  	v5 =	vld.idx.msk [tilespmem:v5+s3+$0x0], $0xffff;
	_ =	sdelay $0x4  }
0x211: {  	[tilespmem:$0x260] =	vst v5;
	v5 =	vld [tilespmem:$0x1F9D0];
	_ =	sdelay $0x7  }
0x212: {  	v5 =	vld.idx.msk [tilespmem:v5+s3+$0x0], $0xffff;
	_ =	sdelay $0x4  }
0x213: {  	[tilespmem:$0x270] =	vst v5;
	v5 =	vld [tilespmem:$0x1F9E0];
	_ =	sdelay $0x7  }
0x214: {  	v5 =	vld.idx.msk [tilespmem:v5+s3+$0x0], $0xffff;
	_ =	sdelay $0x4  }
0x215: {  	[tilespmem:$0x600] =	vst v5;
	v5 =	vld [tilespmem:$0x1F9F0];
	_ =	sdelay $0x7  }
0x216: {  	v5 =	vld.idx.msk [tilespmem:v5+s3+$0x0], $0xffff;
	_ =	sdelay $0x4  }
0x217: {  	[tilespmem:$0x610] =	vst v5;
	v5 =	vld [tilespmem:$0x1FA00];
	_ =	sdelay $0x7  }
0x218: {  	v5 =	vld.idx.msk [tilespmem:v5+s3+$0x0], $0xffff;
	_ =	sdelay $0x4  }
0x219: {  	[tilespmem:$0x620] =	vst v5;
	v5 =	vld [tilespmem:$0x1FA10];
	_ =	sdelay $0x7  }
0x21a: {  	v5 =	vld.idx.msk [tilespmem:v5+s3+$0x0], $0xffff;
	_ =	sdelay $0x4  }
0x21b: {  	[tilespmem:$0x630] =	vst v5;
	v5 =	vld [tilespmem:$0x1FA20];
	_ =	sdelay $0x7  }
0x21c: {  	v5 =	vld.idx.msk [tilespmem:v5+s3+$0x0], $0xffff;
	_ =	sdelay $0x4  }
0x21d: {  	[tilespmem:$0x640] =	vst v5;
	v5 =	vld [tilespmem:$0x1FA30];
	_ =	sdelay $0x7  }
0x21e: {  	v5 =	vld.idx.msk [tilespmem:v5+s3+$0x0], $0xffff;
	_ =	sdelay $0x4  }
0x21f: {  	[tilespmem:$0x650] =	vst v5;
	v5 =	vld [tilespmem:$0x1FA40];
	_ =	sdelay $0x7  }
0x220: {  	v5 =	vld.idx.msk [tilespmem:v5+s3+$0x0], $0xffff;
	_ =	sdelay $0x4  }
0x221: {  	[tilespmem:$0x660] =	vst v5;
	v5 =	vld [tilespmem:$0x1FA50];
	_ =	sdelay $0x7  }
0x222: {  	v5 =	vld.idx.msk [tilespmem:v5+s3+$0x0], $0xffff;
	_ =	sdelay $0x4  }
0x223: {  	[tilespmem:$0x670] =	vst v5;
	v5 =	vld [tilespmem:$0x1FA60];
	_ =	sdelay $0x7  }
0x224: {  	v5 =	vld.idx.msk [tilespmem:v5+s3+$0x0], $0xffff;
	_ =	sdelay $0x4  }
0x225: {  	[tilespmem:$0xA00] =	vst v5;
	v5 =	vld [tilespmem:$0x1FA70];
	_ =	sdelay $0x7  }
0x226: {  	v5 =	vld.idx.msk [tilespmem:v5+s3+$0x0], $0xffff;
	_ =	sdelay $0x4  }
0x227: {  	[tilespmem:$0xA10] =	vst v5;
	v5 =	vld [tilespmem:$0x1FA80];
	_ =	sdelay $0x7  }
0x228: {  	v5 =	vld.idx.msk [tilespmem:v5+s3+$0x0], $0xffff;
	_ =	sdelay $0x4  }
0x229: {  	[tilespmem:$0xA20] =	vst v5;
	v5 =	vld [tilespmem:$0x1FA90];
	_ =	sdelay $0x7  }
0x22a: {  	v5 =	vld.idx.msk [tilespmem:v5+s3+$0x0], $0xffff;
	_ =	sdelay $0x4  }
0x22b: {  	[tilespmem:$0xA30] =	vst v5;
	v5 =	vld [tilespmem:$0x1FAA0];
	_ =	sdelay $0x7  }
0x22c: {  	v5 =	vld.idx.msk [tilespmem:v5+s3+$0x0], $0xffff;
	_ =	sdelay $0x4  }
0x22d: {  	[tilespmem:$0xA40] =	vst v5;
	v5 =	vld [tilespmem:$0x1FAB0];
	_ =	sdelay $0x7  }
0x22e: {  	v5 =	vld.idx.msk [tilespmem:v5+s3+$0x0], $0xffff;
	_ =	sdelay $0x4  }
0x22f: {  	[tilespmem:$0xA50] =	vst v5;
	v5 =	vld [tilespmem:$0x1FAC0];
	_ =	sdelay $0x7  }
0x230: {  	v5 =	vld.idx.msk [tilespmem:v5+s3+$0x0], $0xffff;
	_ =	sdelay $0x4  }
0x231: {  	[tilespmem:$0xA60] =	vst v5;
	v5 =	vld [tilespmem:$0x1FAD0];
	_ =	sdelay $0x7  }
0x232: {  	v5 =	vld.idx.msk [tilespmem:v5+s3+$0x0], $0xffff;
	_ =	sdelay $0x4  }
0x233: {  	[tilespmem:$0xA70] =	vst v5;
	v5 =	vld [tilespmem:$0x1FAE0];
	_ =	sdelay $0x7  }
0x234: {  	v5 =	vld.idx.msk [tilespmem:v5+s3+$0x0], $0xffff;
	_ =	sdelay $0x4  }
0x235: {  	[tilespmem:$0xE00] =	vst v5;
	v5 =	vld [tilespmem:$0x1FAF0];
	_ =	sdelay $0x7  }
0x236: {  	v5 =	vld.idx.msk [tilespmem:v5+s3+$0x0], $0xffff;
	_ =	sdelay $0x4  }
0x237: {  	[tilespmem:$0xE10] =	vst v5;
	v5 =	vld [tilespmem:$0x1FB00];
	_ =	sdelay $0x7  }
0x238: {  	v5 =	vld.idx.msk [tilespmem:v5+s3+$0x0], $0xffff;
	_ =	sdelay $0x4  }
0x239: {  	[tilespmem:$0xE20] =	vst v5;
	v5 =	vld [tilespmem:$0x1FB10];
	_ =	sdelay $0x7  }
0x23a: {  	v5 =	vld.idx.msk [tilespmem:v5+s3+$0x0], $0xffff;
	_ =	sdelay $0x4  }
0x23b: {  	[tilespmem:$0xE30] =	vst v5;
	v5 =	vld [tilespmem:$0x1FB20];
	_ =	sdelay $0x7  }
0x23c: {  	v5 =	vld.idx.msk [tilespmem:v5+s3+$0x0], $0xffff;
	_ =	sdelay $0x4  }
0x23d: {  	[tilespmem:$0xE40] =	vst v5;
	v5 =	vld [tilespmem:$0x1FB30];
	_ =	sdelay $0x7  }
0x23e: {  	v5 =	vld.idx.msk [tilespmem:v5+s3+$0x0], $0xffff;
	_ =	sdelay $0x4  }
0x23f: {  	[tilespmem:$0xE50] =	vst v5;
	v5 =	vld [tilespmem:$0x1FB40];
	_ =	sdelay $0x7  }
0x240: {  	v5 =	vld.idx.msk [tilespmem:v5+s3+$0x0], $0xffff;
	_ =	sdelay $0x4  }
0x241: {  	[tilespmem:$0xE60] =	vst v5;
	v5 =	vld [tilespmem:$0x1FB50];
	_ =	sdelay $0x7  }
0x242: {  	v5 =	vld.idx.msk [tilespmem:v5+s3+$0x0], $0xffff;
	_ =	sdelay $0x4  }
0x243: {  	[tilespmem:$0xE70] =	vst v5;
	v5 =	vld [tilespmem:$0x1FB60];
	_ =	sdelay $0x7  }
0x244: {  	v5 =	vld.idx.msk [tilespmem:v5+s3+$0x0], $0xffff;
	_ =	sdelay $0x4  }
0x245: {  	[tilespmem:$0x280] =	vst v5;
	v5 =	vld [tilespmem:$0x1FB70];
	_ =	sdelay $0x7  }
0x246: {  	v5 =	vld.idx.msk [tilespmem:v5+s3+$0x0], $0xffff;
	_ =	sdelay $0x4  }
0x247: {  	[tilespmem:$0x290] =	vst v5;
	v5 =	vld [tilespmem:$0x1FB80];
	_ =	sdelay $0x7  }
0x248: {  	v5 =	vld.idx.msk [tilespmem:v5+s3+$0x0], $0xffff;
	_ =	sdelay $0x4  }
0x249: {  	[tilespmem:$0x2A0] =	vst v5;
	v5 =	vld [tilespmem:$0x1FB90];
	_ =	sdelay $0x7  }
0x24a: {  	v5 =	vld.idx.msk [tilespmem:v5+s3+$0x0], $0xffff;
	_ =	sdelay $0x4  }
0x24b: {  	[tilespmem:$0x2B0] =	vst v5;
	v5 =	vld [tilespmem:$0x1FBA0];
	_ =	sdelay $0x7  }
0x24c: {  	v5 =	vld.idx.msk [tilespmem:v5+s3+$0x0], $0xffff;
	_ =	sdelay $0x4  }
0x24d: {  	[tilespmem:$0x2C0] =	vst v5;
	v5 =	vld [tilespmem:$0x1FBB0];
	_ =	sdelay $0x7  }
0x24e: {  	v5 =	vld.idx.msk [tilespmem:v5+s3+$0x0], $0xffff;
	_ =	sdelay $0x4  }
0x24f: {  	[tilespmem:$0x2D0] =	vst v5;
	v5 =	vld [tilespmem:$0x1FBC0];
	_ =	sdelay $0x7  }
0x250: {  	v5 =	vld.idx.msk [tilespmem:v5+s3+$0x0], $0xffff;
	_ =	sdelay $0x4  }
0x251: {  	[tilespmem:$0x2E0] =	vst v5;
	v5 =	vld [tilespmem:$0x1FBD0];
	_ =	sdelay $0x7  }
0x252: {  	v5 =	vld.idx.msk [tilespmem:v5+s3+$0x0], $0xffff;
	_ =	sdelay $0x4  }
0x253: {  	[tilespmem:$0x2F0] =	vst v5;
	v5 =	vld [tilespmem:$0x1FBE0];
	_ =	sdelay $0x7  }
0x254: {  	v5 =	vld.idx.msk [tilespmem:v5+s3+$0x0], $0xffff;
	_ =	sdelay $0x4  }
0x255: {  	[tilespmem:$0x680] =	vst v5;
	v5 =	vld [tilespmem:$0x1FBF0];
	_ =	sdelay $0x7  }
0x256: {  	v5 =	vld.idx.msk [tilespmem:v5+s3+$0x0], $0xffff;
	_ =	sdelay $0x4  }
0x257: {  	[tilespmem:$0x690] =	vst v5;
	v5 =	vld [tilespmem:$0x1FC00];
	_ =	sdelay $0x7  }
0x258: {  	v5 =	vld.idx.msk [tilespmem:v5+s3+$0x0], $0xffff;
	_ =	sdelay $0x4  }
0x259: {  	[tilespmem:$0x6A0] =	vst v5;
	v5 =	vld [tilespmem:$0x1FC10];
	_ =	sdelay $0x7  }
0x25a: {  	v5 =	vld.idx.msk [tilespmem:v5+s3+$0x0], $0xffff;
	_ =	sdelay $0x4  }
0x25b: {  	[tilespmem:$0x6B0] =	vst v5;
	v5 =	vld [tilespmem:$0x1FC20];
	_ =	sdelay $0x7  }
0x25c: {  	v5 =	vld.idx.msk [tilespmem:v5+s3+$0x0], $0xffff;
	_ =	sdelay $0x4  }
0x25d: {  	[tilespmem:$0x6C0] =	vst v5;
	v5 =	vld [tilespmem:$0x1FC30];
	_ =	sdelay $0x7  }
0x25e: {  	v5 =	vld.idx.msk [tilespmem:v5+s3+$0x0], $0xffff;
	_ =	sdelay $0x4  }
0x25f: {  	[tilespmem:$0x6D0] =	vst v5;
	v5 =	vld [tilespmem:$0x1FC40];
	_ =	sdelay $0x7  }
0x260: {  	v5 =	vld.idx.msk [tilespmem:v5+s3+$0x0], $0xffff;
	_ =	sdelay $0x4  }
0x261: {  	[tilespmem:$0x6E0] =	vst v5;
	v5 =	vld [tilespmem:$0x1FC50];
	_ =	sdelay $0x7  }
0x262: {  	v5 =	vld.idx.msk [tilespmem:v5+s3+$0x0], $0xffff;
	_ =	sdelay $0x4  }
0x263: {  	[tilespmem:$0x6F0] =	vst v5;
	v5 =	vld [tilespmem:$0x1FC60];
	_ =	sdelay $0x7  }
0x264: {  	v5 =	vld.idx.msk [tilespmem:v5+s3+$0x0], $0xffff;
	_ =	sdelay $0x4  }
0x265: {  	[tilespmem:$0xA80] =	vst v5;
	v5 =	vld [tilespmem:$0x1FC70];
	_ =	sdelay $0x7  }
0x266: {  	v5 =	vld.idx.msk [tilespmem:v5+s3+$0x0], $0xffff;
	_ =	sdelay $0x4  }
0x267: {  	[tilespmem:$0xA90] =	vst v5;
	v5 =	vld [tilespmem:$0x1FC80];
	_ =	sdelay $0x7  }
0x268: {  	v5 =	vld.idx.msk [tilespmem:v5+s3+$0x0], $0xffff;
	_ =	sdelay $0x4  }
0x269: {  	[tilespmem:$0xAA0] =	vst v5;
	v5 =	vld [tilespmem:$0x1FC90];
	_ =	sdelay $0x7  }
0x26a: {  	v5 =	vld.idx.msk [tilespmem:v5+s3+$0x0], $0xffff;
	_ =	sdelay $0x4  }
0x26b: {  	[tilespmem:$0xAB0] =	vst v5;
	v5 =	vld [tilespmem:$0x1FCA0];
	_ =	sdelay $0x7  }
0x26c: {  	v5 =	vld.idx.msk [tilespmem:v5+s3+$0x0], $0xffff;
	_ =	sdelay $0x4  }
0x26d: {  	[tilespmem:$0xAC0] =	vst v5;
	v5 =	vld [tilespmem:$0x1FCB0];
	_ =	sdelay $0x7  }
0x26e: {  	v5 =	vld.idx.msk [tilespmem:v5+s3+$0x0], $0xffff;
	_ =	sdelay $0x4  }
0x26f: {  	[tilespmem:$0xAD0] =	vst v5;
	v5 =	vld [tilespmem:$0x1FCC0];
	_ =	sdelay $0x7  }
0x270: {  	v5 =	vld.idx.msk [tilespmem:v5+s3+$0x0], $0xffff;
	_ =	sdelay $0x4  }
0x271: {  	[tilespmem:$0xAE0] =	vst v5;
	v5 =	vld [tilespmem:$0x1FCD0];
	_ =	sdelay $0x7  }
0x272: {  	v5 =	vld.idx.msk [tilespmem:v5+s3+$0x0], $0xffff;
	_ =	sdelay $0x4  }
0x273: {  	[tilespmem:$0xAF0] =	vst v5;
	v5 =	vld [tilespmem:$0x1FCE0];
	_ =	sdelay $0x7  }
0x274: {  	v5 =	vld.idx.msk [tilespmem:v5+s3+$0x0], $0xffff;
	_ =	sdelay $0x4  }
0x275: {  	[tilespmem:$0xE80] =	vst v5;
	v5 =	vld [tilespmem:$0x1FCF0];
	_ =	sdelay $0x7  }
0x276: {  	v5 =	vld.idx.msk [tilespmem:v5+s3+$0x0], $0xffff;
	_ =	sdelay $0x4  }
0x277: {  	[tilespmem:$0xE90] =	vst v5;
	v5 =	vld [tilespmem:$0x1FD00];
	_ =	sdelay $0x7  }
0x278: {  	v5 =	vld.idx.msk [tilespmem:v5+s3+$0x0], $0xffff;
	_ =	sdelay $0x4  }
0x279: {  	[tilespmem:$0xEA0] =	vst v5;
	v5 =	vld [tilespmem:$0x1FD10];
	_ =	sdelay $0x7  }
0x27a: {  	v5 =	vld.idx.msk [tilespmem:v5+s3+$0x0], $0xffff;
	_ =	sdelay $0x4  }
0x27b: {  	[tilespmem:$0xEB0] =	vst v5;
	v5 =	vld [tilespmem:$0x1FD20];
	_ =	sdelay $0x7  }
0x27c: {  	v5 =	vld.idx.msk [tilespmem:v5+s3+$0x0], $0xffff;
	_ =	sdelay $0x4  }
0x27d: {  	[tilespmem:$0xEC0] =	vst v5;
	v5 =	vld [tilespmem:$0x1FD30];
	_ =	sdelay $0x7  }
0x27e: {  	v5 =	vld.idx.msk [tilespmem:v5+s3+$0x0], $0xffff;
	_ =	sdelay $0x4  }
0x27f: {  	[tilespmem:$0xED0] =	vst v5;
	v5 =	vld [tilespmem:$0x1FD40];
	_ =	sdelay $0x7  }
0x280: {  	v5 =	vld.idx.msk [tilespmem:v5+s3+$0x0], $0xffff;
	_ =	sdelay $0x4  }
0x281: {  	[tilespmem:$0xEE0] =	vst v5;
	v5 =	vld [tilespmem:$0x1FD50];
	_ =	sdelay $0x7  }
0x282: {  	v5 =	vld.idx.msk [tilespmem:v5+s3+$0x0], $0xffff;
	_ =	sdelay $0x4  }
0x283: {  	[tilespmem:$0xEF0] =	vst v5;
	v5 =	vld [tilespmem:$0x1FD60];
	_ =	sdelay $0x7  }
0x284: {  	v5 =	vld.idx.msk [tilespmem:v5+s3+$0x0], $0xffff;
	_ =	sdelay $0x4  }
0x285: {  	[tilespmem:$0x300] =	vst v5;
	v5 =	vld [tilespmem:$0x1FD70];
	_ =	sdelay $0x7  }
0x286: {  	v5 =	vld.idx.msk [tilespmem:v5+s3+$0x0], $0xffff;
	_ =	sdelay $0x4  }
0x287: {  	[tilespmem:$0x310] =	vst v5;
	v5 =	vld [tilespmem:$0x1FD80];
	_ =	sdelay $0x7  }
0x288: {  	v5 =	vld.idx.msk [tilespmem:v5+s3+$0x0], $0xffff;
	_ =	sdelay $0x4  }
0x289: {  	[tilespmem:$0x320] =	vst v5;
	v5 =	vld [tilespmem:$0x1FD90];
	_ =	sdelay $0x7  }
0x28a: {  	v5 =	vld.idx.msk [tilespmem:v5+s3+$0x0], $0xffff;
	_ =	sdelay $0x4  }
0x28b: {  	[tilespmem:$0x330] =	vst v5;
	v5 =	vld [tilespmem:$0x1FDA0];
	_ =	sdelay $0x7  }
0x28c: {  	v5 =	vld.idx.msk [tilespmem:v5+s3+$0x0], $0xffff;
	_ =	sdelay $0x4  }
0x28d: {  	[tilespmem:$0x340] =	vst v5;
	v5 =	vld [tilespmem:$0x1FDB0];
	_ =	sdelay $0x7  }
0x28e: {  	v5 =	vld.idx.msk [tilespmem:v5+s3+$0x0], $0xffff;
	_ =	sdelay $0x4  }
0x28f: {  	[tilespmem:$0x350] =	vst v5;
	v5 =	vld [tilespmem:$0x1FDC0];
	_ =	sdelay $0x7  }
0x290: {  	v5 =	vld.idx.msk [tilespmem:v5+s3+$0x0], $0xffff;
	_ =	sdelay $0x4  }
0x291: {  	[tilespmem:$0x360] =	vst v5;
	v5 =	vld [tilespmem:$0x1FDD0];
	_ =	sdelay $0x7  }
0x292: {  	v5 =	vld.idx.msk [tilespmem:v5+s3+$0x0], $0xffff;
	_ =	sdelay $0x4  }
0x293: {  	[tilespmem:$0x370] =	vst v5;
	v5 =	vld [tilespmem:$0x1FDE0];
	_ =	sdelay $0x7  }
0x294: {  	v5 =	vld.idx.msk [tilespmem:v5+s3+$0x0], $0xffff;
	_ =	sdelay $0x4  }
0x295: {  	[tilespmem:$0x700] =	vst v5;
	v5 =	vld [tilespmem:$0x1FDF0];
	_ =	sdelay $0x7  }
0x296: {  	v5 =	vld.idx.msk [tilespmem:v5+s3+$0x0], $0xffff;
	_ =	sdelay $0x4  }
0x297: {  	[tilespmem:$0x710] =	vst v5;
	v5 =	vld [tilespmem:$0x1FE00];
	_ =	sdelay $0x7  }
0x298: {  	v5 =	vld.idx.msk [tilespmem:v5+s3+$0x0], $0xffff;
	_ =	sdelay $0x4  }
0x299: {  	[tilespmem:$0x720] =	vst v5;
	v5 =	vld [tilespmem:$0x1FE10];
	_ =	sdelay $0x7  }
0x29a: {  	v5 =	vld.idx.msk [tilespmem:v5+s3+$0x0], $0xffff;
	_ =	sdelay $0x4  }
0x29b: {  	[tilespmem:$0x730] =	vst v5;
	v5 =	vld [tilespmem:$0x1FE20];
	_ =	sdelay $0x7  }
0x29c: {  	v5 =	vld.idx.msk [tilespmem:v5+s3+$0x0], $0xffff;
	_ =	sdelay $0x4  }
0x29d: {  	[tilespmem:$0x740] =	vst v5;
	v5 =	vld [tilespmem:$0x1FE30];
	_ =	sdelay $0x7  }
0x29e: {  	v5 =	vld.idx.msk [tilespmem:v5+s3+$0x0], $0xffff;
	_ =	sdelay $0x4  }
0x29f: {  	[tilespmem:$0x750] =	vst v5;
	v5 =	vld [tilespmem:$0x1FE40];
	_ =	sdelay $0x7  }
0x2a0: {  	v5 =	vld.idx.msk [tilespmem:v5+s3+$0x0], $0xffff;
	_ =	sdelay $0x4  }
0x2a1: {  	[tilespmem:$0x760] =	vst v5;
	v5 =	vld [tilespmem:$0x1FE50];
	_ =	sdelay $0x7  }
0x2a2: {  	v5 =	vld.idx.msk [tilespmem:v5+s3+$0x0], $0xffff;
	_ =	sdelay $0x4  }
0x2a3: {  	[tilespmem:$0x770] =	vst v5;
	v5 =	vld [tilespmem:$0x1FE60];
	_ =	sdelay $0x7  }
0x2a4: {  	v5 =	vld.idx.msk [tilespmem:v5+s3+$0x0], $0xffff;
	_ =	sdelay $0x4  }
0x2a5: {  	[tilespmem:$0xB00] =	vst v5;
	v5 =	vld [tilespmem:$0x1FE70];
	_ =	sdelay $0x7  }
0x2a6: {  	v5 =	vld.idx.msk [tilespmem:v5+s3+$0x0], $0xffff;
	_ =	sdelay $0x4  }
0x2a7: {  	[tilespmem:$0xB10] =	vst v5;
	v5 =	vld [tilespmem:$0x1FE80];
	_ =	sdelay $0x7  }
0x2a8: {  	v5 =	vld.idx.msk [tilespmem:v5+s3+$0x0], $0xffff;
	_ =	sdelay $0x4  }
0x2a9: {  	[tilespmem:$0xB20] =	vst v5;
	v5 =	vld [tilespmem:$0x1FE90];
	_ =	sdelay $0x7  }
0x2aa: {  	v5 =	vld.idx.msk [tilespmem:v5+s3+$0x0], $0xffff;
	_ =	sdelay $0x4  }
0x2ab: {  	[tilespmem:$0xB30] =	vst v5;
	v5 =	vld [tilespmem:$0x1FEA0];
	_ =	sdelay $0x7  }
0x2ac: {  	v5 =	vld.idx.msk [tilespmem:v5+s3+$0x0], $0xffff;
	_ =	sdelay $0x4  }
0x2ad: {  	[tilespmem:$0xB40] =	vst v5;
	v5 =	vld [tilespmem:$0x1FEB0];
	_ =	sdelay $0x7  }
0x2ae: {  	v5 =	vld.idx.msk [tilespmem:v5+s3+$0x0], $0xffff;
	_ =	sdelay $0x4  }
0x2af: {  	[tilespmem:$0xB50] =	vst v5;
	v5 =	vld [tilespmem:$0x1FEC0];
	_ =	sdelay $0x7  }
0x2b0: {  	v5 =	vld.idx.msk [tilespmem:v5+s3+$0x0], $0xffff;
	_ =	sdelay $0x4  }
0x2b1: {  	[tilespmem:$0xB60] =	vst v5;
	v5 =	vld [tilespmem:$0x1FED0];
	_ =	sdelay $0x7  }
0x2b2: {  	v5 =	vld.idx.msk [tilespmem:v5+s3+$0x0], $0xffff;
	_ =	sdelay $0x4  }
0x2b3: {  	[tilespmem:$0xB70] =	vst v5;
	v5 =	vld [tilespmem:$0x1FEE0];
	_ =	sdelay $0x7  }
0x2b4: {  	v5 =	vld.idx.msk [tilespmem:v5+s3+$0x0], $0xffff;
	_ =	sdelay $0x4  }
0x2b5: {  	[tilespmem:$0xF00] =	vst v5;
	v5 =	vld [tilespmem:$0x1FEF0];
	_ =	sdelay $0x7  }
0x2b6: {  	v5 =	vld.idx.msk [tilespmem:v5+s3+$0x0], $0xffff;
	_ =	sdelay $0x4  }
0x2b7: {  	[tilespmem:$0xF10] =	vst v5;
	v5 =	vld [tilespmem:$0x1FF00];
	_ =	sdelay $0x7  }
0x2b8: {  	v5 =	vld.idx.msk [tilespmem:v5+s3+$0x0], $0xffff;
	_ =	sdelay $0x4  }
0x2b9: {  	[tilespmem:$0xF20] =	vst v5;
	v5 =	vld [tilespmem:$0x1FF10];
	_ =	sdelay $0x7  }
0x2ba: {  	v5 =	vld.idx.msk [tilespmem:v5+s3+$0x0], $0xffff;
	_ =	sdelay $0x4  }
0x2bb: {  	[tilespmem:$0xF30] =	vst v5;
	v5 =	vld [tilespmem:$0x1FF20];
	_ =	sdelay $0x7  }
0x2bc: {  	v5 =	vld.idx.msk [tilespmem:v5+s3+$0x0], $0xffff;
	_ =	sdelay $0x4  }
0x2bd: {  	[tilespmem:$0xF40] =	vst v5;
	v5 =	vld [tilespmem:$0x1FF30];
	_ =	sdelay $0x7  }
0x2be: {  	v5 =	vld.idx.msk [tilespmem:v5+s3+$0x0], $0xffff;
	_ =	sdelay $0x4  }
0x2bf: {  	[tilespmem:$0xF50] =	vst v5;
	v5 =	vld [tilespmem:$0x1FF40];
	_ =	sdelay $0x7  }
0x2c0: {  	v5 =	vld.idx.msk [tilespmem:v5+s3+$0x0], $0xffff;
	_ =	sdelay $0x4  }
0x2c1: {  	[tilespmem:$0xF60] =	vst v5;
	v5 =	vld [tilespmem:$0x1FF50];
	_ =	sdelay $0x7  }
0x2c2: {  	v5 =	vld.idx.msk [tilespmem:v5+s3+$0x0], $0xffff;
	_ =	sdelay $0x4  }
0x2c3: {  	[tilespmem:$0xF70] =	vst v5;
	v5 =	vld [tilespmem:$0x1FF60];
	_ =	sdelay $0x7  }
0x2c4: {  	v5 =	vld.idx.msk [tilespmem:v5+s3+$0x0], $0xffff;
	_ =	sdelay $0x4  }
0x2c5: {  	[tilespmem:$0x380] =	vst v5;
	v5 =	vld [tilespmem:$0x1FF70];
	_ =	sdelay $0x7  }
0x2c6: {  	v5 =	vld.idx.msk [tilespmem:v5+s3+$0x0], $0xffff;
	_ =	sdelay $0x4  }
0x2c7: {  	[tilespmem:$0x390] =	vst v5;
	v5 =	vld [tilespmem:$0x1FF80];
	_ =	sdelay $0x7  }
0x2c8: {  	v5 =	vld.idx.msk [tilespmem:v5+s3+$0x0], $0xffff;
	_ =	sdelay $0x4  }
0x2c9: {  	[tilespmem:$0x3A0] =	vst v5;
	v5 =	vld [tilespmem:$0x1FF90];
	_ =	sdelay $0x7  }
0x2ca: {  	v5 =	vld.idx.msk [tilespmem:v5+s3+$0x0], $0xffff;
	_ =	sdelay $0x4  }
0x2cb: {  	[tilespmem:$0x3B0] =	vst v5;
	v5 =	vld [tilespmem:$0x1FFA0];
	_ =	sdelay $0x7  }
0x2cc: {  	v5 =	vld.idx.msk [tilespmem:v5+s3+$0x0], $0xffff;
	_ =	sdelay $0x4  }
0x2cd: {  	[tilespmem:$0x3C0] =	vst v5;
	v5 =	vld [tilespmem:$0x1FFB0];
	_ =	sdelay $0x7  }
0x2ce: {  	v5 =	vld.idx.msk [tilespmem:v5+s3+$0x0], $0xffff;
	_ =	sdelay $0x4  }
0x2cf: {  	[tilespmem:$0x3D0] =	vst v5;
	v5 =	vld [tilespmem:$0x1FFC0];
	_ =	sdelay $0x7  }
0x2d0: {  	v5 =	vld.idx.msk [tilespmem:v5+s3+$0x0], $0xffff;
	_ =	sdelay $0x4  }
0x2d1: {  	[tilespmem:$0x3E0] =	vst v5;
	v5 =	vld [tilespmem:$0x1FFD0];
	_ =	sdelay $0x7  }
0x2d2: {  	v5 =	vld.idx.msk [tilespmem:v5+s3+$0x0], $0xffff;
	_ =	sdelay $0x4  }
0x2d3: {  	[tilespmem:$0x3F0] =	vst v5;
	v5 =	vld [tilespmem:$0x1FFE0];
	_ =	sdelay $0x7  }
0x2d4: {  	v5 =	vld.idx.msk [tilespmem:v5+s3+$0x0], $0xffff;
	_ =	sdelay $0x4  }
0x2d5: {  	[tilespmem:$0x780] =	vst v5;
	v5 =	vld [tilespmem:$0x1FFF0];
	_ =	sdelay $0x7  }
0x2d6: {  	v5 =	vld.idx.msk [tilespmem:v5+s3+$0x0], $0xffff;
	_ =	sdelay $0x4  }
0x2d7: {  	[tilespmem:$0x790] =	vst v5  }
0x2d8: {  	v5 =	vld.idx.msk [tilespmem:v46+s3+$0x0], $0xffff;
	_ =	sdelay $0x4  }
0x2d9: {  	[tilespmem:$0x7A0] =	vst v5  }
0x2da: {  	v5 =	vld.idx.msk [tilespmem:v47+s3+$0x0], $0xffff;
	_ =	sdelay $0x4  }
0x2db: {  	[tilespmem:$0x7B0] =	vst v5  }
0x2dc: {  	v5 =	vld.idx.msk [tilespmem:v48+s3+$0x0], $0xffff;
	_ =	sdelay $0x4  }
0x2dd: {  	[tilespmem:$0x7C0] =	vst v5  }
0x2de: {  	v5 =	vld.idx.msk [tilespmem:v49+s3+$0x0], $0xffff;
	_ =	sdelay $0x4  }
0x2df: {  	[tilespmem:$0x7D0] =	vst v5  }
0x2e0: {  	v5 =	vld.idx.msk [tilespmem:v50+s3+$0x0], $0xffff;
	_ =	sdelay $0x4  }
0x2e1: {  	[tilespmem:$0x7E0] =	vst v5  }
0x2e2: {  	v5 =	vld.idx.msk [tilespmem:v51+s3+$0x0], $0xffff;
	_ =	sdelay $0x4  }
0x2e3: {  	[tilespmem:$0x7F0] =	vst v5  }
0x2e4: {  	v5 =	vld.idx.msk [tilespmem:v52+s3+$0x0], $0xffff;
	_ =	sdelay $0x4  }
0x2e5: {  	[tilespmem:$0xB80] =	vst v5  }
0x2e6: {  	v5 =	vld.idx.msk [tilespmem:v53+s3+$0x0], $0xffff;
	_ =	sdelay $0x4  }
0x2e7: {  	[tilespmem:$0xB90] =	vst v5  }
0x2e8: {  	v5 =	vld.idx.msk [tilespmem:v54+s3+$0x0], $0xffff;
	_ =	sdelay $0x4  }
0x2e9: {  	[tilespmem:$0xBA0] =	vst v5  }
0x2ea: {  	v5 =	vld.idx.msk [tilespmem:v55+s3+$0x0], $0xffff;
	_ =	sdelay $0x4  }
0x2eb: {  	[tilespmem:$0xBB0] =	vst v5  }
0x2ec: {  	v5 =	vld.idx.msk [tilespmem:v56+s3+$0x0], $0xffff;
	_ =	sdelay $0x4  }
0x2ed: {  	[tilespmem:$0xBC0] =	vst v5  }
0x2ee: {  	v5 =	vld.idx.msk [tilespmem:v57+s3+$0x0], $0xffff;
	_ =	sdelay $0x4  }
0x2ef: {  	[tilespmem:$0xBD0] =	vst v5  }
0x2f0: {  	v5 =	vld.idx.msk [tilespmem:v58+s3+$0x0], $0xffff;
	_ =	sdelay $0x4  }
0x2f1: {  	[tilespmem:$0xBE0] =	vst v5  }
0x2f2: {  	v5 =	vld.idx.msk [tilespmem:v59+s3+$0x0], $0xffff;
	_ =	sdelay $0x4  }
0x2f3: {  	[tilespmem:$0xBF0] =	vst v5  }
0x2f4: {  	v5 =	vld.idx.msk [tilespmem:v60+s3+$0x0], $0xffff;
	_ =	sdelay $0x4  }
0x2f5: {  	[tilespmem:$0xF80] =	vst v5  }
0x2f6: {  	v5 =	vld.idx.msk [tilespmem:v61+s3+$0x0], $0xffff;
	_ =	sdelay $0x4  }
0x2f7: {  	[tilespmem:$0xF90] =	vst v5  }
0x2f8: {  	v5 =	vld.idx.msk [tilespmem:v62+s3+$0x0], $0xffff;
	_ =	sdelay $0x4  }
0x2f9: {  	[tilespmem:$0xFA0] =	vst v5  }
0x2fa: {  	v5 =	vld.idx.msk [tilespmem:v63+s3+$0x0], $0xffff;
	_ =	sdelay $0x4  }
0x2fb: {  	[tilespmem:$0xFB0] =	vst v5  }
0x2fc: {  	v5 =	vld.idx.msk [tilespmem:v1+s3+$0x0], $0xffff;
	_ =	sdelay $0x4  }
0x2fd: {  	[tilespmem:$0xFC0] =	vst v5  }
0x2fe: {  	v5 =	vld.idx.msk [tilespmem:v2+s3+$0x0], $0xffff;
	_ =	sdelay $0x4  }
0x2ff: {  	[tilespmem:$0xFD0] =	vst v5  }
0x300: {  	v5 =	vld.idx.msk [tilespmem:v3+s3+$0x0], $0xffff;
	_ =	sdelay $0x4  }
0x301: {  	[tilespmem:$0xFE0] =	vst v5  }
0x302: {  	v5 =	vld.idx.msk [tilespmem:v4+s3+$0x0], $0xffff;
	_ =	sdelay $0x4  }
0x303: {  	s31 =	simm.s32 $0x1000;
	s26 =	simm.s32 $0x0;
	s30 =	rddreg [dreg:$0x0];
	[tilespmem:$0xFF0] =	vst v5  }
0x304: {  	[tilespmem:s31], [sflag:$0x1] =	stream.linear.gather [hbm4b:s30+s4], $0x800, $0x38;
	[tilespmem:$0x12000] =	vst v63  }
.LBB2_2:
0x305: {  	s0 =	sshll.u32 s26, $0x3  }
0x306: {  	s10 =	sand.u32 $0x3, s26;
	p0 =	slt.u32 s26, $0x4;
	s0 =	ssub.s32 $0x0, s0  }
0x307: {  	[dreg:$0x4] =	wrdreg s0;
	s0 =	sadd.s32 @!p0 $0x3, s10  }
0x308: {  	_ =	swait.ge @!p0 [sflag:s0], $0x800  }
0x309: {  	[sflag:s0] =	ssyncset.done @!p0 $0x0  }
0x30a: {  	[sflag:s0] =	ssyncadd.s32 @!p0 $0xFFFFF800  }
0x30b: {  	_ =	swait.ge @!p0 [sflag:s0], $0x800  }
0x30c: {  	[sflag:s0] =	ssyncset.done @!p0 $0x0  }
0x30d: {  	[sflag:s0] =	ssyncadd.s32 @!p0 $0xFFFFF800  }
0x30e: {  	_ =	swait.ge @!p0 [sflag:s0], $0x800  }
0x30f: {  	[sflag:s0] =	ssyncset.done @!p0 $0x0  }
0x310: {  	[sflag:s0] =	ssyncadd.s32 @!p0 $0xFFFFF800  }
0x311: {  	_ =	swait.ge @!p0 [sflag:s0], $0x800  }
0x312: {  	[sflag:s0] =	ssyncset.done @!p0 $0x0  }
0x313: {  	[sflag:s0] =	ssyncadd.s32 @!p0 $0xFFFFF800  }
0x314: {  	_ =	swait.ge @!p0 [sflag:s0], $0x800  }
0x315: {  	[sflag:s0] =	ssyncset.done @!p0 $0x0  }
0x316: {  	[sflag:s0] =	ssyncadd.s32 @!p0 $0xFFFFF800  }
0x317: {  	_ =	swait.ge @!p0 [sflag:s0], $0x800  }
0x318: {  	[sflag:s0] =	ssyncset.done @!p0 $0x0  }
0x319: {  	[sflag:s0] =	ssyncadd.s32 @!p0 $0xFFFFF800  }
0x31a: {  	_ =	swait.ge @!p0 [sflag:s0], $0x800  }
0x31b: {  	[sflag:s0] =	ssyncset.done @!p0 $0x0  }
0x31c: {  	[sflag:s0] =	ssyncadd.s32 @!p0 $0xFFFFF800  }
0x31d: {  	_ =	swait.ge @!p0 [sflag:s0], $0x800  }
0x31e: {  	s1 =	sand.u32 $0x1, s26;
	[sflag:s0] =	ssyncset.done @!p0 $0x0  }
0x31f: {  	s3 =	simm.s32 $0x0;
	s24 =	sadd.s32 $0x1, s1;
	[sflag:s0] =	ssyncadd.s32 @!p0 $0xFFFFF800  }
0x320: {  	s5 =	simm.s32 $0x0;
	s7 =	sand.u32 $0xE0, s3;
	_ =	swait.ge [sflag:s24], $0x800  }
0x321: {  	s15 =	sand.u32 $0x400, s3;
	p0 =	seq.s32 s26, $0x1F;
	s2 =	rddreg [dreg:$0x4]  }
0x322: {  	s25 =	sor.u32 $0x10, s7;
	s0 =	sshll.u32 @!p0 s26, $0x8;
	s2 =	ssub.s32 s2, s5  }
0x323: {  	s6 =	sxor.u32 @!p0 $0x1, s1;
	s1 =	sshll.u32 s1, $0xB;
	s2 =	sadd.s32 $0xFF, s2  }
0x324: {  	[sflag:s24] =	ssyncset.done $0x0;
	s1 =	sor.u32 $0x1000, s1;
	s9 =	sadd.s32 s25, s2  }
0x325: {  	s8 =	sshll.u32 @!p0 s6, $0xB;
	s6 =	sadd.s32 @!p0 $0x1, s6;
	[dreg:$0x5] =	wrdreg s1;
	v5 =	vadd.s32 s9, v0  }
0x326: {  	[sflag:s24] =	ssyncadd.s32 $0xFFFFF800;
	s8 =	sor.u32 @!p0 $0x1000, s8;
	s1 =	rddreg [dreg:$0xd];
	v6 =	vshll.u32 v5, $0x3  }
0x327: {  	s0 =	sadd.s32 @!p0 s0, s1;
	s1 =	simm.s32 @!p0 $0x0;
	s29 =	rddreg [dreg:$0x5];
	v5 =	vand.u32 $0x7F, v5;
	v6 =	vand.u32 $0xFFFFFC00, v6  }
0x328: {  	[tilespmem:s8], [sflag:s6] =	stream.linear.gather @!p0 [hbm4b:s0+s1], $0x800, $0x38;
	v15 =	vor.u32 v5, v6;
	[tilespmem:$0x12000] =	vst v63  }
0x329: {  	s1 =	sadd.s32 s15, s29  }
0x32a: {  	s13 =	sand.u32 $0x70, s25;
	s0 =	sadd.s32 $0x0, s1  }
0x32b: {  	s6 =	sadd.s32 s13, s0  }
0x32c: {  	v21 =	vld [tilespmem:s6+$0x0]  }
0x32d: {  	v5 =	vld.idx.msk [tilespmem:v15+s4+$0x0], $0xffff;
	_ =	sdelay $0x1  }
0x32e: {  	s23 =	sshll.u32 s10, $0xE  }
0x32f: {  	s8 =	sadd.s32 s7, s2;
	s25 =	sor.u32 $0x2000, s23;
	v7 =	vor.u32 $0x80, v15  }
0x330: {  	s9 =	sadd.s32 s15, s25;
	v6 =	vadd.s32 s8, v0  }
0x331: {  	s1 =	sadd.s32 $0x0, s9;
	v8 =	vshll.u32 v6, $0x3;
	v5 =	vadd.f32 v5, v21  }
0x332: {  	s5 =	sadd.s32 s13, s1;
	v6 =	vand.u32 $0x7F, v6;
	v8 =	vand.u32 $0xFFFFFC00, v8;
	[smem:$0x7FA] =	sst s10  }
0x333: {  	s11 =	simm.s32 $0x0;
	s12 =	simm.s32 $0x20;
	v14 =	vor.u32 v6, v8;
	s10 =	rddreg [dreg:$0x4];
	[tilespmem:s5+$0x0] =	vst v5  }
0x334: {  	s14 =	sand.u32 $0xE0, s12;
	s2 =	ssub.s32 s10, s11;
	v6 =	vld.idx.msk [tilespmem:v7+s4+$0x0], $0xffff  }
0x335: {  	s16 =	sand.u32 $0x60, s3;
	s17 =	sor.u32 $0x10, s14;
	s2 =	sadd.s32 $0xFF, s2  }
0x336: {  	s0 =	sadd.s32 s16, s0;
	s18 =	sadd.s32 s17, s2  }
0x337: {  	s24 =	sor.u32 $0x2800, s23;
	v9 =	vor.u32 $0x100, v15;
	v8 =	vadd.s32 s18, v0;
	v5 =	vld [tilespmem:s0+$0x0]  }
0x338: {  	s19 =	sadd.s32 s15, s24;
	v10 =	vshll.u32 v8, $0x3;
	v7 =	vld.idx.msk [tilespmem:v14+s4+$0x0], $0xffff  }
0x339: {  	s21 =	simm.s32 $0x100;
	v8 =	vand.u32 $0x7F, v8;
	v10 =	vand.u32 $0xFFFFFC00, v10;
	s0 =	sadd.s32 $0x0, s19;
	v6 =	vadd.f32 v6, v21  }
0x33a: {  	s30 =	sand.u32 $0x400, s21;
	s20 =	rddreg [dreg:$0x5];
	v8 =	vor.u32 v8, v10;
	s22 =	sadd.s32 s13, s0  }
0x33b: {  	s3 =	sadd.s32 s30, s20;
	v10 =	vor.u32 $0x80, v14;
	[tilespmem:s22+$0x0] =	vst v6  }
0x33c: {  	s7 =	sand.u32 $0x70, s17;
	s3 =	sadd.s32 $0x0, s3;
	s2 =	sadd.s32 s14, s2;
	v9 =	vld.idx.msk [tilespmem:v9+s4+$0x0], $0xffff  }
0x33d: {  	s29 =	sadd.s32 s7, s3;
	v11 =	vadd.s32 s2, v0;
	v7 =	vadd.f32 v7, v5  }
0x33e: {  	s1 =	sadd.s32 s16, s1;
	v12 =	vshll.u32 v11, $0x3;
	v6 =	vld [tilespmem:s29+$0x0]  }
0x33f: {  	s28 =	sor.u32 $0x3000, s23;
	v13 =	vor.u32 $0x180, v15;
	[tilespmem:s1+$0x0] =	vst v7;
	v7 =	vand.u32 $0x7F, v11;
	v11 =	vand.u32 $0xFFFFFC00, v12;
	v12 =	vld.idx.msk [tilespmem:v8+s4+$0x0], $0xffff  }
0x340: {  	s5 =	sadd.s32 s15, s28;
	v10 =	vld.idx.msk [tilespmem:v10+s4+$0x0], $0xffff;
	v16 =	vor.u32 v7, v11  }
0x341: {  	s2 =	sadd.s32 $0x0, s5;
	v7 =	vadd.f32 v9, v21  }
0x342: {  	s1 =	sadd.s32 s13, s2;
	v9 =	vor.u32 $0x80, v8  }
0x343: {  	s8 =	sadd.s32 s30, s25;
	v11 =	vor.u32 $0x100, v14;
	[tilespmem:s1+$0x0] =	vst v7  }
0x344: {  	s31 =	sand.u32 $0x60, s12;
	s9 =	sadd.s32 $0x0, s8;
	v12 =	vadd.f32 v12, v6;
	v13 =	vld.idx.msk [tilespmem:v13+s4+$0x0], $0xffff  }
0x345: {  	s12 =	sadd.s32 s31, s3;
	s6 =	simm.s32 $0x40;
	s14 =	sadd.s32 s7, s9;
	v10 =	vadd.f32 v10, v5;
	v17 =	vld.idx.msk [tilespmem:v16+s4+$0x0], $0xffff  }
0x346: {  	s11 =	rddreg [dreg:$0x4];
	s17 =	simm.s32 $0x0;
	s0 =	sadd.s32 s16, s0;
	[tilespmem:s14+$0x0] =	vst v12;
	v7 =	vld [tilespmem:s12+$0x0]  }
0x347: {  	s18 =	sand.u32 $0xE0, s6;
	s3 =	ssub.s32 s11, s17;
	s1 =	sor.u32 $0x3800, s23;
	[tilespmem:s0+$0x0] =	vst v10;
	v10 =	vor.u32 $0x200, v15;
	v9 =	vld.idx.msk [tilespmem:v9+s4+$0x0], $0xffff  }
0x348: {  	s3 =	sadd.s32 $0xFF, s3;
	s20 =	sor.u32 $0x10, s18;
	v11 =	vld.idx.msk [tilespmem:v11+s4+$0x0], $0xffff;
	s19 =	sadd.s32 s15, s1  }
0x349: {  	s21 =	sadd.s32 s20, s3;
	s10 =	sadd.s32 $0x0, s19;
	v13 =	vadd.f32 v13, v21  }
0x34a: {  	v19 =	vadd.s32 s21, v0;
	v18 =	vor.u32 $0x100, v8;
	s11 =	sadd.s32 s13, s10  }
0x34b: {  	s8 =	simm.s32 $0x200;
	s22 =	sadd.s32 s30, s24;
	v12 =	vor.u32 $0x80, v16;
	v17 =	vadd.f32 v17, v7;
	[tilespmem:s11+$0x0] =	vst v13;
	v13 =	vshll.u32 v19, $0x3  }
0x34c: {  	s8 =	sand.u32 $0x400, s8;
	s5 =	sadd.s32 s31, s9;
	s12 =	sadd.s32 $0x0, s22;
	v9 =	vadd.f32 v9, v6;
	v19 =	vand.u32 $0x7F, v19;
	v10 =	vld.idx.msk [tilespmem:v10+s4+$0x0], $0xffff;
	v13 =	vand.u32 $0xFFFFFC00, v13  }
0x34d: {  	s29 =	rddreg [dreg:$0x5];
	s0 =	sadd.s32 s18, s3;
	s14 =	sadd.s32 s7, s12;
	[tilespmem:s5+$0x0] =	vst v17;
	v17 =	vadd.f32 v11, v5;
	v11 =	vor.u32 v19, v13  }
0x34e: {  	v20 =	vor.u32 $0x180, v14;
	s17 =	sadd.s32 s16, s2;
	s18 =	sadd.s32 s8, s29;
	v22 =	vadd.s32 s0, v0;
	[tilespmem:s14+$0x0] =	vst v9  }
0x34f: {  	s2 =	sadd.s32 $0x4000, s23;
	s3 =	sand.u32 $0x70, s20;
	s11 =	sadd.s32 $0x0, s18;
	v13 =	vshll.u32 v22, $0x3;
	v19 =	vor.u32 $0x280, v15;
	v18 =	vld.idx.msk [tilespmem:v18+s4+$0x0], $0xffff  }
0x350: {  	s19 =	sadd.s32 s15, s2;
	v12 =	vld.idx.msk [tilespmem:v12+s4+$0x0], $0xffff;
	s9 =	sadd.s32 s3, s11;
	v9 =	vand.u32 $0x7F, v22;
	v13 =	vand.u32 $0xFFFFFC00, v13  }
0x351: {  	s5 =	sadd.s32 $0x0, s19;
	[tilespmem:s17+$0x0] =	vst v17;
	v17 =	vor.u32 v9, v13;
	v9 =	vld [tilespmem:s9+$0x0];
	v10 =	vadd.f32 v10, v21  }
0x352: {  	s20 =	sadd.s32 s13, s5;
	v22 =	vor.u32 $0x180, v8;
	v13 =	vld.idx.msk [tilespmem:v11+s4+$0x0], $0xffff  }
0x353: {  	s6 =	sand.u32 $0x60, s6;
	s21 =	sadd.s32 s30, s28;
	s29 =	sadd.s32 $0x4800, s23;
	v20 =	vld.idx.msk [tilespmem:v20+s4+$0x0], $0xffff;
	[tilespmem:s20+$0x0] =	vst v10  }
0x354: {  	s22 =	sadd.s32 s8, s25;
	s0 =	sadd.s32 $0x0, s21;
	s12 =	sadd.s32 s31, s12;
	v18 =	vadd.f32 v18, v6;
	v19 =	vld.idx.msk [tilespmem:v19+s4+$0x0], $0xffff  }
0x355: {  	s18 =	simm.s32 $0x60;
	s17 =	sadd.s32 s7, s0;
	s14 =	sadd.s32 s6, s11;
	v26 =	vor.u32 $0x80, v11;
	v12 =	vadd.f32 v12, v7  }
0x356: {  	v23 =	vor.u32 $0x100, v16;
	s10 =	sadd.s32 s16, s10;
	s19 =	rddreg [dreg:$0x4];
	s21 =	sand.u32 $0xE0, s18;
	v10 =	vld [tilespmem:s14+$0x0];
	[tilespmem:s17+$0x0] =	vst v18  }
0x357: {  	s11 =	sadd.s32 s15, s29;
	s9 =	sadd.s32 $0x0, s22;
	[tilespmem:s12+$0x0] =	vst v12;
	s14 =	simm.s32 $0x0;
	v12 =	vld.idx.msk [tilespmem:v22+s4+$0x0], $0xffff;
	v13 =	vadd.f32 v13, v9  }
0x358: {  	v24 =	vor.u32 $0x200, v14;
	s22 =	sor.u32 $0x10, s21;
	v20 =	vadd.f32 v20, v5;
	s20 =	sadd.s32 s3, s9;
	s12 =	ssub.s32 s19, s14  }
0x359: {  	s9 =	sadd.s32 s6, s9;
	v25 =	vld.idx.msk [tilespmem:v17+s4+$0x0], $0xffff;
	v18 =	vor.u32 $0x300, v15;
	s17 =	sadd.s32 $0x0, s11;
	s12 =	sadd.s32 $0xFF, s12;
	v19 =	vadd.f32 v19, v21;
	[tilespmem:s20+$0x0] =	vst v13  }
0x35a: {  	[tilespmem:s10+$0x0] =	vst v20;
	s10 =	sadd.s32 s21, s12;
	s21 =	sadd.s32 s13, s17;
	s20 =	simm.s32 $0x300;
	v13 =	vld.idx.msk [tilespmem:v26+s4+$0x0], $0xffff  }
0x35b: {  	v20 =	vld.idx.msk [tilespmem:v23+s4+$0x0], $0xffff;
	v23 =	vor.u32 $0x200, v8;
	s11 =	rddreg [dreg:$0x5];
	s14 =	sand.u32 $0x400, s20;
	[tilespmem:s21+$0x0] =	vst v19;
	s21 =	sadd.s32 s30, s1  }
0x35c: {  	v19 =	vadd.s32 s10, v0;
	s11 =	sadd.s32 s14, s11;
	v12 =	vadd.f32 v12, v6;
	s10 =	sand.u32 $0x70, s22;
	s21 =	sadd.s32 $0x0, s21  }
0x35d: {  	v22 =	vld.idx.msk [tilespmem:v24+s4+$0x0], $0xffff;
	v26 =	vor.u32 $0x80, v17;
	[dreg:$0x7] =	wrdreg s1;
	s19 =	sadd.s32 $0x0, s11;
	s1 =	sadd.s32 s7, s21  }
0x35e: {  	s12 =	sadd.s32 s22, s12;
	v25 =	vadd.f32 v25, v10;
	s11 =	sadd.s32 s8, s24;
	v18 =	vld.idx.msk [tilespmem:v18+s4+$0x0], $0xffff;
	s22 =	sadd.s32 s10, s19;
	[tilespmem:s1+$0x0] =	vst v12  }
0x35f: {  	v28 =	vor.u32 $0x100, v11;
	v24 =	vadd.s32 s12, v0;
	s12 =	sand.u32 $0x60, s18;
	v12 =	vld [tilespmem:s22+$0x0];
	s22 =	sadd.s32 $0x0, s11;
	[dreg:$0x9] =	wrdreg s24;
	v32 =	vadd.f32 v13, v9  }
0x360: {  	v29 =	vor.u32 $0x180, v16;
	s19 =	sadd.s32 s12, s19;
	v23 =	vld.idx.msk [tilespmem:v23+s4+$0x0], $0xffff;
	[tilespmem:s9+$0x0] =	vst v25;
	s9 =	sadd.s32 s3, s22  }
0x361: {  	v20 =	vadd.f32 v20, v7;
	s24 =	sadd.s32 $0x5000, s23;
	v13 =	vld [tilespmem:s19+$0x0];
	[tilespmem:s9+$0x0] =	vst v32  }
0x362: {  	s0 =	sadd.s32 s31, s0;
	v22 =	vadd.f32 v22, v5;
	v26 =	vld.idx.msk [tilespmem:v26+s4+$0x0], $0xffff;
	[dreg:$0xa] =	wrdreg s24  }
0x363: {  	v27 =	vor.u32 $0x280, v14;
	s5 =	sadd.s32 s16, s5;
	v31 =	vshll.u32 v24, $0x3;
	[tilespmem:s0+$0x0] =	vst v20  }
0x364: {  	v25 =	vor.u32 $0x380, v15;
	v15 =	vand.u32 $0x7F, v24;
	v24 =	vand.u32 $0xFFFFFC00, v31;
	s11 =	sadd.s32 s15, s24;
	v28 =	vld.idx.msk [tilespmem:v28+s4+$0x0], $0xffff;
	[tilespmem:s5+$0x0] =	vst v22  }
0x365: {  	v31 =	vshll.u32 v19, $0x3;
	v15 =	vor.u32 v15, v24;
	s19 =	sadd.s32 $0x0, s11;
	v18 =	vadd.f32 v18, v21;
	v22 =	vld.idx.msk [tilespmem:v29+s4+$0x0], $0xffff;
	[smem:$0x7FB] =	sst s23  }
0x366: {  	v19 =	vand.u32 $0x7F, v19;
	s1 =	sadd.s32 s13, s19;
	v20 =	vand.u32 $0xFFFFFC00, v31;
	v31 =	vor.u32 $0x280, v8;
	[dreg:$0x8] =	wrdreg s2  }
0x367: {  	s9 =	sadd.s32 s30, s2;
	s24 =	sadd.s32 $0x5800, s23;
	v33 =	vor.u32 v19, v20;
	[tilespmem:s1+$0x0] =	vst v18  }
0x368: {  	s5 =	sadd.s32 $0x0, s9;
	v27 =	vld.idx.msk [tilespmem:v27+s4+$0x0], $0xffff;
	v19 =	vadd.f32 v23, v6;
	[dreg:$0xb] =	wrdreg s24  }
0x369: {  	v34 =	vor.u32 $0x100, v17;
	s17 =	sadd.s32 s16, s17;
	s15 =	sadd.s32 s15, s24;
	s24 =	sadd.s32 s7, s5;
	v26 =	vadd.f32 v26, v10;
	v35 =	vld.idx.msk [tilespmem:v25+s4+$0x0], $0xffff  }
0x36a: {  	v30 =	vor.u32 $0x300, v14;
	v14 =	vor.u32 $0x380, v14;
	v38 =	vor.u32 $0x180, v11;
	s0 =	sadd.s32 s8, s28;
	s11 =	sadd.s32 $0x0, s15;
	s1 =	sadd.s32 s6, s22;
	[tilespmem:s24+$0x0] =	vst v19;
	v39 =	vld.idx.msk [tilespmem:v15+s4+$0x0], $0xffff  }
0x36b: {  	v44 =	vor.u32 $0x200, v16;
	v24 =	vor.u32 $0x200, v17;
	s19 =	sadd.s32 s16, s19;
	s15 =	sadd.s32 s16, s11;
	s16 =	sadd.s32 $0x0, s0;
	v40 =	vld.idx.msk [tilespmem:v31+s4+$0x0], $0xffff;
	v28 =	vadd.f32 v28, v9;
	[tilespmem:s1+$0x0] =	vst v26  }
0x36c: {  	v32 =	vor.u32 $0x300, v8;
	v20 =	vor.u32 $0x280, v16;
	s24 =	sadd.s32 s13, s11;
	s11 =	sadd.s32 s3, s16;
	v22 =	vadd.f32 v22, v7;
	v37 =	vld.idx.msk [tilespmem:v33+s4+$0x0], $0xffff;
	[dreg:$0x6] =	wrdreg s25  }
0x36d: {  	s9 =	smov.u32 s28;
	s2 =	sadd.s32 s31, s21;
	v18 =	vor.u32 $0x300, v16;
	v16 =	vor.u32 $0x380, v16;
	s22 =	sadd.s32 s31, s5;
	[tilespmem:s11+$0x0] =	vst v28;
	v41 =	vadd.f32 v27, v5  }
0x36e: {  	v23 =	vor.u32 $0x280, v17;
	v29 =	vor.u32 $0x180, v33;
	s23 =	sadd.s32 s6, s16;
	s16 =	simm.s32 $0x0;
	v31 =	vor.u32 $0x80, v33;
	s25 =	sadd.s32 s14, s25;
	v36 =	vld.idx.msk [tilespmem:v34+s4+$0x0], $0xffff;
	[tilespmem:s2+$0x0] =	vst v22  }
0x36f: {  	v26 =	vor.u32 $0x200, v33;
	v28 =	vor.u32 $0x100, v33;
	s21 =	sadd.s32 $0x0, s25;
	s11 =	smov.u32 s29;
	s25 =	sadd.s32 s30, s29;
	v45 =	vadd.f32 v35, v21;
	v35 =	vld.idx.msk [tilespmem:v38+s4+$0x0], $0xffff;
	[tilespmem:s17+$0x0] =	vst v41  }
0x370: {  	v27 =	vor.u32 $0x280, v33;
	s29 =	sadd.s32 $0x1, s26;
	s28 =	sadd.s32 s12, s21;
	v22 =	vor.u32 $0x380, v33;
	v21 =	vor.u32 $0x300, v33;
	v33 =	vld.idx.msk [tilespmem:v44+s4+$0x0], $0xffff;
	[smem:$0x7FC] =	sst s26  }
0x371: {  	v25 =	vor.u32 $0x180, v17;
	v19 =	vor.u32 $0x300, v17;
	v17 =	vor.u32 $0x380, v17;
	s13 =	sadd.s32 s10, s21;
	s5 =	sadd.s32 $0x0, s25;
	[smem:$0x7FD] =	sst s29  }
0x372: {  	s21 =	simm.s32 $0x0;
	v38 =	vor.u32 $0x80, v15;
	v39 =	vadd.f32 v39, v12;
	s17 =	simm.s32 $0x0;
	v34 =	vadd.f32 v40, v6;
	s26 =	simm.s32 $0x6;
	[tilespmem:s24+$0x0] =	vst v45;
	v30 =	vld.idx.msk [tilespmem:v30+s4+$0x0], $0xffff  }
.LBB2_3:
0x373: {  	s1 =	rddreg [dreg:$0x4]  }
0x374: {  	s25 =	sadd.s32 s7, s5;
	s24 =	smov.u32 s14;
	s26 =	sadd.s32 $0x2, s26  }
0x375: {  	s18 =	sadd.s32 $0x20, s18;
	s0 =	rddreg [dreg:$0x7];
	s20 =	sadd.s32 $0x100, s20  }
0x376: {  	[tilespmem:s13+$0x0] =	vst v39;
	s13 =	smov.u32 s16;
	s16 =	smov.u32 s17;
	s17 =	smov.u32 s21  }
0x377: {  	v43 =	vor.u32 $0x200, v11;
	s0 =	sadd.s32 s8, s0;
	v37 =	vadd.f32 v37, v13;
	v38 =	vld.idx.msk [tilespmem:v38+s4+$0x0], $0xffff;
	[tilespmem:s25+$0x0] =	vst v34;
	s25 =	smov.u32 s7;
	s7 =	sshrl.u32 s26, $0x4  }
0x378: {  	s2 =	sand.u32 $0xE0, s18;
	s21 =	sadd.s32 s16, s0;
	v32 =	vld.idx.msk [tilespmem:v32+s4+$0x0], $0xffff;
	s1 =	ssub.s32 s1, s7;
	v44 =	vadd.f32 v36, v10  }
0x379: {  	s0 =	sadd.s32 s3, s21;
	[tilespmem:s28+$0x0] =	vst v37;
	v35 =	vadd.f32 v35, v9;
	s1 =	sadd.s32 $0xFF, s1;
	s28 =	sor.u32 $0x10, s2  }
0x37a: {  	v34 =	vor.u32 $0x100, v15;
	v33 =	vadd.f32 v33, v7;
	v31 =	vld.idx.msk [tilespmem:v31+s4+$0x0], $0xffff;
	s14 =	sadd.s32 s2, s1;
	s1 =	sadd.s32 s28, s1;
	s2 =	rddreg [dreg:$0x9];
	[tilespmem:s23+$0x0] =	vst v44  }
0x37b: {  	v30 =	vadd.f32 v30, v5;
	[tilespmem:s0+$0x0] =	vst v35;
	s23 =	sadd.s32 s6, s21;
	s21 =	rddreg [dreg:$0xa];
	v36 =	vld.idx.msk [tilespmem:v25+s4+$0x0], $0xffff;
	v25 =	vmov v29;
	v29 =	vadd.s32 s14, v0;
	s14 =	sadd.s32 s24, s2  }
0x37c: {  	v45 =	vadd.s32 s1, v0;
	v37 =	vld.idx.msk [tilespmem:v43+s4+$0x0], $0xffff;
	[tilespmem:s22+$0x0] =	vst v33;
	s22 =	rddreg [dreg:$0x5];
	v38 =	vadd.f32 v38, v12;
	s2 =	sadd.s32 s30, s21;
	s1 =	sadd.s32 s17, s14  }
0x37d: {  	v33 =	vor.u32 $0x380, v8;
	v8 =	vmovc v11;
	v44 =	vshll.u32 v45, $0x3;
	v40 =	vld.idx.msk [tilespmem:v20+s4+$0x0], $0xffff;
	[tilespmem:s19+$0x0] =	vst v30;
	s2 =	sadd.s32 s13, s2;
	v32 =	vadd.f32 v32, v6;
	s14 =	sand.u32 $0x400, s20;
	s21 =	sadd.s32 s10, s1  }
0x37e: {  	v11 =	vmovc v15;
	v15 =	vshll.u32 v29, $0x3;
	v20 =	vmovc v23;
	v30 =	vand.u32 $0x7F, v45;
	v45 =	vand.u32 $0xFFFFFC00, v44;
	v39 =	vld.idx.msk [tilespmem:v14+s4+$0x0], $0xffff;
	s0 =	sadd.s32 s25, s2;
	s22 =	sadd.s32 s14, s22;
	[tilespmem:s21+$0x0] =	vst v38;
	s21 =	sshll.u32 s7, $0x7  }
0x37f: {  	s29 =	sadd.s32 s31, s5;
	v23 =	vmovc v27;
	v27 =	vand.u32 $0x7F, v29;
	v29 =	vand.u32 $0xFFFFFC00, v15;
	v15 =	vor.u32 v30, v45;
	v34 =	vld.idx.msk [tilespmem:v34+s4+$0x0], $0xffff;
	[tilespmem:s0+$0x0] =	vst v32;
	s0 =	sadd.s32 s21, s22;
	s22 =	rddreg [dreg:$0x8]  }
0x380: {  	s5 =	sand.u32 $0x60, s18;
	v14 =	vmovc v16;
	s1 =	sadd.s32 s12, s1;
	v16 =	vmovc v17;
	v17 =	vmov v22;
	v30 =	vor.u32 v27, v29;
	v22 =	vadd.f32 v31, v13;
	s7 =	sadd.s32 s8, s22  }
0x381: {  	v35 =	vor.u32 $0x280, v8;
	s19 =	sadd.s32 s31, s2;
	s2 =	sand.u32 $0x70, s28;
	v36 =	vadd.f32 v36, v10;
	s7 =	sadd.s32 s16, s7  }
0x382: {  	v33 =	vld.idx.msk [tilespmem:v33+s4+$0x0], $0xffff;
	s28 =	sadd.s32 s5, s0;
	s0 =	sadd.s32 s2, s0;
	[tilespmem:s1+$0x0] =	vst v22;
	v37 =	vadd.f32 v37, v9;
	s22 =	sadd.s32 s6, s7  }
0x383: {  	v43 =	vld [tilespmem:s0+$0x0];
	s1 =	sadd.s32 s3, s7;
	s7 =	smov.u32 s3;
	s3 =	smov.u32 s10;
	[tilespmem:s23+$0x0] =	vst v36  }
0x384: {  	v44 =	vor.u32 $0x180, v11;
	v31 =	vor.u32 $0x80, v30;
	v38 =	vadd.f32 v40, v7;
	v40 =	vld.idx.msk [tilespmem:v15+s4+$0x0], $0xffff;
	s10 =	smov.u32 s2;
	s2 =	rddreg [dreg:$0xb];
	[tilespmem:s1+$0x0] =	vst v37;
	s1 =	sadd.s32 s24, s9  }
0x385: {  	p0 =	slt.u32 s26, $0x7E;
	v32 =	vor.u32 $0x100, v30;
	v29 =	vor.u32 $0x180, v30;
	v39 =	vadd.f32 v39, v5;
	v37 =	vld.idx.msk [tilespmem:v30+s4+$0x0], $0xffff;
	s0 =	sadd.s32 s17, s1;
	s1 =	sadd.s32 s30, s2  }
0x386: {  	v41 =	vor.u32 $0x200, v30;
	v27 =	vor.u32 $0x280, v30;
	v42 =	vor.u32 $0x300, v30;
	[tilespmem:s29+$0x0] =	vst v38;
	v45 =	vld.idx.msk [tilespmem:v35+s4+$0x0], $0xffff;
	s30 =	smov.u32 s8;
	s23 =	sadd.s32 s12, s0;
	s0 =	sadd.s32 s3, s0  }
.Ltmp0:
0x387: {  	v22 =	vor.u32 $0x380, v30;
	v5 =	vmovc v7;
	v7 =	vmovc v10;
	v10 =	vmov v13;
	v30 =	vadd.f32 v34, v12;
	v13 =	vld [tilespmem:s28+$0x0];
	[tilespmem:s15+$0x0] =	vst v39;
	s1 =	sadd.s32 s13, s1;
	s13 =	rddreg [dreg:$0x6];
	(pc) =	sbr.rel @p0 .LBB2_3-.Ltmp0, $4  }
0x388: {  	v33 =	vadd.f32 v33, v6;
	v36 =	vld.idx.msk [tilespmem:v28+s4+$0x0], $0xffff;
	s29 =	sadd.s32 s30, s11;
	s15 =	sadd.s32 s31, s1;
	s8 =	sadd.s32 s25, s1  }
0x389: {  	v38 =	vor.u32 $0x80, v15;
	v28 =	vmovc v32;
	v6 =	vmov v9;
	v9 =	vmov v12;
	[tilespmem:s0+$0x0] =	vst v30;
	s31 =	smov.u32 s6;
	s1 =	sadd.s32 s14, s13;
	s6 =	smov.u32 s12;
	v30 =	vld.idx.msk [tilespmem:v18+s4+$0x0], $0xffff  }
0x38a: {  	v32 =	vor.u32 $0x300, v8;
	v12 =	vmovc v43;
	s12 =	smov.u32 s5;
	s5 =	sadd.s32 s16, s29;
	v18 =	vmovc v19;
	v19 =	vmov v21;
	v21 =	vmov v42;
	v35 =	vld.idx.msk [tilespmem:v44+s4+$0x0], $0xffff;
	[tilespmem:s8+$0x0] =	vst v33;
	s25 =	sadd.s32 s21, s1  }
0x38b: {  	v39 =	vadd.f32 v40, v12;
	v33 =	vld.idx.msk [tilespmem:v24+s4+$0x0], $0xffff;
	v24 =	vmovc v26;
	v26 =	vmov v41;
	s8 =	smov.u32 s24;
	s28 =	sadd.s32 s12, s25;
	s13 =	sadd.s32 s10, s25;
	v34 =	vadd.f32 v45, v6  }
0x38c: {  	_ =	sdelay $0x1  }
0x38d: {  	v37 =	vadd.f32 v37, v13  }
0x38e: {  	[tilespmem:s13+$0x0] =	vst v39  }
0x38f: {  	[tilespmem:s28+$0x0] =	vst v37;
	v45 =	vld.idx.msk [tilespmem:v38+s4+$0x0], $0xffff  }
0x390: {  	v31 =	vld.idx.msk [tilespmem:v31+s4+$0x0], $0xffff;
	_ =	sdelay $0x1  }
0x391: {  	v40 =	vor.u32 $0x100, v15;
	s20 =	rddreg [dreg:$0x9]  }
0x392: {  	s0 =	sadd.s32 s14, s20  }
0x393: {  	s0 =	sadd.s32 s21, s0;
	v37 =	vadd.f32 v45, v12  }
0x394: {  	s1 =	sadd.s32 s10, s0;
	v31 =	vadd.f32 v31, v13  }
0x395: {  	s0 =	sadd.s32 s12, s0;
	[tilespmem:s1+$0x0] =	vst v37  }
0x396: {  	[tilespmem:s0+$0x0] =	vst v31;
	v41 =	vld.idx.msk [tilespmem:v40+s4+$0x0], $0xffff  }
0x397: {  	v28 =	vld.idx.msk [tilespmem:v28+s4+$0x0], $0xffff;
	_ =	sdelay $0x1  }
0x398: {  	v42 =	vor.u32 $0x180, v15  }
0x399: {  	s25 =	sadd.s32 s14, s9;
	v36 =	vadd.f32 v36, v10  }
0x39a: {  	s0 =	sadd.s32 s21, s25;
	v31 =	vadd.f32 v41, v12  }
0x39b: {  	[tilespmem:s23+$0x0] =	vst v36;
	s26 =	sadd.s32 s10, s0;
	v28 =	vadd.f32 v28, v13  }
0x39c: {  	v25 =	vld.idx.msk [tilespmem:v25+s4+$0x0], $0xffff;
	s0 =	sadd.s32 s12, s0;
	[tilespmem:s26+$0x0] =	vst v31  }
0x39d: {  	[tilespmem:s0+$0x0] =	vst v28;
	v43 =	vld.idx.msk [tilespmem:v42+s4+$0x0], $0xffff  }
0x39e: {  	v44 =	vor.u32 $0x200, v11;
	v29 =	vld.idx.msk [tilespmem:v29+s4+$0x0], $0xffff;
	s13 =	rddreg [dreg:$0x7]  }
0x39f: {  	s28 =	sadd.s32 s8, s13  }
0x3a0: {  	v35 =	vadd.f32 v35, v9;
	v45 =	vor.u32 $0x200, v15;
	s0 =	sadd.s32 s17, s28  }
0x3a1: {  	v25 =	vadd.f32 v25, v10;
	s2 =	sadd.s32 s14, s13;
	s29 =	sadd.s32 s3, s0  }
0x3a2: {  	s2 =	sadd.s32 s21, s2;
	s0 =	sadd.s32 s6, s0;
	[tilespmem:s29+$0x0] =	vst v35;
	v28 =	vadd.f32 v43, v12  }
0x3a3: {  	s18 =	sadd.s32 s10, s2;
	[tilespmem:s0+$0x0] =	vst v25;
	v38 =	vld.idx.msk [tilespmem:v44+s4+$0x0], $0xffff;
	v29 =	vadd.f32 v29, v13  }
0x3a4: {  	s23 =	sadd.s32 s12, s2;
	v24 =	vld.idx.msk [tilespmem:v24+s4+$0x0], $0xffff;
	[tilespmem:s18+$0x0] =	vst v28  }
0x3a5: {  	[tilespmem:s23+$0x0] =	vst v29;
	v28 =	vld.idx.msk [tilespmem:v45+s4+$0x0], $0xffff  }
0x3a6: {  	v39 =	vor.u32 $0x280, v11;
	v26 =	vld.idx.msk [tilespmem:v26+s4+$0x0], $0xffff;
	s18 =	rddreg [dreg:$0x8]  }
0x3a7: {  	v40 =	vadd.f32 v33, v7;
	s24 =	sadd.s32 s8, s18  }
0x3a8: {  	v41 =	vor.u32 $0x280, v15;
	s0 =	sadd.s32 s17, s24;
	v25 =	vadd.f32 v38, v9  }
0x3a9: {  	[tilespmem:s22+$0x0] =	vst v40;
	s26 =	sadd.s32 s14, s18;
	v24 =	vadd.f32 v24, v10;
	s25 =	sadd.s32 s3, s0  }
0x3aa: {  	v20 =	vld.idx.msk [tilespmem:v20+s4+$0x0], $0xffff;
	s28 =	sadd.s32 s21, s26;
	s0 =	sadd.s32 s6, s0;
	[tilespmem:s25+$0x0] =	vst v25;
	v42 =	vadd.f32 v28, v12  }
0x3ab: {  	s29 =	sadd.s32 s10, s28;
	[tilespmem:s0+$0x0] =	vst v24;
	v43 =	vld.idx.msk [tilespmem:v39+s4+$0x0], $0xffff;
	v26 =	vadd.f32 v26, v13  }
0x3ac: {  	s1 =	sadd.s32 s12, s28;
	v23 =	vld.idx.msk [tilespmem:v23+s4+$0x0], $0xffff;
	[tilespmem:s29+$0x0] =	vst v42  }
0x3ad: {  	[tilespmem:s1+$0x0] =	vst v26;
	v25 =	vld.idx.msk [tilespmem:v41+s4+$0x0], $0xffff  }
0x3ae: {  	v27 =	vld.idx.msk [tilespmem:v27+s4+$0x0], $0xffff  }
0x3af: {  	s2 =	sadd.s32 s7, s5;
	s22 =	sadd.s32 s8, s11;
	v20 =	vadd.f32 v20, v7  }
0x3b0: {  	v44 =	vor.u32 $0x300, v11;
	s23 =	sadd.s32 s31, s5;
	[tilespmem:s2+$0x0] =	vst v34;
	s1 =	sadd.s32 s17, s22;
	v24 =	vadd.f32 v43, v9  }
0x3b1: {  	s25 =	sadd.s32 s14, s11;
	[tilespmem:s23+$0x0] =	vst v20;
	s24 =	sadd.s32 s3, s1;
	v23 =	vadd.f32 v23, v10  }
0x3b2: {  	v45 =	vor.u32 $0x300, v15;
	s28 =	sadd.s32 s21, s25;
	s26 =	sadd.s32 s6, s1;
	[tilespmem:s24+$0x0] =	vst v24;
	v33 =	vadd.f32 v25, v12  }
0x3b3: {  	v32 =	vld.idx.msk [tilespmem:v32+s4+$0x0], $0xffff;
	s29 =	sadd.s32 s10, s28;
	[tilespmem:s26+$0x0] =	vst v23;
	v35 =	vadd.f32 v27, v13  }
0x3b4: {  	s1 =	sadd.s32 s12, s28;
	v18 =	vld.idx.msk [tilespmem:v18+s4+$0x0], $0xffff;
	[tilespmem:s29+$0x0] =	vst v33  }
0x3b5: {  	v34 =	vld.idx.msk [tilespmem:v44+s4+$0x0], $0xffff;
	[tilespmem:s1+$0x0] =	vst v35  }
0x3b6: {  	v19 =	vld.idx.msk [tilespmem:v19+s4+$0x0], $0xffff;
	s22 =	rddreg [dreg:$0xa]  }
0x3b7: {  	v36 =	vadd.f32 v30, v5;
	v37 =	vld.idx.msk [tilespmem:v45+s4+$0x0], $0xffff;
	s2 =	sadd.s32 s30, s22  }
0x3b8: {  	v8 =	vor.u32 $0x380, v8;
	v20 =	vadd.f32 v32, v6;
	v21 =	vld.idx.msk [tilespmem:v21+s4+$0x0], $0xffff;
	s0 =	sadd.s32 s16, s2  }
0x3b9: {  	v18 =	vadd.f32 v18, v7;
	[tilespmem:s19+$0x0] =	vst v36;
	s19 =	sadd.s32 s8, s22;
	s5 =	sadd.s32 s7, s0  }
0x3ba: {  	v38 =	vor.u32 $0x380, v11;
	s23 =	sadd.s32 s17, s19;
	v39 =	vadd.f32 v34, v9;
	s0 =	sadd.s32 s31, s0;
	[tilespmem:s5+$0x0] =	vst v20  }
0x3bb: {  	s25 =	sadd.s32 s14, s22;
	v41 =	vadd.f32 v19, v10;
	s24 =	sadd.s32 s3, s23;
	[tilespmem:s0+$0x0] =	vst v18  }
0x3bc: {  	v40 =	vor.u32 $0x380, v15;
	v14 =	vld.idx.msk [tilespmem:v14+s4+$0x0], $0xffff;
	s28 =	sadd.s32 s21, s25;
	s26 =	sadd.s32 s6, s23;
	[tilespmem:s24+$0x0] =	vst v39;
	v42 =	vadd.f32 v37, v12  }
0x3bd: {  	s29 =	sadd.s32 s10, s28;
	[tilespmem:s26+$0x0] =	vst v41;
	v8 =	vld.idx.msk [tilespmem:v8+s4+$0x0], $0xffff;
	v43 =	vadd.f32 v21, v13  }
0x3be: {  	s2 =	sadd.s32 s12, s28;
	v16 =	vld.idx.msk [tilespmem:v16+s4+$0x0], $0xffff;
	[tilespmem:s29+$0x0] =	vst v42  }
0x3bf: {  	v11 =	vld.idx.msk [tilespmem:v38+s4+$0x0], $0xffff;
	[tilespmem:s2+$0x0] =	vst v43  }
0x3c0: {  	v17 =	vld.idx.msk [tilespmem:v17+s4+$0x0], $0xffff;
	s19 =	rddreg [dreg:$0xb]  }
0x3c1: {  	v5 =	vadd.f32 v14, v5;
	v44 =	vld.idx.msk [tilespmem:v40+s4+$0x0], $0xffff;
	s5 =	sadd.s32 s30, s19  }
0x3c2: {  	v45 =	vld.idx.msk [tilespmem:v22+s4+$0x0], $0xffff;
	s0 =	sadd.s32 s16, s5;
	v6 =	vadd.f32 v8, v6  }
0x3c3: {  	[tilespmem:s15+$0x0] =	vst v5;
	s8 =	sadd.s32 s8, s19;
	v5 =	vadd.f32 v16, v7;
	s7 =	sadd.s32 s7, s0  }
0x3c4: {  	s15 =	sadd.s32 s17, s8;
	s0 =	sadd.s32 s31, s0;
	[tilespmem:s7+$0x0] =	vst v6;
	v6 =	vadd.f32 v11, v9  }
0x3c5: {  	s17 =	sadd.s32 s14, s19;
	s16 =	sadd.s32 s3, s15;
	[tilespmem:s0+$0x0] =	vst v5;
	v5 =	vadd.f32 v17, v10  }
0x3c6: {  	s1 =	sadd.s32 s6, s15;
	s23 =	sadd.s32 s21, s17;
	[tilespmem:s16+$0x0] =	vst v6;
	v6 =	vadd.f32 v44, v12  }
0x3c7: {  	s25 =	sadd.s32 s10, s23;
	s24 =	sld [smem:$0x7FC];
	[tilespmem:s1+$0x0] =	vst v5;
	v5 =	vadd.f32 v45, v13  }
0x3c8: {  	s0 =	sadd.s32 s12, s23;
	s26 =	rddreg [dreg:$0xe];
	[tilespmem:s25+$0x0] =	vst v6  }
0x3c9: {  	s28 =	rddreg [dreg:$0x2];
	[tilespmem:s0+$0x0] =	vst v5  }
0x3ca: {  	s2 =	sshll.u32 s24, $0xB;
	s0 =	sld [smem:$0x7FA]  }
0x3cb: {  	s29 =	rddreg [dreg:$0x6];
	s2 =	sadd.s32 s26, s2  }
0x3cc: {  	s5 =	sld [smem:$0x7FB];
	s1 =	sshrl.u32 s2, $0x3  }
0x3cd: {  	s30 =	rddreg [dreg:$0xf];
	s0 =	sadd.s32 $0x3, s0;
	s2 =	sadd.s32 s28, s1  }
0x3ce: {  	[hbm4b:s2+s4] =	stream.linear.scatter [tilespmem:s29], [sflag:s0], $0x400, $0x38;
	[tilespmem:$0x12000] =	vst v63  }
0x3cf: {  	s3 =	rddreg [dreg:$0x10];
	s31 =	sadd.s32 $0x2400, s5;
	s2 =	sadd.s32 s1, s30  }
0x3d0: {  	[hbm4b:s2+s4] =	stream.linear.scatter [tilespmem:s31], [sflag:s0], $0x400, $0x38;
	[tilespmem:$0x12000] =	vst v63  }
0x3d1: {  	s6 =	rddreg [dreg:$0x11];
	s2 =	sadd.s32 s1, s3  }
0x3d2: {  	[hbm4b:s2+s4] =	stream.linear.scatter [tilespmem:s20], [sflag:s0], $0x400, $0x38;
	[tilespmem:$0x12000] =	vst v63  }
0x3d3: {  	s8 =	rddreg [dreg:$0x12];
	s7 =	sadd.s32 $0x2C00, s5;
	s2 =	sadd.s32 s1, s6  }
0x3d4: {  	[hbm4b:s2+s4] =	stream.linear.scatter [tilespmem:s7], [sflag:s0], $0x400, $0x38;
	[tilespmem:$0x12000] =	vst v63  }
0x3d5: {  	s10 =	rddreg [dreg:$0x13];
	s2 =	sadd.s32 s1, s8  }
0x3d6: {  	[hbm4b:s2+s4] =	stream.linear.scatter [tilespmem:s9], [sflag:s0], $0x400, $0x38;
	[tilespmem:$0x12000] =	vst v63  }
0x3d7: {  	s14 =	rddreg [dreg:$0x14];
	s12 =	sadd.s32 $0x3400, s5;
	s2 =	sadd.s32 s1, s10  }
0x3d8: {  	[hbm4b:s2+s4] =	stream.linear.scatter [tilespmem:s12], [sflag:s0], $0x400, $0x38;
	[tilespmem:$0x12000] =	vst v63  }
0x3d9: {  	s15 =	rddreg [dreg:$0x15];
	s2 =	sadd.s32 s1, s14  }
0x3da: {  	[hbm4b:s2+s4] =	stream.linear.scatter [tilespmem:s13], [sflag:s0], $0x400, $0x38;
	[tilespmem:$0x12000] =	vst v63  }
0x3db: {  	s17 =	rddreg [dreg:$0x16];
	s16 =	sadd.s32 $0x3C00, s5;
	s2 =	sadd.s32 s1, s15  }
0x3dc: {  	[hbm4b:s2+s4] =	stream.linear.scatter [tilespmem:s16], [sflag:s0], $0x400, $0x38;
	[tilespmem:$0x12000] =	vst v63  }
0x3dd: {  	s2 =	sadd.s32 s1, s17  }
0x3de: {  	[hbm4b:s2+s4] =	stream.linear.scatter [tilespmem:s18], [sflag:s0], $0x400, $0x38;
	[tilespmem:$0x12000] =	vst v63  }
0x3df: {  	s18 =	rddreg [dreg:$0x17]  }
0x3e0: {  	s21 =	rddreg [dreg:$0x18];
	s20 =	sadd.s32 $0x4400, s5;
	s2 =	sadd.s32 s1, s18  }
0x3e1: {  	[hbm4b:s2+s4] =	stream.linear.scatter [tilespmem:s20], [sflag:s0], $0x400, $0x38;
	[tilespmem:$0x12000] =	vst v63  }
0x3e2: {  	s23 =	rddreg [dreg:$0x19];
	s2 =	sadd.s32 s1, s21  }
0x3e3: {  	[hbm4b:s2+s4] =	stream.linear.scatter [tilespmem:s11], [sflag:s0], $0x400, $0x38;
	[tilespmem:$0x12000] =	vst v63  }
0x3e4: {  	s25 =	rddreg [dreg:$0x1a];
	s24 =	sadd.s32 $0x4C00, s5;
	s2 =	sadd.s32 s1, s23  }
0x3e5: {  	[hbm4b:s2+s4] =	stream.linear.scatter [tilespmem:s24], [sflag:s0], $0x400, $0x38;
	[tilespmem:$0x12000] =	vst v63  }
0x3e6: {  	s26 =	rddreg [dreg:$0x1b];
	s2 =	sadd.s32 s1, s25  }
0x3e7: {  	[hbm4b:s2+s4] =	stream.linear.scatter [tilespmem:s22], [sflag:s0], $0x400, $0x38;
	[tilespmem:$0x12000] =	vst v63  }
0x3e8: {  	s2 =	sadd.s32 s1, s26;
	s26 =	sld [smem:$0x7FD]  }
0x3e9: {  	s28 =	sadd.s32 $0x5400, s5  }
0x3ea: {  	[hbm4b:s2+s4] =	stream.linear.scatter [tilespmem:s28], [sflag:s0], $0x400, $0x38;
	[tilespmem:$0x12000] =	vst v63  }
0x3eb: {  	p0 =	sne.s32 s26, $0x20  }
.Ltmp1:
0x3ec: {  	s29 =	rddreg [dreg:$0x1c];
	(pc) =	sbr.rel @p0 .LBB2_2-.Ltmp1, $4  }
0x3ed: {  	s30 =	rddreg [dreg:$0x1d];
	s2 =	sadd.s32 s1, s29  }
0x3ee: {  	[hbm4b:s2+s4] =	stream.linear.scatter [tilespmem:s19], [sflag:s0], $0x400, $0x38;
	[tilespmem:$0x12000] =	vst v63  }
0x3ef: {  	s31 =	sadd.s32 $0x5C00, s5;
	s1 =	sadd.s32 s1, s30  }
0x3f0: {  	[hbm4b:s1+s4] =	stream.linear.scatter [tilespmem:s31], [sflag:s0], $0x400, $0x38;
	[tilespmem:$0x12000] =	vst v63  }
0x3f1: {  	s0 =	simm.s32 $0x3  }
0x3f2: {  	_ =	swait.ge [sflag:s0], $0x800  }
0x3f3: {  	[sflag:s0] =	ssyncset.done $0x0  }
0x3f4: {  	[sflag:s0] =	ssyncadd.s32 $0xFFFFF800  }
0x3f5: {  	_ =	swait.ge [sflag:s0], $0x800  }
0x3f6: {  	[sflag:s0] =	ssyncset.done $0x0  }
0x3f7: {  	[sflag:s0] =	ssyncadd.s32 $0xFFFFF800  }
0x3f8: {  	_ =	swait.ge [sflag:s0], $0x800  }
0x3f9: {  	[sflag:s0] =	ssyncset.done $0x0  }
0x3fa: {  	[sflag:s0] =	ssyncadd.s32 $0xFFFFF800  }
0x3fb: {  	_ =	swait.ge [sflag:s0], $0x800  }
0x3fc: {  	[sflag:s0] =	ssyncset.done $0x0  }
0x3fd: {  	[sflag:s0] =	ssyncadd.s32 $0xFFFFF800  }
0x3fe: {  	_ =	swait.ge [sflag:s0], $0x800  }
0x3ff: {  	[sflag:s0] =	ssyncset.done $0x0  }
0x400: {  	[sflag:s0] =	ssyncadd.s32 $0xFFFFF800  }
0x401: {  	_ =	swait.ge [sflag:s0], $0x800  }
0x402: {  	[sflag:s0] =	ssyncset.done $0x0  }
0x403: {  	[sflag:s0] =	ssyncadd.s32 $0xFFFFF800  }
0x404: {  	_ =	swait.ge [sflag:s0], $0x800  }
0x405: {  	[sflag:s0] =	ssyncset.done $0x0  }
0x406: {  	[sflag:s0] =	ssyncadd.s32 $0xFFFFF800  }
0x407: {  	_ =	swait.ge [sflag:s0], $0x800  }
0x408: {  	[sflag:s0] =	ssyncset.done $0x0  }
0x409: {  	s29 =	simm.s32 $0x4;
	[sflag:s0] =	ssyncadd.s32 $0xFFFFF800  }
0x40a: {  	_ =	swait.ge [sflag:s29], $0x800  }
0x40b: {  	[sflag:s29] =	ssyncset.done $0x0  }
0x40c: {  	[sflag:s29] =	ssyncadd.s32 $0xFFFFF800  }
0x40d: {  	_ =	swait.ge [sflag:s29], $0x800  }
0x40e: {  	[sflag:s29] =	ssyncset.done $0x0  }
0x40f: {  	[sflag:s29] =	ssyncadd.s32 $0xFFFFF800  }
0x410: {  	_ =	swait.ge [sflag:s29], $0x800  }
0x411: {  	[sflag:s29] =	ssyncset.done $0x0  }
0x412: {  	[sflag:s29] =	ssyncadd.s32 $0xFFFFF800  }
0x413: {  	_ =	swait.ge [sflag:s29], $0x800  }
0x414: {  	[sflag:s29] =	ssyncset.done $0x0  }
0x415: {  	[sflag:s29] =	ssyncadd.s32 $0xFFFFF800  }
0x416: {  	_ =	swait.ge [sflag:s29], $0x800  }
0x417: {  	[sflag:s29] =	ssyncset.done $0x0  }
0x418: {  	[sflag:s29] =	ssyncadd.s32 $0xFFFFF800  }
0x419: {  	_ =	swait.ge [sflag:s29], $0x800  }
0x41a: {  	[sflag:s29] =	ssyncset.done $0x0  }
0x41b: {  	[sflag:s29] =	ssyncadd.s32 $0xFFFFF800  }
0x41c: {  	_ =	swait.ge [sflag:s29], $0x800  }
0x41d: {  	[sflag:s29] =	ssyncset.done $0x0  }
0x41e: {  	[sflag:s29] =	ssyncadd.s32 $0xFFFFF800  }
0x41f: {  	_ =	swait.ge [sflag:s29], $0x800  }
0x420: {  	[sflag:s29] =	ssyncset.done $0x0  }
0x421: {  	s30 =	simm.s32 $0x5;
	[sflag:s29] =	ssyncadd.s32 $0xFFFFF800  }
0x422: {  	_ =	swait.ge [sflag:s30], $0x800  }
0x423: {  	[sflag:s30] =	ssyncset.done $0x0  }
0x424: {  	[sflag:s30] =	ssyncadd.s32 $0xFFFFF800  }
0x425: {  	_ =	swait.ge [sflag:s30], $0x800  }
0x426: {  	[sflag:s30] =	ssyncset.done $0x0  }
0x427: {  	[sflag:s30] =	ssyncadd.s32 $0xFFFFF800  }
0x428: {  	_ =	swait.ge [sflag:s30], $0x800  }
0x429: {  	[sflag:s30] =	ssyncset.done $0x0  }
0x42a: {  	[sflag:s30] =	ssyncadd.s32 $0xFFFFF800  }
0x42b: {  	_ =	swait.ge [sflag:s30], $0x800  }
0x42c: {  	[sflag:s30] =	ssyncset.done $0x0  }
0x42d: {  	[sflag:s30] =	ssyncadd.s32 $0xFFFFF800  }
0x42e: {  	_ =	swait.ge [sflag:s30], $0x800  }
0x42f: {  	[sflag:s30] =	ssyncset.done $0x0  }
0x430: {  	[sflag:s30] =	ssyncadd.s32 $0xFFFFF800  }
0x431: {  	_ =	swait.ge [sflag:s30], $0x800  }
0x432: {  	[sflag:s30] =	ssyncset.done $0x0  }
0x433: {  	[sflag:s30] =	ssyncadd.s32 $0xFFFFF800  }
0x434: {  	_ =	swait.ge [sflag:s30], $0x800  }
0x435: {  	[sflag:s30] =	ssyncset.done $0x0  }
0x436: {  	[sflag:s30] =	ssyncadd.s32 $0xFFFFF800  }
0x437: {  	_ =	swait.ge [sflag:s30], $0x800  }
0x438: {  	[sflag:s30] =	ssyncset.done $0x0  }
0x439: {  	s1 =	simm.s32 $0x6;
	[sflag:s30] =	ssyncadd.s32 $0xFFFFF800  }
0x43a: {  	_ =	swait.ge [sflag:s1], $0x800  }
0x43b: {  	[sflag:s1] =	ssyncset.done $0x0  }
0x43c: {  	[sflag:s1] =	ssyncadd.s32 $0xFFFFF800  }
0x43d: {  	_ =	swait.ge [sflag:s1], $0x800  }
0x43e: {  	[sflag:s1] =	ssyncset.done $0x0  }
0x43f: {  	[sflag:s1] =	ssyncadd.s32 $0xFFFFF800  }
0x440: {  	_ =	swait.ge [sflag:s1], $0x800  }
0x441: {  	[sflag:s1] =	ssyncset.done $0x0  }
0x442: {  	[sflag:s1] =	ssyncadd.s32 $0xFFFFF800  }
0x443: {  	_ =	swait.ge [sflag:s1], $0x800  }
0x444: {  	[sflag:s1] =	ssyncset.done $0x0  }
0x445: {  	[sflag:s1] =	ssyncadd.s32 $0xFFFFF800  }
0x446: {  	_ =	swait.ge [sflag:s1], $0x800  }
0x447: {  	[sflag:s1] =	ssyncset.done $0x0  }
0x448: {  	[sflag:s1] =	ssyncadd.s32 $0xFFFFF800  }
0x449: {  	_ =	swait.ge [sflag:s1], $0x800  }
0x44a: {  	[sflag:s1] =	ssyncset.done $0x0  }
0x44b: {  	[sflag:s1] =	ssyncadd.s32 $0xFFFFF800  }
0x44c: {  	_ =	swait.ge [sflag:s1], $0x800  }
0x44d: {  	[sflag:s1] =	ssyncset.done $0x0  }
0x44e: {  	[sflag:s1] =	ssyncadd.s32 $0xFFFFF800  }
0x44f: {  	_ =	swait.ge [sflag:s1], $0x800  }
0x450: {  	s2 =	rddreg [dreg:$0x1f]  }
0x451: {  	s31 =	rddreg [dreg:$0x1e];
	s2 =	sadd.s32 $0x1, s2  }
0x452: {  	p0 =	sne.s32 s2, s31  }
.Ltmp2:
0x453: {  	_ = 	snop;
	(pc) =	sbr.rel @p0 .LBB2_1-.Ltmp2, $3  }
0x454: {  	_ =	sdelay $0x1  }
0x455: {  	[sflag:s1] =	ssyncset.done $0x0  }
0x456: {  	[sflag:s1] =	ssyncadd.s32 $0xFFFFF800  }
0x457: {  	_ =	sfence.sel $0x180000  }
0x458: {  	[bflag:$0x0] =	sbarrier.arrive $0xFFFF  }
0x459: {  	_ =	strace $0x90000047  }
0x45a: {  	s0 =	stileid.u32;
	[bflag:$0x2] =	sbarrier.arrive $0xFFFF  }
0x45b: {  	p0 =	sne.s32 s0, $0x0;
	s0 =	rddreg [dreg:$0x3]  }
0x45c: {  	s0 =	sadd.s32 @!p0 $0x100000, s0  }
0x45d: {  	[sflag:s0] =	ssyncadd.tile.s32 @!p0 $0x1;
	_ =	shalt  }
.Lfunc_end2:
_tile_overlayer_lowered:
.L_overlay_start_2:
0x45e: {  	(tag) =	ssettag $0x2  }
0x45f: {  	s0 =	rddreg [dreg:$0x0];
	s2 =	stileid.u32  }
0x460: {  	s1 =	rddreg [dreg:$0x1];
	p0 =	sne.s32 s2, $0x0  }
0x461: {  	s3 =	rddreg [dreg:$0x2];
	[bflag:$0x3] =	sbarrier.arrive $0xFFFF;
	s2 =	simm.s32 @!p0 $0x1C07  }
0x462: {  	[timem:s3], [sflag:s2] =	dma.local @!p0 [hbm:s0], s1  }
0x463: {  	s0 =	simm.s32 @!p0 $0x7  }
0x464: {  	_ =	swait.ge @!p0 [sflag:s0], s1  }
0x465: {  	s1 =	ssub.s32 @!p0 $0x0, s1;
	[sflag:s0] =	ssyncset.done @!p0 $0x0  }
0x466: {  	[sflag:s0] =	ssyncadd.s32 @!p0 s1  }
0x467: {  	[bflag:$0x3] =	sbarrier.arrive $0xFFFF  }
0x468: {  	_ =	shalt  }

</sc_bundles>
